<compile_context>
chip_gen: v7x
topology: tpu7x:2x2x1
jax: 0.10.2.dev20260603
libtpu: 0.0.44.dev20260713+nightly
codegen_flags: <defaults>
</compile_context>

<pallas_src>
import functools

import jax
import jax.numpy as jnp
from jax import lax
from jax.experimental import pallas as pl
from jax.experimental.pallas import tpu as pltpu
from jax.experimental.pallas import tpu_sc as plsc

BATCH = 16384
INPUT_BITS = 1024
POS_BITS = 16
N_TAPS = 8
RAM_SIZE = 256
LANES = 16

TC_ROWS = 10240
SC_ROWS = BATCH - TC_ROWS
TC_BLK = 1024

NUM_WORKERS = 32
ROWS_PER_WORKER = SC_ROWS // NUM_WORKERS
CHUNK_ROWS = 32
N_CHUNKS = ROWS_PER_WORKER // CHUNK_ROWS
GROUPS_PER_CHUNK = CHUNK_ROWS // LANES


def _sc_body(
    query_hbm,
    connf_hbm,
    ram_hbm,
    out_hbm,
    qbuf0,
    qbuf1,
    connv,
    ramv,
    outv,
    sem0,
    sem1,
    sems,
):
    wid = lax.axis_index("s") * 2 + lax.axis_index("c")
    base = wid * ROWS_PER_WORKER

    def start(i, buf, sem):
        row0 = TC_ROWS + base + i * CHUNK_ROWS
        pltpu.async_copy(query_hbm.at[pl.ds(row0, CHUNK_ROWS), :], buf, sem)

    def drain(buf, sem):
        pltpu.make_async_copy(
            query_hbm.at[pl.ds(0, CHUNK_ROWS), :], buf, sem
        ).wait()

    start(0, qbuf0, sem0)
    pltpu.async_copy(connf_hbm, connv, sems)
    pltpu.async_copy(ram_hbm, ramv, sems)
    pltpu.make_async_copy(connf_hbm, connv, sems).wait()
    pltpu.make_async_copy(ram_hbm, ramv, sems).wait()

    def compute(i, buf):
        rows = [lax.iota(jnp.int32, 16) + (g * LANES) for g in range(GROUPS_PER_CHUNK)]
        pos = [jnp.zeros((16,), jnp.float32) for _ in range(GROUPS_PER_CHUNK)]
        for n in range(POS_BITS):
            addr = [jnp.zeros((16,), jnp.int32) for _ in range(GROUPS_PER_CHUNK)]
            for k in range(N_TAPS):
                c_vec = connv[pl.ds((n * N_TAPS + k) * LANES, LANES)]
                for g in range(GROUPS_PER_CHUNK):
                    bits = plsc.load_gather(buf, [rows[g], c_vec])
                    addr[g] = addr[g] + addr[g] + bits
            for g in range(GROUPS_PER_CHUNK):
                enc = plsc.load_gather(ramv, [addr[g] + (n * RAM_SIZE)])
                pos[g] = pos[g] + enc * float(2 ** (POS_BITS - 1 - n))
        for g in range(GROUPS_PER_CHUNK):
            outv[pl.ds(i * CHUNK_ROWS + g * LANES, LANES)] = jnp.minimum(
                pos[g], 32767.0
            )

    @pl.loop(0, N_CHUNKS - (N_CHUNKS % 2), step=2)
    def _chunk(i):
        start(i + 1, qbuf1, sem1)
        drain(qbuf0, sem0)
        compute(i, qbuf0)

        @pl.when(i + 2 < N_CHUNKS)
        def _():
            start(i + 2, qbuf0, sem0)

        drain(qbuf1, sem1)
        compute(i + 1, qbuf1)

    if N_CHUNKS % 2:
        drain(qbuf0, sem0)
        compute(N_CHUNKS - 1, qbuf0)

    pltpu.sync_copy(outv, out_hbm.at[pl.ds(base, ROWS_PER_WORKER)])


@functools.cache
def _sc_call():
    return functools.partial(
        pl.kernel,
        out_type=jax.ShapeDtypeStruct((SC_ROWS,), jnp.float32),
        mesh=plsc.VectorSubcoreMesh(
            core_axis_name="c", subcore_axis_name="s", num_cores=2, num_subcores=16
        ),
        compiler_params=pltpu.CompilerParams(
            needs_layout_passes=False, use_tc_tiling_on_sc=True
        ),
        scratch_types=[
            pltpu.VMEM((CHUNK_ROWS, INPUT_BITS), jnp.int32),
            pltpu.VMEM((CHUNK_ROWS, INPUT_BITS), jnp.int32),
            pltpu.VMEM((POS_BITS * N_TAPS * LANES,), jnp.int32),
            pltpu.VMEM((POS_BITS * RAM_SIZE,), jnp.float32),
            pltpu.VMEM((ROWS_PER_WORKER,), jnp.float32),
            pltpu.SemaphoreType.DMA,
            pltpu.SemaphoreType.DMA,
            pltpu.SemaphoreType.DMA,
        ],
    )(_sc_body)


def _tc_body(q_ref, conn_ref, ram_ref, out_ref):
    q = q_ref[...]
    conn = conn_ref[...]
    ram = ram_ref[...]
    col_io = lax.broadcasted_iota(jnp.int32, (POS_BITS, INPUT_BITS), 1)
    w = jnp.zeros((POS_BITS, INPUT_BITS), jnp.float32)
    for k in range(N_TAPS):
        ck = conn[k, :][:, None]
        w = w + jnp.where(col_io == ck, float(2 ** (N_TAPS - 1 - k)), 0.0)
    addr = lax.dot_general(
        w.astype(jnp.bfloat16),
        q.astype(jnp.bfloat16),
        (((1,), (1,)), ((), ())),
        preferred_element_type=jnp.float32,
    ).astype(jnp.int32)
    a_io = lax.broadcasted_iota(jnp.int32, (RAM_SIZE, 16), 0)
    w_io = lax.broadcasted_iota(jnp.int32, (RAM_SIZE, 16), 1)
    pmat = jnp.where((a_io >> 4) == w_io, (1 << (a_io & 15)).astype(jnp.float32), 0.0)
    words = jnp.dot(
        ram.astype(jnp.bfloat16),
        pmat.astype(jnp.bfloat16),
        preferred_element_type=jnp.float32,
    ).astype(jnp.int32)
    hi = addr >> 4
    lo = addr & 15
    word = jnp.zeros_like(addr)
    for h in range(16):
        word = word + jnp.where(hi == h, words[:, h][:, None], 0)
    bit = (word >> lo) & 1
    n_io = lax.broadcasted_iota(jnp.int32, bit.shape, 0)
    pos = jnp.sum(bit << (15 - n_io), axis=0)
    out_ref[...] = jnp.minimum(pos.astype(jnp.float32), 32767.0)


def _tc_call(query, conn_t, ram):
    return pl.pallas_call(
        _tc_body,
        grid=(TC_ROWS // TC_BLK,),
        in_specs=[
            pl.BlockSpec((TC_BLK, INPUT_BITS), lambda i: (i, 0)),
            pl.BlockSpec((N_TAPS, POS_BITS), lambda i: (0, 0)),
            pl.BlockSpec((POS_BITS, RAM_SIZE), lambda i: (0, 0)),
        ],
        out_specs=pl.BlockSpec((TC_BLK,), lambda i: (i,)),
        out_shape=jax.ShapeDtypeStruct((TC_ROWS,), jnp.float32),
    )(query, conn_t, ram)


def kernel(query, connections, ram_memory):
    conn_b = jnp.broadcast_to(
        connections.reshape(POS_BITS * N_TAPS, 1), (POS_BITS * N_TAPS, LANES)
    ).reshape(-1)
    sc_out = _sc_call()(query, conn_b, ram_memory.reshape(-1))
    tc_out = _tc_call(query, connections.T, ram_memory)
    return jnp.concatenate([tc_out, sc_out])

# --- scband reference (transcript-rebuilt; emitter-appended) ---
"""Pipeline reference for scband-content-position-mapper-30202210025965 (READ-ONLY COPY).

The authoritative reference and input builder live on the scoring server;
editing this copy changes nothing except your own understanding.
"""

import jax, jax.numpy as jnp
import numpy as np

INPUT_BITS = 1024
MAX_POSITIONS = 32768
POS_BITS = MAX_POSITIONS.bit_length()  # 16
N_BITS_PER_NEURON = min(INPUT_BITS, 8)  # 8
RAM_SIZE = 2 ** N_BITS_PER_NEURON  # 256
BATCH = 16384


def setup_inputs(seed: int = 0) -> dict:
    key = jax.random.key(seed)
    k1, k2, k3 = jax.random.split(key, 3)
    # binary content queries (0/1 bits)
    query = jax.random.randint(k1, (BATCH, INPUT_BITS), 0, 2, dtype=jnp.int32)
    # RAMLayer: each of POS_BITS neurons taps a random subset of input bits (rng-seeded wiring)
    connections = jax.random.randint(k2, (POS_BITS, N_BITS_PER_NEURON), 0, INPUT_BITS, dtype=jnp.int32)
    # RAM contents: one stored output bit per (neuron, address) cell; float so grads can flow in bwd variant
    ram_memory = (jax.random.uniform(k3, (POS_BITS, RAM_SIZE)) > 0.5).astype(jnp.float32)
    return {"query": query, "connections": connections, "ram_memory": ram_memory}


def reference(query, connections, ram_memory):
    B = query.shape[0]
    # gather each neuron's tapped input bits: [B, POS_BITS, N_BITS_PER_NEURON]
    bits = jnp.take(query, connections.reshape(-1), axis=1).reshape(B, POS_BITS, N_BITS_PER_NEURON)
    # form RAM address per neuron (MSB-first)
    addr_w = (2 ** jnp.arange(N_BITS_PER_NEURON - 1, -1, -1, dtype=jnp.int32))
    addr = jnp.sum(bits * addr_w[None, None, :], axis=-1)  # [B, POS_BITS]
    # RAM lookup: pos_enc[b, n] = ram_memory[n, addr[b, n]]
    neuron_ids = jnp.arange(POS_BITS, dtype=jnp.int32)[None, :]
    pos_enc = ram_memory[neuron_ids, addr]  # [B, POS_BITS]
    # fold bits into integer position: pos = pos * 2 + b, MSB first
    pos_w = 2.0 ** jnp.arange(POS_BITS - 1, -1, -1, dtype=jnp.float32)
    pos = jnp.sum(pos_enc * pos_w[None, :], axis=-1)
    # min(pos, max_positions - 1)
    pos = jnp.minimum(pos, float(MAX_POSITIONS - 1))
    return pos

if __name__ == "__main__":
    import jax
    _d = setup_inputs()
    print(jax.jit(kernel)(*tuple(_d.values())))

</pallas_src>

<mosaic_0001>
#map = affine_map<(d0, d1) -> (0, 0)>
#map1 = affine_map<(d0, d1) -> (0)>
module attributes {stable_mosaic.version = 14 : i64} {
  func.func @_sc_body(%arg0: i32, %arg1: i32, %arg2: memref<16384x1024xi32, #tpu.memory_space<hbm>>, %arg3: memref<2048xi32, #tpu.memory_space<hbm>>, %arg4: memref<4096xf32, #tpu.memory_space<hbm>>, %arg5: memref<6144xf32, #tpu.memory_space<hbm>>, %arg6: memref<32x1024xi32, #tpu.memory_space<vmem>>, %arg7: memref<32x1024xi32, #tpu.memory_space<vmem>>, %arg8: memref<2048xi32, #tpu.memory_space<vmem>>, %arg9: memref<4096xf32, #tpu.memory_space<vmem>>, %arg10: memref<192xf32, #tpu.memory_space<vmem>>, %arg11: memref<!tpu.dma_semaphore, #tpu.memory_space<semaphore_mem>>, %arg12: memref<!tpu.dma_semaphore, #tpu.memory_space<semaphore_mem>>, %arg13: memref<!tpu.dma_semaphore, #tpu.memory_space<semaphore_mem>>) attributes {dimension_semantics = [#tpu.dimension_semantics<core_parallel>, #tpu.dimension_semantics<subcore_parallel>], iteration_bounds = array<i64: 2, 16>, scalar_prefetch = 0 : i64, scratch_operands = 8 : i64, tpu.core_type = #tpu.core_type<sc_vector_subcore>, window_params = [{transform_indices = #map}, {transform_indices = #map1}, {transform_indices = #map1}, {transform_indices = #map1}]} {
    %mul3A = arith.constant 2 : i32
    %mul3A_0 = arith.muli %arg1, %mul3A : i32
    %add3A = arith.addi %mul3A_0, %arg0 : i32
    %mul3A_1 = arith.constant 192 : i32
    %mul3A_2 = arith.muli %add3A, %mul3A_1 : i32
    %add3A_3 = arith.constant 10240 : i32
    %add3A_4 = arith.addi %add3A_3, %mul3A_2 : i32
    %add3A_5 = arith.constant 0 : i32
    %add3A_6 = arith.addi %add3A_4, %add3A_5 : i32
    %dma_start3A = arith.constant 0 : i32
    %dma_start3A_7 = tpu.memref_slice %arg2[%add3A_6, %dma_start3A] : memref<16384x1024xi32, #tpu.memory_space<hbm>> -> memref<32x1024xi32, #tpu.memory_space<hbm>>
    %dma_start3A_8 = arith.constant 0 : i32
    %dma_start3A_9 = tpu.memref_slice %arg2[%add3A_6, %dma_start3A_8] : memref<16384x1024xi32, #tpu.memory_space<hbm>> -> memref<32x1024xi32, #tpu.memory_space<hbm>>
    tpu.enqueue_dma source(%dma_start3A_9 : memref<32x1024xi32, #tpu.memory_space<hbm>>) target(%arg6 : memref<32x1024xi32, #tpu.memory_space<vmem>>) target_semaphore(%arg11 : memref<!tpu.dma_semaphore, #tpu.memory_space<semaphore_mem>>)
    tpu.enqueue_dma source(%arg3 : memref<2048xi32, #tpu.memory_space<hbm>>) target(%arg8 : memref<2048xi32, #tpu.memory_space<vmem>>) target_semaphore(%arg13 : memref<!tpu.dma_semaphore, #tpu.memory_space<semaphore_mem>>)
    tpu.enqueue_dma source(%arg4 : memref<4096xf32, #tpu.memory_space<hbm>>) target(%arg9 : memref<4096xf32, #tpu.memory_space<vmem>>) target_semaphore(%arg13 : memref<!tpu.dma_semaphore, #tpu.memory_space<semaphore_mem>>)
    tpu.wait_dma2 semaphore(%arg13 : memref<!tpu.dma_semaphore, #tpu.memory_space<semaphore_mem>>) src(%arg3 : memref<2048xi32, #tpu.memory_space<hbm>>) dst(%arg8 : memref<2048xi32, #tpu.memory_space<vmem>>)
    tpu.wait_dma2 semaphore(%arg13 : memref<!tpu.dma_semaphore, #tpu.memory_space<semaphore_mem>>) src(%arg4 : memref<4096xf32, #tpu.memory_space<hbm>>) dst(%arg9 : memref<4096xf32, #tpu.memory_space<vmem>>)
    %scan3A = arith.constant 0 : i32
    %scan3A_10 = arith.constant 3 : i32
    %scan3A_11 = arith.addi %scan3A, %scan3A_10 : i32
    %scan3A_12 = arith.constant 1 : i32
    scf.for %scan3A_14 = %scan3A to %scan3A_11 step %scan3A_12  : i32 {
      %mul3A_15 = arith.constant 2 : i32
      %mul3A_16 = arith.muli %scan3A_14, %mul3A_15 : i32
      %add3A_17 = arith.constant 0 : i32
      %add3A_18 = arith.addi %add3A_17, %mul3A_16 : i32
      %add3A_19 = arith.constant 1 : i32
      %add3A_20 = arith.addi %add3A_18, %add3A_19 : i32
      %add3A_21 = arith.constant 10240 : i32
      %add3A_22 = arith.addi %add3A_21, %mul3A_2 : i32
      %mul3A_23 = arith.constant 32 : i32
      %mul3A_24 = arith.muli %add3A_20, %mul3A_23 : i32
      %add3A_25 = arith.addi %add3A_22, %mul3A_24 : i32
      %dma_start3A_26 = arith.constant 0 : i32
      %dma_start3A_27 = tpu.memref_slice %arg2[%add3A_25, %dma_start3A_26] : memref<16384x1024xi32, #tpu.memory_space<hbm>> -> memref<32x1024xi32, #tpu.memory_space<hbm>>
      %dma_start3A_28 = arith.constant 0 : i32
      %dma_start3A_29 = tpu.memref_slice %arg2[%add3A_25, %dma_start3A_28] : memref<16384x1024xi32, #tpu.memory_space<hbm>> -> memref<32x1024xi32, #tpu.memory_space<hbm>>
      tpu.enqueue_dma source(%dma_start3A_29 : memref<32x1024xi32, #tpu.memory_space<hbm>>) target(%arg7 : memref<32x1024xi32, #tpu.memory_space<vmem>>) target_semaphore(%arg12 : memref<!tpu.dma_semaphore, #tpu.memory_space<semaphore_mem>>)
      %dma_wait3A = arith.constant 0 : i32
      %dma_wait3A_30 = arith.constant 0 : i32
      %dma_wait3A_31 = tpu.memref_slice %arg2[%dma_wait3A, %dma_wait3A_30] : memref<16384x1024xi32, #tpu.memory_space<hbm>> -> memref<32x1024xi32, #tpu.memory_space<hbm>>
      %dma_wait3A_32 = arith.constant 0 : i32
      %dma_wait3A_33 = arith.constant 0 : i32
      %dma_wait3A_34 = tpu.memref_slice %arg2[%dma_wait3A_32, %dma_wait3A_33] : memref<16384x1024xi32, #tpu.memory_space<hbm>> -> memref<32x1024xi32, #tpu.memory_space<hbm>>
      tpu.wait_dma2 semaphore(%arg11 : memref<!tpu.dma_semaphore, #tpu.memory_space<semaphore_mem>>) src(%dma_wait3A_34 : memref<32x1024xi32, #tpu.memory_space<hbm>>) dst(%arg6 : memref<32x1024xi32, #tpu.memory_space<vmem>>)
      %iota3A = tpu.iota {dimensions = array<i32: 0>} : vector<16xi32>
      %add3A_35 = arith.constant 0 : i32
      %add3A_36 = vector.broadcast %add3A_35 : i32 to vector<16xi32>
      %add3A_37 = arith.addi %iota3A, %add3A_36 : vector<16xi32>
      %iota3A_38 = tpu.iota {dimensions = array<i32: 0>} : vector<16xi32>
      %add3A_39 = arith.constant 16 : i32
      %add3A_40 = vector.broadcast %add3A_39 : i32 to vector<16xi32>
      %add3A_41 = arith.addi %iota3A_38, %add3A_40 : vector<16xi32>
      %broadcast_in_dim3A = arith.constant 0.000000e+00 : f32
      %broadcast_in_dim3A_42 = vector.broadcast %broadcast_in_dim3A : f32 to vector<16xf32>
      %broadcast_in_dim3A_43 = arith.constant 0.000000e+00 : f32
      %broadcast_in_dim3A_44 = vector.broadcast %broadcast_in_dim3A_43 : f32 to vector<16xf32>
      %broadcast_in_dim3A_45 = arith.constant 0 : i32
      %broadcast_in_dim3A_46 = vector.broadcast %broadcast_in_dim3A_45 : i32 to vector<16xi32>
      %broadcast_in_dim3A_47 = arith.constant 0 : i32
      %broadcast_in_dim3A_48 = vector.broadcast %broadcast_in_dim3A_47 : i32 to vector<16xi32>
      %get3A = arith.constant 0 : index
      %get3A_49 = tpu.vector_load %arg8[%get3A] {strides = array<i32>} : memref<2048xi32, #tpu.memory_space<vmem>>, vector<16xi32>,
      %gather3A = tpu.vector_load_idx %arg6[%add3A_37, %get3A_49] : memref<32x1024xi32, #tpu.memory_space<vmem>>[vector<16xi32>, vector<16xi32>], vector<16xi32>,
      %add3A_50 = arith.addi %broadcast_in_dim3A_46, %broadcast_in_dim3A_46 : vector<16xi32>
      %add3A_51 = arith.addi %add3A_50, %gather3A : vector<16xi32>
      %gather3A_52 = tpu.vector_load_idx %arg6[%add3A_41, %get3A_49] : memref<32x1024xi32, #tpu.memory_space<vmem>>[vector<16xi32>, vector<16xi32>], vector<16xi32>,
      %add3A_53 = arith.addi %broadcast_in_dim3A_48, %broadcast_in_dim3A_48 : vector<16xi32>
      %add3A_54 = arith.addi %add3A_53, %gather3A_52 : vector<16xi32>
      %get3A_55 = arith.constant 16 : index
      %get3A_56 = tpu.vector_load %arg8[%get3A_55] {strides = array<i32>} : memref<2048xi32, #tpu.memory_space<vmem>>, vector<16xi32>,
      %gather3A_57 = tpu.vector_load_idx %arg6[%add3A_37, %get3A_56] : memref<32x1024xi32, #tpu.memory_space<vmem>>[vector<16xi32>, vector<16xi32>], vector<16xi32>,
      %add3A_58 = arith.addi %add3A_51, %add3A_51 : vector<16xi32>
      %add3A_59 = arith.addi %add3A_58, %gather3A_57 : vector<16xi32>
      %gather3A_60 = tpu.vector_load_idx %arg6[%add3A_41, %get3A_56] : memref<32x1024xi32, #tpu.memory_space<vmem>>[vector<16xi32>, vector<16xi32>], vector<16xi32>,
      %add3A_61 = arith.addi %add3A_54, %add3A_54 : vector<16xi32>
      %add3A_62 = arith.addi %add3A_61, %gather3A_60 : vector<16xi32>
      %get3A_63 = arith.constant 32 : index
      %get3A_64 = tpu.vector_load %arg8[%get3A_63] {strides = array<i32>} : memref<2048xi32, #tpu.memory_space<vmem>>, vector<16xi32>,
      %gather3A_65 = tpu.vector_load_idx %arg6[%add3A_37, %get3A_64] : memref<32x1024xi32, #tpu.memory_space<vmem>>[vector<16xi32>, vector<16xi32>], vector<16xi32>,
      %add3A_66 = arith.addi %add3A_59, %add3A_59 : vector<16xi32>
      %add3A_67 = arith.addi %add3A_66, %gather3A_65 : vector<16xi32>
      %gather3A_68 = tpu.vector_load_idx %arg6[%add3A_41, %get3A_64] : memref<32x1024xi32, #tpu.memory_space<vmem>>[vector<16xi32>, vector<16xi32>], vector<16xi32>,
      %add3A_69 = arith.addi %add3A_62, %add3A_62 : vector<16xi32>
      %add3A_70 = arith.addi %add3A_69, %gather3A_68 : vector<16xi32>
      %get3A_71 = arith.constant 48 : index
      %get3A_72 = tpu.vector_load %arg8[%get3A_71] {strides = array<i32>} : memref<2048xi32, #tpu.memory_space<vmem>>, vector<16xi32>,
      %gather3A_73 = tpu.vector_load_idx %arg6[%add3A_37, %get3A_72] : memref<32x1024xi32, #tpu.memory_space<vmem>>[vector<16xi32>, vector<16xi32>], vector<16xi32>,
      %add3A_74 = arith.addi %add3A_67, %add3A_67 : vector<16xi32>
      %add3A_75 = arith.addi %add3A_74, %gather3A_73 : vector<16xi32>
      %gather3A_76 = tpu.vector_load_idx %arg6[%add3A_41, %get3A_72] : memref<32x1024xi32, #tpu.memory_space<vmem>>[vector<16xi32>, vector<16xi32>], vector<16xi32>,
      %add3A_77 = arith.addi %add3A_70, %add3A_70 : vector<16xi32>
      %add3A_78 = arith.addi %add3A_77, %gather3A_76 : vector<16xi32>
      %get3A_79 = arith.constant 64 : index
      %get3A_80 = tpu.vector_load %arg8[%get3A_79] {strides = array<i32>} : memref<2048xi32, #tpu.memory_space<vmem>>, vector<16xi32>,
      %gather3A_81 = tpu.vector_load_idx %arg6[%add3A_37, %get3A_80] : memref<32x1024xi32, #tpu.memory_space<vmem>>[vector<16xi32>, vector<16xi32>], vector<16xi32>,
      %add3A_82 = arith.addi %add3A_75, %add3A_75 : vector<16xi32>
      %add3A_83 = arith.addi %add3A_82, %gather3A_81 : vector<16xi32>
      %gather3A_84 = tpu.vector_load_idx %arg6[%add3A_41, %get3A_80] : memref<32x1024xi32, #tpu.memory_space<vmem>>[vector<16xi32>, vector<16xi32>], vector<16xi32>,
      %add3A_85 = arith.addi %add3A_78, %add3A_78 : vector<16xi32>
      %add3A_86 = arith.addi %add3A_85, %gather3A_84 : vector<16xi32>
      %get3A_87 = arith.constant 80 : index
      %get3A_88 = tpu.vector_load %arg8[%get3A_87] {strides = array<i32>} : memref<2048xi32, #tpu.memory_space<vmem>>, vector<16xi32>,
      %gather3A_89 = tpu.vector_load_idx %arg6[%add3A_37, %get3A_88] : memref<32x1024xi32, #tpu.memory_space<vmem>>[vector<16xi32>, vector<16xi32>], vector<16xi32>,
      %add3A_90 = arith.addi %add3A_83, %add3A_83 : vector<16xi32>
      %add3A_91 = arith.addi %add3A_90, %gather3A_89 : vector<16xi32>
      %gather3A_92 = tpu.vector_load_idx %arg6[%add3A_41, %get3A_88] : memref<32x1024xi32, #tpu.memory_space<vmem>>[vector<16xi32>, vector<16xi32>], vector<16xi32>,
      %add3A_93 = arith.addi %add3A_86, %add3A_86 : vector<16xi32>
      %add3A_94 = arith.addi %add3A_93, %gather3A_92 : vector<16xi32>
      %get3A_95 = arith.constant 96 : index
      %get3A_96 = tpu.vector_load %arg8[%get3A_95] {strides = array<i32>} : memref<2048xi32, #tpu.memory_space<vmem>>, vector<16xi32>,
      %gather3A_97 = tpu.vector_load_idx %arg6[%add3A_37, %get3A_96] : memref<32x1024xi32, #tpu.memory_space<vmem>>[vector<16xi32>, vector<16xi32>], vector<16xi32>,
      %add3A_98 = arith.addi %add3A_91, %add3A_91 : vector<16xi32>
      %add3A_99 = arith.addi %add3A_98, %gather3A_97 : vector<16xi32>
      %gather3A_100 = tpu.vector_load_idx %arg6[%add3A_41, %get3A_96] : memref<32x1024xi32, #tpu.memory_space<vmem>>[vector<16xi32>, vector<16xi32>], vector<16xi32>,
      %add3A_101 = arith.addi %add3A_94, %add3A_94 : vector<16xi32>
      %add3A_102 = arith.addi %add3A_101, %gather3A_100 : vector<16xi32>
      %get3A_103 = arith.constant 112 : index
      %get3A_104 = tpu.vector_load %arg8[%get3A_103] {strides = array<i32>} : memref<2048xi32, #tpu.memory_space<vmem>>, vector<16xi32>,
      %gather3A_105 = tpu.vector_load_idx %arg6[%add3A_37, %get3A_104] : memref<32x1024xi32, #tpu.memory_space<vmem>>[vector<16xi32>, vector<16xi32>], vector<16xi32>,
      %add3A_106 = arith.addi %add3A_99, %add3A_99 : vector<16xi32>
      %add3A_107 = arith.addi %add3A_106, %gather3A_105 : vector<16xi32>
      %gather3A_108 = tpu.vector_load_idx %arg6[%add3A_41, %get3A_104] : memref<32x1024xi32, #tpu.memory_space<vmem>>[vector<16xi32>, vector<16xi32>], vector<16xi32>,
      %add3A_109 = arith.addi %add3A_102, %add3A_102 : vector<16xi32>
      %add3A_110 = arith.addi %add3A_109, %gather3A_108 : vector<16xi32>
      %add3A_111 = arith.constant 0 : i32
      %add3A_112 = vector.broadcast %add3A_111 : i32 to vector<16xi32>
      %add3A_113 = arith.addi %add3A_107, %add3A_112 : vector<16xi32>
      %gather3A_114 = tpu.vector_load_idx %arg9[%add3A_113] : memref<4096xf32, #tpu.memory_space<vmem>>[vector<16xi32>], vector<16xf32>,
      %mul3A_115 = arith.constant 3.276800e+04 : f32
      %mul3A_116 = vector.broadcast %mul3A_115 : f32 to vector<16xf32>
      %mul3A_117 = arith.mulf %gather3A_114, %mul3A_116 : vector<16xf32>
      %add3A_118 = arith.addf %broadcast_in_dim3A_42, %mul3A_117 : vector<16xf32>
      %add3A_119 = arith.constant 0 : i32
      %add3A_120 = vector.broadcast %add3A_119 : i32 to vector<16xi32>
      %add3A_121 = arith.addi %add3A_110, %add3A_120 : vector<16xi32>
      %gather3A_122 = tpu.vector_load_idx %arg9[%add3A_121] : memref<4096xf32, #tpu.memory_space<vmem>>[vector<16xi32>], vector<16xf32>,
      %mul3A_123 = arith.constant 3.276800e+04 : f32
      %mul3A_124 = vector.broadcast %mul3A_123 : f32 to vector<16xf32>
      %mul3A_125 = arith.mulf %gather3A_122, %mul3A_124 : vector<16xf32>
      %add3A_126 = arith.addf %broadcast_in_dim3A_44, %mul3A_125 : vector<16xf32>
      %broadcast_in_dim3A_127 = arith.constant 0 : i32
      %broadcast_in_dim3A_128 = vector.broadcast %broadcast_in_dim3A_127 : i32 to vector<16xi32>
      %broadcast_in_dim3A_129 = arith.constant 0 : i32
      %broadcast_in_dim3A_130 = vector.broadcast %broadcast_in_dim3A_129 : i32 to vector<16xi32>
      %get3A_131 = arith.constant 128 : index
      %get3A_132 = tpu.vector_load %arg8[%get3A_131] {strides = array<i32>} : memref<2048xi32, #tpu.memory_space<vmem>>, vector<16xi32>,
      %gather3A_133 = tpu.vector_load_idx %arg6[%add3A_37, %get3A_132] : memref<32x1024xi32, #tpu.memory_space<vmem>>[vector<16xi32>, vector<16xi32>], vector<16xi32>,
      %add3A_134 = arith.addi %broadcast_in_dim3A_128, %broadcast_in_dim3A_128 : vector<16xi32>
      %add3A_135 = arith.addi %add3A_134, %gather3A_133 : vector<16xi32>
      %gather3A_136 = tpu.vector_load_idx %arg6[%add3A_41, %get3A_132] : memref<32x1024xi32, #tpu.memory_space<vmem>>[vector<16xi32>, vector<16xi32>], vector<16xi32>,
      %add3A_137 = arith.addi %broadcast_in_dim3A_130, %broadcast_in_dim3A_130 : vector<16xi32>
      %add3A_138 = arith.addi %add3A_137, %gather3A_136 : vector<16xi32>
      %get3A_139 = arith.constant 144 : index
      %get3A_140 = tpu.vector_load %arg8[%get3A_139] {strides = array<i32>} : memref<2048xi32, #tpu.memory_space<vmem>>, vector<16xi32>,
      %gather3A_141 = tpu.vector_load_idx %arg6[%add3A_37, %get3A_140] : memref<32x1024xi32, #tpu.memory_space<vmem>>[vector<16xi32>, vector<16xi32>], vector<16xi32>,
      %add3A_142 = arith.addi %add3A_135, %add3A_135 : vector<16xi32>
      %add3A_143 = arith.addi %add3A_142, %gather3A_141 : vector<16xi32>
      %gather3A_144 = tpu.vector_load_idx %arg6[%add3A_41, %get3A_140] : memref<32x1024xi32, #tpu.memory_space<vmem>>[vector<16xi32>, vector<16xi32>], vector<16xi32>,
      %add3A_145 = arith.addi %add3A_138, %add3A_138 : vector<16xi32>
      %add3A_146 = arith.addi %add3A_145, %gather3A_144 : vector<16xi32>
      %get3A_147 = arith.constant 160 : index
      %get3A_148 = tpu.vector_load %arg8[%get3A_147] {strides = array<i32>} : memref<2048xi32, #tpu.memory_space<vmem>>, vector<16xi32>,
      %gather3A_149 = tpu.vector_load_idx %arg6[%add3A_37, %get3A_148] : memref<32x1024xi32, #tpu.memory_space<vmem>>[vector<16xi32>, vector<16xi32>], vector<16xi32>,
      %add3A_150 = arith.addi %add3A_143, %add3A_143 : vector<16xi32>
      %add3A_151 = arith.addi %add3A_150, %gather3A_149 : vector<16xi32>
      %gather3A_152 = tpu.vector_load_idx %arg6[%add3A_41, %get3A_148] : memref<32x1024xi32, #tpu.memory_space<vmem>>[vector<16xi32>, vector<16xi32>], vector<16xi32>,
      %add3A_153 = arith.addi %add3A_146, %add3A_146 : vector<16xi32>
      %add3A_154 = arith.addi %add3A_153, %gather3A_152 : vector<16xi32>
      %get3A_155 = arith.constant 176 : index
      %get3A_156 = tpu.vector_load %arg8[%get3A_155] {strides = array<i32>} : memref<2048xi32, #tpu.memory_space<vmem>>, vector<16xi32>,
      %gather3A_157 = tpu.vector_load_idx %arg6[%add3A_37, %get3A_156] : memref<32x1024xi32, #tpu.memory_space<vmem>>[vector<16xi32>, vector<16xi32>], vector<16xi32>,
      %add3A_158 = arith.addi %add3A_151, %add3A_151 : vector<16xi32>
      %add3A_159 = arith.addi %add3A_158, %gather3A_157 : vector<16xi32>
      %gather3A_160 = tpu.vector_load_idx %arg6[%add3A_41, %get3A_156] : memref<32x1024xi32, #tpu.memory_space<vmem>>[vector<16xi32>, vector<16xi32>], vector<16xi32>,
      %add3A_161 = arith.addi %add3A_154, %add3A_154 : vector<16xi32>
      %add3A_162 = arith.addi %add3A_161, %gather3A_160 : vector<16xi32>
      %get3A_163 = arith.constant 192 : index
      %get3A_164 = tpu.vector_load %arg8[%get3A_163] {strides = array<i32>} : memref<2048xi32, #tpu.memory_space<vmem>>, vector<16xi32>,
      %gather3A_165 = tpu.vector_load_idx %arg6[%add3A_37, %get3A_164] : memref<32x1024xi32, #tpu.memory_space<vmem>>[vector<16xi32>, vector<16xi32>], vector<16xi32>,
      %add3A_166 = arith.addi %add3A_159, %add3A_159 : vector<16xi32>
      %add3A_167 = arith.addi %add3A_166, %gather3A_165 : vector<16xi32>
      %gather3A_168 = tpu.vector_load_idx %arg6[%add3A_41, %get3A_164] : memref<32x1024xi32, #tpu.memory_space<vmem>>[vector<16xi32>, vector<16xi32>], vector<16xi32>,
      %add3A_169 = arith.addi %add3A_162, %add3A_162 : vector<16xi32>
      %add3A_170 = arith.addi %add3A_169, %gather3A_168 : vector<16xi32>
      %get3A_171 = arith.constant 208 : index
      %get3A_172 = tpu.vector_load %arg8[%get3A_171] {strides = array<i32>} : memref<2048xi32, #tpu.memory_space<vmem>>, vector<16xi32>,
      %gather3A_173 = tpu.vector_load_idx %arg6[%add3A_37, %get3A_172] : memref<32x1024xi32, #tpu.memory_space<vmem>>[vector<16xi32>, vector<16xi32>], vector<16xi32>,
      %add3A_174 = arith.addi %add3A_167, %add3A_167 : vector<16xi32>
      %add3A_175 = arith.addi %add3A_174, %gather3A_173 : vector<16xi32>
      %gather3A_176 = tpu.vector_load_idx %arg6[%add3A_41, %get3A_172] : memref<32x1024xi32, #tpu.memory_space<vmem>>[vector<16xi32>, vector<16xi32>], vector<16xi32>,
      %add3A_177 = arith.addi %add3A_170, %add3A_170 : vector<16xi32>
      %add3A_178 = arith.addi %add3A_177, %gather3A_176 : vector<16xi32>
      %get3A_179 = arith.constant 224 : index
      %get3A_180 = tpu.vector_load %arg8[%get3A_179] {strides = array<i32>} : memref<2048xi32, #tpu.memory_space<vmem>>, vector<16xi32>,
      %gather3A_181 = tpu.vector_load_idx %arg6[%add3A_37, %get3A_180] : memref<32x1024xi32, #tpu.memory_space<vmem>>[vector<16xi32>, vector<16xi32>], vector<16xi32>,
      %add3A_182 = arith.addi %add3A_175, %add3A_175 : vector<16xi32>
      %add3A_183 = arith.addi %add3A_182, %gather3A_181 : vector<16xi32>
      %gather3A_184 = tpu.vector_load_idx %arg6[%add3A_41, %get3A_180] : memref<32x1024xi32, #tpu.memory_space<vmem>>[vector<16xi32>, vector<16xi32>], vector<16xi32>,
      %add3A_185 = arith.addi %add3A_178, %add3A_178 : vector<16xi32>
      %add3A_186 = arith.addi %add3A_185, %gather3A_184 : vector<16xi32>
      %get3A_187 = arith.constant 240 : index
      %get3A_188 = tpu.vector_load %arg8[%get3A_187] {strides = array<i32>} : memref<2048xi32, #tpu.memory_space<vmem>>, vector<16xi32>,
      %gather3A_189 = tpu.vector_load_idx %arg6[%add3A_37, %get3A_188] : memref<32x1024xi32, #tpu.memory_space<vmem>>[vector<16xi32>, vector<16xi32>], vector<16xi32>,
      %add3A_190 = arith.addi %add3A_183, %add3A_183 : vector<16xi32>
      %add3A_191 = arith.addi %add3A_190, %gather3A_189 : vector<16xi32>
      %gather3A_192 = tpu.vector_load_idx %arg6[%add3A_41, %get3A_188] : memref<32x1024xi32, #tpu.memory_space<vmem>>[vector<16xi32>, vector<16xi32>], vector<16xi32>,
      %add3A_193 = arith.addi %add3A_186, %add3A_186 : vector<16xi32>
      %add3A_194 = arith.addi %add3A_193, %gather3A_192 : vector<16xi32>
      %add3A_195 = arith.constant 256 : i32
      %add3A_196 = vector.broadcast %add3A_195 : i32 to vector<16xi32>
      %add3A_197 = arith.addi %add3A_191, %add3A_196 : vector<16xi32>
      %gather3A_198 = tpu.vector_load_idx %arg9[%add3A_197] : memref<4096xf32, #tpu.memory_space<vmem>>[vector<16xi32>], vector<16xf32>,
      %mul3A_199 = arith.constant 1.638400e+04 : f32
      %mul3A_200 = vector.broadcast %mul3A_199 : f32 to vector<16xf32>
      %mul3A_201 = arith.mulf %gather3A_198, %mul3A_200 : vector<16xf32>
      %add3A_202 = arith.addf %add3A_118, %mul3A_201 : vector<16xf32>
      %add3A_203 = arith.constant 256 : i32
      %add3A_204 = vector.broadcast %add3A_203 : i32 to vector<16xi32>
      %add3A_205 = arith.addi %add3A_194, %add3A_204 : vector<16xi32>
      %gather3A_206 = tpu.vector_load_idx %arg9[%add3A_205] : memref<4096xf32, #tpu.memory_space<vmem>>[vector<16xi32>], vector<16xf32>,
      %mul3A_207 = arith.constant 1.638400e+04 : f32
      %mul3A_208 = vector.broadcast %mul3A_207 : f32 to vector<16xf32>
      %mul3A_209 = arith.mulf %gather3A_206, %mul3A_208 : vector<16xf32>
      %add3A_210 = arith.addf %add3A_126, %mul3A_209 : vector<16xf32>
      %broadcast_in_dim3A_211 = arith.constant 0 : i32
      %broadcast_in_dim3A_212 = vector.broadcast %broadcast_in_dim3A_211 : i32 to vector<16xi32>
      %broadcast_in_dim3A_213 = arith.constant 0 : i32
      %broadcast_in_dim3A_214 = vector.broadcast %broadcast_in_dim3A_213 : i32 to vector<16xi32>
      %get3A_215 = arith.constant 256 : index
      %get3A_216 = tpu.vector_load %arg8[%get3A_215] {strides = array<i32>} : memref<2048xi32, #tpu.memory_space<vmem>>, vector<16xi32>,
      %gather3A_217 = tpu.vector_load_idx %arg6[%add3A_37, %get3A_216] : memref<32x1024xi32, #tpu.memory_space<vmem>>[vector<16xi32>, vector<16xi32>], vector<16xi32>,
      %add3A_218 = arith.addi %broadcast_in_dim3A_212, %broadcast_in_dim3A_212 : vector<16xi32>
      %add3A_219 = arith.addi %add3A_218, %gather3A_217 : vector<16xi32>
      %gather3A_220 = tpu.vector_load_idx %arg6[%add3A_41, %get3A_216] : memref<32x1024xi32, #tpu.memory_space<vmem>>[vector<16xi32>, vector<16xi32>], vector<16xi32>,
      %add3A_221 = arith.addi %broadcast_in_dim3A_214, %broadcast_in_dim3A_214 : vector<16xi32>
      %add3A_222 = arith.addi %add3A_221, %gather3A_220 : vector<16xi32>
      %get3A_223 = arith.constant 272 : index
      %get3A_224 = tpu.vector_load %arg8[%get3A_223] {strides = array<i32>} : memref<2048xi32, #tpu.memory_space<vmem>>, vector<16xi32>,
      %gather3A_225 = tpu.vector_load_idx %arg6[%add3A_37, %get3A_224] : memref<32x1024xi32, #tpu.memory_space<vmem>>[vector<16xi32>, vector<16xi32>], vector<16xi32>,
      %add3A_226 = arith.addi %add3A_219, %add3A_219 : vector<16xi32>
      %add3A_227 = arith.addi %add3A_226, %gather3A_225 : vector<16xi32>
      %gather3A_228 = tpu.vector_load_idx %arg6[%add3A_41, %get3A_224] : memref<32x1024xi32, #tpu.memory_space<vmem>>[vector<16xi32>, vector<16xi32>], vector<16xi32>,
      %add3A_229 = arith.addi %add3A_222, %add3A_222 : vector<16xi32>
      %add3A_230 = arith.addi %add3A_229, %gather3A_228 : vector<16xi32>
      %get3A_231 = arith.constant 288 : index
      %get3A_232 = tpu.vector_load %arg8[%get3A_231] {strides = array<i32>} : memref<2048xi32, #tpu.memory_space<vmem>>, vector<16xi32>,
      %gather3A_233 = tpu.vector_load_idx %arg6[%add3A_37, %get3A_232] : memref<32x1024xi32, #tpu.memory_space<vmem>>[vector<16xi32>, vector<16xi32>], vector<16xi32>,
      %add3A_234 = arith.addi %add3A_227, %add3A_227 : vector<16xi32>
      %add3A_235 = arith.addi %add3A_234, %gather3A_233 : vector<16xi32>
      %gather3A_236 = tpu.vector_load_idx %arg6[%add3A_41, %get3A_232] : memref<32x1024xi32, #tpu.memory_space<vmem>>[vector<16xi32>, vector<16xi32>], vector<16xi32>,
      %add3A_237 = arith.addi %add3A_230, %add3A_230 : vector<16xi32>
      %add3A_238 = arith.addi %add3A_237, %gather3A_236 : vector<16xi32>
      %get3A_239 = arith.constant 304 : index
      %get3A_240 = tpu.vector_load %arg8[%get3A_239] {strides = array<i32>} : memref<2048xi32, #tpu.memory_space<vmem>>, vector<16xi32>,
      %gather3A_241 = tpu.vector_load_idx %arg6[%add3A_37, %get3A_240] : memref<32x1024xi32, #tpu.memory_space<vmem>>[vector<16xi32>, vector<16xi32>], vector<16xi32>,
      %add3A_242 = arith.addi %add3A_235, %add3A_235 : vector<16xi32>
      %add3A_243 = arith.addi %add3A_242, %gather3A_241 : vector<16xi32>
      %gather3A_244 = tpu.vector_load_idx %arg6[%add3A_41, %get3A_240] : memref<32x1024xi32, #tpu.memory_space<vmem>>[vector<16xi32>, vector<16xi32>], vector<16xi32>,
      %add3A_245 = arith.addi %add3A_238, %add3A_238 : vector<16xi32>
      %add3A_246 = arith.addi %add3A_245, %gather3A_244 : vector<16xi32>
      %get3A_247 = arith.constant 320 : index
      %get3A_248 = tpu.vector_load %arg8[%get3A_247] {strides = array<i32>} : memref<2048xi32, #tpu.memory_space<vmem>>, vector<16xi32>,
      %gather3A_249 = tpu.vector_load_idx %arg6[%add3A_37, %get3A_248] : memref<32x1024xi32, #tpu.memory_space<vmem>>[vector<16xi32>, vector<16xi32>], vector<16xi32>,
      %add3A_250 = arith.addi %add3A_243, %add3A_243 : vector<16xi32>
      %add3A_251 = arith.addi %add3A_250, %gather3A_249 : vector<16xi32>
      %gather3A_252 = tpu.vector_load_idx %arg6[%add3A_41, %get3A_248] : memref<32x1024xi32, #tpu.memory_space<vmem>>[vector<16xi32>, vector<16xi32>], vector<16xi32>,
      %add3A_253 = arith.addi %add3A_246, %add3A_246 : vector<16xi32>
      %add3A_254 = arith.addi %add3A_253, %gather3A_252 : vector<16xi32>
      %get3A_255 = arith.constant 336 : index
      %get3A_256 = tpu.vector_load %arg8[%get3A_255] {strides = array<i32>} : memref<2048xi32, #tpu.memory_space<vmem>>, vector<16xi32>,
      %gather3A_257 = tpu.vector_load_idx %arg6[%add3A_37, %get3A_256] : memref<32x1024xi32, #tpu.memory_space<vmem>>[vector<16xi32>, vector<16xi32>], vector<16xi32>,
      %add3A_258 = arith.addi %add3A_251, %add3A_251 : vector<16xi32>
      %add3A_259 = arith.addi %add3A_258, %gather3A_257 : vector<16xi32>
      %gather3A_260 = tpu.vector_load_idx %arg6[%add3A_41, %get3A_256] : memref<32x1024xi32, #tpu.memory_space<vmem>>[vector<16xi32>, vector<16xi32>], vector<16xi32>,
      %add3A_261 = arith.addi %add3A_254, %add3A_254 : vector<16xi32>
      %add3A_262 = arith.addi %add3A_261, %gather3A_260 : vector<16xi32>
      %get3A_263 = arith.constant 352 : index
      %get3A_264 = tpu.vector_load %arg8[%get3A_263] {strides = array<i32>} : memref<2048xi32, #tpu.memory_space<vmem>>, vector<16xi32>,
      %gather3A_265 = tpu.vector_load_idx %arg6[%add3A_37, %get3A_264] : memref<32x1024xi32, #tpu.memory_space<vmem>>[vector<16xi32>, vector<16xi32>], vector<16xi32>,
      %add3A_266 = arith.addi %add3A_259, %add3A_259 : vector<16xi32>
      %add3A_267 = arith.addi %add3A_266, %gather3A_265 : vector<16xi32>
      %gather3A_268 = tpu.vector_load_idx %arg6[%add3A_41, %get3A_264] : memref<32x1024xi32, #tpu.memory_space<vmem>>[vector<16xi32>, vector<16xi32>], vector<16xi32>,
      %add3A_269 = arith.addi %add3A_262, %add3A_262 : vector<16xi32>
      %add3A_270 = arith.addi %add3A_269, %gather3A_268 : vector<16xi32>
      %get3A_271 = arith.constant 368 : index
      %get3A_272 = tpu.vector_load %arg8[%get3A_271] {strides = array<i32>} : memref<2048xi32, #tpu.memory_space<vmem>>, vector<16xi32>,
      %gather3A_273 = tpu.vector_load_idx %arg6[%add3A_37, %get3A_272] : memref<32x1024xi32, #tpu.memory_space<vmem>>[vector<16xi32>, vector<16xi32>], vector<16xi32>,
      %add3A_274 = arith.addi %add3A_267, %add3A_267 : vector<16xi32>
      %add3A_275 = arith.addi %add3A_274, %gather3A_273 : vector<16xi32>
      %gather3A_276 = tpu.vector_load_idx %arg6[%add3A_41, %get3A_272] : memref<32x1024xi32, #tpu.memory_space<vmem>>[vector<16xi32>, vector<16xi32>], vector<16xi32>,
      %add3A_277 = arith.addi %add3A_270, %add3A_270 : vector<16xi32>
      %add3A_278 = arith.addi %add3A_277, %gather3A_276 : vector<16xi32>
      %add3A_279 = arith.constant 512 : i32
      %add3A_280 = vector.broadcast %add3A_279 : i32 to vector<16xi32>
      %add3A_281 = arith.addi %add3A_275, %add3A_280 : vector<16xi32>
      %gather3A_282 = tpu.vector_load_idx %arg9[%add3A_281] : memref<4096xf32, #tpu.memory_space<vmem>>[vector<16xi32>], vector<16xf32>,
      %mul3A_283 = arith.constant 8.192000e+03 : f32
      %mul3A_284 = vector.broadcast %mul3A_283 : f32 to vector<16xf32>
      %mul3A_285 = arith.mulf %gather3A_282, %mul3A_284 : vector<16xf32>
      %add3A_286 = arith.addf %add3A_202, %mul3A_285 : vector<16xf32>
      %add3A_287 = arith.constant 512 : i32
      %add3A_288 = vector.broadcast %add3A_287 : i32 to vector<16xi32>
      %add3A_289 = arith.addi %add3A_278, %add3A_288 : vector<16xi32>
      %gather3A_290 = tpu.vector_load_idx %arg9[%add3A_289] : memref<4096xf32, #tpu.memory_space<vmem>>[vector<16xi32>], vector<16xf32>,
      %mul3A_291 = arith.constant 8.192000e+03 : f32
      %mul3A_292 = vector.broadcast %mul3A_291 : f32 to vector<16xf32>
      %mul3A_293 = arith.mulf %gather3A_290, %mul3A_292 : vector<16xf32>
      %add3A_294 = arith.addf %add3A_210, %mul3A_293 : vector<16xf32>
      %broadcast_in_dim3A_295 = arith.constant 0 : i32
      %broadcast_in_dim3A_296 = vector.broadcast %broadcast_in_dim3A_295 : i32 to vector<16xi32>
      %broadcast_in_dim3A_297 = arith.constant 0 : i32
      %broadcast_in_dim3A_298 = vector.broadcast %broadcast_in_dim3A_297 : i32 to vector<16xi32>
      %get3A_299 = arith.constant 384 : index
      %get3A_300 = tpu.vector_load %arg8[%get3A_299] {strides = array<i32>} : memref<2048xi32, #tpu.memory_space<vmem>>, vector<16xi32>,
      %gather3A_301 = tpu.vector_load_idx %arg6[%add3A_37, %get3A_300] : memref<32x1024xi32, #tpu.memory_space<vmem>>[vector<16xi32>, vector<16xi32>], vector<16xi32>,
      %add3A_302 = arith.addi %broadcast_in_dim3A_296, %broadcast_in_dim3A_296 : vector<16xi32>
      %add3A_303 = arith.addi %add3A_302, %gather3A_301 : vector<16xi32>
      %gather3A_304 = tpu.vector_load_idx %arg6[%add3A_41, %get3A_300] : memref<32x1024xi32, #tpu.memory_space<vmem>>[vector<16xi32>, vector<16xi32>], vector<16xi32>,
      %add3A_305 = arith.addi %broadcast_in_dim3A_298, %broadcast_in_dim3A_298 : vector<16xi32>
      %add3A_306 = arith.addi %add3A_305, %gather3A_304 : vector<16xi32>
      %get3A_307 = arith.constant 400 : index
      %get3A_308 = tpu.vector_load %arg8[%get3A_307] {strides = array<i32>} : memref<2048xi32, #tpu.memory_space<vmem>>, vector<16xi32>,
      %gather3A_309 = tpu.vector_load_idx %arg6[%add3A_37, %get3A_308] : memref<32x1024xi32, #tpu.memory_space<vmem>>[vector<16xi32>, vector<16xi32>], vector<16xi32>,
      %add3A_310 = arith.addi %add3A_303, %add3A_303 : vector<16xi32>
      %add3A_311 = arith.addi %add3A_310, %gather3A_309 : vector<16xi32>
      %gather3A_312 = tpu.vector_load_idx %arg6[%add3A_41, %get3A_308] : memref<32x1024xi32, #tpu.memory_space<vmem>>[vector<16xi32>, vector<16xi32>], vector<16xi32>,
      %add3A_313 = arith.addi %add3A_306, %add3A_306 : vector<16xi32>
      %add3A_314 = arith.addi %add3A_313, %gather3A_312 : vector<16xi32>
      %get3A_315 = arith.constant 416 : index
      %get3A_316 = tpu.vector_load %arg8[%get3A_315] {strides = array<i32>} : memref<2048xi32, #tpu.memory_space<vmem>>, vector<16xi32>,
      %gather3A_317 = tpu.vector_load_idx %arg6[%add3A_37, %get3A_316] : memref<32x1024xi32, #tpu.memory_space<vmem>>[vector<16xi32>, vector<16xi32>], vector<16xi32>,
      %add3A_318 = arith.addi %add3A_311, %add3A_311 : vector<16xi32>
      %add3A_319 = arith.addi %add3A_318, %gather3A_317 : vector<16xi32>
      %gather3A_320 = tpu.vector_load_idx %arg6[%add3A_41, %get3A_316] : memref<32x1024xi32, #tpu.memory_space<vmem>>[vector<16xi32>, vector<16xi32>], vector<16xi32>,
      %add3A_321 = arith.addi %add3A_314, %add3A_314 : vector<16xi32>
      %add3A_322 = arith.addi %add3A_321, %gather3A_320 : vector<16xi32>
      %get3A_323 = arith.constant 432 : index
      %get3A_324 = tpu.vector_load %arg8[%get3A_323] {strides = array<i32>} : memref<2048xi32, #tpu.memory_space<vmem>>, vector<16xi32>,
      %gather3A_325 = tpu.vector_load_idx %arg6[%add3A_37, %get3A_324] : memref<32x1024xi32, #tpu.memory_space<vmem>>[vector<16xi32>, vector<16xi32>], vector<16xi32>,
      %add3A_326 = arith.addi %add3A_319, %add3A_319 : vector<16xi32>
      %add3A_327 = arith.addi %add3A_326, %gather3A_325 : vector<16xi32>
      %gather3A_328 = tpu.vector_load_idx %arg6[%add3A_41, %get3A_324] : memref<32x1024xi32, #tpu.memory_space<vmem>>[vector<16xi32>, vector<16xi32>], vector<16xi32>,
      %add3A_329 = arith.addi %add3A_322, %add3A_322 : vector<16xi32>
      %add3A_330 = arith.addi %add3A_329, %gather3A_328 : vector<16xi32>
      %get3A_331 = arith.constant 448 : index
      %get3A_332 = tpu.vector_load %arg8[%get3A_331] {strides = array<i32>} : memref<2048xi32, #tpu.memory_space<vmem>>, vector<16xi32>,
      %gather3A_333 = tpu.vector_load_idx %arg6[%add3A_37, %get3A_332] : memref<32x1024xi32, #tpu.memory_space<vmem>>[vector<16xi32>, vector<16xi32>], vector<16xi32>,
      %add3A_334 = arith.addi %add3A_327, %add3A_327 : vector<16xi32>
      %add3A_335 = arith.addi %add3A_334, %gather3A_333 : vector<16xi32>
      %gather3A_336 = tpu.vector_load_idx %arg6[%add3A_41, %get3A_332] : memref<32x1024xi32, #tpu.memory_space<vmem>>[vector<16xi32>, vector<16xi32>], vector<16xi32>,
      %add3A_337 = arith.addi %add3A_330, %add3A_330 : vector<16xi32>
      %add3A_338 = arith.addi %add3A_337, %gather3A_336 : vector<16xi32>
      %get3A_339 = arith.constant 464 : index
      %get3A_340 = tpu.vector_load %arg8[%get3A_339] {strides = array<i32>} : memref<2048xi32, #tpu.memory_space<vmem>>, vector<16xi32>,
      %gather3A_341 = tpu.vector_load_idx %arg6[%add3A_37, %get3A_340] : memref<32x1024xi32, #tpu.memory_space<vmem>>[vector<16xi32>, vector<16xi32>], vector<16xi32>,
      %add3A_342 = arith.addi %add3A_335, %add3A_335 : vector<16xi32>
      %add3A_343 = arith.addi %add3A_342, %gather3A_341 : vector<16xi32>
      %gather3A_344 = tpu.vector_load_idx %arg6[%add3A_41, %get3A_340] : memref<32x1024xi32, #tpu.memory_space<vmem>>[vector<16xi32>, vector<16xi32>], vector<16xi32>,
      %add3A_345 = arith.addi %add3A_338, %add3A_338 : vector<16xi32>
      %add3A_346 = arith.addi %add3A_345, %gather3A_344 : vector<16xi32>
      %get3A_347 = arith.constant 480 : index
      %get3A_348 = tpu.vector_load %arg8[%get3A_347] {strides = array<i32>} : memref<2048xi32, #tpu.memory_space<vmem>>, vector<16xi32>,
      %gather3A_349 = tpu.vector_load_idx %arg6[%add3A_37, %get3A_348] : memref<32x1024xi32, #tpu.memory_space<vmem>>[vector<16xi32>, vector<16xi32>], vector<16xi32>,
      %add3A_350 = arith.addi %add3A_343, %add3A_343 : vector<16xi32>
      %add3A_351 = arith.addi %add3A_350, %gather3A_349 : vector<16xi32>
      %gather3A_352 = tpu.vector_load_idx %arg6[%add3A_41, %get3A_348] : memref<32x1024xi32, #tpu.memory_space<vmem>>[vector<16xi32>, vector<16xi32>], vector<16xi32>,
      %add3A_353 = arith.addi %add3A_346, %add3A_346 : vector<16xi32>
      %add3A_354 = arith.addi %add3A_353, %gather3A_352 : vector<16xi32>
      %get3A_355 = arith.constant 496 : index
      %get3A_356 = tpu.vector_load %arg8[%get3A_355] {strides = array<i32>} : memref<2048xi32, #tpu.memory_space<vmem>>, vector<16xi32>,
      %gather3A_357 = tpu.vector_load_idx %arg6[%add3A_37, %get3A_356] : memref<32x1024xi32, #tpu.memory_space<vmem>>[vector<16xi32>, vector<16xi32>], vector<16xi32>,
      %add3A_358 = arith.addi %add3A_351, %add3A_351 : vector<16xi32>
      %add3A_359 = arith.addi %add3A_358, %gather3A_357 : vector<16xi32>
      %gather3A_360 = tpu.vector_load_idx %arg6[%add3A_41, %get3A_356] : memref<32x1024xi32, #tpu.memory_space<vmem>>[vector<16xi32>, vector<16xi32>], vector<16xi32>,
      %add3A_361 = arith.addi %add3A_354, %add3A_354 : vector<16xi32>
      %add3A_362 = arith.addi %add3A_361, %gather3A_360 : vector<16xi32>
      %add3A_363 = arith.constant 768 : i32
      %add3A_364 = vector.broadcast %add3A_363 : i32 to vector<16xi32>
      %add3A_365 = arith.addi %add3A_359, %add3A_364 : vector<16xi32>
      %gather3A_366 = tpu.vector_load_idx %arg9[%add3A_365] : memref<4096xf32, #tpu.memory_space<vmem>>[vector<16xi32>], vector<16xf32>,
      %mul3A_367 = arith.constant 4.096000e+03 : f32
      %mul3A_368 = vector.broadcast %mul3A_367 : f32 to vector<16xf32>
      %mul3A_369 = arith.mulf %gather3A_366, %mul3A_368 : vector<16xf32>
      %add3A_370 = arith.addf %add3A_286, %mul3A_369 : vector<16xf32>
      %add3A_371 = arith.constant 768 : i32
      %add3A_372 = vector.broadcast %add3A_371 : i32 to vector<16xi32>
      %add3A_373 = arith.addi %add3A_362, %add3A_372 : vector<16xi32>
      %gather3A_374 = tpu.vector_load_idx %arg9[%add3A_373] : memref<4096xf32, #tpu.memory_space<vmem>>[vector<16xi32>], vector<16xf32>,
      %mul3A_375 = arith.constant 4.096000e+03 : f32
      %mul3A_376 = vector.broadcast %mul3A_375 : f32 to vector<16xf32>
      %mul3A_377 = arith.mulf %gather3A_374, %mul3A_376 : vector<16xf32>
      %add3A_378 = arith.addf %add3A_294, %mul3A_377 : vector<16xf32>
      %broadcast_in_dim3A_379 = arith.constant 0 : i32
      %broadcast_in_dim3A_380 = vector.broadcast %broadcast_in_dim3A_379 : i32 to vector<16xi32>
      %broadcast_in_dim3A_381 = arith.constant 0 : i32
      %broadcast_in_dim3A_382 = vector.broadcast %broadcast_in_dim3A_381 : i32 to vector<16xi32>
      %get3A_383 = arith.constant 512 : index
      %get3A_384 = tpu.vector_load %arg8[%get3A_383] {strides = array<i32>} : memref<2048xi32, #tpu.memory_space<vmem>>, vector<16xi32>,
      %gather3A_385 = tpu.vector_load_idx %arg6[%add3A_37, %get3A_384] : memref<32x1024xi32, #tpu.memory_space<vmem>>[vector<16xi32>, vector<16xi32>], vector<16xi32>,
      %add3A_386 = arith.addi %broadcast_in_dim3A_380, %broadcast_in_dim3A_380 : vector<16xi32>
      %add3A_387 = arith.addi %add3A_386, %gather3A_385 : vector<16xi32>
      %gather3A_388 = tpu.vector_load_idx %arg6[%add3A_41, %get3A_384] : memref<32x1024xi32, #tpu.memory_space<vmem>>[vector<16xi32>, vector<16xi32>], vector<16xi32>,
      %add3A_389 = arith.addi %broadcast_in_dim3A_382, %broadcast_in_dim3A_382 : vector<16xi32>
      %add3A_390 = arith.addi %add3A_389, %gather3A_388 : vector<16xi32>
      %get3A_391 = arith.constant 528 : index
      %get3A_392 = tpu.vector_load %arg8[%get3A_391] {strides = array<i32>} : memref<2048xi32, #tpu.memory_space<vmem>>, vector<16xi32>,
      %gather3A_393 = tpu.vector_load_idx %arg6[%add3A_37, %get3A_392] : memref<32x1024xi32, #tpu.memory_space<vmem>>[vector<16xi32>, vector<16xi32>], vector<16xi32>,
      %add3A_394 = arith.addi %add3A_387, %add3A_387 : vector<16xi32>
      %add3A_395 = arith.addi %add3A_394, %gather3A_393 : vector<16xi32>
      %gather3A_396 = tpu.vector_load_idx %arg6[%add3A_41, %get3A_392] : memref<32x1024xi32, #tpu.memory_space<vmem>>[vector<16xi32>, vector<16xi32>], vector<16xi32>,
      %add3A_397 = arith.addi %add3A_390, %add3A_390 : vector<16xi32>
      %add3A_398 = arith.addi %add3A_397, %gather3A_396 : vector<16xi32>
      %get3A_399 = arith.constant 544 : index
      %get3A_400 = tpu.vector_load %arg8[%get3A_399] {strides = array<i32>} : memref<2048xi32, #tpu.memory_space<vmem>>, vector<16xi32>,
      %gather3A_401 = tpu.vector_load_idx %arg6[%add3A_37, %get3A_400] : memref<32x1024xi32, #tpu.memory_space<vmem>>[vector<16xi32>, vector<16xi32>], vector<16xi32>,
      %add3A_402 = arith.addi %add3A_395, %add3A_395 : vector<16xi32>
      %add3A_403 = arith.addi %add3A_402, %gather3A_401 : vector<16xi32>
      %gather3A_404 = tpu.vector_load_idx %arg6[%add3A_41, %get3A_400] : memref<32x1024xi32, #tpu.memory_space<vmem>>[vector<16xi32>, vector<16xi32>], vector<16xi32>,
      %add3A_405 = arith.addi %add3A_398, %add3A_398 : vector<16xi32>
      %add3A_406 = arith.addi %add3A_405, %gather3A_404 : vector<16xi32>
      %get3A_407 = arith.constant 560 : index
      %get3A_408 = tpu.vector_load %arg8[%get3A_407] {strides = array<i32>} : memref<2048xi32, #tpu.memory_space<vmem>>, vector<16xi32>,
      %gather3A_409 = tpu.vector_load_idx %arg6[%add3A_37, %get3A_408] : memref<32x1024xi32, #tpu.memory_space<vmem>>[vector<16xi32>, vector<16xi32>], vector<16xi32>,
      %add3A_410 = arith.addi %add3A_403, %add3A_403 : vector<16xi32>
      %add3A_411 = arith.addi %add3A_410, %gather3A_409 : vector<16xi32>
      %gather3A_412 = tpu.vector_load_idx %arg6[%add3A_41, %get3A_408] : memref<32x1024xi32, #tpu.memory_space<vmem>>[vector<16xi32>, vector<16xi32>], vector<16xi32>,
      %add3A_413 = arith.addi %add3A_406, %add3A_406 : vector<16xi32>
      %add3A_414 = arith.addi %add3A_413, %gather3A_412 : vector<16xi32>
      %get3A_415 = arith.constant 576 : index
      %get3A_416 = tpu.vector_load %arg8[%get3A_415] {strides = array<i32>} : memref<2048xi32, #tpu.memory_space<vmem>>, vector<16xi32>,
      %gather3A_417 = tpu.vector_load_idx %arg6[%add3A_37, %get3A_416] : memref<32x1024xi32, #tpu.memory_space<vmem>>[vector<16xi32>, vector<16xi32>], vector<16xi32>,
      %add3A_418 = arith.addi %add3A_411, %add3A_411 : vector<16xi32>
      %add3A_419 = arith.addi %add3A_418, %gather3A_417 : vector<16xi32>
      %gather3A_420 = tpu.vector_load_idx %arg6[%add3A_41, %get3A_416] : memref<32x1024xi32, #tpu.memory_space<vmem>>[vector<16xi32>, vector<16xi32>], vector<16xi32>,
      %add3A_421 = arith.addi %add3A_414, %add3A_414 : vector<16xi32>
      %add3A_422 = arith.addi %add3A_421, %gather3A_420 : vector<16xi32>
      %get3A_423 = arith.constant 592 : index
      %get3A_424 = tpu.vector_load %arg8[%get3A_423] {strides = array<i32>} : memref<2048xi32, #tpu.memory_space<vmem>>, vector<16xi32>,
      %gather3A_425 = tpu.vector_load_idx %arg6[%add3A_37, %get3A_424] : memref<32x1024xi32, #tpu.memory_space<vmem>>[vector<16xi32>, vector<16xi32>], vector<16xi32>,
      %add3A_426 = arith.addi %add3A_419, %add3A_419 : vector<16xi32>
      %add3A_427 = arith.addi %add3A_426, %gather3A_425 : vector<16xi32>
      %gather3A_428 = tpu.vector_load_idx %arg6[%add3A_41, %get3A_424] : memref<32x1024xi32, #tpu.memory_space<vmem>>[vector<16xi32>, vector<16xi32>], vector<16xi32>,
      %add3A_429 = arith.addi %add3A_422, %add3A_422 : vector<16xi32>
      %add3A_430 = arith.addi %add3A_429, %gather3A_428 : vector<16xi32>
      %get3A_431 = arith.constant 608 : index
      %get3A_432 = tpu.vector_load %arg8[%get3A_431] {strides = array<i32>} : memref<2048xi32, #tpu.memory_space<vmem>>, vector<16xi32>,
      %gather3A_433 = tpu.vector_load_idx %arg6[%add3A_37, %get3A_432] : memref<32x1024xi32, #tpu.memory_space<vmem>>[vector<16xi32>, vector<16xi32>], vector<16xi32>,
      %add3A_434 = arith.addi %add3A_427, %add3A_427 : vector<16xi32>
      %add3A_435 = arith.addi %add3A_434, %gather3A_433 : vector<16xi32>
      %gather3A_436 = tpu.vector_load_idx %arg6[%add3A_41, %get3A_432] : memref<32x1024xi32, #tpu.memory_space<vmem>>[vector<16xi32>, vector<16xi32>], vector<16xi32>,
      %add3A_437 = arith.addi %add3A_430, %add3A_430 : vector<16xi32>
      %add3A_438 = arith.addi %add3A_437, %gather3A_436 : vector<16xi32>
      %get3A_439 = arith.constant 624 : index
      %get3A_440 = tpu.vector_load %arg8[%get3A_439] {strides = array<i32>} : memref<2048xi32, #tpu.memory_space<vmem>>, vector<16xi32>,
      %gather3A_441 = tpu.vector_load_idx %arg6[%add3A_37, %get3A_440] : memref<32x1024xi32, #tpu.memory_space<vmem>>[vector<16xi32>, vector<16xi32>], vector<16xi32>,
      %add3A_442 = arith.addi %add3A_435, %add3A_435 : vector<16xi32>
      %add3A_443 = arith.addi %add3A_442, %gather3A_441 : vector<16xi32>
      %gather3A_444 = tpu.vector_load_idx %arg6[%add3A_41, %get3A_440] : memref<32x1024xi32, #tpu.memory_space<vmem>>[vector<16xi32>, vector<16xi32>], vector<16xi32>,
      %add3A_445 = arith.addi %add3A_438, %add3A_438 : vector<16xi32>
      %add3A_446 = arith.addi %add3A_445, %gather3A_444 : vector<16xi32>
      %add3A_447 = arith.constant 1024 : i32
      %add3A_448 = vector.broadcast %add3A_447 : i32 to vector<16xi32>
      %add3A_449 = arith.addi %add3A_443, %add3A_448 : vector<16xi32>
      %gather3A_450 = tpu.vector_load_idx %arg9[%add3A_449] : memref<4096xf32, #tpu.memory_space<vmem>>[vector<16xi32>], vector<16xf32>,
      %mul3A_451 = arith.constant 2.048000e+03 : f32
      %mul3A_452 = vector.broadcast %mul3A_451 : f32 to vector<16xf32>
      %mul3A_453 = arith.mulf %gather3A_450, %mul3A_452 : vector<16xf32>
      %add3A_454 = arith.addf %add3A_370, %mul3A_453 : vector<16xf32>
      %add3A_455 = arith.constant 1024 : i32
      %add3A_456 = vector.broadcast %add3A_455 : i32 to vector<16xi32>
      %add3A_457 = arith.addi %add3A_446, %add3A_456 : vector<16xi32>
      %gather3A_458 = tpu.vector_load_idx %arg9[%add3A_457] : memref<4096xf32, #tpu.memory_space<vmem>>[vector<16xi32>], vector<16xf32>,
      %mul3A_459 = arith.constant 2.048000e+03 : f32
      %mul3A_460 = vector.broadcast %mul3A_459 : f32 to vector<16xf32>
      %mul3A_461 = arith.mulf %gather3A_458, %mul3A_460 : vector<16xf32>
      %add3A_462 = arith.addf %add3A_378, %mul3A_461 : vector<16xf32>
      %broadcast_in_dim3A_463 = arith.constant 0 : i32
      %broadcast_in_dim3A_464 = vector.broadcast %broadcast_in_dim3A_463 : i32 to vector<16xi32>
      %broadcast_in_dim3A_465 = arith.constant 0 : i32
      %broadcast_in_dim3A_466 = vector.broadcast %broadcast_in_dim3A_465 : i32 to vector<16xi32>
      %get3A_467 = arith.constant 640 : index
      %get3A_468 = tpu.vector_load %arg8[%get3A_467] {strides = array<i32>} : memref<2048xi32, #tpu.memory_space<vmem>>, vector<16xi32>,
      %gather3A_469 = tpu.vector_load_idx %arg6[%add3A_37, %get3A_468] : memref<32x1024xi32, #tpu.memory_space<vmem>>[vector<16xi32>, vector<16xi32>], vector<16xi32>,
      %add3A_470 = arith.addi %broadcast_in_dim3A_464, %broadcast_in_dim3A_464 : vector<16xi32>
      %add3A_471 = arith.addi %add3A_470, %gather3A_469 : vector<16xi32>
      %gather3A_472 = tpu.vector_load_idx %arg6[%add3A_41, %get3A_468] : memref<32x1024xi32, #tpu.memory_space<vmem>>[vector<16xi32>, vector<16xi32>], vector<16xi32>,
      %add3A_473 = arith.addi %broadcast_in_dim3A_466, %broadcast_in_dim3A_466 : vector<16xi32>
      %add3A_474 = arith.addi %add3A_473, %gather3A_472 : vector<16xi32>
      %get3A_475 = arith.constant 656 : index
      %get3A_476 = tpu.vector_load %arg8[%get3A_475] {strides = array<i32>} : memref<2048xi32, #tpu.memory_space<vmem>>, vector<16xi32>,
      %gather3A_477 = tpu.vector_load_idx %arg6[%add3A_37, %get3A_476] : memref<32x1024xi32, #tpu.memory_space<vmem>>[vector<16xi32>, vector<16xi32>], vector<16xi32>,
      %add3A_478 = arith.addi %add3A_471, %add3A_471 : vector<16xi32>
      %add3A_479 = arith.addi %add3A_478, %gather3A_477 : vector<16xi32>
      %gather3A_480 = tpu.vector_load_idx %arg6[%add3A_41, %get3A_476] : memref<32x1024xi32, #tpu.memory_space<vmem>>[vector<16xi32>, vector<16xi32>], vector<16xi32>,
      %add3A_481 = arith.addi %add3A_474, %add3A_474 : vector<16xi32>
      %add3A_482 = arith.addi %add3A_481, %gather3A_480 : vector<16xi32>
      %get3A_483 = arith.constant 672 : index
      %get3A_484 = tpu.vector_load %arg8[%get3A_483] {strides = array<i32>} : memref<2048xi32, #tpu.memory_space<vmem>>, vector<16xi32>,
      %gather3A_485 = tpu.vector_load_idx %arg6[%add3A_37, %get3A_484] : memref<32x1024xi32, #tpu.memory_space<vmem>>[vector<16xi32>, vector<16xi32>], vector<16xi32>,
      %add3A_486 = arith.addi %add3A_479, %add3A_479 : vector<16xi32>
      %add3A_487 = arith.addi %add3A_486, %gather3A_485 : vector<16xi32>
      %gather3A_488 = tpu.vector_load_idx %arg6[%add3A_41, %get3A_484] : memref<32x1024xi32, #tpu.memory_space<vmem>>[vector<16xi32>, vector<16xi32>], vector<16xi32>,
      %add3A_489 = arith.addi %add3A_482, %add3A_482 : vector<16xi32>
      %add3A_490 = arith.addi %add3A_489, %gather3A_488 : vector<16xi32>
      %get3A_491 = arith.constant 688 : index
      %get3A_492 = tpu.vector_load %arg8[%get3A_491] {strides = array<i32>} : memref<2048xi32, #tpu.memory_space<vmem>>, vector<16xi32>,
      %gather3A_493 = tpu.vector_load_idx %arg6[%add3A_37, %get3A_492] : memref<32x1024xi32, #tpu.memory_space<vmem>>[vector<16xi32>, vector<16xi32>], vector<16xi32>,
      %add3A_494 = arith.addi %add3A_487, %add3A_487 : vector<16xi32>
      %add3A_495 = arith.addi %add3A_494, %gather3A_493 : vector<16xi32>
      %gather3A_496 = tpu.vector_load_idx %arg6[%add3A_41, %get3A_492] : memref<32x1024xi32, #tpu.memory_space<vmem>>[vector<16xi32>, vector<16xi32>], vector<16xi32>,
      %add3A_497 = arith.addi %add3A_490, %add3A_490 : vector<16xi32>
      %add3A_498 = arith.addi %add3A_497, %gather3A_496 : vector<16xi32>
      %get3A_499 = arith.constant 704 : index
      %get3A_500 = tpu.vector_load %arg8[%get3A_499] {strides = array<i32>} : memref<2048xi32, #tpu.memory_space<vmem>>, vector<16xi32>,
      %gather3A_501 = tpu.vector_load_idx %arg6[%add3A_37, %get3A_500] : memref<32x1024xi32, #tpu.memory_space<vmem>>[vector<16xi32>, vector<16xi32>], vector<16xi32>,
      %add3A_502 = arith.addi %add3A_495, %add3A_495 : vector<16xi32>
      %add3A_503 = arith.addi %add3A_502, %gather3A_501 : vector<16xi32>
      %gather3A_504 = tpu.vector_load_idx %arg6[%add3A_41, %get3A_500] : memref<32x1024xi32, #tpu.memory_space<vmem>>[vector<16xi32>, vector<16xi32>], vector<16xi32>,
      %add3A_505 = arith.addi %add3A_498, %add3A_498 : vector<16xi32>
      %add3A_506 = arith.addi %add3A_505, %gather3A_504 : vector<16xi32>
      %get3A_507 = arith.constant 720 : index
      %get3A_508 = tpu.vector_load %arg8[%get3A_507] {strides = array<i32>} : memref<2048xi32, #tpu.memory_space<vmem>>, vector<16xi32>,
      %gather3A_509 = tpu.vector_load_idx %arg6[%add3A_37, %get3A_508] : memref<32x1024xi32, #tpu.memory_space<vmem>>[vector<16xi32>, vector<16xi32>], vector<16xi32>,
      %add3A_510 = arith.addi %add3A_503, %add3A_503 : vector<16xi32>
      %add3A_511 = arith.addi %add3A_510, %gather3A_509 : vector<16xi32>
      %gather3A_512 = tpu.vector_load_idx %arg6[%add3A_41, %get3A_508] : memref<32x1024xi32, #tpu.memory_space<vmem>>[vector<16xi32>, vector<16xi32>], vector<16xi32>,
      %add3A_513 = arith.addi %add3A_506, %add3A_506 : vector<16xi32>
      %add3A_514 = arith.addi %add3A_513, %gather3A_512 : vector<16xi32>
      %get3A_515 = arith.constant 736 : index
      %get3A_516 = tpu.vector_load %arg8[%get3A_515] {strides = array<i32>} : memref<2048xi32, #tpu.memory_space<vmem>>, vector<16xi32>,
      %gather3A_517 = tpu.vector_load_idx %arg6[%add3A_37, %get3A_516] : memref<32x1024xi32, #tpu.memory_space<vmem>>[vector<16xi32>, vector<16xi32>], vector<16xi32>,
      %add3A_518 = arith.addi %add3A_511, %add3A_511 : vector<16xi32>
      %add3A_519 = arith.addi %add3A_518, %gather3A_517 : vector<16xi32>
      %gather3A_520 = tpu.vector_load_idx %arg6[%add3A_41, %get3A_516] : memref<32x1024xi32, #tpu.memory_space<vmem>>[vector<16xi32>, vector<16xi32>], vector<16xi32>,
      %add3A_521 = arith.addi %add3A_514, %add3A_514 : vector<16xi32>
      %add3A_522 = arith.addi %add3A_521, %gather3A_520 : vector<16xi32>
      %get3A_523 = arith.constant 752 : index
      %get3A_524 = tpu.vector_load %arg8[%get3A_523] {strides = array<i32>} : memref<2048xi32, #tpu.memory_space<vmem>>, vector<16xi32>,
      %gather3A_525 = tpu.vector_load_idx %arg6[%add3A_37, %get3A_524] : memref<32x1024xi32, #tpu.memory_space<vmem>>[vector<16xi32>, vector<16xi32>], vector<16xi32>,
      %add3A_526 = arith.addi %add3A_519, %add3A_519 : vector<16xi32>
      %add3A_527 = arith.addi %add3A_526, %gather3A_525 : vector<16xi32>
      %gather3A_528 = tpu.vector_load_idx %arg6[%add3A_41, %get3A_524] : memref<32x1024xi32, #tpu.memory_space<vmem>>[vector<16xi32>, vector<16xi32>], vector<16xi32>,
      %add3A_529 = arith.addi %add3A_522, %add3A_522 : vector<16xi32>
      %add3A_530 = arith.addi %add3A_529, %gather3A_528 : vector<16xi32>
      %add3A_531 = arith.constant 1280 : i32
      %add3A_532 = vector.broadcast %add3A_531 : i32 to vector<16xi32>
      %add3A_533 = arith.addi %add3A_527, %add3A_532 : vector<16xi32>
      %gather3A_534 = tpu.vector_load_idx %arg9[%add3A_533] : memref<4096xf32, #tpu.memory_space<vmem>>[vector<16xi32>], vector<16xf32>,
      %mul3A_535 = arith.constant 1.024000e+03 : f32
      %mul3A_536 = vector.broadcast %mul3A_535 : f32 to vector<16xf32>
      %mul3A_537 = arith.mulf %gather3A_534, %mul3A_536 : vector<16xf32>
      %add3A_538 = arith.addf %add3A_454, %mul3A_537 : vector<16xf32>
      %add3A_539 = arith.constant 1280 : i32
      %add3A_540 = vector.broadcast %add3A_539 : i32 to vector<16xi32>
      %add3A_541 = arith.addi %add3A_530, %add3A_540 : vector<16xi32>
      %gather3A_542 = tpu.vector_load_idx %arg9[%add3A_541] : memref<4096xf32, #tpu.memory_space<vmem>>[vector<16xi32>], vector<16xf32>,
      %mul3A_543 = arith.constant 1.024000e+03 : f32
      %mul3A_544 = vector.broadcast %mul3A_543 : f32 to vector<16xf32>
      %mul3A_545 = arith.mulf %gather3A_542, %mul3A_544 : vector<16xf32>
      %add3A_546 = arith.addf %add3A_462, %mul3A_545 : vector<16xf32>
      %broadcast_in_dim3A_547 = arith.constant 0 : i32
      %broadcast_in_dim3A_548 = vector.broadcast %broadcast_in_dim3A_547 : i32 to vector<16xi32>
      %broadcast_in_dim3A_549 = arith.constant 0 : i32
      %broadcast_in_dim3A_550 = vector.broadcast %broadcast_in_dim3A_549 : i32 to vector<16xi32>
      %get3A_551 = arith.constant 768 : index
      %get3A_552 = tpu.vector_load %arg8[%get3A_551] {strides = array<i32>} : memref<2048xi32, #tpu.memory_space<vmem>>, vector<16xi32>,
      %gather3A_553 = tpu.vector_load_idx %arg6[%add3A_37, %get3A_552] : memref<32x1024xi32, #tpu.memory_space<vmem>>[vector<16xi32>, vector<16xi32>], vector<16xi32>,
      %add3A_554 = arith.addi %broadcast_in_dim3A_548, %broadcast_in_dim3A_548 : vector<16xi32>
      %add3A_555 = arith.addi %add3A_554, %gather3A_553 : vector<16xi32>
      %gather3A_556 = tpu.vector_load_idx %arg6[%add3A_41, %get3A_552] : memref<32x1024xi32, #tpu.memory_space<vmem>>[vector<16xi32>, vector<16xi32>], vector<16xi32>,
      %add3A_557 = arith.addi %broadcast_in_dim3A_550, %broadcast_in_dim3A_550 : vector<16xi32>
      %add3A_558 = arith.addi %add3A_557, %gather3A_556 : vector<16xi32>
      %get3A_559 = arith.constant 784 : index
      %get3A_560 = tpu.vector_load %arg8[%get3A_559] {strides = array<i32>} : memref<2048xi32, #tpu.memory_space<vmem>>, vector<16xi32>,
      %gather3A_561 = tpu.vector_load_idx %arg6[%add3A_37, %get3A_560] : memref<32x1024xi32, #tpu.memory_space<vmem>>[vector<16xi32>, vector<16xi32>], vector<16xi32>,
      %add3A_562 = arith.addi %add3A_555, %add3A_555 : vector<16xi32>
      %add3A_563 = arith.addi %add3A_562, %gather3A_561 : vector<16xi32>
      %gather3A_564 = tpu.vector_load_idx %arg6[%add3A_41, %get3A_560] : memref<32x1024xi32, #tpu.memory_space<vmem>>[vector<16xi32>, vector<16xi32>], vector<16xi32>,
      %add3A_565 = arith.addi %add3A_558, %add3A_558 : vector<16xi32>
      %add3A_566 = arith.addi %add3A_565, %gather3A_564 : vector<16xi32>
      %get3A_567 = arith.constant 800 : index
      %get3A_568 = tpu.vector_load %arg8[%get3A_567] {strides = array<i32>} : memref<2048xi32, #tpu.memory_space<vmem>>, vector<16xi32>,
      %gather3A_569 = tpu.vector_load_idx %arg6[%add3A_37, %get3A_568] : memref<32x1024xi32, #tpu.memory_space<vmem>>[vector<16xi32>, vector<16xi32>], vector<16xi32>,
      %add3A_570 = arith.addi %add3A_563, %add3A_563 : vector<16xi32>
      %add3A_571 = arith.addi %add3A_570, %gather3A_569 : vector<16xi32>
      %gather3A_572 = tpu.vector_load_idx %arg6[%add3A_41, %get3A_568] : memref<32x1024xi32, #tpu.memory_space<vmem>>[vector<16xi32>, vector<16xi32>], vector<16xi32>,
      %add3A_573 = arith.addi %add3A_566, %add3A_566 : vector<16xi32>
      %add3A_574 = arith.addi %add3A_573, %gather3A_572 : vector<16xi32>
      %get3A_575 = arith.constant 816 : index
      %get3A_576 = tpu.vector_load %arg8[%get3A_575] {strides = array<i32>} : memref<2048xi32, #tpu.memory_space<vmem>>, vector<16xi32>,
      %gather3A_577 = tpu.vector_load_idx %arg6[%add3A_37, %get3A_576] : memref<32x1024xi32, #tpu.memory_space<vmem>>[vector<16xi32>, vector<16xi32>], vector<16xi32>,
      %add3A_578 = arith.addi %add3A_571, %add3A_571 : vector<16xi32>
      %add3A_579 = arith.addi %add3A_578, %gather3A_577 : vector<16xi32>
      %gather3A_580 = tpu.vector_load_idx %arg6[%add3A_41, %get3A_576] : memref<32x1024xi32, #tpu.memory_space<vmem>>[vector<16xi32>, vector<16xi32>], vector<16xi32>,
      %add3A_581 = arith.addi %add3A_574, %add3A_574 : vector<16xi32>
      %add3A_582 = arith.addi %add3A_581, %gather3A_580 : vector<16xi32>
      %get3A_583 = arith.constant 832 : index
      %get3A_584 = tpu.vector_load %arg8[%get3A_583] {strides = array<i32>} : memref<2048xi32, #tpu.memory_space<vmem>>, vector<16xi32>,
      %gather3A_585 = tpu.vector_load_idx %arg6[%add3A_37, %get3A_584] : memref<32x1024xi32, #tpu.memory_space<vmem>>[vector<16xi32>, vector<16xi32>], vector<16xi32>,
      %add3A_586 = arith.addi %add3A_579, %add3A_579 : vector<16xi32>
      %add3A_587 = arith.addi %add3A_586, %gather3A_585 : vector<16xi32>
      %gather3A_588 = tpu.vector_load_idx %arg6[%add3A_41, %get3A_584] : memref<32x1024xi32, #tpu.memory_space<vmem>>[vector<16xi32>, vector<16xi32>], vector<16xi32>,
      %add3A_589 = arith.addi %add3A_582, %add3A_582 : vector<16xi32>
      %add3A_590 = arith.addi %add3A_589, %gather3A_588 : vector<16xi32>
      %get3A_591 = arith.constant 848 : index
      %get3A_592 = tpu.vector_load %arg8[%get3A_591] {strides = array<i32>} : memref<2048xi32, #tpu.memory_space<vmem>>, vector<16xi32>,
      %gather3A_593 = tpu.vector_load_idx %arg6[%add3A_37, %get3A_592] : memref<32x1024xi32, #tpu.memory_space<vmem>>[vector<16xi32>, vector<16xi32>], vector<16xi32>,
      %add3A_594 = arith.addi %add3A_587, %add3A_587 : vector<16xi32>
      %add3A_595 = arith.addi %add3A_594, %gather3A_593 : vector<16xi32>
      %gather3A_596 = tpu.vector_load_idx %arg6[%add3A_41, %get3A_592] : memref<32x1024xi32, #tpu.memory_space<vmem>>[vector<16xi32>, vector<16xi32>], vector<16xi32>,
      %add3A_597 = arith.addi %add3A_590, %add3A_590 : vector<16xi32>
      %add3A_598 = arith.addi %add3A_597, %gather3A_596 : vector<16xi32>
      %get3A_599 = arith.constant 864 : index
      %get3A_600 = tpu.vector_load %arg8[%get3A_599] {strides = array<i32>} : memref<2048xi32, #tpu.memory_space<vmem>>, vector<16xi32>,
      %gather3A_601 = tpu.vector_load_idx %arg6[%add3A_37, %get3A_600] : memref<32x1024xi32, #tpu.memory_space<vmem>>[vector<16xi32>, vector<16xi32>], vector<16xi32>,
      %add3A_602 = arith.addi %add3A_595, %add3A_595 : vector<16xi32>
      %add3A_603 = arith.addi %add3A_602, %gather3A_601 : vector<16xi32>
      %gather3A_604 = tpu.vector_load_idx %arg6[%add3A_41, %get3A_600] : memref<32x1024xi32, #tpu.memory_space<vmem>>[vector<16xi32>, vector<16xi32>], vector<16xi32>,
      %add3A_605 = arith.addi %add3A_598, %add3A_598 : vector<16xi32>
      %add3A_606 = arith.addi %add3A_605, %gather3A_604 : vector<16xi32>
      %get3A_607 = arith.constant 880 : index
      %get3A_608 = tpu.vector_load %arg8[%get3A_607] {strides = array<i32>} : memref<2048xi32, #tpu.memory_space<vmem>>, vector<16xi32>,
      %gather3A_609 = tpu.vector_load_idx %arg6[%add3A_37, %get3A_608] : memref<32x1024xi32, #tpu.memory_space<vmem>>[vector<16xi32>, vector<16xi32>], vector<16xi32>,
      %add3A_610 = arith.addi %add3A_603, %add3A_603 : vector<16xi32>
      %add3A_611 = arith.addi %add3A_610, %gather3A_609 : vector<16xi32>
      %gather3A_612 = tpu.vector_load_idx %arg6[%add3A_41, %get3A_608] : memref<32x1024xi32, #tpu.memory_space<vmem>>[vector<16xi32>, vector<16xi32>], vector<16xi32>,
      %add3A_613 = arith.addi %add3A_606, %add3A_606 : vector<16xi32>
      %add3A_614 = arith.addi %add3A_613, %gather3A_612 : vector<16xi32>
      %add3A_615 = arith.constant 1536 : i32
      %add3A_616 = vector.broadcast %add3A_615 : i32 to vector<16xi32>
      %add3A_617 = arith.addi %add3A_611, %add3A_616 : vector<16xi32>
      %gather3A_618 = tpu.vector_load_idx %arg9[%add3A_617] : memref<4096xf32, #tpu.memory_space<vmem>>[vector<16xi32>], vector<16xf32>,
      %mul3A_619 = arith.constant 5.120000e+02 : f32
      %mul3A_620 = vector.broadcast %mul3A_619 : f32 to vector<16xf32>
      %mul3A_621 = arith.mulf %gather3A_618, %mul3A_620 : vector<16xf32>
      %add3A_622 = arith.addf %add3A_538, %mul3A_621 : vector<16xf32>
      %add3A_623 = arith.constant 1536 : i32
      %add3A_624 = vector.broadcast %add3A_623 : i32 to vector<16xi32>
      %add3A_625 = arith.addi %add3A_614, %add3A_624 : vector<16xi32>
      %gather3A_626 = tpu.vector_load_idx %arg9[%add3A_625] : memref<4096xf32, #tpu.memory_space<vmem>>[vector<16xi32>], vector<16xf32>,
      %mul3A_627 = arith.constant 5.120000e+02 : f32
      %mul3A_628 = vector.broadcast %mul3A_627 : f32 to vector<16xf32>
      %mul3A_629 = arith.mulf %gather3A_626, %mul3A_628 : vector<16xf32>
      %add3A_630 = arith.addf %add3A_546, %mul3A_629 : vector<16xf32>
      %broadcast_in_dim3A_631 = arith.constant 0 : i32
      %broadcast_in_dim3A_632 = vector.broadcast %broadcast_in_dim3A_631 : i32 to vector<16xi32>
      %broadcast_in_dim3A_633 = arith.constant 0 : i32
      %broadcast_in_dim3A_634 = vector.broadcast %broadcast_in_dim3A_633 : i32 to vector<16xi32>
      %get3A_635 = arith.constant 896 : index
      %get3A_636 = tpu.vector_load %arg8[%get3A_635] {strides = array<i32>} : memref<2048xi32, #tpu.memory_space<vmem>>, vector<16xi32>,
      %gather3A_637 = tpu.vector_load_idx %arg6[%add3A_37, %get3A_636] : memref<32x1024xi32, #tpu.memory_space<vmem>>[vector<16xi32>, vector<16xi32>], vector<16xi32>,
      %add3A_638 = arith.addi %broadcast_in_dim3A_632, %broadcast_in_dim3A_632 : vector<16xi32>
      %add3A_639 = arith.addi %add3A_638, %gather3A_637 : vector<16xi32>
      %gather3A_640 = tpu.vector_load_idx %arg6[%add3A_41, %get3A_636] : memref<32x1024xi32, #tpu.memory_space<vmem>>[vector<16xi32>, vector<16xi32>], vector<16xi32>,
      %add3A_641 = arith.addi %broadcast_in_dim3A_634, %broadcast_in_dim3A_634 : vector<16xi32>
      %add3A_642 = arith.addi %add3A_641, %gather3A_640 : vector<16xi32>
      %get3A_643 = arith.constant 912 : index
      %get3A_644 = tpu.vector_load %arg8[%get3A_643] {strides = array<i32>} : memref<2048xi32, #tpu.memory_space<vmem>>, vector<16xi32>,
      %gather3A_645 = tpu.vector_load_idx %arg6[%add3A_37, %get3A_644] : memref<32x1024xi32, #tpu.memory_space<vmem>>[vector<16xi32>, vector<16xi32>], vector<16xi32>,
      %add3A_646 = arith.addi %add3A_639, %add3A_639 : vector<16xi32>
      %add3A_647 = arith.addi %add3A_646, %gather3A_645 : vector<16xi32>
      %gather3A_648 = tpu.vector_load_idx %arg6[%add3A_41, %get3A_644] : memref<32x1024xi32, #tpu.memory_space<vmem>>[vector<16xi32>, vector<16xi32>], vector<16xi32>,
      %add3A_649 = arith.addi %add3A_642, %add3A_642 : vector<16xi32>
      %add3A_650 = arith.addi %add3A_649, %gather3A_648 : vector<16xi32>
      %get3A_651 = arith.constant 928 : index
      %get3A_652 = tpu.vector_load %arg8[%get3A_651] {strides = array<i32>} : memref<2048xi32, #tpu.memory_space<vmem>>, vector<16xi32>,
      %gather3A_653 = tpu.vector_load_idx %arg6[%add3A_37, %get3A_652] : memref<32x1024xi32, #tpu.memory_space<vmem>>[vector<16xi32>, vector<16xi32>], vector<16xi32>,
      %add3A_654 = arith.addi %add3A_647, %add3A_647 : vector<16xi32>
      %add3A_655 = arith.addi %add3A_654, %gather3A_653 : vector<16xi32>
      %gather3A_656 = tpu.vector_load_idx %arg6[%add3A_41, %get3A_652] : memref<32x1024xi32, #tpu.memory_space<vmem>>[vector<16xi32>, vector<16xi32>], vector<16xi32>,
      %add3A_657 = arith.addi %add3A_650, %add3A_650 : vector<16xi32>
      %add3A_658 = arith.addi %add3A_657, %gather3A_656 : vector<16xi32>
      %get3A_659 = arith.constant 944 : index
      %get3A_660 = tpu.vector_load %arg8[%get3A_659] {strides = array<i32>} : memref<2048xi32, #tpu.memory_space<vmem>>, vector<16xi32>,
      %gather3A_661 = tpu.vector_load_idx %arg6[%add3A_37, %get3A_660] : memref<32x1024xi32, #tpu.memory_space<vmem>>[vector<16xi32>, vector<16xi32>], vector<16xi32>,
      %add3A_662 = arith.addi %add3A_655, %add3A_655 : vector<16xi32>
      %add3A_663 = arith.addi %add3A_662, %gather3A_661 : vector<16xi32>
      %gather3A_664 = tpu.vector_load_idx %arg6[%add3A_41, %get3A_660] : memref<32x1024xi32, #tpu.memory_space<vmem>>[vector<16xi32>, vector<16xi32>], vector<16xi32>,
      %add3A_665 = arith.addi %add3A_658, %add3A_658 : vector<16xi32>
      %add3A_666 = arith.addi %add3A_665, %gather3A_664 : vector<16xi32>
      %get3A_667 = arith.constant 960 : index
      %get3A_668 = tpu.vector_load %arg8[%get3A_667] {strides = array<i32>} : memref<2048xi32, #tpu.memory_space<vmem>>, vector<16xi32>,
      %gather3A_669 = tpu.vector_load_idx %arg6[%add3A_37, %get3A_668] : memref<32x1024xi32, #tpu.memory_space<vmem>>[vector<16xi32>, vector<16xi32>], vector<16xi32>,
      %add3A_670 = arith.addi %add3A_663, %add3A_663 : vector<16xi32>
      %add3A_671 = arith.addi %add3A_670, %gather3A_669 : vector<16xi32>
      %gather3A_672 = tpu.vector_load_idx %arg6[%add3A_41, %get3A_668] : memref<32x1024xi32, #tpu.memory_space<vmem>>[vector<16xi32>, vector<16xi32>], vector<16xi32>,
      %add3A_673 = arith.addi %add3A_666, %add3A_666 : vector<16xi32>
      %add3A_674 = arith.addi %add3A_673, %gather3A_672 : vector<16xi32>
      %get3A_675 = arith.constant 976 : index
      %get3A_676 = tpu.vector_load %arg8[%get3A_675] {strides = array<i32>} : memref<2048xi32, #tpu.memory_space<vmem>>, vector<16xi32>,
      %gather3A_677 = tpu.vector_load_idx %arg6[%add3A_37, %get3A_676] : memref<32x1024xi32, #tpu.memory_space<vmem>>[vector<16xi32>, vector<16xi32>], vector<16xi32>,
      %add3A_678 = arith.addi %add3A_671, %add3A_671 : vector<16xi32>
      %add3A_679 = arith.addi %add3A_678, %gather3A_677 : vector<16xi32>
      %gather3A_680 = tpu.vector_load_idx %arg6[%add3A_41, %get3A_676] : memref<32x1024xi32, #tpu.memory_space<vmem>>[vector<16xi32>, vector<16xi32>], vector<16xi32>,
      %add3A_681 = arith.addi %add3A_674, %add3A_674 : vector<16xi32>
      %add3A_682 = arith.addi %add3A_681, %gather3A_680 : vector<16xi32>
      %get3A_683 = arith.constant 992 : index
      %get3A_684 = tpu.vector_load %arg8[%get3A_683] {strides = array<i32>} : memref<2048xi32, #tpu.memory_space<vmem>>, vector<16xi32>,
      %gather3A_685 = tpu.vector_load_idx %arg6[%add3A_37, %get3A_684] : memref<32x1024xi32, #tpu.memory_space<vmem>>[vector<16xi32>, vector<16xi32>], vector<16xi32>,
      %add3A_686 = arith.addi %add3A_679, %add3A_679 : vector<16xi32>
      %add3A_687 = arith.addi %add3A_686, %gather3A_685 : vector<16xi32>
      %gather3A_688 = tpu.vector_load_idx %arg6[%add3A_41, %get3A_684] : memref<32x1024xi32, #tpu.memory_space<vmem>>[vector<16xi32>, vector<16xi32>], vector<16xi32>,
      %add3A_689 = arith.addi %add3A_682, %add3A_682 : vector<16xi32>
      %add3A_690 = arith.addi %add3A_689, %gather3A_688 : vector<16xi32>
      %get3A_691 = arith.constant 1008 : index
      %get3A_692 = tpu.vector_load %arg8[%get3A_691] {strides = array<i32>} : memref<2048xi32, #tpu.memory_space<vmem>>, vector<16xi32>,
      %gather3A_693 = tpu.vector_load_idx %arg6[%add3A_37, %get3A_692] : memref<32x1024xi32, #tpu.memory_space<vmem>>[vector<16xi32>, vector<16xi32>], vector<16xi32>,
      %add3A_694 = arith.addi %add3A_687, %add3A_687 : vector<16xi32>
      %add3A_695 = arith.addi %add3A_694, %gather3A_693 : vector<16xi32>
      %gather3A_696 = tpu.vector_load_idx %arg6[%add3A_41, %get3A_692] : memref<32x1024xi32, #tpu.memory_space<vmem>>[vector<16xi32>, vector<16xi32>], vector<16xi32>,
      %add3A_697 = arith.addi %add3A_690, %add3A_690 : vector<16xi32>
      %add3A_698 = arith.addi %add3A_697, %gather3A_696 : vector<16xi32>
      %add3A_699 = arith.constant 1792 : i32
      %add3A_700 = vector.broadcast %add3A_699 : i32 to vector<16xi32>
      %add3A_701 = arith.addi %add3A_695, %add3A_700 : vector<16xi32>
      %gather3A_702 = tpu.vector_load_idx %arg9[%add3A_701] : memref<4096xf32, #tpu.memory_space<vmem>>[vector<16xi32>], vector<16xf32>,
      %mul3A_703 = arith.constant 2.560000e+02 : f32
      %mul3A_704 = vector.broadcast %mul3A_703 : f32 to vector<16xf32>
      %mul3A_705 = arith.mulf %gather3A_702, %mul3A_704 : vector<16xf32>
      %add3A_706 = arith.addf %add3A_622, %mul3A_705 : vector<16xf32>
      %add3A_707 = arith.constant 1792 : i32
      %add3A_708 = vector.broadcast %add3A_707 : i32 to vector<16xi32>
      %add3A_709 = arith.addi %add3A_698, %add3A_708 : vector<16xi32>
      %gather3A_710 = tpu.vector_load_idx %arg9[%add3A_709] : memref<4096xf32, #tpu.memory_space<vmem>>[vector<16xi32>], vector<16xf32>,
      %mul3A_711 = arith.constant 2.560000e+02 : f32
      %mul3A_712 = vector.broadcast %mul3A_711 : f32 to vector<16xf32>
      %mul3A_713 = arith.mulf %gather3A_710, %mul3A_712 : vector<16xf32>
      %add3A_714 = arith.addf %add3A_630, %mul3A_713 : vector<16xf32>
      %broadcast_in_dim3A_715 = arith.constant 0 : i32
      %broadcast_in_dim3A_716 = vector.broadcast %broadcast_in_dim3A_715 : i32 to vector<16xi32>
      %broadcast_in_dim3A_717 = arith.constant 0 : i32
      %broadcast_in_dim3A_718 = vector.broadcast %broadcast_in_dim3A_717 : i32 to vector<16xi32>
      %get3A_719 = arith.constant 1024 : index
      %get3A_720 = tpu.vector_load %arg8[%get3A_719] {strides = array<i32>} : memref<2048xi32, #tpu.memory_space<vmem>>, vector<16xi32>,
      %gather3A_721 = tpu.vector_load_idx %arg6[%add3A_37, %get3A_720] : memref<32x1024xi32, #tpu.memory_space<vmem>>[vector<16xi32>, vector<16xi32>], vector<16xi32>,
      %add3A_722 = arith.addi %broadcast_in_dim3A_716, %broadcast_in_dim3A_716 : vector<16xi32>
      %add3A_723 = arith.addi %add3A_722, %gather3A_721 : vector<16xi32>
      %gather3A_724 = tpu.vector_load_idx %arg6[%add3A_41, %get3A_720] : memref<32x1024xi32, #tpu.memory_space<vmem>>[vector<16xi32>, vector<16xi32>], vector<16xi32>,
      %add3A_725 = arith.addi %broadcast_in_dim3A_718, %broadcast_in_dim3A_718 : vector<16xi32>
      %add3A_726 = arith.addi %add3A_725, %gather3A_724 : vector<16xi32>
      %get3A_727 = arith.constant 1040 : index
      %get3A_728 = tpu.vector_load %arg8[%get3A_727] {strides = array<i32>} : memref<2048xi32, #tpu.memory_space<vmem>>, vector<16xi32>,
      %gather3A_729 = tpu.vector_load_idx %arg6[%add3A_37, %get3A_728] : memref<32x1024xi32, #tpu.memory_space<vmem>>[vector<16xi32>, vector<16xi32>], vector<16xi32>,
      %add3A_730 = arith.addi %add3A_723, %add3A_723 : vector<16xi32>
      %add3A_731 = arith.addi %add3A_730, %gather3A_729 : vector<16xi32>
      %gather3A_732 = tpu.vector_load_idx %arg6[%add3A_41, %get3A_728] : memref<32x1024xi32, #tpu.memory_space<vmem>>[vector<16xi32>, vector<16xi32>], vector<16xi32>,
      %add3A_733 = arith.addi %add3A_726, %add3A_726 : vector<16xi32>
      %add3A_734 = arith.addi %add3A_733, %gather3A_732 : vector<16xi32>
      %get3A_735 = arith.constant 1056 : index
      %get3A_736 = tpu.vector_load %arg8[%get3A_735] {strides = array<i32>} : memref<2048xi32, #tpu.memory_space<vmem>>, vector<16xi32>,
      %gather3A_737 = tpu.vector_load_idx %arg6[%add3A_37, %get3A_736] : memref<32x1024xi32, #tpu.memory_space<vmem>>[vector<16xi32>, vector<16xi32>], vector<16xi32>,
      %add3A_738 = arith.addi %add3A_731, %add3A_731 : vector<16xi32>
      %add3A_739 = arith.addi %add3A_738, %gather3A_737 : vector<16xi32>
      %gather3A_740 = tpu.vector_load_idx %arg6[%add3A_41, %get3A_736] : memref<32x1024xi32, #tpu.memory_space<vmem>>[vector<16xi32>, vector<16xi32>], vector<16xi32>,
      %add3A_741 = arith.addi %add3A_734, %add3A_734 : vector<16xi32>
      %add3A_742 = arith.addi %add3A_741, %gather3A_740 : vector<16xi32>
      %get3A_743 = arith.constant 1072 : index
      %get3A_744 = tpu.vector_load %arg8[%get3A_743] {strides = array<i32>} : memref<2048xi32, #tpu.memory_space<vmem>>, vector<16xi32>,
      %gather3A_745 = tpu.vector_load_idx %arg6[%add3A_37, %get3A_744] : memref<32x1024xi32, #tpu.memory_space<vmem>>[vector<16xi32>, vector<16xi32>], vector<16xi32>,
      %add3A_746 = arith.addi %add3A_739, %add3A_739 : vector<16xi32>
      %add3A_747 = arith.addi %add3A_746, %gather3A_745 : vector<16xi32>
      %gather3A_748 = tpu.vector_load_idx %arg6[%add3A_41, %get3A_744] : memref<32x1024xi32, #tpu.memory_space<vmem>>[vector<16xi32>, vector<16xi32>], vector<16xi32>,
      %add3A_749 = arith.addi %add3A_742, %add3A_742 : vector<16xi32>
      %add3A_750 = arith.addi %add3A_749, %gather3A_748 : vector<16xi32>
      %get3A_751 = arith.constant 1088 : index
      %get3A_752 = tpu.vector_load %arg8[%get3A_751] {strides = array<i32>} : memref<2048xi32, #tpu.memory_space<vmem>>, vector<16xi32>,
      %gather3A_753 = tpu.vector_load_idx %arg6[%add3A_37, %get3A_752] : memref<32x1024xi32, #tpu.memory_space<vmem>>[vector<16xi32>, vector<16xi32>], vector<16xi32>,
      %add3A_754 = arith.addi %add3A_747, %add3A_747 : vector<16xi32>
      %add3A_755 = arith.addi %add3A_754, %gather3A_753 : vector<16xi32>
      %gather3A_756 = tpu.vector_load_idx %arg6[%add3A_41, %get3A_752] : memref<32x1024xi32, #tpu.memory_space<vmem>>[vector<16xi32>, vector<16xi32>], vector<16xi32>,
      %add3A_757 = arith.addi %add3A_750, %add3A_750 : vector<16xi32>
      %add3A_758 = arith.addi %add3A_757, %gather3A_756 : vector<16xi32>
      %get3A_759 = arith.constant 1104 : index
      %get3A_760 = tpu.vector_load %arg8[%get3A_759] {strides = array<i32>} : memref<2048xi32, #tpu.memory_space<vmem>>, vector<16xi32>,
      %gather3A_761 = tpu.vector_load_idx %arg6[%add3A_37, %get3A_760] : memref<32x1024xi32, #tpu.memory_space<vmem>>[vector<16xi32>, vector<16xi32>], vector<16xi32>,
      %add3A_762 = arith.addi %add3A_755, %add3A_755 : vector<16xi32>
      %add3A_763 = arith.addi %add3A_762, %gather3A_761 : vector<16xi32>
      %gather3A_764 = tpu.vector_load_idx %arg6[%add3A_41, %get3A_760] : memref<32x1024xi32, #tpu.memory_space<vmem>>[vector<16xi32>, vector<16xi32>], vector<16xi32>,
      %add3A_765 = arith.addi %add3A_758, %add3A_758 : vector<16xi32>
      %add3A_766 = arith.addi %add3A_765, %gather3A_764 : vector<16xi32>
      %get3A_767 = arith.constant 1120 : index
      %get3A_768 = tpu.vector_load %arg8[%get3A_767] {strides = array<i32>} : memref<2048xi32, #tpu.memory_space<vmem>>, vector<16xi32>,
      %gather3A_769 = tpu.vector_load_idx %arg6[%add3A_37, %get3A_768] : memref<32x1024xi32, #tpu.memory_space<vmem>>[vector<16xi32>, vector<16xi32>], vector<16xi32>,
      %add3A_770 = arith.addi %add3A_763, %add3A_763 : vector<16xi32>
      %add3A_771 = arith.addi %add3A_770, %gather3A_769 : vector<16xi32>
      %gather3A_772 = tpu.vector_load_idx %arg6[%add3A_41, %get3A_768] : memref<32x1024xi32, #tpu.memory_space<vmem>>[vector<16xi32>, vector<16xi32>], vector<16xi32>,
      %add3A_773 = arith.addi %add3A_766, %add3A_766 : vector<16xi32>
      %add3A_774 = arith.addi %add3A_773, %gather3A_772 : vector<16xi32>
      %get3A_775 = arith.constant 1136 : index
      %get3A_776 = tpu.vector_load %arg8[%get3A_775] {strides = array<i32>} : memref<2048xi32, #tpu.memory_space<vmem>>, vector<16xi32>,
      %gather3A_777 = tpu.vector_load_idx %arg6[%add3A_37, %get3A_776] : memref<32x1024xi32, #tpu.memory_space<vmem>>[vector<16xi32>, vector<16xi32>], vector<16xi32>,
      %add3A_778 = arith.addi %add3A_771, %add3A_771 : vector<16xi32>
      %add3A_779 = arith.addi %add3A_778, %gather3A_777 : vector<16xi32>
      %gather3A_780 = tpu.vector_load_idx %arg6[%add3A_41, %get3A_776] : memref<32x1024xi32, #tpu.memory_space<vmem>>[vector<16xi32>, vector<16xi32>], vector<16xi32>,
      %add3A_781 = arith.addi %add3A_774, %add3A_774 : vector<16xi32>
      %add3A_782 = arith.addi %add3A_781, %gather3A_780 : vector<16xi32>
      %add3A_783 = arith.constant 2048 : i32
      %add3A_784 = vector.broadcast %add3A_783 : i32 to vector<16xi32>
      %add3A_785 = arith.addi %add3A_779, %add3A_784 : vector<16xi32>
      %gather3A_786 = tpu.vector_load_idx %arg9[%add3A_785] : memref<4096xf32, #tpu.memory_space<vmem>>[vector<16xi32>], vector<16xf32>,
      %mul3A_787 = arith.constant 1.280000e+02 : f32
      %mul3A_788 = vector.broadcast %mul3A_787 : f32 to vector<16xf32>
      %mul3A_789 = arith.mulf %gather3A_786, %mul3A_788 : vector<16xf32>
      %add3A_790 = arith.addf %add3A_706, %mul3A_789 : vector<16xf32>
      %add3A_791 = arith.constant 2048 : i32
      %add3A_792 = vector.broadcast %add3A_791 : i32 to vector<16xi32>
      %add3A_793 = arith.addi %add3A_782, %add3A_792 : vector<16xi32>
      %gather3A_794 = tpu.vector_load_idx %arg9[%add3A_793] : memref<4096xf32, #tpu.memory_space<vmem>>[vector<16xi32>], vector<16xf32>,
      %mul3A_795 = arith.constant 1.280000e+02 : f32
      %mul3A_796 = vector.broadcast %mul3A_795 : f32 to vector<16xf32>
      %mul3A_797 = arith.mulf %gather3A_794, %mul3A_796 : vector<16xf32>
      %add3A_798 = arith.addf %add3A_714, %mul3A_797 : vector<16xf32>
      %broadcast_in_dim3A_799 = arith.constant 0 : i32
      %broadcast_in_dim3A_800 = vector.broadcast %broadcast_in_dim3A_799 : i32 to vector<16xi32>
      %broadcast_in_dim3A_801 = arith.constant 0 : i32
      %broadcast_in_dim3A_802 = vector.broadcast %broadcast_in_dim3A_801 : i32 to vector<16xi32>
      %get3A_803 = arith.constant 1152 : index
      %get3A_804 = tpu.vector_load %arg8[%get3A_803] {strides = array<i32>} : memref<2048xi32, #tpu.memory_space<vmem>>, vector<16xi32>,
      %gather3A_805 = tpu.vector_load_idx %arg6[%add3A_37, %get3A_804] : memref<32x1024xi32, #tpu.memory_space<vmem>>[vector<16xi32>, vector<16xi32>], vector<16xi32>,
      %add3A_806 = arith.addi %broadcast_in_dim3A_800, %broadcast_in_dim3A_800 : vector<16xi32>
      %add3A_807 = arith.addi %add3A_806, %gather3A_805 : vector<16xi32>
      %gather3A_808 = tpu.vector_load_idx %arg6[%add3A_41, %get3A_804] : memref<32x1024xi32, #tpu.memory_space<vmem>>[vector<16xi32>, vector<16xi32>], vector<16xi32>,
      %add3A_809 = arith.addi %broadcast_in_dim3A_802, %broadcast_in_dim3A_802 : vector<16xi32>
      %add3A_810 = arith.addi %add3A_809, %gather3A_808 : vector<16xi32>
      %get3A_811 = arith.constant 1168 : index
      %get3A_812 = tpu.vector_load %arg8[%get3A_811] {strides = array<i32>} : memref<2048xi32, #tpu.memory_space<vmem>>, vector<16xi32>,
      %gather3A_813 = tpu.vector_load_idx %arg6[%add3A_37, %get3A_812] : memref<32x1024xi32, #tpu.memory_space<vmem>>[vector<16xi32>, vector<16xi32>], vector<16xi32>,
      %add3A_814 = arith.addi %add3A_807, %add3A_807 : vector<16xi32>
      %add3A_815 = arith.addi %add3A_814, %gather3A_813 : vector<16xi32>
      %gather3A_816 = tpu.vector_load_idx %arg6[%add3A_41, %get3A_812] : memref<32x1024xi32, #tpu.memory_space<vmem>>[vector<16xi32>, vector<16xi32>], vector<16xi32>,
      %add3A_817 = arith.addi %add3A_810, %add3A_810 : vector<16xi32>
      %add3A_818 = arith.addi %add3A_817, %gather3A_816 : vector<16xi32>
      %get3A_819 = arith.constant 1184 : index
      %get3A_820 = tpu.vector_load %arg8[%get3A_819] {strides = array<i32>} : memref<2048xi32, #tpu.memory_space<vmem>>, vector<16xi32>,
      %gather3A_821 = tpu.vector_load_idx %arg6[%add3A_37, %get3A_820] : memref<32x1024xi32, #tpu.memory_space<vmem>>[vector<16xi32>, vector<16xi32>], vector<16xi32>,
      %add3A_822 = arith.addi %add3A_815, %add3A_815 : vector<16xi32>
      %add3A_823 = arith.addi %add3A_822, %gather3A_821 : vector<16xi32>
      %gather3A_824 = tpu.vector_load_idx %arg6[%add3A_41, %get3A_820] : memref<32x1024xi32, #tpu.memory_space<vmem>>[vector<16xi32>, vector<16xi32>], vector<16xi32>,
      %add3A_825 = arith.addi %add3A_818, %add3A_818 : vector<16xi32>
      %add3A_826 = arith.addi %add3A_825, %gather3A_824 : vector<16xi32>
      %get3A_827 = arith.constant 1200 : index
      %get3A_828 = tpu.vector_load %arg8[%get3A_827] {strides = array<i32>} : memref<2048xi32, #tpu.memory_space<vmem>>, vector<16xi32>,
      %gather3A_829 = tpu.vector_load_idx %arg6[%add3A_37, %get3A_828] : memref<32x1024xi32, #tpu.memory_space<vmem>>[vector<16xi32>, vector<16xi32>], vector<16xi32>,
      %add3A_830 = arith.addi %add3A_823, %add3A_823 : vector<16xi32>
      %add3A_831 = arith.addi %add3A_830, %gather3A_829 : vector<16xi32>
      %gather3A_832 = tpu.vector_load_idx %arg6[%add3A_41, %get3A_828] : memref<32x1024xi32, #tpu.memory_space<vmem>>[vector<16xi32>, vector<16xi32>], vector<16xi32>,
      %add3A_833 = arith.addi %add3A_826, %add3A_826 : vector<16xi32>
      %add3A_834 = arith.addi %add3A_833, %gather3A_832 : vector<16xi32>
      %get3A_835 = arith.constant 1216 : index
      %get3A_836 = tpu.vector_load %arg8[%get3A_835] {strides = array<i32>} : memref<2048xi32, #tpu.memory_space<vmem>>, vector<16xi32>,
      %gather3A_837 = tpu.vector_load_idx %arg6[%add3A_37, %get3A_836] : memref<32x1024xi32, #tpu.memory_space<vmem>>[vector<16xi32>, vector<16xi32>], vector<16xi32>,
      %add3A_838 = arith.addi %add3A_831, %add3A_831 : vector<16xi32>
      %add3A_839 = arith.addi %add3A_838, %gather3A_837 : vector<16xi32>
      %gather3A_840 = tpu.vector_load_idx %arg6[%add3A_41, %get3A_836] : memref<32x1024xi32, #tpu.memory_space<vmem>>[vector<16xi32>, vector<16xi32>], vector<16xi32>,
      %add3A_841 = arith.addi %add3A_834, %add3A_834 : vector<16xi32>
      %add3A_842 = arith.addi %add3A_841, %gather3A_840 : vector<16xi32>
      %get3A_843 = arith.constant 1232 : index
      %get3A_844 = tpu.vector_load %arg8[%get3A_843] {strides = array<i32>} : memref<2048xi32, #tpu.memory_space<vmem>>, vector<16xi32>,
      %gather3A_845 = tpu.vector_load_idx %arg6[%add3A_37, %get3A_844] : memref<32x1024xi32, #tpu.memory_space<vmem>>[vector<16xi32>, vector<16xi32>], vector<16xi32>,
      %add3A_846 = arith.addi %add3A_839, %add3A_839 : vector<16xi32>
      %add3A_847 = arith.addi %add3A_846, %gather3A_845 : vector<16xi32>
      %gather3A_848 = tpu.vector_load_idx %arg6[%add3A_41, %get3A_844] : memref<32x1024xi32, #tpu.memory_space<vmem>>[vector<16xi32>, vector<16xi32>], vector<16xi32>,
      %add3A_849 = arith.addi %add3A_842, %add3A_842 : vector<16xi32>
      %add3A_850 = arith.addi %add3A_849, %gather3A_848 : vector<16xi32>
      %get3A_851 = arith.constant 1248 : index
      %get3A_852 = tpu.vector_load %arg8[%get3A_851] {strides = array<i32>} : memref<2048xi32, #tpu.memory_space<vmem>>, vector<16xi32>,
      %gather3A_853 = tpu.vector_load_idx %arg6[%add3A_37, %get3A_852] : memref<32x1024xi32, #tpu.memory_space<vmem>>[vector<16xi32>, vector<16xi32>], vector<16xi32>,
      %add3A_854 = arith.addi %add3A_847, %add3A_847 : vector<16xi32>
      %add3A_855 = arith.addi %add3A_854, %gather3A_853 : vector<16xi32>
      %gather3A_856 = tpu.vector_load_idx %arg6[%add3A_41, %get3A_852] : memref<32x1024xi32, #tpu.memory_space<vmem>>[vector<16xi32>, vector<16xi32>], vector<16xi32>,
      %add3A_857 = arith.addi %add3A_850, %add3A_850 : vector<16xi32>
      %add3A_858 = arith.addi %add3A_857, %gather3A_856 : vector<16xi32>
      %get3A_859 = arith.constant 1264 : index
      %get3A_860 = tpu.vector_load %arg8[%get3A_859] {strides = array<i32>} : memref<2048xi32, #tpu.memory_space<vmem>>, vector<16xi32>,
      %gather3A_861 = tpu.vector_load_idx %arg6[%add3A_37, %get3A_860] : memref<32x1024xi32, #tpu.memory_space<vmem>>[vector<16xi32>, vector<16xi32>], vector<16xi32>,
      %add3A_862 = arith.addi %add3A_855, %add3A_855 : vector<16xi32>
      %add3A_863 = arith.addi %add3A_862, %gather3A_861 : vector<16xi32>
      %gather3A_864 = tpu.vector_load_idx %arg6[%add3A_41, %get3A_860] : memref<32x1024xi32, #tpu.memory_space<vmem>>[vector<16xi32>, vector<16xi32>], vector<16xi32>,
      %add3A_865 = arith.addi %add3A_858, %add3A_858 : vector<16xi32>
      %add3A_866 = arith.addi %add3A_865, %gather3A_864 : vector<16xi32>
      %add3A_867 = arith.constant 2304 : i32
      %add3A_868 = vector.broadcast %add3A_867 : i32 to vector<16xi32>
      %add3A_869 = arith.addi %add3A_863, %add3A_868 : vector<16xi32>
      %gather3A_870 = tpu.vector_load_idx %arg9[%add3A_869] : memref<4096xf32, #tpu.memory_space<vmem>>[vector<16xi32>], vector<16xf32>,
      %mul3A_871 = arith.constant 6.400000e+01 : f32
      %mul3A_872 = vector.broadcast %mul3A_871 : f32 to vector<16xf32>
      %mul3A_873 = arith.mulf %gather3A_870, %mul3A_872 : vector<16xf32>
      %add3A_874 = arith.addf %add3A_790, %mul3A_873 : vector<16xf32>
      %add3A_875 = arith.constant 2304 : i32
      %add3A_876 = vector.broadcast %add3A_875 : i32 to vector<16xi32>
      %add3A_877 = arith.addi %add3A_866, %add3A_876 : vector<16xi32>
      %gather3A_878 = tpu.vector_load_idx %arg9[%add3A_877] : memref<4096xf32, #tpu.memory_space<vmem>>[vector<16xi32>], vector<16xf32>,
      %mul3A_879 = arith.constant 6.400000e+01 : f32
      %mul3A_880 = vector.broadcast %mul3A_879 : f32 to vector<16xf32>
      %mul3A_881 = arith.mulf %gather3A_878, %mul3A_880 : vector<16xf32>
      %add3A_882 = arith.addf %add3A_798, %mul3A_881 : vector<16xf32>
      %broadcast_in_dim3A_883 = arith.constant 0 : i32
      %broadcast_in_dim3A_884 = vector.broadcast %broadcast_in_dim3A_883 : i32 to vector<16xi32>
      %broadcast_in_dim3A_885 = arith.constant 0 : i32
      %broadcast_in_dim3A_886 = vector.broadcast %broadcast_in_dim3A_885 : i32 to vector<16xi32>
      %get3A_887 = arith.constant 1280 : index
      %get3A_888 = tpu.vector_load %arg8[%get3A_887] {strides = array<i32>} : memref<2048xi32, #tpu.memory_space<vmem>>, vector<16xi32>,
      %gather3A_889 = tpu.vector_load_idx %arg6[%add3A_37, %get3A_888] : memref<32x1024xi32, #tpu.memory_space<vmem>>[vector<16xi32>, vector<16xi32>], vector<16xi32>,
      %add3A_890 = arith.addi %broadcast_in_dim3A_884, %broadcast_in_dim3A_884 : vector<16xi32>
      %add3A_891 = arith.addi %add3A_890, %gather3A_889 : vector<16xi32>
      %gather3A_892 = tpu.vector_load_idx %arg6[%add3A_41, %get3A_888] : memref<32x1024xi32, #tpu.memory_space<vmem>>[vector<16xi32>, vector<16xi32>], vector<16xi32>,
      %add3A_893 = arith.addi %broadcast_in_dim3A_886, %broadcast_in_dim3A_886 : vector<16xi32>
      %add3A_894 = arith.addi %add3A_893, %gather3A_892 : vector<16xi32>
      %get3A_895 = arith.constant 1296 : index
      %get3A_896 = tpu.vector_load %arg8[%get3A_895] {strides = array<i32>} : memref<2048xi32, #tpu.memory_space<vmem>>, vector<16xi32>,
      %gather3A_897 = tpu.vector_load_idx %arg6[%add3A_37, %get3A_896] : memref<32x1024xi32, #tpu.memory_space<vmem>>[vector<16xi32>, vector<16xi32>], vector<16xi32>,
      %add3A_898 = arith.addi %add3A_891, %add3A_891 : vector<16xi32>
      %add3A_899 = arith.addi %add3A_898, %gather3A_897 : vector<16xi32>
      %gather3A_900 = tpu.vector_load_idx %arg6[%add3A_41, %get3A_896] : memref<32x1024xi32, #tpu.memory_space<vmem>>[vector<16xi32>, vector<16xi32>], vector<16xi32>,
      %add3A_901 = arith.addi %add3A_894, %add3A_894 : vector<16xi32>
      %add3A_902 = arith.addi %add3A_901, %gather3A_900 : vector<16xi32>
      %get3A_903 = arith.constant 1312 : index
      %get3A_904 = tpu.vector_load %arg8[%get3A_903] {strides = array<i32>} : memref<2048xi32, #tpu.memory_space<vmem>>, vector<16xi32>,
      %gather3A_905 = tpu.vector_load_idx %arg6[%add3A_37, %get3A_904] : memref<32x1024xi32, #tpu.memory_space<vmem>>[vector<16xi32>, vector<16xi32>], vector<16xi32>,
      %add3A_906 = arith.addi %add3A_899, %add3A_899 : vector<16xi32>
      %add3A_907 = arith.addi %add3A_906, %gather3A_905 : vector<16xi32>
      %gather3A_908 = tpu.vector_load_idx %arg6[%add3A_41, %get3A_904] : memref<32x1024xi32, #tpu.memory_space<vmem>>[vector<16xi32>, vector<16xi32>], vector<16xi32>,
      %add3A_909 = arith.addi %add3A_902, %add3A_902 : vector<16xi32>
      %add3A_910 = arith.addi %add3A_909, %gather3A_908 : vector<16xi32>
      %get3A_911 = arith.constant 1328 : index
      %get3A_912 = tpu.vector_load %arg8[%get3A_911] {strides = array<i32>} : memref<2048xi32, #tpu.memory_space<vmem>>, vector<16xi32>,
      %gather3A_913 = tpu.vector_load_idx %arg6[%add3A_37, %get3A_912] : memref<32x1024xi32, #tpu.memory_space<vmem>>[vector<16xi32>, vector<16xi32>], vector<16xi32>,
      %add3A_914 = arith.addi %add3A_907, %add3A_907 : vector<16xi32>
      %add3A_915 = arith.addi %add3A_914, %gather3A_913 : vector<16xi32>
      %gather3A_916 = tpu.vector_load_idx %arg6[%add3A_41, %get3A_912] : memref<32x1024xi32, #tpu.memory_space<vmem>>[vector<16xi32>, vector<16xi32>], vector<16xi32>,
      %add3A_917 = arith.addi %add3A_910, %add3A_910 : vector<16xi32>
      %add3A_918 = arith.addi %add3A_917, %gather3A_916 : vector<16xi32>
      %get3A_919 = arith.constant 1344 : index
      %get3A_920 = tpu.vector_load %arg8[%get3A_919] {strides = array<i32>} : memref<2048xi32, #tpu.memory_space<vmem>>, vector<16xi32>,
      %gather3A_921 = tpu.vector_load_idx %arg6[%add3A_37, %get3A_920] : memref<32x1024xi32, #tpu.memory_space<vmem>>[vector<16xi32>, vector<16xi32>], vector<16xi32>,
      %add3A_922 = arith.addi %add3A_915, %add3A_915 : vector<16xi32>
      %add3A_923 = arith.addi %add3A_922, %gather3A_921 : vector<16xi32>
      %gather3A_924 = tpu.vector_load_idx %arg6[%add3A_41, %get3A_920] : memref<32x1024xi32, #tpu.memory_space<vmem>>[vector<16xi32>, vector<16xi32>], vector<16xi32>,
      %add3A_925 = arith.addi %add3A_918, %add3A_918 : vector<16xi32>
      %add3A_926 = arith.addi %add3A_925, %gather3A_924 : vector<16xi32>
      %get3A_927 = arith.constant 1360 : index
      %get3A_928 = tpu.vector_load %arg8[%get3A_927] {strides = array<i32>} : memref<2048xi32, #tpu.memory_space<vmem>>, vector<16xi32>,
      %gather3A_929 = tpu.vector_load_idx %arg6[%add3A_37, %get3A_928] : memref<32x1024xi32, #tpu.memory_space<vmem>>[vector<16xi32>, vector<16xi32>], vector<16xi32>,
      %add3A_930 = arith.addi %add3A_923, %add3A_923 : vector<16xi32>
      %add3A_931 = arith.addi %add3A_930, %gather3A_929 : vector<16xi32>
      %gather3A_932 = tpu.vector_load_idx %arg6[%add3A_41, %get3A_928] : memref<32x1024xi32, #tpu.memory_space<vmem>>[vector<16xi32>, vector<16xi32>], vector<16xi32>,
      %add3A_933 = arith.addi %add3A_926, %add3A_926 : vector<16xi32>
      %add3A_934 = arith.addi %add3A_933, %gather3A_932 : vector<16xi32>
      %get3A_935 = arith.constant 1376 : index
      %get3A_936 = tpu.vector_load %arg8[%get3A_935] {strides = array<i32>} : memref<2048xi32, #tpu.memory_space<vmem>>, vector<16xi32>,
      %gather3A_937 = tpu.vector_load_idx %arg6[%add3A_37, %get3A_936] : memref<32x1024xi32, #tpu.memory_space<vmem>>[vector<16xi32>, vector<16xi32>], vector<16xi32>,
      %add3A_938 = arith.addi %add3A_931, %add3A_931 : vector<16xi32>
      %add3A_939 = arith.addi %add3A_938, %gather3A_937 : vector<16xi32>
      %gather3A_940 = tpu.vector_load_idx %arg6[%add3A_41, %get3A_936] : memref<32x1024xi32, #tpu.memory_space<vmem>>[vector<16xi32>, vector<16xi32>], vector<16xi32>,
      %add3A_941 = arith.addi %add3A_934, %add3A_934 : vector<16xi32>
      %add3A_942 = arith.addi %add3A_941, %gather3A_940 : vector<16xi32>
      %get3A_943 = arith.constant 1392 : index
      %get3A_944 = tpu.vector_load %arg8[%get3A_943] {strides = array<i32>} : memref<2048xi32, #tpu.memory_space<vmem>>, vector<16xi32>,
      %gather3A_945 = tpu.vector_load_idx %arg6[%add3A_37, %get3A_944] : memref<32x1024xi32, #tpu.memory_space<vmem>>[vector<16xi32>, vector<16xi32>], vector<16xi32>,
      %add3A_946 = arith.addi %add3A_939, %add3A_939 : vector<16xi32>
      %add3A_947 = arith.addi %add3A_946, %gather3A_945 : vector<16xi32>
      %gather3A_948 = tpu.vector_load_idx %arg6[%add3A_41, %get3A_944] : memref<32x1024xi32, #tpu.memory_space<vmem>>[vector<16xi32>, vector<16xi32>], vector<16xi32>,
      %add3A_949 = arith.addi %add3A_942, %add3A_942 : vector<16xi32>
      %add3A_950 = arith.addi %add3A_949, %gather3A_948 : vector<16xi32>
      %add3A_951 = arith.constant 2560 : i32
      %add3A_952 = vector.broadcast %add3A_951 : i32 to vector<16xi32>
      %add3A_953 = arith.addi %add3A_947, %add3A_952 : vector<16xi32>
      %gather3A_954 = tpu.vector_load_idx %arg9[%add3A_953] : memref<4096xf32, #tpu.memory_space<vmem>>[vector<16xi32>], vector<16xf32>,
      %mul3A_955 = arith.constant 3.200000e+01 : f32
      %mul3A_956 = vector.broadcast %mul3A_955 : f32 to vector<16xf32>
      %mul3A_957 = arith.mulf %gather3A_954, %mul3A_956 : vector<16xf32>
      %add3A_958 = arith.addf %add3A_874, %mul3A_957 : vector<16xf32>
      %add3A_959 = arith.constant 2560 : i32
      %add3A_960 = vector.broadcast %add3A_959 : i32 to vector<16xi32>
      %add3A_961 = arith.addi %add3A_950, %add3A_960 : vector<16xi32>
      %gather3A_962 = tpu.vector_load_idx %arg9[%add3A_961] : memref<4096xf32, #tpu.memory_space<vmem>>[vector<16xi32>], vector<16xf32>,
      %mul3A_963 = arith.constant 3.200000e+01 : f32
      %mul3A_964 = vector.broadcast %mul3A_963 : f32 to vector<16xf32>
      %mul3A_965 = arith.mulf %gather3A_962, %mul3A_964 : vector<16xf32>
      %add3A_966 = arith.addf %add3A_882, %mul3A_965 : vector<16xf32>
      %broadcast_in_dim3A_967 = arith.constant 0 : i32
      %broadcast_in_dim3A_968 = vector.broadcast %broadcast_in_dim3A_967 : i32 to vector<16xi32>
      %broadcast_in_dim3A_969 = arith.constant 0 : i32
      %broadcast_in_dim3A_970 = vector.broadcast %broadcast_in_dim3A_969 : i32 to vector<16xi32>
      %get3A_971 = arith.constant 1408 : index
      %get3A_972 = tpu.vector_load %arg8[%get3A_971] {strides = array<i32>} : memref<2048xi32, #tpu.memory_space<vmem>>, vector<16xi32>,
      %gather3A_973 = tpu.vector_load_idx %arg6[%add3A_37, %get3A_972] : memref<32x1024xi32, #tpu.memory_space<vmem>>[vector<16xi32>, vector<16xi32>], vector<16xi32>,
      %add3A_974 = arith.addi %broadcast_in_dim3A_968, %broadcast_in_dim3A_968 : vector<16xi32>
      %add3A_975 = arith.addi %add3A_974, %gather3A_973 : vector<16xi32>
      %gather3A_976 = tpu.vector_load_idx %arg6[%add3A_41, %get3A_972] : memref<32x1024xi32, #tpu.memory_space<vmem>>[vector<16xi32>, vector<16xi32>], vector<16xi32>,
      %add3A_977 = arith.addi %broadcast_in_dim3A_970, %broadcast_in_dim3A_970 : vector<16xi32>
      %add3A_978 = arith.addi %add3A_977, %gather3A_976 : vector<16xi32>
      %get3A_979 = arith.constant 1424 : index
      %get3A_980 = tpu.vector_load %arg8[%get3A_979] {strides = array<i32>} : memref<2048xi32, #tpu.memory_space<vmem>>, vector<16xi32>,
      %gather3A_981 = tpu.vector_load_idx %arg6[%add3A_37, %get3A_980] : memref<32x1024xi32, #tpu.memory_space<vmem>>[vector<16xi32>, vector<16xi32>], vector<16xi32>,
      %add3A_982 = arith.addi %add3A_975, %add3A_975 : vector<16xi32>
      %add3A_983 = arith.addi %add3A_982, %gather3A_981 : vector<16xi32>
      %gather3A_984 = tpu.vector_load_idx %arg6[%add3A_41, %get3A_980] : memref<32x1024xi32, #tpu.memory_space<vmem>>[vector<16xi32>, vector<16xi32>], vector<16xi32>,
      %add3A_985 = arith.addi %add3A_978, %add3A_978 : vector<16xi32>
      %add3A_986 = arith.addi %add3A_985, %gather3A_984 : vector<16xi32>
      %get3A_987 = arith.constant 1440 : index
      %get3A_988 = tpu.vector_load %arg8[%get3A_987] {strides = array<i32>} : memref<2048xi32, #tpu.memory_space<vmem>>, vector<16xi32>,
      %gather3A_989 = tpu.vector_load_idx %arg6[%add3A_37, %get3A_988] : memref<32x1024xi32, #tpu.memory_space<vmem>>[vector<16xi32>, vector<16xi32>], vector<16xi32>,
      %add3A_990 = arith.addi %add3A_983, %add3A_983 : vector<16xi32>
      %add3A_991 = arith.addi %add3A_990, %gather3A_989 : vector<16xi32>
      %gather3A_992 = tpu.vector_load_idx %arg6[%add3A_41, %get3A_988] : memref<32x1024xi32, #tpu.memory_space<vmem>>[vector<16xi32>, vector<16xi32>], vector<16xi32>,
      %add3A_993 = arith.addi %add3A_986, %add3A_986 : vector<16xi32>
      %add3A_994 = arith.addi %add3A_993, %gather3A_992 : vector<16xi32>
      %get3A_995 = arith.constant 1456 : index
      %get3A_996 = tpu.vector_load %arg8[%get3A_995] {strides = array<i32>} : memref<2048xi32, #tpu.memory_space<vmem>>, vector<16xi32>,
      %gather3A_997 = tpu.vector_load_idx %arg6[%add3A_37, %get3A_996] : memref<32x1024xi32, #tpu.memory_space<vmem>>[vector<16xi32>, vector<16xi32>], vector<16xi32>,
      %add3A_998 = arith.addi %add3A_991, %add3A_991 : vector<16xi32>
      %add3A_999 = arith.addi %add3A_998, %gather3A_997 : vector<16xi32>
      %gather3A_1000 = tpu.vector_load_idx %arg6[%add3A_41, %get3A_996] : memref<32x1024xi32, #tpu.memory_space<vmem>>[vector<16xi32>, vector<16xi32>], vector<16xi32>,
      %add3A_1001 = arith.addi %add3A_994, %add3A_994 : vector<16xi32>
      %add3A_1002 = arith.addi %add3A_1001, %gather3A_1000 : vector<16xi32>
      %get3A_1003 = arith.constant 1472 : index
      %get3A_1004 = tpu.vector_load %arg8[%get3A_1003] {strides = array<i32>} : memref<2048xi32, #tpu.memory_space<vmem>>, vector<16xi32>,
      %gather3A_1005 = tpu.vector_load_idx %arg6[%add3A_37, %get3A_1004] : memref<32x1024xi32, #tpu.memory_space<vmem>>[vector<16xi32>, vector<16xi32>], vector<16xi32>,
      %add3A_1006 = arith.addi %add3A_999, %add3A_999 : vector<16xi32>
      %add3A_1007 = arith.addi %add3A_1006, %gather3A_1005 : vector<16xi32>
      %gather3A_1008 = tpu.vector_load_idx %arg6[%add3A_41, %get3A_1004] : memref<32x1024xi32, #tpu.memory_space<vmem>>[vector<16xi32>, vector<16xi32>], vector<16xi32>,
      %add3A_1009 = arith.addi %add3A_1002, %add3A_1002 : vector<16xi32>
      %add3A_1010 = arith.addi %add3A_1009, %gather3A_1008 : vector<16xi32>
      %get3A_1011 = arith.constant 1488 : index
      %get3A_1012 = tpu.vector_load %arg8[%get3A_1011] {strides = array<i32>} : memref<2048xi32, #tpu.memory_space<vmem>>, vector<16xi32>,
      %gather3A_1013 = tpu.vector_load_idx %arg6[%add3A_37, %get3A_1012] : memref<32x1024xi32, #tpu.memory_space<vmem>>[vector<16xi32>, vector<16xi32>], vector<16xi32>,
      %add3A_1014 = arith.addi %add3A_1007, %add3A_1007 : vector<16xi32>
      %add3A_1015 = arith.addi %add3A_1014, %gather3A_1013 : vector<16xi32>
      %gather3A_1016 = tpu.vector_load_idx %arg6[%add3A_41, %get3A_1012] : memref<32x1024xi32, #tpu.memory_space<vmem>>[vector<16xi32>, vector<16xi32>], vector<16xi32>,
      %add3A_1017 = arith.addi %add3A_1010, %add3A_1010 : vector<16xi32>
      %add3A_1018 = arith.addi %add3A_1017, %gather3A_1016 : vector<16xi32>
      %get3A_1019 = arith.constant 1504 : index
      %get3A_1020 = tpu.vector_load %arg8[%get3A_1019] {strides = array<i32>} : memref<2048xi32, #tpu.memory_space<vmem>>, vector<16xi32>,
      %gather3A_1021 = tpu.vector_load_idx %arg6[%add3A_37, %get3A_1020] : memref<32x1024xi32, #tpu.memory_space<vmem>>[vector<16xi32>, vector<16xi32>], vector<16xi32>,
      %add3A_1022 = arith.addi %add3A_1015, %add3A_1015 : vector<16xi32>
      %add3A_1023 = arith.addi %add3A_1022, %gather3A_1021 : vector<16xi32>
      %gather3A_1024 = tpu.vector_load_idx %arg6[%add3A_41, %get3A_1020] : memref<32x1024xi32, #tpu.memory_space<vmem>>[vector<16xi32>, vector<16xi32>], vector<16xi32>,
      %add3A_1025 = arith.addi %add3A_1018, %add3A_1018 : vector<16xi32>
      %add3A_1026 = arith.addi %add3A_1025, %gather3A_1024 : vector<16xi32>
      %get3A_1027 = arith.constant 1520 : index
      %get3A_1028 = tpu.vector_load %arg8[%get3A_1027] {strides = array<i32>} : memref<2048xi32, #tpu.memory_space<vmem>>, vector<16xi32>,
      %gather3A_1029 = tpu.vector_load_idx %arg6[%add3A_37, %get3A_1028] : memref<32x1024xi32, #tpu.memory_space<vmem>>[vector<16xi32>, vector<16xi32>], vector<16xi32>,
      %add3A_1030 = arith.addi %add3A_1023, %add3A_1023 : vector<16xi32>
      %add3A_1031 = arith.addi %add3A_1030, %gather3A_1029 : vector<16xi32>
      %gather3A_1032 = tpu.vector_load_idx %arg6[%add3A_41, %get3A_1028] : memref<32x1024xi32, #tpu.memory_space<vmem>>[vector<16xi32>, vector<16xi32>], vector<16xi32>,
      %add3A_1033 = arith.addi %add3A_1026, %add3A_1026 : vector<16xi32>
      %add3A_1034 = arith.addi %add3A_1033, %gather3A_1032 : vector<16xi32>
      %add3A_1035 = arith.constant 2816 : i32
      %add3A_1036 = vector.broadcast %add3A_1035 : i32 to vector<16xi32>
      %add3A_1037 = arith.addi %add3A_1031, %add3A_1036 : vector<16xi32>
      %gather3A_1038 = tpu.vector_load_idx %arg9[%add3A_1037] : memref<4096xf32, #tpu.memory_space<vmem>>[vector<16xi32>], vector<16xf32>,
      %mul3A_1039 = arith.constant 1.600000e+01 : f32
      %mul3A_1040 = vector.broadcast %mul3A_1039 : f32 to vector<16xf32>
      %mul3A_1041 = arith.mulf %gather3A_1038, %mul3A_1040 : vector<16xf32>
      %add3A_1042 = arith.addf %add3A_958, %mul3A_1041 : vector<16xf32>
      %add3A_1043 = arith.constant 2816 : i32
      %add3A_1044 = vector.broadcast %add3A_1043 : i32 to vector<16xi32>
      %add3A_1045 = arith.addi %add3A_1034, %add3A_1044 : vector<16xi32>
      %gather3A_1046 = tpu.vector_load_idx %arg9[%add3A_1045] : memref<4096xf32, #tpu.memory_space<vmem>>[vector<16xi32>], vector<16xf32>,
      %mul3A_1047 = arith.constant 1.600000e+01 : f32
      %mul3A_1048 = vector.broadcast %mul3A_1047 : f32 to vector<16xf32>
      %mul3A_1049 = arith.mulf %gather3A_1046, %mul3A_1048 : vector<16xf32>
      %add3A_1050 = arith.addf %add3A_966, %mul3A_1049 : vector<16xf32>
      %broadcast_in_dim3A_1051 = arith.constant 0 : i32
      %broadcast_in_dim3A_1052 = vector.broadcast %broadcast_in_dim3A_1051 : i32 to vector<16xi32>
      %broadcast_in_dim3A_1053 = arith.constant 0 : i32
      %broadcast_in_dim3A_1054 = vector.broadcast %broadcast_in_dim3A_1053 : i32 to vector<16xi32>
      %get3A_1055 = arith.constant 1536 : index
      %get3A_1056 = tpu.vector_load %arg8[%get3A_1055] {strides = array<i32>} : memref<2048xi32, #tpu.memory_space<vmem>>, vector<16xi32>,
      %gather3A_1057 = tpu.vector_load_idx %arg6[%add3A_37, %get3A_1056] : memref<32x1024xi32, #tpu.memory_space<vmem>>[vector<16xi32>, vector<16xi32>], vector<16xi32>,
      %add3A_1058 = arith.addi %broadcast_in_dim3A_1052, %broadcast_in_dim3A_1052 : vector<16xi32>
      %add3A_1059 = arith.addi %add3A_1058, %gather3A_1057 : vector<16xi32>
      %gather3A_1060 = tpu.vector_load_idx %arg6[%add3A_41, %get3A_1056] : memref<32x1024xi32, #tpu.memory_space<vmem>>[vector<16xi32>, vector<16xi32>], vector<16xi32>,
      %add3A_1061 = arith.addi %broadcast_in_dim3A_1054, %broadcast_in_dim3A_1054 : vector<16xi32>
      %add3A_1062 = arith.addi %add3A_1061, %gather3A_1060 : vector<16xi32>
      %get3A_1063 = arith.constant 1552 : index
      %get3A_1064 = tpu.vector_load %arg8[%get3A_1063] {strides = array<i32>} : memref<2048xi32, #tpu.memory_space<vmem>>, vector<16xi32>,
      %gather3A_1065 = tpu.vector_load_idx %arg6[%add3A_37, %get3A_1064] : memref<32x1024xi32, #tpu.memory_space<vmem>>[vector<16xi32>, vector<16xi32>], vector<16xi32>,
      %add3A_1066 = arith.addi %add3A_1059, %add3A_1059 : vector<16xi32>
      %add3A_1067 = arith.addi %add3A_1066, %gather3A_1065 : vector<16xi32>
      %gather3A_1068 = tpu.vector_load_idx %arg6[%add3A_41, %get3A_1064] : memref<32x1024xi32, #tpu.memory_space<vmem>>[vector<16xi32>, vector<16xi32>], vector<16xi32>,
      %add3A_1069 = arith.addi %add3A_1062, %add3A_1062 : vector<16xi32>
      %add3A_1070 = arith.addi %add3A_1069, %gather3A_1068 : vector<16xi32>
      %get3A_1071 = arith.constant 1568 : index
      %get3A_1072 = tpu.vector_load %arg8[%get3A_1071] {strides = array<i32>} : memref<2048xi32, #tpu.memory_space<vmem>>, vector<16xi32>,
      %gather3A_1073 = tpu.vector_load_idx %arg6[%add3A_37, %get3A_1072] : memref<32x1024xi32, #tpu.memory_space<vmem>>[vector<16xi32>, vector<16xi32>], vector<16xi32>,
      %add3A_1074 = arith.addi %add3A_1067, %add3A_1067 : vector<16xi32>
      %add3A_1075 = arith.addi %add3A_1074, %gather3A_1073 : vector<16xi32>
      %gather3A_1076 = tpu.vector_load_idx %arg6[%add3A_41, %get3A_1072] : memref<32x1024xi32, #tpu.memory_space<vmem>>[vector<16xi32>, vector<16xi32>], vector<16xi32>,
      %add3A_1077 = arith.addi %add3A_1070, %add3A_1070 : vector<16xi32>
      %add3A_1078 = arith.addi %add3A_1077, %gather3A_1076 : vector<16xi32>
      %get3A_1079 = arith.constant 1584 : index
      %get3A_1080 = tpu.vector_load %arg8[%get3A_1079] {strides = array<i32>} : memref<2048xi32, #tpu.memory_space<vmem>>, vector<16xi32>,
      %gather3A_1081 = tpu.vector_load_idx %arg6[%add3A_37, %get3A_1080] : memref<32x1024xi32, #tpu.memory_space<vmem>>[vector<16xi32>, vector<16xi32>], vector<16xi32>,
      %add3A_1082 = arith.addi %add3A_1075, %add3A_1075 : vector<16xi32>
      %add3A_1083 = arith.addi %add3A_1082, %gather3A_1081 : vector<16xi32>
      %gather3A_1084 = tpu.vector_load_idx %arg6[%add3A_41, %get3A_1080] : memref<32x1024xi32, #tpu.memory_space<vmem>>[vector<16xi32>, vector<16xi32>], vector<16xi32>,
      %add3A_1085 = arith.addi %add3A_1078, %add3A_1078 : vector<16xi32>
      %add3A_1086 = arith.addi %add3A_1085, %gather3A_1084 : vector<16xi32>
      %get3A_1087 = arith.constant 1600 : index
      %get3A_1088 = tpu.vector_load %arg8[%get3A_1087] {strides = array<i32>} : memref<2048xi32, #tpu.memory_space<vmem>>, vector<16xi32>,
      %gather3A_1089 = tpu.vector_load_idx %arg6[%add3A_37, %get3A_1088] : memref<32x1024xi32, #tpu.memory_space<vmem>>[vector<16xi32>, vector<16xi32>], vector<16xi32>,
      %add3A_1090 = arith.addi %add3A_1083, %add3A_1083 : vector<16xi32>
      %add3A_1091 = arith.addi %add3A_1090, %gather3A_1089 : vector<16xi32>
      %gather3A_1092 = tpu.vector_load_idx %arg6[%add3A_41, %get3A_1088] : memref<32x1024xi32, #tpu.memory_space<vmem>>[vector<16xi32>, vector<16xi32>], vector<16xi32>,
      %add3A_1093 = arith.addi %add3A_1086, %add3A_1086 : vector<16xi32>
      %add3A_1094 = arith.addi %add3A_1093, %gather3A_1092 : vector<16xi32>
      %get3A_1095 = arith.constant 1616 : index
      %get3A_1096 = tpu.vector_load %arg8[%get3A_1095] {strides = array<i32>} : memref<2048xi32, #tpu.memory_space<vmem>>, vector<16xi32>,
      %gather3A_1097 = tpu.vector_load_idx %arg6[%add3A_37, %get3A_1096] : memref<32x1024xi32, #tpu.memory_space<vmem>>[vector<16xi32>, vector<16xi32>], vector<16xi32>,
      %add3A_1098 = arith.addi %add3A_1091, %add3A_1091 : vector<16xi32>
      %add3A_1099 = arith.addi %add3A_1098, %gather3A_1097 : vector<16xi32>
      %gather3A_1100 = tpu.vector_load_idx %arg6[%add3A_41, %get3A_1096] : memref<32x1024xi32, #tpu.memory_space<vmem>>[vector<16xi32>, vector<16xi32>], vector<16xi32>,
      %add3A_1101 = arith.addi %add3A_1094, %add3A_1094 : vector<16xi32>
      %add3A_1102 = arith.addi %add3A_1101, %gather3A_1100 : vector<16xi32>
      %get3A_1103 = arith.constant 1632 : index
      %get3A_1104 = tpu.vector_load %arg8[%get3A_1103] {strides = array<i32>} : memref<2048xi32, #tpu.memory_space<vmem>>, vector<16xi32>,
      %gather3A_1105 = tpu.vector_load_idx %arg6[%add3A_37, %get3A_1104] : memref<32x1024xi32, #tpu.memory_space<vmem>>[vector<16xi32>, vector<16xi32>], vector<16xi32>,
      %add3A_1106 = arith.addi %add3A_1099, %add3A_1099 : vector<16xi32>
      %add3A_1107 = arith.addi %add3A_1106, %gather3A_1105 : vector<16xi32>
      %gather3A_1108 = tpu.vector_load_idx %arg6[%add3A_41, %get3A_1104] : memref<32x1024xi32, #tpu.memory_space<vmem>>[vector<16xi32>, vector<16xi32>], vector<16xi32>,
      %add3A_1109 = arith.addi %add3A_1102, %add3A_1102 : vector<16xi32>
      %add3A_1110 = arith.addi %add3A_1109, %gather3A_1108 : vector<16xi32>
      %get3A_1111 = arith.constant 1648 : index
      %get3A_1112 = tpu.vector_load %arg8[%get3A_1111] {strides = array<i32>} : memref<2048xi32, #tpu.memory_space<vmem>>, vector<16xi32>,
      %gather3A_1113 = tpu.vector_load_idx %arg6[%add3A_37, %get3A_1112] : memref<32x1024xi32, #tpu.memory_space<vmem>>[vector<16xi32>, vector<16xi32>], vector<16xi32>,
      %add3A_1114 = arith.addi %add3A_1107, %add3A_1107 : vector<16xi32>
      %add3A_1115 = arith.addi %add3A_1114, %gather3A_1113 : vector<16xi32>
      %gather3A_1116 = tpu.vector_load_idx %arg6[%add3A_41, %get3A_1112] : memref<32x1024xi32, #tpu.memory_space<vmem>>[vector<16xi32>, vector<16xi32>], vector<16xi32>,
      %add3A_1117 = arith.addi %add3A_1110, %add3A_1110 : vector<16xi32>
      %add3A_1118 = arith.addi %add3A_1117, %gather3A_1116 : vector<16xi32>
      %add3A_1119 = arith.constant 3072 : i32
      %add3A_1120 = vector.broadcast %add3A_1119 : i32 to vector<16xi32>
      %add3A_1121 = arith.addi %add3A_1115, %add3A_1120 : vector<16xi32>
      %gather3A_1122 = tpu.vector_load_idx %arg9[%add3A_1121] : memref<4096xf32, #tpu.memory_space<vmem>>[vector<16xi32>], vector<16xf32>,
      %mul3A_1123 = arith.constant 8.000000e+00 : f32
      %mul3A_1124 = vector.broadcast %mul3A_1123 : f32 to vector<16xf32>
      %mul3A_1125 = arith.mulf %gather3A_1122, %mul3A_1124 : vector<16xf32>
      %add3A_1126 = arith.addf %add3A_1042, %mul3A_1125 : vector<16xf32>
      %add3A_1127 = arith.constant 3072 : i32
      %add3A_1128 = vector.broadcast %add3A_1127 : i32 to vector<16xi32>
      %add3A_1129 = arith.addi %add3A_1118, %add3A_1128 : vector<16xi32>
      %gather3A_1130 = tpu.vector_load_idx %arg9[%add3A_1129] : memref<4096xf32, #tpu.memory_space<vmem>>[vector<16xi32>], vector<16xf32>,
      %mul3A_1131 = arith.constant 8.000000e+00 : f32
      %mul3A_1132 = vector.broadcast %mul3A_1131 : f32 to vector<16xf32>
      %mul3A_1133 = arith.mulf %gather3A_1130, %mul3A_1132 : vector<16xf32>
      %add3A_1134 = arith.addf %add3A_1050, %mul3A_1133 : vector<16xf32>
      %broadcast_in_dim3A_1135 = arith.constant 0 : i32
      %broadcast_in_dim3A_1136 = vector.broadcast %broadcast_in_dim3A_1135 : i32 to vector<16xi32>
      %broadcast_in_dim3A_1137 = arith.constant 0 : i32
      %broadcast_in_dim3A_1138 = vector.broadcast %broadcast_in_dim3A_1137 : i32 to vector<16xi32>
      %get3A_1139 = arith.constant 1664 : index
      %get3A_1140 = tpu.vector_load %arg8[%get3A_1139] {strides = array<i32>} : memref<2048xi32, #tpu.memory_space<vmem>>, vector<16xi32>,
      %gather3A_1141 = tpu.vector_load_idx %arg6[%add3A_37, %get3A_1140] : memref<32x1024xi32, #tpu.memory_space<vmem>>[vector<16xi32>, vector<16xi32>], vector<16xi32>,
      %add3A_1142 = arith.addi %broadcast_in_dim3A_1136, %broadcast_in_dim3A_1136 : vector<16xi32>
      %add3A_1143 = arith.addi %add3A_1142, %gather3A_1141 : vector<16xi32>
      %gather3A_1144 = tpu.vector_load_idx %arg6[%add3A_41, %get3A_1140] : memref<32x1024xi32, #tpu.memory_space<vmem>>[vector<16xi32>, vector<16xi32>], vector<16xi32>,
      %add3A_1145 = arith.addi %broadcast_in_dim3A_1138, %broadcast_in_dim3A_1138 : vector<16xi32>
      %add3A_1146 = arith.addi %add3A_1145, %gather3A_1144 : vector<16xi32>
      %get3A_1147 = arith.constant 1680 : index
      %get3A_1148 = tpu.vector_load %arg8[%get3A_1147] {strides = array<i32>} : memref<2048xi32, #tpu.memory_space<vmem>>, vector<16xi32>,
      %gather3A_1149 = tpu.vector_load_idx %arg6[%add3A_37, %get3A_1148] : memref<32x1024xi32, #tpu.memory_space<vmem>>[vector<16xi32>, vector<16xi32>], vector<16xi32>,
      %add3A_1150 = arith.addi %add3A_1143, %add3A_1143 : vector<16xi32>
      %add3A_1151 = arith.addi %add3A_1150, %gather3A_1149 : vector<16xi32>
      %gather3A_1152 = tpu.vector_load_idx %arg6[%add3A_41, %get3A_1148] : memref<32x1024xi32, #tpu.memory_space<vmem>>[vector<16xi32>, vector<16xi32>], vector<16xi32>,
      %add3A_1153 = arith.addi %add3A_1146, %add3A_1146 : vector<16xi32>
      %add3A_1154 = arith.addi %add3A_1153, %gather3A_1152 : vector<16xi32>
      %get3A_1155 = arith.constant 1696 : index
      %get3A_1156 = tpu.vector_load %arg8[%get3A_1155] {strides = array<i32>} : memref<2048xi32, #tpu.memory_space<vmem>>, vector<16xi32>,
      %gather3A_1157 = tpu.vector_load_idx %arg6[%add3A_37, %get3A_1156] : memref<32x1024xi32, #tpu.memory_space<vmem>>[vector<16xi32>, vector<16xi32>], vector<16xi32>,
      %add3A_1158 = arith.addi %add3A_1151, %add3A_1151 : vector<16xi32>
      %add3A_1159 = arith.addi %add3A_1158, %gather3A_1157 : vector<16xi32>
      %gather3A_1160 = tpu.vector_load_idx %arg6[%add3A_41, %get3A_1156] : memref<32x1024xi32, #tpu.memory_space<vmem>>[vector<16xi32>, vector<16xi32>], vector<16xi32>,
      %add3A_1161 = arith.addi %add3A_1154, %add3A_1154 : vector<16xi32>
      %add3A_1162 = arith.addi %add3A_1161, %gather3A_1160 : vector<16xi32>
      %get3A_1163 = arith.constant 1712 : index
      %get3A_1164 = tpu.vector_load %arg8[%get3A_1163] {strides = array<i32>} : memref<2048xi32, #tpu.memory_space<vmem>>, vector<16xi32>,
      %gather3A_1165 = tpu.vector_load_idx %arg6[%add3A_37, %get3A_1164] : memref<32x1024xi32, #tpu.memory_space<vmem>>[vector<16xi32>, vector<16xi32>], vector<16xi32>,
      %add3A_1166 = arith.addi %add3A_1159, %add3A_1159 : vector<16xi32>
      %add3A_1167 = arith.addi %add3A_1166, %gather3A_1165 : vector<16xi32>
      %gather3A_1168 = tpu.vector_load_idx %arg6[%add3A_41, %get3A_1164] : memref<32x1024xi32, #tpu.memory_space<vmem>>[vector<16xi32>, vector<16xi32>], vector<16xi32>,
      %add3A_1169 = arith.addi %add3A_1162, %add3A_1162 : vector<16xi32>
      %add3A_1170 = arith.addi %add3A_1169, %gather3A_1168 : vector<16xi32>
      %get3A_1171 = arith.constant 1728 : index
      %get3A_1172 = tpu.vector_load %arg8[%get3A_1171] {strides = array<i32>} : memref<2048xi32, #tpu.memory_space<vmem>>, vector<16xi32>,
      %gather3A_1173 = tpu.vector_load_idx %arg6[%add3A_37, %get3A_1172] : memref<32x1024xi32, #tpu.memory_space<vmem>>[vector<16xi32>, vector<16xi32>], vector<16xi32>,
      %add3A_1174 = arith.addi %add3A_1167, %add3A_1167 : vector<16xi32>
      %add3A_1175 = arith.addi %add3A_1174, %gather3A_1173 : vector<16xi32>
      %gather3A_1176 = tpu.vector_load_idx %arg6[%add3A_41, %get3A_1172] : memref<32x1024xi32, #tpu.memory_space<vmem>>[vector<16xi32>, vector<16xi32>], vector<16xi32>,
      %add3A_1177 = arith.addi %add3A_1170, %add3A_1170 : vector<16xi32>
      %add3A_1178 = arith.addi %add3A_1177, %gather3A_1176 : vector<16xi32>
      %get3A_1179 = arith.constant 1744 : index
      %get3A_1180 = tpu.vector_load %arg8[%get3A_1179] {strides = array<i32>} : memref<2048xi32, #tpu.memory_space<vmem>>, vector<16xi32>,
      %gather3A_1181 = tpu.vector_load_idx %arg6[%add3A_37, %get3A_1180] : memref<32x1024xi32, #tpu.memory_space<vmem>>[vector<16xi32>, vector<16xi32>], vector<16xi32>,
      %add3A_1182 = arith.addi %add3A_1175, %add3A_1175 : vector<16xi32>
      %add3A_1183 = arith.addi %add3A_1182, %gather3A_1181 : vector<16xi32>
      %gather3A_1184 = tpu.vector_load_idx %arg6[%add3A_41, %get3A_1180] : memref<32x1024xi32, #tpu.memory_space<vmem>>[vector<16xi32>, vector<16xi32>], vector<16xi32>,
      %add3A_1185 = arith.addi %add3A_1178, %add3A_1178 : vector<16xi32>
      %add3A_1186 = arith.addi %add3A_1185, %gather3A_1184 : vector<16xi32>
      %get3A_1187 = arith.constant 1760 : index
      %get3A_1188 = tpu.vector_load %arg8[%get3A_1187] {strides = array<i32>} : memref<2048xi32, #tpu.memory_space<vmem>>, vector<16xi32>,
      %gather3A_1189 = tpu.vector_load_idx %arg6[%add3A_37, %get3A_1188] : memref<32x1024xi32, #tpu.memory_space<vmem>>[vector<16xi32>, vector<16xi32>], vector<16xi32>,
      %add3A_1190 = arith.addi %add3A_1183, %add3A_1183 : vector<16xi32>
      %add3A_1191 = arith.addi %add3A_1190, %gather3A_1189 : vector<16xi32>
      %gather3A_1192 = tpu.vector_load_idx %arg6[%add3A_41, %get3A_1188] : memref<32x1024xi32, #tpu.memory_space<vmem>>[vector<16xi32>, vector<16xi32>], vector<16xi32>,
      %add3A_1193 = arith.addi %add3A_1186, %add3A_1186 : vector<16xi32>
      %add3A_1194 = arith.addi %add3A_1193, %gather3A_1192 : vector<16xi32>
      %get3A_1195 = arith.constant 1776 : index
      %get3A_1196 = tpu.vector_load %arg8[%get3A_1195] {strides = array<i32>} : memref<2048xi32, #tpu.memory_space<vmem>>, vector<16xi32>,
      %gather3A_1197 = tpu.vector_load_idx %arg6[%add3A_37, %get3A_1196] : memref<32x1024xi32, #tpu.memory_space<vmem>>[vector<16xi32>, vector<16xi32>], vector<16xi32>,
      %add3A_1198 = arith.addi %add3A_1191, %add3A_1191 : vector<16xi32>
      %add3A_1199 = arith.addi %add3A_1198, %gather3A_1197 : vector<16xi32>
      %gather3A_1200 = tpu.vector_load_idx %arg6[%add3A_41, %get3A_1196] : memref<32x1024xi32, #tpu.memory_space<vmem>>[vector<16xi32>, vector<16xi32>], vector<16xi32>,
      %add3A_1201 = arith.addi %add3A_1194, %add3A_1194 : vector<16xi32>
      %add3A_1202 = arith.addi %add3A_1201, %gather3A_1200 : vector<16xi32>
      %add3A_1203 = arith.constant 3328 : i32
      %add3A_1204 = vector.broadcast %add3A_1203 : i32 to vector<16xi32>
      %add3A_1205 = arith.addi %add3A_1199, %add3A_1204 : vector<16xi32>
      %gather3A_1206 = tpu.vector_load_idx %arg9[%add3A_1205] : memref<4096xf32, #tpu.memory_space<vmem>>[vector<16xi32>], vector<16xf32>,
      %mul3A_1207 = arith.constant 4.000000e+00 : f32
      %mul3A_1208 = vector.broadcast %mul3A_1207 : f32 to vector<16xf32>
      %mul3A_1209 = arith.mulf %gather3A_1206, %mul3A_1208 : vector<16xf32>
      %add3A_1210 = arith.addf %add3A_1126, %mul3A_1209 : vector<16xf32>
      %add3A_1211 = arith.constant 3328 : i32
      %add3A_1212 = vector.broadcast %add3A_1211 : i32 to vector<16xi32>
      %add3A_1213 = arith.addi %add3A_1202, %add3A_1212 : vector<16xi32>
      %gather3A_1214 = tpu.vector_load_idx %arg9[%add3A_1213] : memref<4096xf32, #tpu.memory_space<vmem>>[vector<16xi32>], vector<16xf32>,
      %mul3A_1215 = arith.constant 4.000000e+00 : f32
      %mul3A_1216 = vector.broadcast %mul3A_1215 : f32 to vector<16xf32>
      %mul3A_1217 = arith.mulf %gather3A_1214, %mul3A_1216 : vector<16xf32>
      %add3A_1218 = arith.addf %add3A_1134, %mul3A_1217 : vector<16xf32>
      %broadcast_in_dim3A_1219 = arith.constant 0 : i32
      %broadcast_in_dim3A_1220 = vector.broadcast %broadcast_in_dim3A_1219 : i32 to vector<16xi32>
      %broadcast_in_dim3A_1221 = arith.constant 0 : i32
      %broadcast_in_dim3A_1222 = vector.broadcast %broadcast_in_dim3A_1221 : i32 to vector<16xi32>
      %get3A_1223 = arith.constant 1792 : index
      %get3A_1224 = tpu.vector_load %arg8[%get3A_1223] {strides = array<i32>} : memref<2048xi32, #tpu.memory_space<vmem>>, vector<16xi32>,
      %gather3A_1225 = tpu.vector_load_idx %arg6[%add3A_37, %get3A_1224] : memref<32x1024xi32, #tpu.memory_space<vmem>>[vector<16xi32>, vector<16xi32>], vector<16xi32>,
      %add3A_1226 = arith.addi %broadcast_in_dim3A_1220, %broadcast_in_dim3A_1220 : vector<16xi32>
      %add3A_1227 = arith.addi %add3A_1226, %gather3A_1225 : vector<16xi32>
      %gather3A_1228 = tpu.vector_load_idx %arg6[%add3A_41, %get3A_1224] : memref<32x1024xi32, #tpu.memory_space<vmem>>[vector<16xi32>, vector<16xi32>], vector<16xi32>,
      %add3A_1229 = arith.addi %broadcast_in_dim3A_1222, %broadcast_in_dim3A_1222 : vector<16xi32>
      %add3A_1230 = arith.addi %add3A_1229, %gather3A_1228 : vector<16xi32>
      %get3A_1231 = arith.constant 1808 : index
      %get3A_1232 = tpu.vector_load %arg8[%get3A_1231] {strides = array<i32>} : memref<2048xi32, #tpu.memory_space<vmem>>, vector<16xi32>,
      %gather3A_1233 = tpu.vector_load_idx %arg6[%add3A_37, %get3A_1232] : memref<32x1024xi32, #tpu.memory_space<vmem>>[vector<16xi32>, vector<16xi32>], vector<16xi32>,
      %add3A_1234 = arith.addi %add3A_1227, %add3A_1227 : vector<16xi32>
      %add3A_1235 = arith.addi %add3A_1234, %gather3A_1233 : vector<16xi32>
      %gather3A_1236 = tpu.vector_load_idx %arg6[%add3A_41, %get3A_1232] : memref<32x1024xi32, #tpu.memory_space<vmem>>[vector<16xi32>, vector<16xi32>], vector<16xi32>,
      %add3A_1237 = arith.addi %add3A_1230, %add3A_1230 : vector<16xi32>
      %add3A_1238 = arith.addi %add3A_1237, %gather3A_1236 : vector<16xi32>
      %get3A_1239 = arith.constant 1824 : index
      %get3A_1240 = tpu.vector_load %arg8[%get3A_1239] {strides = array<i32>} : memref<2048xi32, #tpu.memory_space<vmem>>, vector<16xi32>,
      %gather3A_1241 = tpu.vector_load_idx %arg6[%add3A_37, %get3A_1240] : memref<32x1024xi32, #tpu.memory_space<vmem>>[vector<16xi32>, vector<16xi32>], vector<16xi32>,
      %add3A_1242 = arith.addi %add3A_1235, %add3A_1235 : vector<16xi32>
      %add3A_1243 = arith.addi %add3A_1242, %gather3A_1241 : vector<16xi32>
      %gather3A_1244 = tpu.vector_load_idx %arg6[%add3A_41, %get3A_1240] : memref<32x1024xi32, #tpu.memory_space<vmem>>[vector<16xi32>, vector<16xi32>], vector<16xi32>,
      %add3A_1245 = arith.addi %add3A_1238, %add3A_1238 : vector<16xi32>
      %add3A_1246 = arith.addi %add3A_1245, %gather3A_1244 : vector<16xi32>
      %get3A_1247 = arith.constant 1840 : index
      %get3A_1248 = tpu.vector_load %arg8[%get3A_1247] {strides = array<i32>} : memref<2048xi32, #tpu.memory_space<vmem>>, vector<16xi32>,
      %gather3A_1249 = tpu.vector_load_idx %arg6[%add3A_37, %get3A_1248] : memref<32x1024xi32, #tpu.memory_space<vmem>>[vector<16xi32>, vector<16xi32>], vector<16xi32>,
      %add3A_1250 = arith.addi %add3A_1243, %add3A_1243 : vector<16xi32>
      %add3A_1251 = arith.addi %add3A_1250, %gather3A_1249 : vector<16xi32>
      %gather3A_1252 = tpu.vector_load_idx %arg6[%add3A_41, %get3A_1248] : memref<32x1024xi32, #tpu.memory_space<vmem>>[vector<16xi32>, vector<16xi32>], vector<16xi32>,
      %add3A_1253 = arith.addi %add3A_1246, %add3A_1246 : vector<16xi32>
      %add3A_1254 = arith.addi %add3A_1253, %gather3A_1252 : vector<16xi32>
      %get3A_1255 = arith.constant 1856 : index
      %get3A_1256 = tpu.vector_load %arg8[%get3A_1255] {strides = array<i32>} : memref<2048xi32, #tpu.memory_space<vmem>>, vector<16xi32>,
      %gather3A_1257 = tpu.vector_load_idx %arg6[%add3A_37, %get3A_1256] : memref<32x1024xi32, #tpu.memory_space<vmem>>[vector<16xi32>, vector<16xi32>], vector<16xi32>,
      %add3A_1258 = arith.addi %add3A_1251, %add3A_1251 : vector<16xi32>
      %add3A_1259 = arith.addi %add3A_1258, %gather3A_1257 : vector<16xi32>
      %gather3A_1260 = tpu.vector_load_idx %arg6[%add3A_41, %get3A_1256] : memref<32x1024xi32, #tpu.memory_space<vmem>>[vector<16xi32>, vector<16xi32>], vector<16xi32>,
      %add3A_1261 = arith.addi %add3A_1254, %add3A_1254 : vector<16xi32>
      %add3A_1262 = arith.addi %add3A_1261, %gather3A_1260 : vector<16xi32>
      %get3A_1263 = arith.constant 1872 : index
      %get3A_1264 = tpu.vector_load %arg8[%get3A_1263] {strides = array<i32>} : memref<2048xi32, #tpu.memory_space<vmem>>, vector<16xi32>,
      %gather3A_1265 = tpu.vector_load_idx %arg6[%add3A_37, %get3A_1264] : memref<32x1024xi32, #tpu.memory_space<vmem>>[vector<16xi32>, vector<16xi32>], vector<16xi32>,
      %add3A_1266 = arith.addi %add3A_1259, %add3A_1259 : vector<16xi32>
      %add3A_1267 = arith.addi %add3A_1266, %gather3A_1265 : vector<16xi32>
      %gather3A_1268 = tpu.vector_load_idx %arg6[%add3A_41, %get3A_1264] : memref<32x1024xi32, #tpu.memory_space<vmem>>[vector<16xi32>, vector<16xi32>], vector<16xi32>,
      %add3A_1269 = arith.addi %add3A_1262, %add3A_1262 : vector<16xi32>
      %add3A_1270 = arith.addi %add3A_1269, %gather3A_1268 : vector<16xi32>
      %get3A_1271 = arith.constant 1888 : index
      %get3A_1272 = tpu.vector_load %arg8[%get3A_1271] {strides = array<i32>} : memref<2048xi32, #tpu.memory_space<vmem>>, vector<16xi32>,
      %gather3A_1273 = tpu.vector_load_idx %arg6[%add3A_37, %get3A_1272] : memref<32x1024xi32, #tpu.memory_space<vmem>>[vector<16xi32>, vector<16xi32>], vector<16xi32>,
      %add3A_1274 = arith.addi %add3A_1267, %add3A_1267 : vector<16xi32>
      %add3A_1275 = arith.addi %add3A_1274, %gather3A_1273 : vector<16xi32>
      %gather3A_1276 = tpu.vector_load_idx %arg6[%add3A_41, %get3A_1272] : memref<32x1024xi32, #tpu.memory_space<vmem>>[vector<16xi32>, vector<16xi32>], vector<16xi32>,
      %add3A_1277 = arith.addi %add3A_1270, %add3A_1270 : vector<16xi32>
      %add3A_1278 = arith.addi %add3A_1277, %gather3A_1276 : vector<16xi32>
      %get3A_1279 = arith.constant 1904 : index
      %get3A_1280 = tpu.vector_load %arg8[%get3A_1279] {strides = array<i32>} : memref<2048xi32, #tpu.memory_space<vmem>>, vector<16xi32>,
      %gather3A_1281 = tpu.vector_load_idx %arg6[%add3A_37, %get3A_1280] : memref<32x1024xi32, #tpu.memory_space<vmem>>[vector<16xi32>, vector<16xi32>], vector<16xi32>,
      %add3A_1282 = arith.addi %add3A_1275, %add3A_1275 : vector<16xi32>
      %add3A_1283 = arith.addi %add3A_1282, %gather3A_1281 : vector<16xi32>
      %gather3A_1284 = tpu.vector_load_idx %arg6[%add3A_41, %get3A_1280] : memref<32x1024xi32, #tpu.memory_space<vmem>>[vector<16xi32>, vector<16xi32>], vector<16xi32>,
      %add3A_1285 = arith.addi %add3A_1278, %add3A_1278 : vector<16xi32>
      %add3A_1286 = arith.addi %add3A_1285, %gather3A_1284 : vector<16xi32>
      %add3A_1287 = arith.constant 3584 : i32
      %add3A_1288 = vector.broadcast %add3A_1287 : i32 to vector<16xi32>
      %add3A_1289 = arith.addi %add3A_1283, %add3A_1288 : vector<16xi32>
      %gather3A_1290 = tpu.vector_load_idx %arg9[%add3A_1289] : memref<4096xf32, #tpu.memory_space<vmem>>[vector<16xi32>], vector<16xf32>,
      %mul3A_1291 = arith.constant 2.000000e+00 : f32
      %mul3A_1292 = vector.broadcast %mul3A_1291 : f32 to vector<16xf32>
      %mul3A_1293 = arith.mulf %gather3A_1290, %mul3A_1292 : vector<16xf32>
      %add3A_1294 = arith.addf %add3A_1210, %mul3A_1293 : vector<16xf32>
      %add3A_1295 = arith.constant 3584 : i32
      %add3A_1296 = vector.broadcast %add3A_1295 : i32 to vector<16xi32>
      %add3A_1297 = arith.addi %add3A_1286, %add3A_1296 : vector<16xi32>
      %gather3A_1298 = tpu.vector_load_idx %arg9[%add3A_1297] : memref<4096xf32, #tpu.memory_space<vmem>>[vector<16xi32>], vector<16xf32>,
      %mul3A_1299 = arith.constant 2.000000e+00 : f32
      %mul3A_1300 = vector.broadcast %mul3A_1299 : f32 to vector<16xf32>
      %mul3A_1301 = arith.mulf %gather3A_1298, %mul3A_1300 : vector<16xf32>
      %add3A_1302 = arith.addf %add3A_1218, %mul3A_1301 : vector<16xf32>
      %broadcast_in_dim3A_1303 = arith.constant 0 : i32
      %broadcast_in_dim3A_1304 = vector.broadcast %broadcast_in_dim3A_1303 : i32 to vector<16xi32>
      %broadcast_in_dim3A_1305 = arith.constant 0 : i32
      %broadcast_in_dim3A_1306 = vector.broadcast %broadcast_in_dim3A_1305 : i32 to vector<16xi32>
      %get3A_1307 = arith.constant 1920 : index
      %get3A_1308 = tpu.vector_load %arg8[%get3A_1307] {strides = array<i32>} : memref<2048xi32, #tpu.memory_space<vmem>>, vector<16xi32>,
      %gather3A_1309 = tpu.vector_load_idx %arg6[%add3A_37, %get3A_1308] : memref<32x1024xi32, #tpu.memory_space<vmem>>[vector<16xi32>, vector<16xi32>], vector<16xi32>,
      %add3A_1310 = arith.addi %broadcast_in_dim3A_1304, %broadcast_in_dim3A_1304 : vector<16xi32>
      %add3A_1311 = arith.addi %add3A_1310, %gather3A_1309 : vector<16xi32>
      %gather3A_1312 = tpu.vector_load_idx %arg6[%add3A_41, %get3A_1308] : memref<32x1024xi32, #tpu.memory_space<vmem>>[vector<16xi32>, vector<16xi32>], vector<16xi32>,
      %add3A_1313 = arith.addi %broadcast_in_dim3A_1306, %broadcast_in_dim3A_1306 : vector<16xi32>
      %add3A_1314 = arith.addi %add3A_1313, %gather3A_1312 : vector<16xi32>
      %get3A_1315 = arith.constant 1936 : index
      %get3A_1316 = tpu.vector_load %arg8[%get3A_1315] {strides = array<i32>} : memref<2048xi32, #tpu.memory_space<vmem>>, vector<16xi32>,
      %gather3A_1317 = tpu.vector_load_idx %arg6[%add3A_37, %get3A_1316] : memref<32x1024xi32, #tpu.memory_space<vmem>>[vector<16xi32>, vector<16xi32>], vector<16xi32>,
      %add3A_1318 = arith.addi %add3A_1311, %add3A_1311 : vector<16xi32>
      %add3A_1319 = arith.addi %add3A_1318, %gather3A_1317 : vector<16xi32>
      %gather3A_1320 = tpu.vector_load_idx %arg6[%add3A_41, %get3A_1316] : memref<32x1024xi32, #tpu.memory_space<vmem>>[vector<16xi32>, vector<16xi32>], vector<16xi32>,
      %add3A_1321 = arith.addi %add3A_1314, %add3A_1314 : vector<16xi32>
      %add3A_1322 = arith.addi %add3A_1321, %gather3A_1320 : vector<16xi32>
      %get3A_1323 = arith.constant 1952 : index
      %get3A_1324 = tpu.vector_load %arg8[%get3A_1323] {strides = array<i32>} : memref<2048xi32, #tpu.memory_space<vmem>>, vector<16xi32>,
      %gather3A_1325 = tpu.vector_load_idx %arg6[%add3A_37, %get3A_1324] : memref<32x1024xi32, #tpu.memory_space<vmem>>[vector<16xi32>, vector<16xi32>], vector<16xi32>,
      %add3A_1326 = arith.addi %add3A_1319, %add3A_1319 : vector<16xi32>
      %add3A_1327 = arith.addi %add3A_1326, %gather3A_1325 : vector<16xi32>
      %gather3A_1328 = tpu.vector_load_idx %arg6[%add3A_41, %get3A_1324] : memref<32x1024xi32, #tpu.memory_space<vmem>>[vector<16xi32>, vector<16xi32>], vector<16xi32>,
      %add3A_1329 = arith.addi %add3A_1322, %add3A_1322 : vector<16xi32>
      %add3A_1330 = arith.addi %add3A_1329, %gather3A_1328 : vector<16xi32>
      %get3A_1331 = arith.constant 1968 : index
      %get3A_1332 = tpu.vector_load %arg8[%get3A_1331] {strides = array<i32>} : memref<2048xi32, #tpu.memory_space<vmem>>, vector<16xi32>,
      %gather3A_1333 = tpu.vector_load_idx %arg6[%add3A_37, %get3A_1332] : memref<32x1024xi32, #tpu.memory_space<vmem>>[vector<16xi32>, vector<16xi32>], vector<16xi32>,
      %add3A_1334 = arith.addi %add3A_1327, %add3A_1327 : vector<16xi32>
      %add3A_1335 = arith.addi %add3A_1334, %gather3A_1333 : vector<16xi32>
      %gather3A_1336 = tpu.vector_load_idx %arg6[%add3A_41, %get3A_1332] : memref<32x1024xi32, #tpu.memory_space<vmem>>[vector<16xi32>, vector<16xi32>], vector<16xi32>,
      %add3A_1337 = arith.addi %add3A_1330, %add3A_1330 : vector<16xi32>
      %add3A_1338 = arith.addi %add3A_1337, %gather3A_1336 : vector<16xi32>
      %get3A_1339 = arith.constant 1984 : index
      %get3A_1340 = tpu.vector_load %arg8[%get3A_1339] {strides = array<i32>} : memref<2048xi32, #tpu.memory_space<vmem>>, vector<16xi32>,
      %gather3A_1341 = tpu.vector_load_idx %arg6[%add3A_37, %get3A_1340] : memref<32x1024xi32, #tpu.memory_space<vmem>>[vector<16xi32>, vector<16xi32>], vector<16xi32>,
      %add3A_1342 = arith.addi %add3A_1335, %add3A_1335 : vector<16xi32>
      %add3A_1343 = arith.addi %add3A_1342, %gather3A_1341 : vector<16xi32>
      %gather3A_1344 = tpu.vector_load_idx %arg6[%add3A_41, %get3A_1340] : memref<32x1024xi32, #tpu.memory_space<vmem>>[vector<16xi32>, vector<16xi32>], vector<16xi32>,
      %add3A_1345 = arith.addi %add3A_1338, %add3A_1338 : vector<16xi32>
      %add3A_1346 = arith.addi %add3A_1345, %gather3A_1344 : vector<16xi32>
      %get3A_1347 = arith.constant 2000 : index
      %get3A_1348 = tpu.vector_load %arg8[%get3A_1347] {strides = array<i32>} : memref<2048xi32, #tpu.memory_space<vmem>>, vector<16xi32>,
      %gather3A_1349 = tpu.vector_load_idx %arg6[%add3A_37, %get3A_1348] : memref<32x1024xi32, #tpu.memory_space<vmem>>[vector<16xi32>, vector<16xi32>], vector<16xi32>,
      %add3A_1350 = arith.addi %add3A_1343, %add3A_1343 : vector<16xi32>
      %add3A_1351 = arith.addi %add3A_1350, %gather3A_1349 : vector<16xi32>
      %gather3A_1352 = tpu.vector_load_idx %arg6[%add3A_41, %get3A_1348] : memref<32x1024xi32, #tpu.memory_space<vmem>>[vector<16xi32>, vector<16xi32>], vector<16xi32>,
      %add3A_1353 = arith.addi %add3A_1346, %add3A_1346 : vector<16xi32>
      %add3A_1354 = arith.addi %add3A_1353, %gather3A_1352 : vector<16xi32>
      %get3A_1355 = arith.constant 2016 : index
      %get3A_1356 = tpu.vector_load %arg8[%get3A_1355] {strides = array<i32>} : memref<2048xi32, #tpu.memory_space<vmem>>, vector<16xi32>,
      %gather3A_1357 = tpu.vector_load_idx %arg6[%add3A_37, %get3A_1356] : memref<32x1024xi32, #tpu.memory_space<vmem>>[vector<16xi32>, vector<16xi32>], vector<16xi32>,
      %add3A_1358 = arith.addi %add3A_1351, %add3A_1351 : vector<16xi32>
      %add3A_1359 = arith.addi %add3A_1358, %gather3A_1357 : vector<16xi32>
      %gather3A_1360 = tpu.vector_load_idx %arg6[%add3A_41, %get3A_1356] : memref<32x1024xi32, #tpu.memory_space<vmem>>[vector<16xi32>, vector<16xi32>], vector<16xi32>,
      %add3A_1361 = arith.addi %add3A_1354, %add3A_1354 : vector<16xi32>
      %add3A_1362 = arith.addi %add3A_1361, %gather3A_1360 : vector<16xi32>
      %get3A_1363 = arith.constant 2032 : index
      %get3A_1364 = tpu.vector_load %arg8[%get3A_1363] {strides = array<i32>} : memref<2048xi32, #tpu.memory_space<vmem>>, vector<16xi32>,
      %gather3A_1365 = tpu.vector_load_idx %arg6[%add3A_37, %get3A_1364] : memref<32x1024xi32, #tpu.memory_space<vmem>>[vector<16xi32>, vector<16xi32>], vector<16xi32>,
      %add3A_1366 = arith.addi %add3A_1359, %add3A_1359 : vector<16xi32>
      %add3A_1367 = arith.addi %add3A_1366, %gather3A_1365 : vector<16xi32>
      %gather3A_1368 = tpu.vector_load_idx %arg6[%add3A_41, %get3A_1364] : memref<32x1024xi32, #tpu.memory_space<vmem>>[vector<16xi32>, vector<16xi32>], vector<16xi32>,
      %add3A_1369 = arith.addi %add3A_1362, %add3A_1362 : vector<16xi32>
      %add3A_1370 = arith.addi %add3A_1369, %gather3A_1368 : vector<16xi32>
      %add3A_1371 = arith.constant 3840 : i32
      %add3A_1372 = vector.broadcast %add3A_1371 : i32 to vector<16xi32>
      %add3A_1373 = arith.addi %add3A_1367, %add3A_1372 : vector<16xi32>
      %gather3A_1374 = tpu.vector_load_idx %arg9[%add3A_1373] : memref<4096xf32, #tpu.memory_space<vmem>>[vector<16xi32>], vector<16xf32>,
      %mul3A_1375 = arith.constant 1.000000e+00 : f32
      %mul3A_1376 = vector.broadcast %mul3A_1375 : f32 to vector<16xf32>
      %mul3A_1377 = arith.mulf %gather3A_1374, %mul3A_1376 : vector<16xf32>
      %add3A_1378 = arith.addf %add3A_1294, %mul3A_1377 : vector<16xf32>
      %add3A_1379 = arith.constant 3840 : i32
      %add3A_1380 = vector.broadcast %add3A_1379 : i32 to vector<16xi32>
      %add3A_1381 = arith.addi %add3A_1370, %add3A_1380 : vector<16xi32>
      %gather3A_1382 = tpu.vector_load_idx %arg9[%add3A_1381] : memref<4096xf32, #tpu.memory_space<vmem>>[vector<16xi32>], vector<16xf32>,
      %mul3A_1383 = arith.constant 1.000000e+00 : f32
      %mul3A_1384 = vector.broadcast %mul3A_1383 : f32 to vector<16xf32>
      %mul3A_1385 = arith.mulf %gather3A_1382, %mul3A_1384 : vector<16xf32>
      %add3A_1386 = arith.addf %add3A_1302, %mul3A_1385 : vector<16xf32>
      %min3A = arith.constant 3.276700e+04 : f32
      %min3A_1387 = vector.broadcast %min3A : f32 to vector<16xf32>
      %min3A_1388 = arith.minimumf %add3A_1378, %min3A_1387 : vector<16xf32>
      %mul3A_1389 = arith.constant 32 : i32
      %mul3A_1390 = arith.muli %add3A_18, %mul3A_1389 : i32
      %add3A_1391 = arith.constant 0 : i32
      %add3A_1392 = arith.addi %mul3A_1390, %add3A_1391 : i32
      %swap3A = arith.index_cast %add3A_1392 : i32 to index
      %swap3A_1393 = tpu.vector_load %arg10[%swap3A] {strides = array<i32>} : memref<192xf32, #tpu.memory_space<vmem>>, vector<16xf32>,
      tpu.vector_store %arg10[%swap3A], %min3A_1388 {strides = array<i32>} : memref<192xf32, #tpu.memory_space<vmem>>, vector<16xf32>,
      %min3A_1394 = arith.constant 3.276700e+04 : f32
      %min3A_1395 = vector.broadcast %min3A_1394 : f32 to vector<16xf32>
      %min3A_1396 = arith.minimumf %add3A_1386, %min3A_1395 : vector<16xf32>
      %mul3A_1397 = arith.constant 32 : i32
      %mul3A_1398 = arith.muli %add3A_18, %mul3A_1397 : i32
      %add3A_1399 = arith.constant 16 : i32
      %add3A_1400 = arith.addi %mul3A_1398, %add3A_1399 : i32
      %swap3A_1401 = arith.index_cast %add3A_1400 : i32 to index
      %swap3A_1402 = tpu.vector_load %arg10[%swap3A_1401] {strides = array<i32>} : memref<192xf32, #tpu.memory_space<vmem>>, vector<16xf32>,
      tpu.vector_store %arg10[%swap3A_1401], %min3A_1396 {strides = array<i32>} : memref<192xf32, #tpu.memory_space<vmem>>, vector<16xf32>,
      %add3A_1403 = arith.constant 2 : i32
      %add3A_1404 = arith.addi %add3A_18, %add3A_1403 : i32
      %lt3A = arith.constant 6 : i32
      %lt3A_1405 = arith.cmpi slt, %add3A_1404, %lt3A : i32
      %convert_element_type3A = arith.extui %lt3A_1405 : i1 to i32
      %cond3A = arith.constant 0 : i32
      %cond3A_1406 = arith.cmpi ne, %convert_element_type3A, %cond3A : i32
      scf.if %cond3A_1406 {
        %add3A_2789 = arith.constant 2 : i32
        %add3A_2790 = arith.addi %add3A_18, %add3A_2789 : i32
        %add3A_2791 = arith.constant 10240 : i32
        %add3A_2792 = arith.addi %add3A_2791, %mul3A_2 : i32
        %mul3A_2793 = arith.constant 32 : i32
        %mul3A_2794 = arith.muli %add3A_2790, %mul3A_2793 : i32
        %add3A_2795 = arith.addi %add3A_2792, %mul3A_2794 : i32
        %dma_start3A_2796 = arith.constant 0 : i32
        %dma_start3A_2797 = tpu.memref_slice %arg2[%add3A_2795, %dma_start3A_2796] : memref<16384x1024xi32, #tpu.memory_space<hbm>> -> memref<32x1024xi32, #tpu.memory_space<hbm>>
        %dma_start3A_2798 = arith.constant 0 : i32
        %dma_start3A_2799 = tpu.memref_slice %arg2[%add3A_2795, %dma_start3A_2798] : memref<16384x1024xi32, #tpu.memory_space<hbm>> -> memref<32x1024xi32, #tpu.memory_space<hbm>>
        tpu.enqueue_dma source(%dma_start3A_2799 : memref<32x1024xi32, #tpu.memory_space<hbm>>) target(%arg6 : memref<32x1024xi32, #tpu.memory_space<vmem>>) target_semaphore(%arg11 : memref<!tpu.dma_semaphore, #tpu.memory_space<semaphore_mem>>)
      } else {
      }
      %dma_wait3A_1407 = arith.constant 0 : i32
      %dma_wait3A_1408 = arith.constant 0 : i32
      %dma_wait3A_1409 = tpu.memref_slice %arg2[%dma_wait3A_1407, %dma_wait3A_1408] : memref<16384x1024xi32, #tpu.memory_space<hbm>> -> memref<32x1024xi32, #tpu.memory_space<hbm>>
      %dma_wait3A_1410 = arith.constant 0 : i32
      %dma_wait3A_1411 = arith.constant 0 : i32
      %dma_wait3A_1412 = tpu.memref_slice %arg2[%dma_wait3A_1410, %dma_wait3A_1411] : memref<16384x1024xi32, #tpu.memory_space<hbm>> -> memref<32x1024xi32, #tpu.memory_space<hbm>>
      tpu.wait_dma2 semaphore(%arg12 : memref<!tpu.dma_semaphore, #tpu.memory_space<semaphore_mem>>) src(%dma_wait3A_1412 : memref<32x1024xi32, #tpu.memory_space<hbm>>) dst(%arg7 : memref<32x1024xi32, #tpu.memory_space<vmem>>)
      %add3A_1413 = arith.constant 1 : i32
      %add3A_1414 = arith.addi %add3A_18, %add3A_1413 : i32
      %iota3A_1415 = tpu.iota {dimensions = array<i32: 0>} : vector<16xi32>
      %add3A_1416 = arith.constant 0 : i32
      %add3A_1417 = vector.broadcast %add3A_1416 : i32 to vector<16xi32>
      %add3A_1418 = arith.addi %iota3A_1415, %add3A_1417 : vector<16xi32>
      %iota3A_1419 = tpu.iota {dimensions = array<i32: 0>} : vector<16xi32>
      %add3A_1420 = arith.constant 16 : i32
      %add3A_1421 = vector.broadcast %add3A_1420 : i32 to vector<16xi32>
      %add3A_1422 = arith.addi %iota3A_1419, %add3A_1421 : vector<16xi32>
      %broadcast_in_dim3A_1423 = arith.constant 0.000000e+00 : f32
      %broadcast_in_dim3A_1424 = vector.broadcast %broadcast_in_dim3A_1423 : f32 to vector<16xf32>
      %broadcast_in_dim3A_1425 = arith.constant 0.000000e+00 : f32
      %broadcast_in_dim3A_1426 = vector.broadcast %broadcast_in_dim3A_1425 : f32 to vector<16xf32>
      %broadcast_in_dim3A_1427 = arith.constant 0 : i32
      %broadcast_in_dim3A_1428 = vector.broadcast %broadcast_in_dim3A_1427 : i32 to vector<16xi32>
      %broadcast_in_dim3A_1429 = arith.constant 0 : i32
      %broadcast_in_dim3A_1430 = vector.broadcast %broadcast_in_dim3A_1429 : i32 to vector<16xi32>
      %get3A_1431 = arith.constant 0 : index
      %get3A_1432 = tpu.vector_load %arg8[%get3A_1431] {strides = array<i32>} : memref<2048xi32, #tpu.memory_space<vmem>>, vector<16xi32>,
      %gather3A_1433 = tpu.vector_load_idx %arg7[%add3A_1418, %get3A_1432] : memref<32x1024xi32, #tpu.memory_space<vmem>>[vector<16xi32>, vector<16xi32>], vector<16xi32>,
      %add3A_1434 = arith.addi %broadcast_in_dim3A_1428, %broadcast_in_dim3A_1428 : vector<16xi32>
      %add3A_1435 = arith.addi %add3A_1434, %gather3A_1433 : vector<16xi32>
      %gather3A_1436 = tpu.vector_load_idx %arg7[%add3A_1422, %get3A_1432] : memref<32x1024xi32, #tpu.memory_space<vmem>>[vector<16xi32>, vector<16xi32>], vector<16xi32>,
      %add3A_1437 = arith.addi %broadcast_in_dim3A_1430, %broadcast_in_dim3A_1430 : vector<16xi32>
      %add3A_1438 = arith.addi %add3A_1437, %gather3A_1436 : vector<16xi32>
      %get3A_1439 = arith.constant 16 : index
      %get3A_1440 = tpu.vector_load %arg8[%get3A_1439] {strides = array<i32>} : memref<2048xi32, #tpu.memory_space<vmem>>, vector<16xi32>,
      %gather3A_1441 = tpu.vector_load_idx %arg7[%add3A_1418, %get3A_1440] : memref<32x1024xi32, #tpu.memory_space<vmem>>[vector<16xi32>, vector<16xi32>], vector<16xi32>,
      %add3A_1442 = arith.addi %add3A_1435, %add3A_1435 : vector<16xi32>
      %add3A_1443 = arith.addi %add3A_1442, %gather3A_1441 : vector<16xi32>
      %gather3A_1444 = tpu.vector_load_idx %arg7[%add3A_1422, %get3A_1440] : memref<32x1024xi32, #tpu.memory_space<vmem>>[vector<16xi32>, vector<16xi32>], vector<16xi32>,
      %add3A_1445 = arith.addi %add3A_1438, %add3A_1438 : vector<16xi32>
      %add3A_1446 = arith.addi %add3A_1445, %gather3A_1444 : vector<16xi32>
      %get3A_1447 = arith.constant 32 : index
      %get3A_1448 = tpu.vector_load %arg8[%get3A_1447] {strides = array<i32>} : memref<2048xi32, #tpu.memory_space<vmem>>, vector<16xi32>,
      %gather3A_1449 = tpu.vector_load_idx %arg7[%add3A_1418, %get3A_1448] : memref<32x1024xi32, #tpu.memory_space<vmem>>[vector<16xi32>, vector<16xi32>], vector<16xi32>,
      %add3A_1450 = arith.addi %add3A_1443, %add3A_1443 : vector<16xi32>
      %add3A_1451 = arith.addi %add3A_1450, %gather3A_1449 : vector<16xi32>
      %gather3A_1452 = tpu.vector_load_idx %arg7[%add3A_1422, %get3A_1448] : memref<32x1024xi32, #tpu.memory_space<vmem>>[vector<16xi32>, vector<16xi32>], vector<16xi32>,
      %add3A_1453 = arith.addi %add3A_1446, %add3A_1446 : vector<16xi32>
      %add3A_1454 = arith.addi %add3A_1453, %gather3A_1452 : vector<16xi32>
      %get3A_1455 = arith.constant 48 : index
      %get3A_1456 = tpu.vector_load %arg8[%get3A_1455] {strides = array<i32>} : memref<2048xi32, #tpu.memory_space<vmem>>, vector<16xi32>,
      %gather3A_1457 = tpu.vector_load_idx %arg7[%add3A_1418, %get3A_1456] : memref<32x1024xi32, #tpu.memory_space<vmem>>[vector<16xi32>, vector<16xi32>], vector<16xi32>,
      %add3A_1458 = arith.addi %add3A_1451, %add3A_1451 : vector<16xi32>
      %add3A_1459 = arith.addi %add3A_1458, %gather3A_1457 : vector<16xi32>
      %gather3A_1460 = tpu.vector_load_idx %arg7[%add3A_1422, %get3A_1456] : memref<32x1024xi32, #tpu.memory_space<vmem>>[vector<16xi32>, vector<16xi32>], vector<16xi32>,
      %add3A_1461 = arith.addi %add3A_1454, %add3A_1454 : vector<16xi32>
      %add3A_1462 = arith.addi %add3A_1461, %gather3A_1460 : vector<16xi32>
      %get3A_1463 = arith.constant 64 : index
      %get3A_1464 = tpu.vector_load %arg8[%get3A_1463] {strides = array<i32>} : memref<2048xi32, #tpu.memory_space<vmem>>, vector<16xi32>,
      %gather3A_1465 = tpu.vector_load_idx %arg7[%add3A_1418, %get3A_1464] : memref<32x1024xi32, #tpu.memory_space<vmem>>[vector<16xi32>, vector<16xi32>], vector<16xi32>,
      %add3A_1466 = arith.addi %add3A_1459, %add3A_1459 : vector<16xi32>
      %add3A_1467 = arith.addi %add3A_1466, %gather3A_1465 : vector<16xi32>
      %gather3A_1468 = tpu.vector_load_idx %arg7[%add3A_1422, %get3A_1464] : memref<32x1024xi32, #tpu.memory_space<vmem>>[vector<16xi32>, vector<16xi32>], vector<16xi32>,
      %add3A_1469 = arith.addi %add3A_1462, %add3A_1462 : vector<16xi32>
      %add3A_1470 = arith.addi %add3A_1469, %gather3A_1468 : vector<16xi32>
      %get3A_1471 = arith.constant 80 : index
      %get3A_1472 = tpu.vector_load %arg8[%get3A_1471] {strides = array<i32>} : memref<2048xi32, #tpu.memory_space<vmem>>, vector<16xi32>,
      %gather3A_1473 = tpu.vector_load_idx %arg7[%add3A_1418, %get3A_1472] : memref<32x1024xi32, #tpu.memory_space<vmem>>[vector<16xi32>, vector<16xi32>], vector<16xi32>,
      %add3A_1474 = arith.addi %add3A_1467, %add3A_1467 : vector<16xi32>
      %add3A_1475 = arith.addi %add3A_1474, %gather3A_1473 : vector<16xi32>
      %gather3A_1476 = tpu.vector_load_idx %arg7[%add3A_1422, %get3A_1472] : memref<32x1024xi32, #tpu.memory_space<vmem>>[vector<16xi32>, vector<16xi32>], vector<16xi32>,
      %add3A_1477 = arith.addi %add3A_1470, %add3A_1470 : vector<16xi32>
      %add3A_1478 = arith.addi %add3A_1477, %gather3A_1476 : vector<16xi32>
      %get3A_1479 = arith.constant 96 : index
      %get3A_1480 = tpu.vector_load %arg8[%get3A_1479] {strides = array<i32>} : memref<2048xi32, #tpu.memory_space<vmem>>, vector<16xi32>,
      %gather3A_1481 = tpu.vector_load_idx %arg7[%add3A_1418, %get3A_1480] : memref<32x1024xi32, #tpu.memory_space<vmem>>[vector<16xi32>, vector<16xi32>], vector<16xi32>,
      %add3A_1482 = arith.addi %add3A_1475, %add3A_1475 : vector<16xi32>
      %add3A_1483 = arith.addi %add3A_1482, %gather3A_1481 : vector<16xi32>
      %gather3A_1484 = tpu.vector_load_idx %arg7[%add3A_1422, %get3A_1480] : memref<32x1024xi32, #tpu.memory_space<vmem>>[vector<16xi32>, vector<16xi32>], vector<16xi32>,
      %add3A_1485 = arith.addi %add3A_1478, %add3A_1478 : vector<16xi32>
      %add3A_1486 = arith.addi %add3A_1485, %gather3A_1484 : vector<16xi32>
      %get3A_1487 = arith.constant 112 : index
      %get3A_1488 = tpu.vector_load %arg8[%get3A_1487] {strides = array<i32>} : memref<2048xi32, #tpu.memory_space<vmem>>, vector<16xi32>,
      %gather3A_1489 = tpu.vector_load_idx %arg7[%add3A_1418, %get3A_1488] : memref<32x1024xi32, #tpu.memory_space<vmem>>[vector<16xi32>, vector<16xi32>], vector<16xi32>,
      %add3A_1490 = arith.addi %add3A_1483, %add3A_1483 : vector<16xi32>
      %add3A_1491 = arith.addi %add3A_1490, %gather3A_1489 : vector<16xi32>
      %gather3A_1492 = tpu.vector_load_idx %arg7[%add3A_1422, %get3A_1488] : memref<32x1024xi32, #tpu.memory_space<vmem>>[vector<16xi32>, vector<16xi32>], vector<16xi32>,
      %add3A_1493 = arith.addi %add3A_1486, %add3A_1486 : vector<16xi32>
      %add3A_1494 = arith.addi %add3A_1493, %gather3A_1492 : vector<16xi32>
      %add3A_1495 = arith.constant 0 : i32
      %add3A_1496 = vector.broadcast %add3A_1495 : i32 to vector<16xi32>
      %add3A_1497 = arith.addi %add3A_1491, %add3A_1496 : vector<16xi32>
      %gather3A_1498 = tpu.vector_load_idx %arg9[%add3A_1497] : memref<4096xf32, #tpu.memory_space<vmem>>[vector<16xi32>], vector<16xf32>,
      %mul3A_1499 = arith.constant 3.276800e+04 : f32
      %mul3A_1500 = vector.broadcast %mul3A_1499 : f32 to vector<16xf32>
      %mul3A_1501 = arith.mulf %gather3A_1498, %mul3A_1500 : vector<16xf32>
      %add3A_1502 = arith.addf %broadcast_in_dim3A_1424, %mul3A_1501 : vector<16xf32>
      %add3A_1503 = arith.constant 0 : i32
      %add3A_1504 = vector.broadcast %add3A_1503 : i32 to vector<16xi32>
      %add3A_1505 = arith.addi %add3A_1494, %add3A_1504 : vector<16xi32>
      %gather3A_1506 = tpu.vector_load_idx %arg9[%add3A_1505] : memref<4096xf32, #tpu.memory_space<vmem>>[vector<16xi32>], vector<16xf32>,
      %mul3A_1507 = arith.constant 3.276800e+04 : f32
      %mul3A_1508 = vector.broadcast %mul3A_1507 : f32 to vector<16xf32>
      %mul3A_1509 = arith.mulf %gather3A_1506, %mul3A_1508 : vector<16xf32>
      %add3A_1510 = arith.addf %broadcast_in_dim3A_1426, %mul3A_1509 : vector<16xf32>
      %broadcast_in_dim3A_1511 = arith.constant 0 : i32
      %broadcast_in_dim3A_1512 = vector.broadcast %broadcast_in_dim3A_1511 : i32 to vector<16xi32>
      %broadcast_in_dim3A_1513 = arith.constant 0 : i32
      %broadcast_in_dim3A_1514 = vector.broadcast %broadcast_in_dim3A_1513 : i32 to vector<16xi32>
      %get3A_1515 = arith.constant 128 : index
      %get3A_1516 = tpu.vector_load %arg8[%get3A_1515] {strides = array<i32>} : memref<2048xi32, #tpu.memory_space<vmem>>, vector<16xi32>,
      %gather3A_1517 = tpu.vector_load_idx %arg7[%add3A_1418, %get3A_1516] : memref<32x1024xi32, #tpu.memory_space<vmem>>[vector<16xi32>, vector<16xi32>], vector<16xi32>,
      %add3A_1518 = arith.addi %broadcast_in_dim3A_1512, %broadcast_in_dim3A_1512 : vector<16xi32>
      %add3A_1519 = arith.addi %add3A_1518, %gather3A_1517 : vector<16xi32>
      %gather3A_1520 = tpu.vector_load_idx %arg7[%add3A_1422, %get3A_1516] : memref<32x1024xi32, #tpu.memory_space<vmem>>[vector<16xi32>, vector<16xi32>], vector<16xi32>,
      %add3A_1521 = arith.addi %broadcast_in_dim3A_1514, %broadcast_in_dim3A_1514 : vector<16xi32>
      %add3A_1522 = arith.addi %add3A_1521, %gather3A_1520 : vector<16xi32>
      %get3A_1523 = arith.constant 144 : index
      %get3A_1524 = tpu.vector_load %arg8[%get3A_1523] {strides = array<i32>} : memref<2048xi32, #tpu.memory_space<vmem>>, vector<16xi32>,
      %gather3A_1525 = tpu.vector_load_idx %arg7[%add3A_1418, %get3A_1524] : memref<32x1024xi32, #tpu.memory_space<vmem>>[vector<16xi32>, vector<16xi32>], vector<16xi32>,
      %add3A_1526 = arith.addi %add3A_1519, %add3A_1519 : vector<16xi32>
      %add3A_1527 = arith.addi %add3A_1526, %gather3A_1525 : vector<16xi32>
      %gather3A_1528 = tpu.vector_load_idx %arg7[%add3A_1422, %get3A_1524] : memref<32x1024xi32, #tpu.memory_space<vmem>>[vector<16xi32>, vector<16xi32>], vector<16xi32>,
      %add3A_1529 = arith.addi %add3A_1522, %add3A_1522 : vector<16xi32>
      %add3A_1530 = arith.addi %add3A_1529, %gather3A_1528 : vector<16xi32>
      %get3A_1531 = arith.constant 160 : index
      %get3A_1532 = tpu.vector_load %arg8[%get3A_1531] {strides = array<i32>} : memref<2048xi32, #tpu.memory_space<vmem>>, vector<16xi32>,
      %gather3A_1533 = tpu.vector_load_idx %arg7[%add3A_1418, %get3A_1532] : memref<32x1024xi32, #tpu.memory_space<vmem>>[vector<16xi32>, vector<16xi32>], vector<16xi32>,
      %add3A_1534 = arith.addi %add3A_1527, %add3A_1527 : vector<16xi32>
      %add3A_1535 = arith.addi %add3A_1534, %gather3A_1533 : vector<16xi32>
      %gather3A_1536 = tpu.vector_load_idx %arg7[%add3A_1422, %get3A_1532] : memref<32x1024xi32, #tpu.memory_space<vmem>>[vector<16xi32>, vector<16xi32>], vector<16xi32>,
      %add3A_1537 = arith.addi %add3A_1530, %add3A_1530 : vector<16xi32>
      %add3A_1538 = arith.addi %add3A_1537, %gather3A_1536 : vector<16xi32>
      %get3A_1539 = arith.constant 176 : index
      %get3A_1540 = tpu.vector_load %arg8[%get3A_1539] {strides = array<i32>} : memref<2048xi32, #tpu.memory_space<vmem>>, vector<16xi32>,
      %gather3A_1541 = tpu.vector_load_idx %arg7[%add3A_1418, %get3A_1540] : memref<32x1024xi32, #tpu.memory_space<vmem>>[vector<16xi32>, vector<16xi32>], vector<16xi32>,
      %add3A_1542 = arith.addi %add3A_1535, %add3A_1535 : vector<16xi32>
      %add3A_1543 = arith.addi %add3A_1542, %gather3A_1541 : vector<16xi32>
      %gather3A_1544 = tpu.vector_load_idx %arg7[%add3A_1422, %get3A_1540] : memref<32x1024xi32, #tpu.memory_space<vmem>>[vector<16xi32>, vector<16xi32>], vector<16xi32>,
      %add3A_1545 = arith.addi %add3A_1538, %add3A_1538 : vector<16xi32>
      %add3A_1546 = arith.addi %add3A_1545, %gather3A_1544 : vector<16xi32>
      %get3A_1547 = arith.constant 192 : index
      %get3A_1548 = tpu.vector_load %arg8[%get3A_1547] {strides = array<i32>} : memref<2048xi32, #tpu.memory_space<vmem>>, vector<16xi32>,
      %gather3A_1549 = tpu.vector_load_idx %arg7[%add3A_1418, %get3A_1548] : memref<32x1024xi32, #tpu.memory_space<vmem>>[vector<16xi32>, vector<16xi32>], vector<16xi32>,
      %add3A_1550 = arith.addi %add3A_1543, %add3A_1543 : vector<16xi32>
      %add3A_1551 = arith.addi %add3A_1550, %gather3A_1549 : vector<16xi32>
      %gather3A_1552 = tpu.vector_load_idx %arg7[%add3A_1422, %get3A_1548] : memref<32x1024xi32, #tpu.memory_space<vmem>>[vector<16xi32>, vector<16xi32>], vector<16xi32>,
      %add3A_1553 = arith.addi %add3A_1546, %add3A_1546 : vector<16xi32>
      %add3A_1554 = arith.addi %add3A_1553, %gather3A_1552 : vector<16xi32>
      %get3A_1555 = arith.constant 208 : index
      %get3A_1556 = tpu.vector_load %arg8[%get3A_1555] {strides = array<i32>} : memref<2048xi32, #tpu.memory_space<vmem>>, vector<16xi32>,
      %gather3A_1557 = tpu.vector_load_idx %arg7[%add3A_1418, %get3A_1556] : memref<32x1024xi32, #tpu.memory_space<vmem>>[vector<16xi32>, vector<16xi32>], vector<16xi32>,
      %add3A_1558 = arith.addi %add3A_1551, %add3A_1551 : vector<16xi32>
      %add3A_1559 = arith.addi %add3A_1558, %gather3A_1557 : vector<16xi32>
      %gather3A_1560 = tpu.vector_load_idx %arg7[%add3A_1422, %get3A_1556] : memref<32x1024xi32, #tpu.memory_space<vmem>>[vector<16xi32>, vector<16xi32>], vector<16xi32>,
      %add3A_1561 = arith.addi %add3A_1554, %add3A_1554 : vector<16xi32>
      %add3A_1562 = arith.addi %add3A_1561, %gather3A_1560 : vector<16xi32>
      %get3A_1563 = arith.constant 224 : index
      %get3A_1564 = tpu.vector_load %arg8[%get3A_1563] {strides = array<i32>} : memref<2048xi32, #tpu.memory_space<vmem>>, vector<16xi32>,
      %gather3A_1565 = tpu.vector_load_idx %arg7[%add3A_1418, %get3A_1564] : memref<32x1024xi32, #tpu.memory_space<vmem>>[vector<16xi32>, vector<16xi32>], vector<16xi32>,
      %add3A_1566 = arith.addi %add3A_1559, %add3A_1559 : vector<16xi32>
      %add3A_1567 = arith.addi %add3A_1566, %gather3A_1565 : vector<16xi32>
      %gather3A_1568 = tpu.vector_load_idx %arg7[%add3A_1422, %get3A_1564] : memref<32x1024xi32, #tpu.memory_space<vmem>>[vector<16xi32>, vector<16xi32>], vector<16xi32>,
      %add3A_1569 = arith.addi %add3A_1562, %add3A_1562 : vector<16xi32>
      %add3A_1570 = arith.addi %add3A_1569, %gather3A_1568 : vector<16xi32>
      %get3A_1571 = arith.constant 240 : index
      %get3A_1572 = tpu.vector_load %arg8[%get3A_1571] {strides = array<i32>} : memref<2048xi32, #tpu.memory_space<vmem>>, vector<16xi32>,
      %gather3A_1573 = tpu.vector_load_idx %arg7[%add3A_1418, %get3A_1572] : memref<32x1024xi32, #tpu.memory_space<vmem>>[vector<16xi32>, vector<16xi32>], vector<16xi32>,
      %add3A_1574 = arith.addi %add3A_1567, %add3A_1567 : vector<16xi32>
      %add3A_1575 = arith.addi %add3A_1574, %gather3A_1573 : vector<16xi32>
      %gather3A_1576 = tpu.vector_load_idx %arg7[%add3A_1422, %get3A_1572] : memref<32x1024xi32, #tpu.memory_space<vmem>>[vector<16xi32>, vector<16xi32>], vector<16xi32>,
      %add3A_1577 = arith.addi %add3A_1570, %add3A_1570 : vector<16xi32>
      %add3A_1578 = arith.addi %add3A_1577, %gather3A_1576 : vector<16xi32>
      %add3A_1579 = arith.constant 256 : i32
      %add3A_1580 = vector.broadcast %add3A_1579 : i32 to vector<16xi32>
      %add3A_1581 = arith.addi %add3A_1575, %add3A_1580 : vector<16xi32>
      %gather3A_1582 = tpu.vector_load_idx %arg9[%add3A_1581] : memref<4096xf32, #tpu.memory_space<vmem>>[vector<16xi32>], vector<16xf32>,
      %mul3A_1583 = arith.constant 1.638400e+04 : f32
      %mul3A_1584 = vector.broadcast %mul3A_1583 : f32 to vector<16xf32>
      %mul3A_1585 = arith.mulf %gather3A_1582, %mul3A_1584 : vector<16xf32>
      %add3A_1586 = arith.addf %add3A_1502, %mul3A_1585 : vector<16xf32>
      %add3A_1587 = arith.constant 256 : i32
      %add3A_1588 = vector.broadcast %add3A_1587 : i32 to vector<16xi32>
      %add3A_1589 = arith.addi %add3A_1578, %add3A_1588 : vector<16xi32>
      %gather3A_1590 = tpu.vector_load_idx %arg9[%add3A_1589] : memref<4096xf32, #tpu.memory_space<vmem>>[vector<16xi32>], vector<16xf32>,
      %mul3A_1591 = arith.constant 1.638400e+04 : f32
      %mul3A_1592 = vector.broadcast %mul3A_1591 : f32 to vector<16xf32>
      %mul3A_1593 = arith.mulf %gather3A_1590, %mul3A_1592 : vector<16xf32>
      %add3A_1594 = arith.addf %add3A_1510, %mul3A_1593 : vector<16xf32>
      %broadcast_in_dim3A_1595 = arith.constant 0 : i32
      %broadcast_in_dim3A_1596 = vector.broadcast %broadcast_in_dim3A_1595 : i32 to vector<16xi32>
      %broadcast_in_dim3A_1597 = arith.constant 0 : i32
      %broadcast_in_dim3A_1598 = vector.broadcast %broadcast_in_dim3A_1597 : i32 to vector<16xi32>
      %get3A_1599 = arith.constant 256 : index
      %get3A_1600 = tpu.vector_load %arg8[%get3A_1599] {strides = array<i32>} : memref<2048xi32, #tpu.memory_space<vmem>>, vector<16xi32>,
      %gather3A_1601 = tpu.vector_load_idx %arg7[%add3A_1418, %get3A_1600] : memref<32x1024xi32, #tpu.memory_space<vmem>>[vector<16xi32>, vector<16xi32>], vector<16xi32>,
      %add3A_1602 = arith.addi %broadcast_in_dim3A_1596, %broadcast_in_dim3A_1596 : vector<16xi32>
      %add3A_1603 = arith.addi %add3A_1602, %gather3A_1601 : vector<16xi32>
      %gather3A_1604 = tpu.vector_load_idx %arg7[%add3A_1422, %get3A_1600] : memref<32x1024xi32, #tpu.memory_space<vmem>>[vector<16xi32>, vector<16xi32>], vector<16xi32>,
      %add3A_1605 = arith.addi %broadcast_in_dim3A_1598, %broadcast_in_dim3A_1598 : vector<16xi32>
      %add3A_1606 = arith.addi %add3A_1605, %gather3A_1604 : vector<16xi32>
      %get3A_1607 = arith.constant 272 : index
      %get3A_1608 = tpu.vector_load %arg8[%get3A_1607] {strides = array<i32>} : memref<2048xi32, #tpu.memory_space<vmem>>, vector<16xi32>,
      %gather3A_1609 = tpu.vector_load_idx %arg7[%add3A_1418, %get3A_1608] : memref<32x1024xi32, #tpu.memory_space<vmem>>[vector<16xi32>, vector<16xi32>], vector<16xi32>,
      %add3A_1610 = arith.addi %add3A_1603, %add3A_1603 : vector<16xi32>
      %add3A_1611 = arith.addi %add3A_1610, %gather3A_1609 : vector<16xi32>
      %gather3A_1612 = tpu.vector_load_idx %arg7[%add3A_1422, %get3A_1608] : memref<32x1024xi32, #tpu.memory_space<vmem>>[vector<16xi32>, vector<16xi32>], vector<16xi32>,
      %add3A_1613 = arith.addi %add3A_1606, %add3A_1606 : vector<16xi32>
      %add3A_1614 = arith.addi %add3A_1613, %gather3A_1612 : vector<16xi32>
      %get3A_1615 = arith.constant 288 : index
      %get3A_1616 = tpu.vector_load %arg8[%get3A_1615] {strides = array<i32>} : memref<2048xi32, #tpu.memory_space<vmem>>, vector<16xi32>,
      %gather3A_1617 = tpu.vector_load_idx %arg7[%add3A_1418, %get3A_1616] : memref<32x1024xi32, #tpu.memory_space<vmem>>[vector<16xi32>, vector<16xi32>], vector<16xi32>,
      %add3A_1618 = arith.addi %add3A_1611, %add3A_1611 : vector<16xi32>
      %add3A_1619 = arith.addi %add3A_1618, %gather3A_1617 : vector<16xi32>
      %gather3A_1620 = tpu.vector_load_idx %arg7[%add3A_1422, %get3A_1616] : memref<32x1024xi32, #tpu.memory_space<vmem>>[vector<16xi32>, vector<16xi32>], vector<16xi32>,
      %add3A_1621 = arith.addi %add3A_1614, %add3A_1614 : vector<16xi32>
      %add3A_1622 = arith.addi %add3A_1621, %gather3A_1620 : vector<16xi32>
      %get3A_1623 = arith.constant 304 : index
      %get3A_1624 = tpu.vector_load %arg8[%get3A_1623] {strides = array<i32>} : memref<2048xi32, #tpu.memory_space<vmem>>, vector<16xi32>,
      %gather3A_1625 = tpu.vector_load_idx %arg7[%add3A_1418, %get3A_1624] : memref<32x1024xi32, #tpu.memory_space<vmem>>[vector<16xi32>, vector<16xi32>], vector<16xi32>,
      %add3A_1626 = arith.addi %add3A_1619, %add3A_1619 : vector<16xi32>
      %add3A_1627 = arith.addi %add3A_1626, %gather3A_1625 : vector<16xi32>
      %gather3A_1628 = tpu.vector_load_idx %arg7[%add3A_1422, %get3A_1624] : memref<32x1024xi32, #tpu.memory_space<vmem>>[vector<16xi32>, vector<16xi32>], vector<16xi32>,
      %add3A_1629 = arith.addi %add3A_1622, %add3A_1622 : vector<16xi32>
      %add3A_1630 = arith.addi %add3A_1629, %gather3A_1628 : vector<16xi32>
      %get3A_1631 = arith.constant 320 : index
      %get3A_1632 = tpu.vector_load %arg8[%get3A_1631] {strides = array<i32>} : memref<2048xi32, #tpu.memory_space<vmem>>, vector<16xi32>,
      %gather3A_1633 = tpu.vector_load_idx %arg7[%add3A_1418, %get3A_1632] : memref<32x1024xi32, #tpu.memory_space<vmem>>[vector<16xi32>, vector<16xi32>], vector<16xi32>,
      %add3A_1634 = arith.addi %add3A_1627, %add3A_1627 : vector<16xi32>
      %add3A_1635 = arith.addi %add3A_1634, %gather3A_1633 : vector<16xi32>
      %gather3A_1636 = tpu.vector_load_idx %arg7[%add3A_1422, %get3A_1632] : memref<32x1024xi32, #tpu.memory_space<vmem>>[vector<16xi32>, vector<16xi32>], vector<16xi32>,
      %add3A_1637 = arith.addi %add3A_1630, %add3A_1630 : vector<16xi32>
      %add3A_1638 = arith.addi %add3A_1637, %gather3A_1636 : vector<16xi32>
      %get3A_1639 = arith.constant 336 : index
      %get3A_1640 = tpu.vector_load %arg8[%get3A_1639] {strides = array<i32>} : memref<2048xi32, #tpu.memory_space<vmem>>, vector<16xi32>,
      %gather3A_1641 = tpu.vector_load_idx %arg7[%add3A_1418, %get3A_1640] : memref<32x1024xi32, #tpu.memory_space<vmem>>[vector<16xi32>, vector<16xi32>], vector<16xi32>,
      %add3A_1642 = arith.addi %add3A_1635, %add3A_1635 : vector<16xi32>
      %add3A_1643 = arith.addi %add3A_1642, %gather3A_1641 : vector<16xi32>
      %gather3A_1644 = tpu.vector_load_idx %arg7[%add3A_1422, %get3A_1640] : memref<32x1024xi32, #tpu.memory_space<vmem>>[vector<16xi32>, vector<16xi32>], vector<16xi32>,
      %add3A_1645 = arith.addi %add3A_1638, %add3A_1638 : vector<16xi32>
      %add3A_1646 = arith.addi %add3A_1645, %gather3A_1644 : vector<16xi32>
      %get3A_1647 = arith.constant 352 : index
      %get3A_1648 = tpu.vector_load %arg8[%get3A_1647] {strides = array<i32>} : memref<2048xi32, #tpu.memory_space<vmem>>, vector<16xi32>,
      %gather3A_1649 = tpu.vector_load_idx %arg7[%add3A_1418, %get3A_1648] : memref<32x1024xi32, #tpu.memory_space<vmem>>[vector<16xi32>, vector<16xi32>], vector<16xi32>,
      %add3A_1650 = arith.addi %add3A_1643, %add3A_1643 : vector<16xi32>
      %add3A_1651 = arith.addi %add3A_1650, %gather3A_1649 : vector<16xi32>
      %gather3A_1652 = tpu.vector_load_idx %arg7[%add3A_1422, %get3A_1648] : memref<32x1024xi32, #tpu.memory_space<vmem>>[vector<16xi32>, vector<16xi32>], vector<16xi32>,
      %add3A_1653 = arith.addi %add3A_1646, %add3A_1646 : vector<16xi32>
      %add3A_1654 = arith.addi %add3A_1653, %gather3A_1652 : vector<16xi32>
      %get3A_1655 = arith.constant 368 : index
      %get3A_1656 = tpu.vector_load %arg8[%get3A_1655] {strides = array<i32>} : memref<2048xi32, #tpu.memory_space<vmem>>, vector<16xi32>,
      %gather3A_1657 = tpu.vector_load_idx %arg7[%add3A_1418, %get3A_1656] : memref<32x1024xi32, #tpu.memory_space<vmem>>[vector<16xi32>, vector<16xi32>], vector<16xi32>,
      %add3A_1658 = arith.addi %add3A_1651, %add3A_1651 : vector<16xi32>
      %add3A_1659 = arith.addi %add3A_1658, %gather3A_1657 : vector<16xi32>
      %gather3A_1660 = tpu.vector_load_idx %arg7[%add3A_1422, %get3A_1656] : memref<32x1024xi32, #tpu.memory_space<vmem>>[vector<16xi32>, vector<16xi32>], vector<16xi32>,
      %add3A_1661 = arith.addi %add3A_1654, %add3A_1654 : vector<16xi32>
      %add3A_1662 = arith.addi %add3A_1661, %gather3A_1660 : vector<16xi32>
      %add3A_1663 = arith.constant 512 : i32
      %add3A_1664 = vector.broadcast %add3A_1663 : i32 to vector<16xi32>
      %add3A_1665 = arith.addi %add3A_1659, %add3A_1664 : vector<16xi32>
      %gather3A_1666 = tpu.vector_load_idx %arg9[%add3A_1665] : memref<4096xf32, #tpu.memory_space<vmem>>[vector<16xi32>], vector<16xf32>,
      %mul3A_1667 = arith.constant 8.192000e+03 : f32
      %mul3A_1668 = vector.broadcast %mul3A_1667 : f32 to vector<16xf32>
      %mul3A_1669 = arith.mulf %gather3A_1666, %mul3A_1668 : vector<16xf32>
      %add3A_1670 = arith.addf %add3A_1586, %mul3A_1669 : vector<16xf32>
      %add3A_1671 = arith.constant 512 : i32
      %add3A_1672 = vector.broadcast %add3A_1671 : i32 to vector<16xi32>
      %add3A_1673 = arith.addi %add3A_1662, %add3A_1672 : vector<16xi32>
      %gather3A_1674 = tpu.vector_load_idx %arg9[%add3A_1673] : memref<4096xf32, #tpu.memory_space<vmem>>[vector<16xi32>], vector<16xf32>,
      %mul3A_1675 = arith.constant 8.192000e+03 : f32
      %mul3A_1676 = vector.broadcast %mul3A_1675 : f32 to vector<16xf32>
      %mul3A_1677 = arith.mulf %gather3A_1674, %mul3A_1676 : vector<16xf32>
      %add3A_1678 = arith.addf %add3A_1594, %mul3A_1677 : vector<16xf32>
      %broadcast_in_dim3A_1679 = arith.constant 0 : i32
      %broadcast_in_dim3A_1680 = vector.broadcast %broadcast_in_dim3A_1679 : i32 to vector<16xi32>
      %broadcast_in_dim3A_1681 = arith.constant 0 : i32
      %broadcast_in_dim3A_1682 = vector.broadcast %broadcast_in_dim3A_1681 : i32 to vector<16xi32>
      %get3A_1683 = arith.constant 384 : index
      %get3A_1684 = tpu.vector_load %arg8[%get3A_1683] {strides = array<i32>} : memref<2048xi32, #tpu.memory_space<vmem>>, vector<16xi32>,
      %gather3A_1685 = tpu.vector_load_idx %arg7[%add3A_1418, %get3A_1684] : memref<32x1024xi32, #tpu.memory_space<vmem>>[vector<16xi32>, vector<16xi32>], vector<16xi32>,
      %add3A_1686 = arith.addi %broadcast_in_dim3A_1680, %broadcast_in_dim3A_1680 : vector<16xi32>
      %add3A_1687 = arith.addi %add3A_1686, %gather3A_1685 : vector<16xi32>
      %gather3A_1688 = tpu.vector_load_idx %arg7[%add3A_1422, %get3A_1684] : memref<32x1024xi32, #tpu.memory_space<vmem>>[vector<16xi32>, vector<16xi32>], vector<16xi32>,
      %add3A_1689 = arith.addi %broadcast_in_dim3A_1682, %broadcast_in_dim3A_1682 : vector<16xi32>
      %add3A_1690 = arith.addi %add3A_1689, %gather3A_1688 : vector<16xi32>
      %get3A_1691 = arith.constant 400 : index
      %get3A_1692 = tpu.vector_load %arg8[%get3A_1691] {strides = array<i32>} : memref<2048xi32, #tpu.memory_space<vmem>>, vector<16xi32>,
      %gather3A_1693 = tpu.vector_load_idx %arg7[%add3A_1418, %get3A_1692] : memref<32x1024xi32, #tpu.memory_space<vmem>>[vector<16xi32>, vector<16xi32>], vector<16xi32>,
      %add3A_1694 = arith.addi %add3A_1687, %add3A_1687 : vector<16xi32>
      %add3A_1695 = arith.addi %add3A_1694, %gather3A_1693 : vector<16xi32>
      %gather3A_1696 = tpu.vector_load_idx %arg7[%add3A_1422, %get3A_1692] : memref<32x1024xi32, #tpu.memory_space<vmem>>[vector<16xi32>, vector<16xi32>], vector<16xi32>,
      %add3A_1697 = arith.addi %add3A_1690, %add3A_1690 : vector<16xi32>
      %add3A_1698 = arith.addi %add3A_1697, %gather3A_1696 : vector<16xi32>
      %get3A_1699 = arith.constant 416 : index
      %get3A_1700 = tpu.vector_load %arg8[%get3A_1699] {strides = array<i32>} : memref<2048xi32, #tpu.memory_space<vmem>>, vector<16xi32>,
      %gather3A_1701 = tpu.vector_load_idx %arg7[%add3A_1418, %get3A_1700] : memref<32x1024xi32, #tpu.memory_space<vmem>>[vector<16xi32>, vector<16xi32>], vector<16xi32>,
      %add3A_1702 = arith.addi %add3A_1695, %add3A_1695 : vector<16xi32>
      %add3A_1703 = arith.addi %add3A_1702, %gather3A_1701 : vector<16xi32>
      %gather3A_1704 = tpu.vector_load_idx %arg7[%add3A_1422, %get3A_1700] : memref<32x1024xi32, #tpu.memory_space<vmem>>[vector<16xi32>, vector<16xi32>], vector<16xi32>,
      %add3A_1705 = arith.addi %add3A_1698, %add3A_1698 : vector<16xi32>
      %add3A_1706 = arith.addi %add3A_1705, %gather3A_1704 : vector<16xi32>
      %get3A_1707 = arith.constant 432 : index
      %get3A_1708 = tpu.vector_load %arg8[%get3A_1707] {strides = array<i32>} : memref<2048xi32, #tpu.memory_space<vmem>>, vector<16xi32>,
      %gather3A_1709 = tpu.vector_load_idx %arg7[%add3A_1418, %get3A_1708] : memref<32x1024xi32, #tpu.memory_space<vmem>>[vector<16xi32>, vector<16xi32>], vector<16xi32>,
      %add3A_1710 = arith.addi %add3A_1703, %add3A_1703 : vector<16xi32>
      %add3A_1711 = arith.addi %add3A_1710, %gather3A_1709 : vector<16xi32>
      %gather3A_1712 = tpu.vector_load_idx %arg7[%add3A_1422, %get3A_1708] : memref<32x1024xi32, #tpu.memory_space<vmem>>[vector<16xi32>, vector<16xi32>], vector<16xi32>,
      %add3A_1713 = arith.addi %add3A_1706, %add3A_1706 : vector<16xi32>
      %add3A_1714 = arith.addi %add3A_1713, %gather3A_1712 : vector<16xi32>
      %get3A_1715 = arith.constant 448 : index
      %get3A_1716 = tpu.vector_load %arg8[%get3A_1715] {strides = array<i32>} : memref<2048xi32, #tpu.memory_space<vmem>>, vector<16xi32>,
      %gather3A_1717 = tpu.vector_load_idx %arg7[%add3A_1418, %get3A_1716] : memref<32x1024xi32, #tpu.memory_space<vmem>>[vector<16xi32>, vector<16xi32>], vector<16xi32>,
      %add3A_1718 = arith.addi %add3A_1711, %add3A_1711 : vector<16xi32>
      %add3A_1719 = arith.addi %add3A_1718, %gather3A_1717 : vector<16xi32>
      %gather3A_1720 = tpu.vector_load_idx %arg7[%add3A_1422, %get3A_1716] : memref<32x1024xi32, #tpu.memory_space<vmem>>[vector<16xi32>, vector<16xi32>], vector<16xi32>,
      %add3A_1721 = arith.addi %add3A_1714, %add3A_1714 : vector<16xi32>
      %add3A_1722 = arith.addi %add3A_1721, %gather3A_1720 : vector<16xi32>
      %get3A_1723 = arith.constant 464 : index
      %get3A_1724 = tpu.vector_load %arg8[%get3A_1723] {strides = array<i32>} : memref<2048xi32, #tpu.memory_space<vmem>>, vector<16xi32>,
      %gather3A_1725 = tpu.vector_load_idx %arg7[%add3A_1418, %get3A_1724] : memref<32x1024xi32, #tpu.memory_space<vmem>>[vector<16xi32>, vector<16xi32>], vector<16xi32>,
      %add3A_1726 = arith.addi %add3A_1719, %add3A_1719 : vector<16xi32>
      %add3A_1727 = arith.addi %add3A_1726, %gather3A_1725 : vector<16xi32>
      %gather3A_1728 = tpu.vector_load_idx %arg7[%add3A_1422, %get3A_1724] : memref<32x1024xi32, #tpu.memory_space<vmem>>[vector<16xi32>, vector<16xi32>], vector<16xi32>,
      %add3A_1729 = arith.addi %add3A_1722, %add3A_1722 : vector<16xi32>
      %add3A_1730 = arith.addi %add3A_1729, %gather3A_1728 : vector<16xi32>
      %get3A_1731 = arith.constant 480 : index
      %get3A_1732 = tpu.vector_load %arg8[%get3A_1731] {strides = array<i32>} : memref<2048xi32, #tpu.memory_space<vmem>>, vector<16xi32>,
      %gather3A_1733 = tpu.vector_load_idx %arg7[%add3A_1418, %get3A_1732] : memref<32x1024xi32, #tpu.memory_space<vmem>>[vector<16xi32>, vector<16xi32>], vector<16xi32>,
      %add3A_1734 = arith.addi %add3A_1727, %add3A_1727 : vector<16xi32>
      %add3A_1735 = arith.addi %add3A_1734, %gather3A_1733 : vector<16xi32>
      %gather3A_1736 = tpu.vector_load_idx %arg7[%add3A_1422, %get3A_1732] : memref<32x1024xi32, #tpu.memory_space<vmem>>[vector<16xi32>, vector<16xi32>], vector<16xi32>,
      %add3A_1737 = arith.addi %add3A_1730, %add3A_1730 : vector<16xi32>
      %add3A_1738 = arith.addi %add3A_1737, %gather3A_1736 : vector<16xi32>
      %get3A_1739 = arith.constant 496 : index
      %get3A_1740 = tpu.vector_load %arg8[%get3A_1739] {strides = array<i32>} : memref<2048xi32, #tpu.memory_space<vmem>>, vector<16xi32>,
      %gather3A_1741 = tpu.vector_load_idx %arg7[%add3A_1418, %get3A_1740] : memref<32x1024xi32, #tpu.memory_space<vmem>>[vector<16xi32>, vector<16xi32>], vector<16xi32>,
      %add3A_1742 = arith.addi %add3A_1735, %add3A_1735 : vector<16xi32>
      %add3A_1743 = arith.addi %add3A_1742, %gather3A_1741 : vector<16xi32>
      %gather3A_1744 = tpu.vector_load_idx %arg7[%add3A_1422, %get3A_1740] : memref<32x1024xi32, #tpu.memory_space<vmem>>[vector<16xi32>, vector<16xi32>], vector<16xi32>,
      %add3A_1745 = arith.addi %add3A_1738, %add3A_1738 : vector<16xi32>
      %add3A_1746 = arith.addi %add3A_1745, %gather3A_1744 : vector<16xi32>
      %add3A_1747 = arith.constant 768 : i32
      %add3A_1748 = vector.broadcast %add3A_1747 : i32 to vector<16xi32>
      %add3A_1749 = arith.addi %add3A_1743, %add3A_1748 : vector<16xi32>
      %gather3A_1750 = tpu.vector_load_idx %arg9[%add3A_1749] : memref<4096xf32, #tpu.memory_space<vmem>>[vector<16xi32>], vector<16xf32>,
      %mul3A_1751 = arith.constant 4.096000e+03 : f32
      %mul3A_1752 = vector.broadcast %mul3A_1751 : f32 to vector<16xf32>
      %mul3A_1753 = arith.mulf %gather3A_1750, %mul3A_1752 : vector<16xf32>
      %add3A_1754 = arith.addf %add3A_1670, %mul3A_1753 : vector<16xf32>
      %add3A_1755 = arith.constant 768 : i32
      %add3A_1756 = vector.broadcast %add3A_1755 : i32 to vector<16xi32>
      %add3A_1757 = arith.addi %add3A_1746, %add3A_1756 : vector<16xi32>
      %gather3A_1758 = tpu.vector_load_idx %arg9[%add3A_1757] : memref<4096xf32, #tpu.memory_space<vmem>>[vector<16xi32>], vector<16xf32>,
      %mul3A_1759 = arith.constant 4.096000e+03 : f32
      %mul3A_1760 = vector.broadcast %mul3A_1759 : f32 to vector<16xf32>
      %mul3A_1761 = arith.mulf %gather3A_1758, %mul3A_1760 : vector<16xf32>
      %add3A_1762 = arith.addf %add3A_1678, %mul3A_1761 : vector<16xf32>
      %broadcast_in_dim3A_1763 = arith.constant 0 : i32
      %broadcast_in_dim3A_1764 = vector.broadcast %broadcast_in_dim3A_1763 : i32 to vector<16xi32>
      %broadcast_in_dim3A_1765 = arith.constant 0 : i32
      %broadcast_in_dim3A_1766 = vector.broadcast %broadcast_in_dim3A_1765 : i32 to vector<16xi32>
      %get3A_1767 = arith.constant 512 : index
      %get3A_1768 = tpu.vector_load %arg8[%get3A_1767] {strides = array<i32>} : memref<2048xi32, #tpu.memory_space<vmem>>, vector<16xi32>,
      %gather3A_1769 = tpu.vector_load_idx %arg7[%add3A_1418, %get3A_1768] : memref<32x1024xi32, #tpu.memory_space<vmem>>[vector<16xi32>, vector<16xi32>], vector<16xi32>,
      %add3A_1770 = arith.addi %broadcast_in_dim3A_1764, %broadcast_in_dim3A_1764 : vector<16xi32>
      %add3A_1771 = arith.addi %add3A_1770, %gather3A_1769 : vector<16xi32>
      %gather3A_1772 = tpu.vector_load_idx %arg7[%add3A_1422, %get3A_1768] : memref<32x1024xi32, #tpu.memory_space<vmem>>[vector<16xi32>, vector<16xi32>], vector<16xi32>,
      %add3A_1773 = arith.addi %broadcast_in_dim3A_1766, %broadcast_in_dim3A_1766 : vector<16xi32>
      %add3A_1774 = arith.addi %add3A_1773, %gather3A_1772 : vector<16xi32>
      %get3A_1775 = arith.constant 528 : index
      %get3A_1776 = tpu.vector_load %arg8[%get3A_1775] {strides = array<i32>} : memref<2048xi32, #tpu.memory_space<vmem>>, vector<16xi32>,
      %gather3A_1777 = tpu.vector_load_idx %arg7[%add3A_1418, %get3A_1776] : memref<32x1024xi32, #tpu.memory_space<vmem>>[vector<16xi32>, vector<16xi32>], vector<16xi32>,
      %add3A_1778 = arith.addi %add3A_1771, %add3A_1771 : vector<16xi32>
      %add3A_1779 = arith.addi %add3A_1778, %gather3A_1777 : vector<16xi32>
      %gather3A_1780 = tpu.vector_load_idx %arg7[%add3A_1422, %get3A_1776] : memref<32x1024xi32, #tpu.memory_space<vmem>>[vector<16xi32>, vector<16xi32>], vector<16xi32>,
      %add3A_1781 = arith.addi %add3A_1774, %add3A_1774 : vector<16xi32>
      %add3A_1782 = arith.addi %add3A_1781, %gather3A_1780 : vector<16xi32>
      %get3A_1783 = arith.constant 544 : index
      %get3A_1784 = tpu.vector_load %arg8[%get3A_1783] {strides = array<i32>} : memref<2048xi32, #tpu.memory_space<vmem>>, vector<16xi32>,
      %gather3A_1785 = tpu.vector_load_idx %arg7[%add3A_1418, %get3A_1784] : memref<32x1024xi32, #tpu.memory_space<vmem>>[vector<16xi32>, vector<16xi32>], vector<16xi32>,
      %add3A_1786 = arith.addi %add3A_1779, %add3A_1779 : vector<16xi32>
      %add3A_1787 = arith.addi %add3A_1786, %gather3A_1785 : vector<16xi32>
      %gather3A_1788 = tpu.vector_load_idx %arg7[%add3A_1422, %get3A_1784] : memref<32x1024xi32, #tpu.memory_space<vmem>>[vector<16xi32>, vector<16xi32>], vector<16xi32>,
      %add3A_1789 = arith.addi %add3A_1782, %add3A_1782 : vector<16xi32>
      %add3A_1790 = arith.addi %add3A_1789, %gather3A_1788 : vector<16xi32>
      %get3A_1791 = arith.constant 560 : index
      %get3A_1792 = tpu.vector_load %arg8[%get3A_1791] {strides = array<i32>} : memref<2048xi32, #tpu.memory_space<vmem>>, vector<16xi32>,
      %gather3A_1793 = tpu.vector_load_idx %arg7[%add3A_1418, %get3A_1792] : memref<32x1024xi32, #tpu.memory_space<vmem>>[vector<16xi32>, vector<16xi32>], vector<16xi32>,
      %add3A_1794 = arith.addi %add3A_1787, %add3A_1787 : vector<16xi32>
      %add3A_1795 = arith.addi %add3A_1794, %gather3A_1793 : vector<16xi32>
      %gather3A_1796 = tpu.vector_load_idx %arg7[%add3A_1422, %get3A_1792] : memref<32x1024xi32, #tpu.memory_space<vmem>>[vector<16xi32>, vector<16xi32>], vector<16xi32>,
      %add3A_1797 = arith.addi %add3A_1790, %add3A_1790 : vector<16xi32>
      %add3A_1798 = arith.addi %add3A_1797, %gather3A_1796 : vector<16xi32>
      %get3A_1799 = arith.constant 576 : index
      %get3A_1800 = tpu.vector_load %arg8[%get3A_1799] {strides = array<i32>} : memref<2048xi32, #tpu.memory_space<vmem>>, vector<16xi32>,
      %gather3A_1801 = tpu.vector_load_idx %arg7[%add3A_1418, %get3A_1800] : memref<32x1024xi32, #tpu.memory_space<vmem>>[vector<16xi32>, vector<16xi32>], vector<16xi32>,
      %add3A_1802 = arith.addi %add3A_1795, %add3A_1795 : vector<16xi32>
      %add3A_1803 = arith.addi %add3A_1802, %gather3A_1801 : vector<16xi32>
      %gather3A_1804 = tpu.vector_load_idx %arg7[%add3A_1422, %get3A_1800] : memref<32x1024xi32, #tpu.memory_space<vmem>>[vector<16xi32>, vector<16xi32>], vector<16xi32>,
      %add3A_1805 = arith.addi %add3A_1798, %add3A_1798 : vector<16xi32>
      %add3A_1806 = arith.addi %add3A_1805, %gather3A_1804 : vector<16xi32>
      %get3A_1807 = arith.constant 592 : index
      %get3A_1808 = tpu.vector_load %arg8[%get3A_1807] {strides = array<i32>} : memref<2048xi32, #tpu.memory_space<vmem>>, vector<16xi32>,
      %gather3A_1809 = tpu.vector_load_idx %arg7[%add3A_1418, %get3A_1808] : memref<32x1024xi32, #tpu.memory_space<vmem>>[vector<16xi32>, vector<16xi32>], vector<16xi32>,
      %add3A_1810 = arith.addi %add3A_1803, %add3A_1803 : vector<16xi32>
      %add3A_1811 = arith.addi %add3A_1810, %gather3A_1809 : vector<16xi32>
      %gather3A_1812 = tpu.vector_load_idx %arg7[%add3A_1422, %get3A_1808] : memref<32x1024xi32, #tpu.memory_space<vmem>>[vector<16xi32>, vector<16xi32>], vector<16xi32>,
      %add3A_1813 = arith.addi %add3A_1806, %add3A_1806 : vector<16xi32>
      %add3A_1814 = arith.addi %add3A_1813, %gather3A_1812 : vector<16xi32>
      %get3A_1815 = arith.constant 608 : index
      %get3A_1816 = tpu.vector_load %arg8[%get3A_1815] {strides = array<i32>} : memref<2048xi32, #tpu.memory_space<vmem>>, vector<16xi32>,
      %gather3A_1817 = tpu.vector_load_idx %arg7[%add3A_1418, %get3A_1816] : memref<32x1024xi32, #tpu.memory_space<vmem>>[vector<16xi32>, vector<16xi32>], vector<16xi32>,
      %add3A_1818 = arith.addi %add3A_1811, %add3A_1811 : vector<16xi32>
      %add3A_1819 = arith.addi %add3A_1818, %gather3A_1817 : vector<16xi32>
      %gather3A_1820 = tpu.vector_load_idx %arg7[%add3A_1422, %get3A_1816] : memref<32x1024xi32, #tpu.memory_space<vmem>>[vector<16xi32>, vector<16xi32>], vector<16xi32>,
      %add3A_1821 = arith.addi %add3A_1814, %add3A_1814 : vector<16xi32>
      %add3A_1822 = arith.addi %add3A_1821, %gather3A_1820 : vector<16xi32>
      %get3A_1823 = arith.constant 624 : index
      %get3A_1824 = tpu.vector_load %arg8[%get3A_1823] {strides = array<i32>} : memref<2048xi32, #tpu.memory_space<vmem>>, vector<16xi32>,
      %gather3A_1825 = tpu.vector_load_idx %arg7[%add3A_1418, %get3A_1824] : memref<32x1024xi32, #tpu.memory_space<vmem>>[vector<16xi32>, vector<16xi32>], vector<16xi32>,
      %add3A_1826 = arith.addi %add3A_1819, %add3A_1819 : vector<16xi32>
      %add3A_1827 = arith.addi %add3A_1826, %gather3A_1825 : vector<16xi32>
      %gather3A_1828 = tpu.vector_load_idx %arg7[%add3A_1422, %get3A_1824] : memref<32x1024xi32, #tpu.memory_space<vmem>>[vector<16xi32>, vector<16xi32>], vector<16xi32>,
      %add3A_1829 = arith.addi %add3A_1822, %add3A_1822 : vector<16xi32>
      %add3A_1830 = arith.addi %add3A_1829, %gather3A_1828 : vector<16xi32>
      %add3A_1831 = arith.constant 1024 : i32
      %add3A_1832 = vector.broadcast %add3A_1831 : i32 to vector<16xi32>
      %add3A_1833 = arith.addi %add3A_1827, %add3A_1832 : vector<16xi32>
      %gather3A_1834 = tpu.vector_load_idx %arg9[%add3A_1833] : memref<4096xf32, #tpu.memory_space<vmem>>[vector<16xi32>], vector<16xf32>,
      %mul3A_1835 = arith.constant 2.048000e+03 : f32
      %mul3A_1836 = vector.broadcast %mul3A_1835 : f32 to vector<16xf32>
      %mul3A_1837 = arith.mulf %gather3A_1834, %mul3A_1836 : vector<16xf32>
      %add3A_1838 = arith.addf %add3A_1754, %mul3A_1837 : vector<16xf32>
      %add3A_1839 = arith.constant 1024 : i32
      %add3A_1840 = vector.broadcast %add3A_1839 : i32 to vector<16xi32>
      %add3A_1841 = arith.addi %add3A_1830, %add3A_1840 : vector<16xi32>
      %gather3A_1842 = tpu.vector_load_idx %arg9[%add3A_1841] : memref<4096xf32, #tpu.memory_space<vmem>>[vector<16xi32>], vector<16xf32>,
      %mul3A_1843 = arith.constant 2.048000e+03 : f32
      %mul3A_1844 = vector.broadcast %mul3A_1843 : f32 to vector<16xf32>
      %mul3A_1845 = arith.mulf %gather3A_1842, %mul3A_1844 : vector<16xf32>
      %add3A_1846 = arith.addf %add3A_1762, %mul3A_1845 : vector<16xf32>
      %broadcast_in_dim3A_1847 = arith.constant 0 : i32
      %broadcast_in_dim3A_1848 = vector.broadcast %broadcast_in_dim3A_1847 : i32 to vector<16xi32>
      %broadcast_in_dim3A_1849 = arith.constant 0 : i32
      %broadcast_in_dim3A_1850 = vector.broadcast %broadcast_in_dim3A_1849 : i32 to vector<16xi32>
      %get3A_1851 = arith.constant 640 : index
      %get3A_1852 = tpu.vector_load %arg8[%get3A_1851] {strides = array<i32>} : memref<2048xi32, #tpu.memory_space<vmem>>, vector<16xi32>,
      %gather3A_1853 = tpu.vector_load_idx %arg7[%add3A_1418, %get3A_1852] : memref<32x1024xi32, #tpu.memory_space<vmem>>[vector<16xi32>, vector<16xi32>], vector<16xi32>,
      %add3A_1854 = arith.addi %broadcast_in_dim3A_1848, %broadcast_in_dim3A_1848 : vector<16xi32>
      %add3A_1855 = arith.addi %add3A_1854, %gather3A_1853 : vector<16xi32>
      %gather3A_1856 = tpu.vector_load_idx %arg7[%add3A_1422, %get3A_1852] : memref<32x1024xi32, #tpu.memory_space<vmem>>[vector<16xi32>, vector<16xi32>], vector<16xi32>,
      %add3A_1857 = arith.addi %broadcast_in_dim3A_1850, %broadcast_in_dim3A_1850 : vector<16xi32>
      %add3A_1858 = arith.addi %add3A_1857, %gather3A_1856 : vector<16xi32>
      %get3A_1859 = arith.constant 656 : index
      %get3A_1860 = tpu.vector_load %arg8[%get3A_1859] {strides = array<i32>} : memref<2048xi32, #tpu.memory_space<vmem>>, vector<16xi32>,
      %gather3A_1861 = tpu.vector_load_idx %arg7[%add3A_1418, %get3A_1860] : memref<32x1024xi32, #tpu.memory_space<vmem>>[vector<16xi32>, vector<16xi32>], vector<16xi32>,
      %add3A_1862 = arith.addi %add3A_1855, %add3A_1855 : vector<16xi32>
      %add3A_1863 = arith.addi %add3A_1862, %gather3A_1861 : vector<16xi32>
      %gather3A_1864 = tpu.vector_load_idx %arg7[%add3A_1422, %get3A_1860] : memref<32x1024xi32, #tpu.memory_space<vmem>>[vector<16xi32>, vector<16xi32>], vector<16xi32>,
      %add3A_1865 = arith.addi %add3A_1858, %add3A_1858 : vector<16xi32>
      %add3A_1866 = arith.addi %add3A_1865, %gather3A_1864 : vector<16xi32>
      %get3A_1867 = arith.constant 672 : index
      %get3A_1868 = tpu.vector_load %arg8[%get3A_1867] {strides = array<i32>} : memref<2048xi32, #tpu.memory_space<vmem>>, vector<16xi32>,
      %gather3A_1869 = tpu.vector_load_idx %arg7[%add3A_1418, %get3A_1868] : memref<32x1024xi32, #tpu.memory_space<vmem>>[vector<16xi32>, vector<16xi32>], vector<16xi32>,
      %add3A_1870 = arith.addi %add3A_1863, %add3A_1863 : vector<16xi32>
      %add3A_1871 = arith.addi %add3A_1870, %gather3A_1869 : vector<16xi32>
      %gather3A_1872 = tpu.vector_load_idx %arg7[%add3A_1422, %get3A_1868] : memref<32x1024xi32, #tpu.memory_space<vmem>>[vector<16xi32>, vector<16xi32>], vector<16xi32>,
      %add3A_1873 = arith.addi %add3A_1866, %add3A_1866 : vector<16xi32>
      %add3A_1874 = arith.addi %add3A_1873, %gather3A_1872 : vector<16xi32>
      %get3A_1875 = arith.constant 688 : index
      %get3A_1876 = tpu.vector_load %arg8[%get3A_1875] {strides = array<i32>} : memref<2048xi32, #tpu.memory_space<vmem>>, vector<16xi32>,
      %gather3A_1877 = tpu.vector_load_idx %arg7[%add3A_1418, %get3A_1876] : memref<32x1024xi32, #tpu.memory_space<vmem>>[vector<16xi32>, vector<16xi32>], vector<16xi32>,
      %add3A_1878 = arith.addi %add3A_1871, %add3A_1871 : vector<16xi32>
      %add3A_1879 = arith.addi %add3A_1878, %gather3A_1877 : vector<16xi32>
      %gather3A_1880 = tpu.vector_load_idx %arg7[%add3A_1422, %get3A_1876] : memref<32x1024xi32, #tpu.memory_space<vmem>>[vector<16xi32>, vector<16xi32>], vector<16xi32>,
      %add3A_1881 = arith.addi %add3A_1874, %add3A_1874 : vector<16xi32>
      %add3A_1882 = arith.addi %add3A_1881, %gather3A_1880 : vector<16xi32>
      %get3A_1883 = arith.constant 704 : index
      %get3A_1884 = tpu.vector_load %arg8[%get3A_1883] {strides = array<i32>} : memref<2048xi32, #tpu.memory_space<vmem>>, vector<16xi32>,
      %gather3A_1885 = tpu.vector_load_idx %arg7[%add3A_1418, %get3A_1884] : memref<32x1024xi32, #tpu.memory_space<vmem>>[vector<16xi32>, vector<16xi32>], vector<16xi32>,
      %add3A_1886 = arith.addi %add3A_1879, %add3A_1879 : vector<16xi32>
      %add3A_1887 = arith.addi %add3A_1886, %gather3A_1885 : vector<16xi32>
      %gather3A_1888 = tpu.vector_load_idx %arg7[%add3A_1422, %get3A_1884] : memref<32x1024xi32, #tpu.memory_space<vmem>>[vector<16xi32>, vector<16xi32>], vector<16xi32>,
      %add3A_1889 = arith.addi %add3A_1882, %add3A_1882 : vector<16xi32>
      %add3A_1890 = arith.addi %add3A_1889, %gather3A_1888 : vector<16xi32>
      %get3A_1891 = arith.constant 720 : index
      %get3A_1892 = tpu.vector_load %arg8[%get3A_1891] {strides = array<i32>} : memref<2048xi32, #tpu.memory_space<vmem>>, vector<16xi32>,
      %gather3A_1893 = tpu.vector_load_idx %arg7[%add3A_1418, %get3A_1892] : memref<32x1024xi32, #tpu.memory_space<vmem>>[vector<16xi32>, vector<16xi32>], vector<16xi32>,
      %add3A_1894 = arith.addi %add3A_1887, %add3A_1887 : vector<16xi32>
      %add3A_1895 = arith.addi %add3A_1894, %gather3A_1893 : vector<16xi32>
      %gather3A_1896 = tpu.vector_load_idx %arg7[%add3A_1422, %get3A_1892] : memref<32x1024xi32, #tpu.memory_space<vmem>>[vector<16xi32>, vector<16xi32>], vector<16xi32>,
      %add3A_1897 = arith.addi %add3A_1890, %add3A_1890 : vector<16xi32>
      %add3A_1898 = arith.addi %add3A_1897, %gather3A_1896 : vector<16xi32>
      %get3A_1899 = arith.constant 736 : index
      %get3A_1900 = tpu.vector_load %arg8[%get3A_1899] {strides = array<i32>} : memref<2048xi32, #tpu.memory_space<vmem>>, vector<16xi32>,
      %gather3A_1901 = tpu.vector_load_idx %arg7[%add3A_1418, %get3A_1900] : memref<32x1024xi32, #tpu.memory_space<vmem>>[vector<16xi32>, vector<16xi32>], vector<16xi32>,
      %add3A_1902 = arith.addi %add3A_1895, %add3A_1895 : vector<16xi32>
      %add3A_1903 = arith.addi %add3A_1902, %gather3A_1901 : vector<16xi32>
      %gather3A_1904 = tpu.vector_load_idx %arg7[%add3A_1422, %get3A_1900] : memref<32x1024xi32, #tpu.memory_space<vmem>>[vector<16xi32>, vector<16xi32>], vector<16xi32>,
      %add3A_1905 = arith.addi %add3A_1898, %add3A_1898 : vector<16xi32>
      %add3A_1906 = arith.addi %add3A_1905, %gather3A_1904 : vector<16xi32>
      %get3A_1907 = arith.constant 752 : index
      %get3A_1908 = tpu.vector_load %arg8[%get3A_1907] {strides = array<i32>} : memref<2048xi32, #tpu.memory_space<vmem>>, vector<16xi32>,
      %gather3A_1909 = tpu.vector_load_idx %arg7[%add3A_1418, %get3A_1908] : memref<32x1024xi32, #tpu.memory_space<vmem>>[vector<16xi32>, vector<16xi32>], vector<16xi32>,
      %add3A_1910 = arith.addi %add3A_1903, %add3A_1903 : vector<16xi32>
      %add3A_1911 = arith.addi %add3A_1910, %gather3A_1909 : vector<16xi32>
      %gather3A_1912 = tpu.vector_load_idx %arg7[%add3A_1422, %get3A_1908] : memref<32x1024xi32, #tpu.memory_space<vmem>>[vector<16xi32>, vector<16xi32>], vector<16xi32>,
      %add3A_1913 = arith.addi %add3A_1906, %add3A_1906 : vector<16xi32>
      %add3A_1914 = arith.addi %add3A_1913, %gather3A_1912 : vector<16xi32>
      %add3A_1915 = arith.constant 1280 : i32
      %add3A_1916 = vector.broadcast %add3A_1915 : i32 to vector<16xi32>
      %add3A_1917 = arith.addi %add3A_1911, %add3A_1916 : vector<16xi32>
      %gather3A_1918 = tpu.vector_load_idx %arg9[%add3A_1917] : memref<4096xf32, #tpu.memory_space<vmem>>[vector<16xi32>], vector<16xf32>,
      %mul3A_1919 = arith.constant 1.024000e+03 : f32
      %mul3A_1920 = vector.broadcast %mul3A_1919 : f32 to vector<16xf32>
      %mul3A_1921 = arith.mulf %gather3A_1918, %mul3A_1920 : vector<16xf32>
      %add3A_1922 = arith.addf %add3A_1838, %mul3A_1921 : vector<16xf32>
      %add3A_1923 = arith.constant 1280 : i32
      %add3A_1924 = vector.broadcast %add3A_1923 : i32 to vector<16xi32>
      %add3A_1925 = arith.addi %add3A_1914, %add3A_1924 : vector<16xi32>
      %gather3A_1926 = tpu.vector_load_idx %arg9[%add3A_1925] : memref<4096xf32, #tpu.memory_space<vmem>>[vector<16xi32>], vector<16xf32>,
      %mul3A_1927 = arith.constant 1.024000e+03 : f32
      %mul3A_1928 = vector.broadcast %mul3A_1927 : f32 to vector<16xf32>
      %mul3A_1929 = arith.mulf %gather3A_1926, %mul3A_1928 : vector<16xf32>
      %add3A_1930 = arith.addf %add3A_1846, %mul3A_1929 : vector<16xf32>
      %broadcast_in_dim3A_1931 = arith.constant 0 : i32
      %broadcast_in_dim3A_1932 = vector.broadcast %broadcast_in_dim3A_1931 : i32 to vector<16xi32>
      %broadcast_in_dim3A_1933 = arith.constant 0 : i32
      %broadcast_in_dim3A_1934 = vector.broadcast %broadcast_in_dim3A_1933 : i32 to vector<16xi32>
      %get3A_1935 = arith.constant 768 : index
      %get3A_1936 = tpu.vector_load %arg8[%get3A_1935] {strides = array<i32>} : memref<2048xi32, #tpu.memory_space<vmem>>, vector<16xi32>,
      %gather3A_1937 = tpu.vector_load_idx %arg7[%add3A_1418, %get3A_1936] : memref<32x1024xi32, #tpu.memory_space<vmem>>[vector<16xi32>, vector<16xi32>], vector<16xi32>,
      %add3A_1938 = arith.addi %broadcast_in_dim3A_1932, %broadcast_in_dim3A_1932 : vector<16xi32>
      %add3A_1939 = arith.addi %add3A_1938, %gather3A_1937 : vector<16xi32>
      %gather3A_1940 = tpu.vector_load_idx %arg7[%add3A_1422, %get3A_1936] : memref<32x1024xi32, #tpu.memory_space<vmem>>[vector<16xi32>, vector<16xi32>], vector<16xi32>,
      %add3A_1941 = arith.addi %broadcast_in_dim3A_1934, %broadcast_in_dim3A_1934 : vector<16xi32>
      %add3A_1942 = arith.addi %add3A_1941, %gather3A_1940 : vector<16xi32>
      %get3A_1943 = arith.constant 784 : index
      %get3A_1944 = tpu.vector_load %arg8[%get3A_1943] {strides = array<i32>} : memref<2048xi32, #tpu.memory_space<vmem>>, vector<16xi32>,
      %gather3A_1945 = tpu.vector_load_idx %arg7[%add3A_1418, %get3A_1944] : memref<32x1024xi32, #tpu.memory_space<vmem>>[vector<16xi32>, vector<16xi32>], vector<16xi32>,
      %add3A_1946 = arith.addi %add3A_1939, %add3A_1939 : vector<16xi32>
      %add3A_1947 = arith.addi %add3A_1946, %gather3A_1945 : vector<16xi32>
      %gather3A_1948 = tpu.vector_load_idx %arg7[%add3A_1422, %get3A_1944] : memref<32x1024xi32, #tpu.memory_space<vmem>>[vector<16xi32>, vector<16xi32>], vector<16xi32>,
      %add3A_1949 = arith.addi %add3A_1942, %add3A_1942 : vector<16xi32>
      %add3A_1950 = arith.addi %add3A_1949, %gather3A_1948 : vector<16xi32>
      %get3A_1951 = arith.constant 800 : index
      %get3A_1952 = tpu.vector_load %arg8[%get3A_1951] {strides = array<i32>} : memref<2048xi32, #tpu.memory_space<vmem>>, vector<16xi32>,
      %gather3A_1953 = tpu.vector_load_idx %arg7[%add3A_1418, %get3A_1952] : memref<32x1024xi32, #tpu.memory_space<vmem>>[vector<16xi32>, vector<16xi32>], vector<16xi32>,
      %add3A_1954 = arith.addi %add3A_1947, %add3A_1947 : vector<16xi32>
      %add3A_1955 = arith.addi %add3A_1954, %gather3A_1953 : vector<16xi32>
      %gather3A_1956 = tpu.vector_load_idx %arg7[%add3A_1422, %get3A_1952] : memref<32x1024xi32, #tpu.memory_space<vmem>>[vector<16xi32>, vector<16xi32>], vector<16xi32>,
      %add3A_1957 = arith.addi %add3A_1950, %add3A_1950 : vector<16xi32>
      %add3A_1958 = arith.addi %add3A_1957, %gather3A_1956 : vector<16xi32>
      %get3A_1959 = arith.constant 816 : index
      %get3A_1960 = tpu.vector_load %arg8[%get3A_1959] {strides = array<i32>} : memref<2048xi32, #tpu.memory_space<vmem>>, vector<16xi32>,
      %gather3A_1961 = tpu.vector_load_idx %arg7[%add3A_1418, %get3A_1960] : memref<32x1024xi32, #tpu.memory_space<vmem>>[vector<16xi32>, vector<16xi32>], vector<16xi32>,
      %add3A_1962 = arith.addi %add3A_1955, %add3A_1955 : vector<16xi32>
      %add3A_1963 = arith.addi %add3A_1962, %gather3A_1961 : vector<16xi32>
      %gather3A_1964 = tpu.vector_load_idx %arg7[%add3A_1422, %get3A_1960] : memref<32x1024xi32, #tpu.memory_space<vmem>>[vector<16xi32>, vector<16xi32>], vector<16xi32>,
      %add3A_1965 = arith.addi %add3A_1958, %add3A_1958 : vector<16xi32>
      %add3A_1966 = arith.addi %add3A_1965, %gather3A_1964 : vector<16xi32>
      %get3A_1967 = arith.constant 832 : index
      %get3A_1968 = tpu.vector_load %arg8[%get3A_1967] {strides = array<i32>} : memref<2048xi32, #tpu.memory_space<vmem>>, vector<16xi32>,
      %gather3A_1969 = tpu.vector_load_idx %arg7[%add3A_1418, %get3A_1968] : memref<32x1024xi32, #tpu.memory_space<vmem>>[vector<16xi32>, vector<16xi32>], vector<16xi32>,
      %add3A_1970 = arith.addi %add3A_1963, %add3A_1963 : vector<16xi32>
      %add3A_1971 = arith.addi %add3A_1970, %gather3A_1969 : vector<16xi32>
      %gather3A_1972 = tpu.vector_load_idx %arg7[%add3A_1422, %get3A_1968] : memref<32x1024xi32, #tpu.memory_space<vmem>>[vector<16xi32>, vector<16xi32>], vector<16xi32>,
      %add3A_1973 = arith.addi %add3A_1966, %add3A_1966 : vector<16xi32>
      %add3A_1974 = arith.addi %add3A_1973, %gather3A_1972 : vector<16xi32>
      %get3A_1975 = arith.constant 848 : index
      %get3A_1976 = tpu.vector_load %arg8[%get3A_1975] {strides = array<i32>} : memref<2048xi32, #tpu.memory_space<vmem>>, vector<16xi32>,
      %gather3A_1977 = tpu.vector_load_idx %arg7[%add3A_1418, %get3A_1976] : memref<32x1024xi32, #tpu.memory_space<vmem>>[vector<16xi32>, vector<16xi32>], vector<16xi32>,
      %add3A_1978 = arith.addi %add3A_1971, %add3A_1971 : vector<16xi32>
      %add3A_1979 = arith.addi %add3A_1978, %gather3A_1977 : vector<16xi32>
      %gather3A_1980 = tpu.vector_load_idx %arg7[%add3A_1422, %get3A_1976] : memref<32x1024xi32, #tpu.memory_space<vmem>>[vector<16xi32>, vector<16xi32>], vector<16xi32>,
      %add3A_1981 = arith.addi %add3A_1974, %add3A_1974 : vector<16xi32>
      %add3A_1982 = arith.addi %add3A_1981, %gather3A_1980 : vector<16xi32>
      %get3A_1983 = arith.constant 864 : index
      %get3A_1984 = tpu.vector_load %arg8[%get3A_1983] {strides = array<i32>} : memref<2048xi32, #tpu.memory_space<vmem>>, vector<16xi32>,
      %gather3A_1985 = tpu.vector_load_idx %arg7[%add3A_1418, %get3A_1984] : memref<32x1024xi32, #tpu.memory_space<vmem>>[vector<16xi32>, vector<16xi32>], vector<16xi32>,
      %add3A_1986 = arith.addi %add3A_1979, %add3A_1979 : vector<16xi32>
      %add3A_1987 = arith.addi %add3A_1986, %gather3A_1985 : vector<16xi32>
      %gather3A_1988 = tpu.vector_load_idx %arg7[%add3A_1422, %get3A_1984] : memref<32x1024xi32, #tpu.memory_space<vmem>>[vector<16xi32>, vector<16xi32>], vector<16xi32>,
      %add3A_1989 = arith.addi %add3A_1982, %add3A_1982 : vector<16xi32>
      %add3A_1990 = arith.addi %add3A_1989, %gather3A_1988 : vector<16xi32>
      %get3A_1991 = arith.constant 880 : index
      %get3A_1992 = tpu.vector_load %arg8[%get3A_1991] {strides = array<i32>} : memref<2048xi32, #tpu.memory_space<vmem>>, vector<16xi32>,
      %gather3A_1993 = tpu.vector_load_idx %arg7[%add3A_1418, %get3A_1992] : memref<32x1024xi32, #tpu.memory_space<vmem>>[vector<16xi32>, vector<16xi32>], vector<16xi32>,
      %add3A_1994 = arith.addi %add3A_1987, %add3A_1987 : vector<16xi32>
      %add3A_1995 = arith.addi %add3A_1994, %gather3A_1993 : vector<16xi32>
      %gather3A_1996 = tpu.vector_load_idx %arg7[%add3A_1422, %get3A_1992] : memref<32x1024xi32, #tpu.memory_space<vmem>>[vector<16xi32>, vector<16xi32>], vector<16xi32>,
      %add3A_1997 = arith.addi %add3A_1990, %add3A_1990 : vector<16xi32>
      %add3A_1998 = arith.addi %add3A_1997, %gather3A_1996 : vector<16xi32>
      %add3A_1999 = arith.constant 1536 : i32
      %add3A_2000 = vector.broadcast %add3A_1999 : i32 to vector<16xi32>
      %add3A_2001 = arith.addi %add3A_1995, %add3A_2000 : vector<16xi32>
      %gather3A_2002 = tpu.vector_load_idx %arg9[%add3A_2001] : memref<4096xf32, #tpu.memory_space<vmem>>[vector<16xi32>], vector<16xf32>,
      %mul3A_2003 = arith.constant 5.120000e+02 : f32
      %mul3A_2004 = vector.broadcast %mul3A_2003 : f32 to vector<16xf32>
      %mul3A_2005 = arith.mulf %gather3A_2002, %mul3A_2004 : vector<16xf32>
      %add3A_2006 = arith.addf %add3A_1922, %mul3A_2005 : vector<16xf32>
      %add3A_2007 = arith.constant 1536 : i32
      %add3A_2008 = vector.broadcast %add3A_2007 : i32 to vector<16xi32>
      %add3A_2009 = arith.addi %add3A_1998, %add3A_2008 : vector<16xi32>
      %gather3A_2010 = tpu.vector_load_idx %arg9[%add3A_2009] : memref<4096xf32, #tpu.memory_space<vmem>>[vector<16xi32>], vector<16xf32>,
      %mul3A_2011 = arith.constant 5.120000e+02 : f32
      %mul3A_2012 = vector.broadcast %mul3A_2011 : f32 to vector<16xf32>
      %mul3A_2013 = arith.mulf %gather3A_2010, %mul3A_2012 : vector<16xf32>
      %add3A_2014 = arith.addf %add3A_1930, %mul3A_2013 : vector<16xf32>
      %broadcast_in_dim3A_2015 = arith.constant 0 : i32
      %broadcast_in_dim3A_2016 = vector.broadcast %broadcast_in_dim3A_2015 : i32 to vector<16xi32>
      %broadcast_in_dim3A_2017 = arith.constant 0 : i32
      %broadcast_in_dim3A_2018 = vector.broadcast %broadcast_in_dim3A_2017 : i32 to vector<16xi32>
      %get3A_2019 = arith.constant 896 : index
      %get3A_2020 = tpu.vector_load %arg8[%get3A_2019] {strides = array<i32>} : memref<2048xi32, #tpu.memory_space<vmem>>, vector<16xi32>,
      %gather3A_2021 = tpu.vector_load_idx %arg7[%add3A_1418, %get3A_2020] : memref<32x1024xi32, #tpu.memory_space<vmem>>[vector<16xi32>, vector<16xi32>], vector<16xi32>,
      %add3A_2022 = arith.addi %broadcast_in_dim3A_2016, %broadcast_in_dim3A_2016 : vector<16xi32>
      %add3A_2023 = arith.addi %add3A_2022, %gather3A_2021 : vector<16xi32>
      %gather3A_2024 = tpu.vector_load_idx %arg7[%add3A_1422, %get3A_2020] : memref<32x1024xi32, #tpu.memory_space<vmem>>[vector<16xi32>, vector<16xi32>], vector<16xi32>,
      %add3A_2025 = arith.addi %broadcast_in_dim3A_2018, %broadcast_in_dim3A_2018 : vector<16xi32>
      %add3A_2026 = arith.addi %add3A_2025, %gather3A_2024 : vector<16xi32>
      %get3A_2027 = arith.constant 912 : index
      %get3A_2028 = tpu.vector_load %arg8[%get3A_2027] {strides = array<i32>} : memref<2048xi32, #tpu.memory_space<vmem>>, vector<16xi32>,
      %gather3A_2029 = tpu.vector_load_idx %arg7[%add3A_1418, %get3A_2028] : memref<32x1024xi32, #tpu.memory_space<vmem>>[vector<16xi32>, vector<16xi32>], vector<16xi32>,
      %add3A_2030 = arith.addi %add3A_2023, %add3A_2023 : vector<16xi32>
      %add3A_2031 = arith.addi %add3A_2030, %gather3A_2029 : vector<16xi32>
      %gather3A_2032 = tpu.vector_load_idx %arg7[%add3A_1422, %get3A_2028] : memref<32x1024xi32, #tpu.memory_space<vmem>>[vector<16xi32>, vector<16xi32>], vector<16xi32>,
      %add3A_2033 = arith.addi %add3A_2026, %add3A_2026 : vector<16xi32>
      %add3A_2034 = arith.addi %add3A_2033, %gather3A_2032 : vector<16xi32>
      %get3A_2035 = arith.constant 928 : index
      %get3A_2036 = tpu.vector_load %arg8[%get3A_2035] {strides = array<i32>} : memref<2048xi32, #tpu.memory_space<vmem>>, vector<16xi32>,
      %gather3A_2037 = tpu.vector_load_idx %arg7[%add3A_1418, %get3A_2036] : memref<32x1024xi32, #tpu.memory_space<vmem>>[vector<16xi32>, vector<16xi32>], vector<16xi32>,
      %add3A_2038 = arith.addi %add3A_2031, %add3A_2031 : vector<16xi32>
      %add3A_2039 = arith.addi %add3A_2038, %gather3A_2037 : vector<16xi32>
      %gather3A_2040 = tpu.vector_load_idx %arg7[%add3A_1422, %get3A_2036] : memref<32x1024xi32, #tpu.memory_space<vmem>>[vector<16xi32>, vector<16xi32>], vector<16xi32>,
      %add3A_2041 = arith.addi %add3A_2034, %add3A_2034 : vector<16xi32>
      %add3A_2042 = arith.addi %add3A_2041, %gather3A_2040 : vector<16xi32>
      %get3A_2043 = arith.constant 944 : index
      %get3A_2044 = tpu.vector_load %arg8[%get3A_2043] {strides = array<i32>} : memref<2048xi32, #tpu.memory_space<vmem>>, vector<16xi32>,
      %gather3A_2045 = tpu.vector_load_idx %arg7[%add3A_1418, %get3A_2044] : memref<32x1024xi32, #tpu.memory_space<vmem>>[vector<16xi32>, vector<16xi32>], vector<16xi32>,
      %add3A_2046 = arith.addi %add3A_2039, %add3A_2039 : vector<16xi32>
      %add3A_2047 = arith.addi %add3A_2046, %gather3A_2045 : vector<16xi32>
      %gather3A_2048 = tpu.vector_load_idx %arg7[%add3A_1422, %get3A_2044] : memref<32x1024xi32, #tpu.memory_space<vmem>>[vector<16xi32>, vector<16xi32>], vector<16xi32>,
      %add3A_2049 = arith.addi %add3A_2042, %add3A_2042 : vector<16xi32>
      %add3A_2050 = arith.addi %add3A_2049, %gather3A_2048 : vector<16xi32>
      %get3A_2051 = arith.constant 960 : index
      %get3A_2052 = tpu.vector_load %arg8[%get3A_2051] {strides = array<i32>} : memref<2048xi32, #tpu.memory_space<vmem>>, vector<16xi32>,
      %gather3A_2053 = tpu.vector_load_idx %arg7[%add3A_1418, %get3A_2052] : memref<32x1024xi32, #tpu.memory_space<vmem>>[vector<16xi32>, vector<16xi32>], vector<16xi32>,
      %add3A_2054 = arith.addi %add3A_2047, %add3A_2047 : vector<16xi32>
      %add3A_2055 = arith.addi %add3A_2054, %gather3A_2053 : vector<16xi32>
      %gather3A_2056 = tpu.vector_load_idx %arg7[%add3A_1422, %get3A_2052] : memref<32x1024xi32, #tpu.memory_space<vmem>>[vector<16xi32>, vector<16xi32>], vector<16xi32>,
      %add3A_2057 = arith.addi %add3A_2050, %add3A_2050 : vector<16xi32>
      %add3A_2058 = arith.addi %add3A_2057, %gather3A_2056 : vector<16xi32>
      %get3A_2059 = arith.constant 976 : index
      %get3A_2060 = tpu.vector_load %arg8[%get3A_2059] {strides = array<i32>} : memref<2048xi32, #tpu.memory_space<vmem>>, vector<16xi32>,
      %gather3A_2061 = tpu.vector_load_idx %arg7[%add3A_1418, %get3A_2060] : memref<32x1024xi32, #tpu.memory_space<vmem>>[vector<16xi32>, vector<16xi32>], vector<16xi32>,
      %add3A_2062 = arith.addi %add3A_2055, %add3A_2055 : vector<16xi32>
      %add3A_2063 = arith.addi %add3A_2062, %gather3A_2061 : vector<16xi32>
      %gather3A_2064 = tpu.vector_load_idx %arg7[%add3A_1422, %get3A_2060] : memref<32x1024xi32, #tpu.memory_space<vmem>>[vector<16xi32>, vector<16xi32>], vector<16xi32>,
      %add3A_2065 = arith.addi %add3A_2058, %add3A_2058 : vector<16xi32>
      %add3A_2066 = arith.addi %add3A_2065, %gather3A_2064 : vector<16xi32>
      %get3A_2067 = arith.constant 992 : index
      %get3A_2068 = tpu.vector_load %arg8[%get3A_2067] {strides = array<i32>} : memref<2048xi32, #tpu.memory_space<vmem>>, vector<16xi32>,
      %gather3A_2069 = tpu.vector_load_idx %arg7[%add3A_1418, %get3A_2068] : memref<32x1024xi32, #tpu.memory_space<vmem>>[vector<16xi32>, vector<16xi32>], vector<16xi32>,
      %add3A_2070 = arith.addi %add3A_2063, %add3A_2063 : vector<16xi32>
      %add3A_2071 = arith.addi %add3A_2070, %gather3A_2069 : vector<16xi32>
      %gather3A_2072 = tpu.vector_load_idx %arg7[%add3A_1422, %get3A_2068] : memref<32x1024xi32, #tpu.memory_space<vmem>>[vector<16xi32>, vector<16xi32>], vector<16xi32>,
      %add3A_2073 = arith.addi %add3A_2066, %add3A_2066 : vector<16xi32>
      %add3A_2074 = arith.addi %add3A_2073, %gather3A_2072 : vector<16xi32>
      %get3A_2075 = arith.constant 1008 : index
      %get3A_2076 = tpu.vector_load %arg8[%get3A_2075] {strides = array<i32>} : memref<2048xi32, #tpu.memory_space<vmem>>, vector<16xi32>,
      %gather3A_2077 = tpu.vector_load_idx %arg7[%add3A_1418, %get3A_2076] : memref<32x1024xi32, #tpu.memory_space<vmem>>[vector<16xi32>, vector<16xi32>], vector<16xi32>,
      %add3A_2078 = arith.addi %add3A_2071, %add3A_2071 : vector<16xi32>
      %add3A_2079 = arith.addi %add3A_2078, %gather3A_2077 : vector<16xi32>
      %gather3A_2080 = tpu.vector_load_idx %arg7[%add3A_1422, %get3A_2076] : memref<32x1024xi32, #tpu.memory_space<vmem>>[vector<16xi32>, vector<16xi32>], vector<16xi32>,
      %add3A_2081 = arith.addi %add3A_2074, %add3A_2074 : vector<16xi32>
      %add3A_2082 = arith.addi %add3A_2081, %gather3A_2080 : vector<16xi32>
      %add3A_2083 = arith.constant 1792 : i32
      %add3A_2084 = vector.broadcast %add3A_2083 : i32 to vector<16xi32>
      %add3A_2085 = arith.addi %add3A_2079, %add3A_2084 : vector<16xi32>
      %gather3A_2086 = tpu.vector_load_idx %arg9[%add3A_2085] : memref<4096xf32, #tpu.memory_space<vmem>>[vector<16xi32>], vector<16xf32>,
      %mul3A_2087 = arith.constant 2.560000e+02 : f32
      %mul3A_2088 = vector.broadcast %mul3A_2087 : f32 to vector<16xf32>
      %mul3A_2089 = arith.mulf %gather3A_2086, %mul3A_2088 : vector<16xf32>
      %add3A_2090 = arith.addf %add3A_2006, %mul3A_2089 : vector<16xf32>
      %add3A_2091 = arith.constant 1792 : i32
      %add3A_2092 = vector.broadcast %add3A_2091 : i32 to vector<16xi32>
      %add3A_2093 = arith.addi %add3A_2082, %add3A_2092 : vector<16xi32>
      %gather3A_2094 = tpu.vector_load_idx %arg9[%add3A_2093] : memref<4096xf32, #tpu.memory_space<vmem>>[vector<16xi32>], vector<16xf32>,
      %mul3A_2095 = arith.constant 2.560000e+02 : f32
      %mul3A_2096 = vector.broadcast %mul3A_2095 : f32 to vector<16xf32>
      %mul3A_2097 = arith.mulf %gather3A_2094, %mul3A_2096 : vector<16xf32>
      %add3A_2098 = arith.addf %add3A_2014, %mul3A_2097 : vector<16xf32>
      %broadcast_in_dim3A_2099 = arith.constant 0 : i32
      %broadcast_in_dim3A_2100 = vector.broadcast %broadcast_in_dim3A_2099 : i32 to vector<16xi32>
      %broadcast_in_dim3A_2101 = arith.constant 0 : i32
      %broadcast_in_dim3A_2102 = vector.broadcast %broadcast_in_dim3A_2101 : i32 to vector<16xi32>
      %get3A_2103 = arith.constant 1024 : index
      %get3A_2104 = tpu.vector_load %arg8[%get3A_2103] {strides = array<i32>} : memref<2048xi32, #tpu.memory_space<vmem>>, vector<16xi32>,
      %gather3A_2105 = tpu.vector_load_idx %arg7[%add3A_1418, %get3A_2104] : memref<32x1024xi32, #tpu.memory_space<vmem>>[vector<16xi32>, vector<16xi32>], vector<16xi32>,
      %add3A_2106 = arith.addi %broadcast_in_dim3A_2100, %broadcast_in_dim3A_2100 : vector<16xi32>
      %add3A_2107 = arith.addi %add3A_2106, %gather3A_2105 : vector<16xi32>
      %gather3A_2108 = tpu.vector_load_idx %arg7[%add3A_1422, %get3A_2104] : memref<32x1024xi32, #tpu.memory_space<vmem>>[vector<16xi32>, vector<16xi32>], vector<16xi32>,
      %add3A_2109 = arith.addi %broadcast_in_dim3A_2102, %broadcast_in_dim3A_2102 : vector<16xi32>
      %add3A_2110 = arith.addi %add3A_2109, %gather3A_2108 : vector<16xi32>
      %get3A_2111 = arith.constant 1040 : index
      %get3A_2112 = tpu.vector_load %arg8[%get3A_2111] {strides = array<i32>} : memref<2048xi32, #tpu.memory_space<vmem>>, vector<16xi32>,
      %gather3A_2113 = tpu.vector_load_idx %arg7[%add3A_1418, %get3A_2112] : memref<32x1024xi32, #tpu.memory_space<vmem>>[vector<16xi32>, vector<16xi32>], vector<16xi32>,
      %add3A_2114 = arith.addi %add3A_2107, %add3A_2107 : vector<16xi32>
      %add3A_2115 = arith.addi %add3A_2114, %gather3A_2113 : vector<16xi32>
      %gather3A_2116 = tpu.vector_load_idx %arg7[%add3A_1422, %get3A_2112] : memref<32x1024xi32, #tpu.memory_space<vmem>>[vector<16xi32>, vector<16xi32>], vector<16xi32>,
      %add3A_2117 = arith.addi %add3A_2110, %add3A_2110 : vector<16xi32>
      %add3A_2118 = arith.addi %add3A_2117, %gather3A_2116 : vector<16xi32>
      %get3A_2119 = arith.constant 1056 : index
      %get3A_2120 = tpu.vector_load %arg8[%get3A_2119] {strides = array<i32>} : memref<2048xi32, #tpu.memory_space<vmem>>, vector<16xi32>,
      %gather3A_2121 = tpu.vector_load_idx %arg7[%add3A_1418, %get3A_2120] : memref<32x1024xi32, #tpu.memory_space<vmem>>[vector<16xi32>, vector<16xi32>], vector<16xi32>,
      %add3A_2122 = arith.addi %add3A_2115, %add3A_2115 : vector<16xi32>
      %add3A_2123 = arith.addi %add3A_2122, %gather3A_2121 : vector<16xi32>
      %gather3A_2124 = tpu.vector_load_idx %arg7[%add3A_1422, %get3A_2120] : memref<32x1024xi32, #tpu.memory_space<vmem>>[vector<16xi32>, vector<16xi32>], vector<16xi32>,
      %add3A_2125 = arith.addi %add3A_2118, %add3A_2118 : vector<16xi32>
      %add3A_2126 = arith.addi %add3A_2125, %gather3A_2124 : vector<16xi32>
      %get3A_2127 = arith.constant 1072 : index
      %get3A_2128 = tpu.vector_load %arg8[%get3A_2127] {strides = array<i32>} : memref<2048xi32, #tpu.memory_space<vmem>>, vector<16xi32>,
      %gather3A_2129 = tpu.vector_load_idx %arg7[%add3A_1418, %get3A_2128] : memref<32x1024xi32, #tpu.memory_space<vmem>>[vector<16xi32>, vector<16xi32>], vector<16xi32>,
      %add3A_2130 = arith.addi %add3A_2123, %add3A_2123 : vector<16xi32>
      %add3A_2131 = arith.addi %add3A_2130, %gather3A_2129 : vector<16xi32>
      %gather3A_2132 = tpu.vector_load_idx %arg7[%add3A_1422, %get3A_2128] : memref<32x1024xi32, #tpu.memory_space<vmem>>[vector<16xi32>, vector<16xi32>], vector<16xi32>,
      %add3A_2133 = arith.addi %add3A_2126, %add3A_2126 : vector<16xi32>
      %add3A_2134 = arith.addi %add3A_2133, %gather3A_2132 : vector<16xi32>
      %get3A_2135 = arith.constant 1088 : index
      %get3A_2136 = tpu.vector_load %arg8[%get3A_2135] {strides = array<i32>} : memref<2048xi32, #tpu.memory_space<vmem>>, vector<16xi32>,
      %gather3A_2137 = tpu.vector_load_idx %arg7[%add3A_1418, %get3A_2136] : memref<32x1024xi32, #tpu.memory_space<vmem>>[vector<16xi32>, vector<16xi32>], vector<16xi32>,
      %add3A_2138 = arith.addi %add3A_2131, %add3A_2131 : vector<16xi32>
      %add3A_2139 = arith.addi %add3A_2138, %gather3A_2137 : vector<16xi32>
      %gather3A_2140 = tpu.vector_load_idx %arg7[%add3A_1422, %get3A_2136] : memref<32x1024xi32, #tpu.memory_space<vmem>>[vector<16xi32>, vector<16xi32>], vector<16xi32>,
      %add3A_2141 = arith.addi %add3A_2134, %add3A_2134 : vector<16xi32>
      %add3A_2142 = arith.addi %add3A_2141, %gather3A_2140 : vector<16xi32>
      %get3A_2143 = arith.constant 1104 : index
      %get3A_2144 = tpu.vector_load %arg8[%get3A_2143] {strides = array<i32>} : memref<2048xi32, #tpu.memory_space<vmem>>, vector<16xi32>,
      %gather3A_2145 = tpu.vector_load_idx %arg7[%add3A_1418, %get3A_2144] : memref<32x1024xi32, #tpu.memory_space<vmem>>[vector<16xi32>, vector<16xi32>], vector<16xi32>,
      %add3A_2146 = arith.addi %add3A_2139, %add3A_2139 : vector<16xi32>
      %add3A_2147 = arith.addi %add3A_2146, %gather3A_2145 : vector<16xi32>
      %gather3A_2148 = tpu.vector_load_idx %arg7[%add3A_1422, %get3A_2144] : memref<32x1024xi32, #tpu.memory_space<vmem>>[vector<16xi32>, vector<16xi32>], vector<16xi32>,
      %add3A_2149 = arith.addi %add3A_2142, %add3A_2142 : vector<16xi32>
      %add3A_2150 = arith.addi %add3A_2149, %gather3A_2148 : vector<16xi32>
      %get3A_2151 = arith.constant 1120 : index
      %get3A_2152 = tpu.vector_load %arg8[%get3A_2151] {strides = array<i32>} : memref<2048xi32, #tpu.memory_space<vmem>>, vector<16xi32>,
      %gather3A_2153 = tpu.vector_load_idx %arg7[%add3A_1418, %get3A_2152] : memref<32x1024xi32, #tpu.memory_space<vmem>>[vector<16xi32>, vector<16xi32>], vector<16xi32>,
      %add3A_2154 = arith.addi %add3A_2147, %add3A_2147 : vector<16xi32>
      %add3A_2155 = arith.addi %add3A_2154, %gather3A_2153 : vector<16xi32>
      %gather3A_2156 = tpu.vector_load_idx %arg7[%add3A_1422, %get3A_2152] : memref<32x1024xi32, #tpu.memory_space<vmem>>[vector<16xi32>, vector<16xi32>], vector<16xi32>,
      %add3A_2157 = arith.addi %add3A_2150, %add3A_2150 : vector<16xi32>
      %add3A_2158 = arith.addi %add3A_2157, %gather3A_2156 : vector<16xi32>
      %get3A_2159 = arith.constant 1136 : index
      %get3A_2160 = tpu.vector_load %arg8[%get3A_2159] {strides = array<i32>} : memref<2048xi32, #tpu.memory_space<vmem>>, vector<16xi32>,
      %gather3A_2161 = tpu.vector_load_idx %arg7[%add3A_1418, %get3A_2160] : memref<32x1024xi32, #tpu.memory_space<vmem>>[vector<16xi32>, vector<16xi32>], vector<16xi32>,
      %add3A_2162 = arith.addi %add3A_2155, %add3A_2155 : vector<16xi32>
      %add3A_2163 = arith.addi %add3A_2162, %gather3A_2161 : vector<16xi32>
      %gather3A_2164 = tpu.vector_load_idx %arg7[%add3A_1422, %get3A_2160] : memref<32x1024xi32, #tpu.memory_space<vmem>>[vector<16xi32>, vector<16xi32>], vector<16xi32>,
      %add3A_2165 = arith.addi %add3A_2158, %add3A_2158 : vector<16xi32>
      %add3A_2166 = arith.addi %add3A_2165, %gather3A_2164 : vector<16xi32>
      %add3A_2167 = arith.constant 2048 : i32
      %add3A_2168 = vector.broadcast %add3A_2167 : i32 to vector<16xi32>
      %add3A_2169 = arith.addi %add3A_2163, %add3A_2168 : vector<16xi32>
      %gather3A_2170 = tpu.vector_load_idx %arg9[%add3A_2169] : memref<4096xf32, #tpu.memory_space<vmem>>[vector<16xi32>], vector<16xf32>,
      %mul3A_2171 = arith.constant 1.280000e+02 : f32
      %mul3A_2172 = vector.broadcast %mul3A_2171 : f32 to vector<16xf32>
      %mul3A_2173 = arith.mulf %gather3A_2170, %mul3A_2172 : vector<16xf32>
      %add3A_2174 = arith.addf %add3A_2090, %mul3A_2173 : vector<16xf32>
      %add3A_2175 = arith.constant 2048 : i32
      %add3A_2176 = vector.broadcast %add3A_2175 : i32 to vector<16xi32>
      %add3A_2177 = arith.addi %add3A_2166, %add3A_2176 : vector<16xi32>
      %gather3A_2178 = tpu.vector_load_idx %arg9[%add3A_2177] : memref<4096xf32, #tpu.memory_space<vmem>>[vector<16xi32>], vector<16xf32>,
      %mul3A_2179 = arith.constant 1.280000e+02 : f32
      %mul3A_2180 = vector.broadcast %mul3A_2179 : f32 to vector<16xf32>
      %mul3A_2181 = arith.mulf %gather3A_2178, %mul3A_2180 : vector<16xf32>
      %add3A_2182 = arith.addf %add3A_2098, %mul3A_2181 : vector<16xf32>
      %broadcast_in_dim3A_2183 = arith.constant 0 : i32
      %broadcast_in_dim3A_2184 = vector.broadcast %broadcast_in_dim3A_2183 : i32 to vector<16xi32>
      %broadcast_in_dim3A_2185 = arith.constant 0 : i32
      %broadcast_in_dim3A_2186 = vector.broadcast %broadcast_in_dim3A_2185 : i32 to vector<16xi32>
      %get3A_2187 = arith.constant 1152 : index
      %get3A_2188 = tpu.vector_load %arg8[%get3A_2187] {strides = array<i32>} : memref<2048xi32, #tpu.memory_space<vmem>>, vector<16xi32>,
      %gather3A_2189 = tpu.vector_load_idx %arg7[%add3A_1418, %get3A_2188] : memref<32x1024xi32, #tpu.memory_space<vmem>>[vector<16xi32>, vector<16xi32>], vector<16xi32>,
      %add3A_2190 = arith.addi %broadcast_in_dim3A_2184, %broadcast_in_dim3A_2184 : vector<16xi32>
      %add3A_2191 = arith.addi %add3A_2190, %gather3A_2189 : vector<16xi32>
      %gather3A_2192 = tpu.vector_load_idx %arg7[%add3A_1422, %get3A_2188] : memref<32x1024xi32, #tpu.memory_space<vmem>>[vector<16xi32>, vector<16xi32>], vector<16xi32>,
      %add3A_2193 = arith.addi %broadcast_in_dim3A_2186, %broadcast_in_dim3A_2186 : vector<16xi32>
      %add3A_2194 = arith.addi %add3A_2193, %gather3A_2192 : vector<16xi32>
      %get3A_2195 = arith.constant 1168 : index
      %get3A_2196 = tpu.vector_load %arg8[%get3A_2195] {strides = array<i32>} : memref<2048xi32, #tpu.memory_space<vmem>>, vector<16xi32>,
      %gather3A_2197 = tpu.vector_load_idx %arg7[%add3A_1418, %get3A_2196] : memref<32x1024xi32, #tpu.memory_space<vmem>>[vector<16xi32>, vector<16xi32>], vector<16xi32>,
      %add3A_2198 = arith.addi %add3A_2191, %add3A_2191 : vector<16xi32>
      %add3A_2199 = arith.addi %add3A_2198, %gather3A_2197 : vector<16xi32>
      %gather3A_2200 = tpu.vector_load_idx %arg7[%add3A_1422, %get3A_2196] : memref<32x1024xi32, #tpu.memory_space<vmem>>[vector<16xi32>, vector<16xi32>], vector<16xi32>,
      %add3A_2201 = arith.addi %add3A_2194, %add3A_2194 : vector<16xi32>
      %add3A_2202 = arith.addi %add3A_2201, %gather3A_2200 : vector<16xi32>
      %get3A_2203 = arith.constant 1184 : index
      %get3A_2204 = tpu.vector_load %arg8[%get3A_2203] {strides = array<i32>} : memref<2048xi32, #tpu.memory_space<vmem>>, vector<16xi32>,
      %gather3A_2205 = tpu.vector_load_idx %arg7[%add3A_1418, %get3A_2204] : memref<32x1024xi32, #tpu.memory_space<vmem>>[vector<16xi32>, vector<16xi32>], vector<16xi32>,
      %add3A_2206 = arith.addi %add3A_2199, %add3A_2199 : vector<16xi32>
      %add3A_2207 = arith.addi %add3A_2206, %gather3A_2205 : vector<16xi32>
      %gather3A_2208 = tpu.vector_load_idx %arg7[%add3A_1422, %get3A_2204] : memref<32x1024xi32, #tpu.memory_space<vmem>>[vector<16xi32>, vector<16xi32>], vector<16xi32>,
      %add3A_2209 = arith.addi %add3A_2202, %add3A_2202 : vector<16xi32>
      %add3A_2210 = arith.addi %add3A_2209, %gather3A_2208 : vector<16xi32>
      %get3A_2211 = arith.constant 1200 : index
      %get3A_2212 = tpu.vector_load %arg8[%get3A_2211] {strides = array<i32>} : memref<2048xi32, #tpu.memory_space<vmem>>, vector<16xi32>,
      %gather3A_2213 = tpu.vector_load_idx %arg7[%add3A_1418, %get3A_2212] : memref<32x1024xi32, #tpu.memory_space<vmem>>[vector<16xi32>, vector<16xi32>], vector<16xi32>,
      %add3A_2214 = arith.addi %add3A_2207, %add3A_2207 : vector<16xi32>
      %add3A_2215 = arith.addi %add3A_2214, %gather3A_2213 : vector<16xi32>
      %gather3A_2216 = tpu.vector_load_idx %arg7[%add3A_1422, %get3A_2212] : memref<32x1024xi32, #tpu.memory_space<vmem>>[vector<16xi32>, vector<16xi32>], vector<16xi32>,
      %add3A_2217 = arith.addi %add3A_2210, %add3A_2210 : vector<16xi32>
      %add3A_2218 = arith.addi %add3A_2217, %gather3A_2216 : vector<16xi32>
      %get3A_2219 = arith.constant 1216 : index
      %get3A_2220 = tpu.vector_load %arg8[%get3A_2219] {strides = array<i32>} : memref<2048xi32, #tpu.memory_space<vmem>>, vector<16xi32>,
      %gather3A_2221 = tpu.vector_load_idx %arg7[%add3A_1418, %get3A_2220] : memref<32x1024xi32, #tpu.memory_space<vmem>>[vector<16xi32>, vector<16xi32>], vector<16xi32>,
      %add3A_2222 = arith.addi %add3A_2215, %add3A_2215 : vector<16xi32>
      %add3A_2223 = arith.addi %add3A_2222, %gather3A_2221 : vector<16xi32>
      %gather3A_2224 = tpu.vector_load_idx %arg7[%add3A_1422, %get3A_2220] : memref<32x1024xi32, #tpu.memory_space<vmem>>[vector<16xi32>, vector<16xi32>], vector<16xi32>,
      %add3A_2225 = arith.addi %add3A_2218, %add3A_2218 : vector<16xi32>
      %add3A_2226 = arith.addi %add3A_2225, %gather3A_2224 : vector<16xi32>
      %get3A_2227 = arith.constant 1232 : index
      %get3A_2228 = tpu.vector_load %arg8[%get3A_2227] {strides = array<i32>} : memref<2048xi32, #tpu.memory_space<vmem>>, vector<16xi32>,
      %gather3A_2229 = tpu.vector_load_idx %arg7[%add3A_1418, %get3A_2228] : memref<32x1024xi32, #tpu.memory_space<vmem>>[vector<16xi32>, vector<16xi32>], vector<16xi32>,
      %add3A_2230 = arith.addi %add3A_2223, %add3A_2223 : vector<16xi32>
      %add3A_2231 = arith.addi %add3A_2230, %gather3A_2229 : vector<16xi32>
      %gather3A_2232 = tpu.vector_load_idx %arg7[%add3A_1422, %get3A_2228] : memref<32x1024xi32, #tpu.memory_space<vmem>>[vector<16xi32>, vector<16xi32>], vector<16xi32>,
      %add3A_2233 = arith.addi %add3A_2226, %add3A_2226 : vector<16xi32>
      %add3A_2234 = arith.addi %add3A_2233, %gather3A_2232 : vector<16xi32>
      %get3A_2235 = arith.constant 1248 : index
      %get3A_2236 = tpu.vector_load %arg8[%get3A_2235] {strides = array<i32>} : memref<2048xi32, #tpu.memory_space<vmem>>, vector<16xi32>,
      %gather3A_2237 = tpu.vector_load_idx %arg7[%add3A_1418, %get3A_2236] : memref<32x1024xi32, #tpu.memory_space<vmem>>[vector<16xi32>, vector<16xi32>], vector<16xi32>,
      %add3A_2238 = arith.addi %add3A_2231, %add3A_2231 : vector<16xi32>
      %add3A_2239 = arith.addi %add3A_2238, %gather3A_2237 : vector<16xi32>
      %gather3A_2240 = tpu.vector_load_idx %arg7[%add3A_1422, %get3A_2236] : memref<32x1024xi32, #tpu.memory_space<vmem>>[vector<16xi32>, vector<16xi32>], vector<16xi32>,
      %add3A_2241 = arith.addi %add3A_2234, %add3A_2234 : vector<16xi32>
      %add3A_2242 = arith.addi %add3A_2241, %gather3A_2240 : vector<16xi32>
      %get3A_2243 = arith.constant 1264 : index
      %get3A_2244 = tpu.vector_load %arg8[%get3A_2243] {strides = array<i32>} : memref<2048xi32, #tpu.memory_space<vmem>>, vector<16xi32>,
      %gather3A_2245 = tpu.vector_load_idx %arg7[%add3A_1418, %get3A_2244] : memref<32x1024xi32, #tpu.memory_space<vmem>>[vector<16xi32>, vector<16xi32>], vector<16xi32>,
      %add3A_2246 = arith.addi %add3A_2239, %add3A_2239 : vector<16xi32>
      %add3A_2247 = arith.addi %add3A_2246, %gather3A_2245 : vector<16xi32>
      %gather3A_2248 = tpu.vector_load_idx %arg7[%add3A_1422, %get3A_2244] : memref<32x1024xi32, #tpu.memory_space<vmem>>[vector<16xi32>, vector<16xi32>], vector<16xi32>,
      %add3A_2249 = arith.addi %add3A_2242, %add3A_2242 : vector<16xi32>
      %add3A_2250 = arith.addi %add3A_2249, %gather3A_2248 : vector<16xi32>
      %add3A_2251 = arith.constant 2304 : i32
      %add3A_2252 = vector.broadcast %add3A_2251 : i32 to vector<16xi32>
      %add3A_2253 = arith.addi %add3A_2247, %add3A_2252 : vector<16xi32>
      %gather3A_2254 = tpu.vector_load_idx %arg9[%add3A_2253] : memref<4096xf32, #tpu.memory_space<vmem>>[vector<16xi32>], vector<16xf32>,
      %mul3A_2255 = arith.constant 6.400000e+01 : f32
      %mul3A_2256 = vector.broadcast %mul3A_2255 : f32 to vector<16xf32>
      %mul3A_2257 = arith.mulf %gather3A_2254, %mul3A_2256 : vector<16xf32>
      %add3A_2258 = arith.addf %add3A_2174, %mul3A_2257 : vector<16xf32>
      %add3A_2259 = arith.constant 2304 : i32
      %add3A_2260 = vector.broadcast %add3A_2259 : i32 to vector<16xi32>
      %add3A_2261 = arith.addi %add3A_2250, %add3A_2260 : vector<16xi32>
      %gather3A_2262 = tpu.vector_load_idx %arg9[%add3A_2261] : memref<4096xf32, #tpu.memory_space<vmem>>[vector<16xi32>], vector<16xf32>,
      %mul3A_2263 = arith.constant 6.400000e+01 : f32
      %mul3A_2264 = vector.broadcast %mul3A_2263 : f32 to vector<16xf32>
      %mul3A_2265 = arith.mulf %gather3A_2262, %mul3A_2264 : vector<16xf32>
      %add3A_2266 = arith.addf %add3A_2182, %mul3A_2265 : vector<16xf32>
      %broadcast_in_dim3A_2267 = arith.constant 0 : i32
      %broadcast_in_dim3A_2268 = vector.broadcast %broadcast_in_dim3A_2267 : i32 to vector<16xi32>
      %broadcast_in_dim3A_2269 = arith.constant 0 : i32
      %broadcast_in_dim3A_2270 = vector.broadcast %broadcast_in_dim3A_2269 : i32 to vector<16xi32>
      %get3A_2271 = arith.constant 1280 : index
      %get3A_2272 = tpu.vector_load %arg8[%get3A_2271] {strides = array<i32>} : memref<2048xi32, #tpu.memory_space<vmem>>, vector<16xi32>,
      %gather3A_2273 = tpu.vector_load_idx %arg7[%add3A_1418, %get3A_2272] : memref<32x1024xi32, #tpu.memory_space<vmem>>[vector<16xi32>, vector<16xi32>], vector<16xi32>,
      %add3A_2274 = arith.addi %broadcast_in_dim3A_2268, %broadcast_in_dim3A_2268 : vector<16xi32>
      %add3A_2275 = arith.addi %add3A_2274, %gather3A_2273 : vector<16xi32>
      %gather3A_2276 = tpu.vector_load_idx %arg7[%add3A_1422, %get3A_2272] : memref<32x1024xi32, #tpu.memory_space<vmem>>[vector<16xi32>, vector<16xi32>], vector<16xi32>,
      %add3A_2277 = arith.addi %broadcast_in_dim3A_2270, %broadcast_in_dim3A_2270 : vector<16xi32>
      %add3A_2278 = arith.addi %add3A_2277, %gather3A_2276 : vector<16xi32>
      %get3A_2279 = arith.constant 1296 : index
      %get3A_2280 = tpu.vector_load %arg8[%get3A_2279] {strides = array<i32>} : memref<2048xi32, #tpu.memory_space<vmem>>, vector<16xi32>,
      %gather3A_2281 = tpu.vector_load_idx %arg7[%add3A_1418, %get3A_2280] : memref<32x1024xi32, #tpu.memory_space<vmem>>[vector<16xi32>, vector<16xi32>], vector<16xi32>,
      %add3A_2282 = arith.addi %add3A_2275, %add3A_2275 : vector<16xi32>
      %add3A_2283 = arith.addi %add3A_2282, %gather3A_2281 : vector<16xi32>
      %gather3A_2284 = tpu.vector_load_idx %arg7[%add3A_1422, %get3A_2280] : memref<32x1024xi32, #tpu.memory_space<vmem>>[vector<16xi32>, vector<16xi32>], vector<16xi32>,
      %add3A_2285 = arith.addi %add3A_2278, %add3A_2278 : vector<16xi32>
      %add3A_2286 = arith.addi %add3A_2285, %gather3A_2284 : vector<16xi32>
      %get3A_2287 = arith.constant 1312 : index
      %get3A_2288 = tpu.vector_load %arg8[%get3A_2287] {strides = array<i32>} : memref<2048xi32, #tpu.memory_space<vmem>>, vector<16xi32>,
      %gather3A_2289 = tpu.vector_load_idx %arg7[%add3A_1418, %get3A_2288] : memref<32x1024xi32, #tpu.memory_space<vmem>>[vector<16xi32>, vector<16xi32>], vector<16xi32>,
      %add3A_2290 = arith.addi %add3A_2283, %add3A_2283 : vector<16xi32>
      %add3A_2291 = arith.addi %add3A_2290, %gather3A_2289 : vector<16xi32>
      %gather3A_2292 = tpu.vector_load_idx %arg7[%add3A_1422, %get3A_2288] : memref<32x1024xi32, #tpu.memory_space<vmem>>[vector<16xi32>, vector<16xi32>], vector<16xi32>,
      %add3A_2293 = arith.addi %add3A_2286, %add3A_2286 : vector<16xi32>
      %add3A_2294 = arith.addi %add3A_2293, %gather3A_2292 : vector<16xi32>
      %get3A_2295 = arith.constant 1328 : index
      %get3A_2296 = tpu.vector_load %arg8[%get3A_2295] {strides = array<i32>} : memref<2048xi32, #tpu.memory_space<vmem>>, vector<16xi32>,
      %gather3A_2297 = tpu.vector_load_idx %arg7[%add3A_1418, %get3A_2296] : memref<32x1024xi32, #tpu.memory_space<vmem>>[vector<16xi32>, vector<16xi32>], vector<16xi32>,
      %add3A_2298 = arith.addi %add3A_2291, %add3A_2291 : vector<16xi32>
      %add3A_2299 = arith.addi %add3A_2298, %gather3A_2297 : vector<16xi32>
      %gather3A_2300 = tpu.vector_load_idx %arg7[%add3A_1422, %get3A_2296] : memref<32x1024xi32, #tpu.memory_space<vmem>>[vector<16xi32>, vector<16xi32>], vector<16xi32>,
      %add3A_2301 = arith.addi %add3A_2294, %add3A_2294 : vector<16xi32>
      %add3A_2302 = arith.addi %add3A_2301, %gather3A_2300 : vector<16xi32>
      %get3A_2303 = arith.constant 1344 : index
      %get3A_2304 = tpu.vector_load %arg8[%get3A_2303] {strides = array<i32>} : memref<2048xi32, #tpu.memory_space<vmem>>, vector<16xi32>,
      %gather3A_2305 = tpu.vector_load_idx %arg7[%add3A_1418, %get3A_2304] : memref<32x1024xi32, #tpu.memory_space<vmem>>[vector<16xi32>, vector<16xi32>], vector<16xi32>,
      %add3A_2306 = arith.addi %add3A_2299, %add3A_2299 : vector<16xi32>
      %add3A_2307 = arith.addi %add3A_2306, %gather3A_2305 : vector<16xi32>
      %gather3A_2308 = tpu.vector_load_idx %arg7[%add3A_1422, %get3A_2304] : memref<32x1024xi32, #tpu.memory_space<vmem>>[vector<16xi32>, vector<16xi32>], vector<16xi32>,
      %add3A_2309 = arith.addi %add3A_2302, %add3A_2302 : vector<16xi32>
      %add3A_2310 = arith.addi %add3A_2309, %gather3A_2308 : vector<16xi32>
      %get3A_2311 = arith.constant 1360 : index
      %get3A_2312 = tpu.vector_load %arg8[%get3A_2311] {strides = array<i32>} : memref<2048xi32, #tpu.memory_space<vmem>>, vector<16xi32>,
      %gather3A_2313 = tpu.vector_load_idx %arg7[%add3A_1418, %get3A_2312] : memref<32x1024xi32, #tpu.memory_space<vmem>>[vector<16xi32>, vector<16xi32>], vector<16xi32>,
      %add3A_2314 = arith.addi %add3A_2307, %add3A_2307 : vector<16xi32>
      %add3A_2315 = arith.addi %add3A_2314, %gather3A_2313 : vector<16xi32>
      %gather3A_2316 = tpu.vector_load_idx %arg7[%add3A_1422, %get3A_2312] : memref<32x1024xi32, #tpu.memory_space<vmem>>[vector<16xi32>, vector<16xi32>], vector<16xi32>,
      %add3A_2317 = arith.addi %add3A_2310, %add3A_2310 : vector<16xi32>
      %add3A_2318 = arith.addi %add3A_2317, %gather3A_2316 : vector<16xi32>
      %get3A_2319 = arith.constant 1376 : index
      %get3A_2320 = tpu.vector_load %arg8[%get3A_2319] {strides = array<i32>} : memref<2048xi32, #tpu.memory_space<vmem>>, vector<16xi32>,
      %gather3A_2321 = tpu.vector_load_idx %arg7[%add3A_1418, %get3A_2320] : memref<32x1024xi32, #tpu.memory_space<vmem>>[vector<16xi32>, vector<16xi32>], vector<16xi32>,
      %add3A_2322 = arith.addi %add3A_2315, %add3A_2315 : vector<16xi32>
      %add3A_2323 = arith.addi %add3A_2322, %gather3A_2321 : vector<16xi32>
      %gather3A_2324 = tpu.vector_load_idx %arg7[%add3A_1422, %get3A_2320] : memref<32x1024xi32, #tpu.memory_space<vmem>>[vector<16xi32>, vector<16xi32>], vector<16xi32>,
      %add3A_2325 = arith.addi %add3A_2318, %add3A_2318 : vector<16xi32>
      %add3A_2326 = arith.addi %add3A_2325, %gather3A_2324 : vector<16xi32>
      %get3A_2327 = arith.constant 1392 : index
      %get3A_2328 = tpu.vector_load %arg8[%get3A_2327] {strides = array<i32>} : memref<2048xi32, #tpu.memory_space<vmem>>, vector<16xi32>,
      %gather3A_2329 = tpu.vector_load_idx %arg7[%add3A_1418, %get3A_2328] : memref<32x1024xi32, #tpu.memory_space<vmem>>[vector<16xi32>, vector<16xi32>], vector<16xi32>,
      %add3A_2330 = arith.addi %add3A_2323, %add3A_2323 : vector<16xi32>
      %add3A_2331 = arith.addi %add3A_2330, %gather3A_2329 : vector<16xi32>
      %gather3A_2332 = tpu.vector_load_idx %arg7[%add3A_1422, %get3A_2328] : memref<32x1024xi32, #tpu.memory_space<vmem>>[vector<16xi32>, vector<16xi32>], vector<16xi32>,
      %add3A_2333 = arith.addi %add3A_2326, %add3A_2326 : vector<16xi32>
      %add3A_2334 = arith.addi %add3A_2333, %gather3A_2332 : vector<16xi32>
      %add3A_2335 = arith.constant 2560 : i32
      %add3A_2336 = vector.broadcast %add3A_2335 : i32 to vector<16xi32>
      %add3A_2337 = arith.addi %add3A_2331, %add3A_2336 : vector<16xi32>
      %gather3A_2338 = tpu.vector_load_idx %arg9[%add3A_2337] : memref<4096xf32, #tpu.memory_space<vmem>>[vector<16xi32>], vector<16xf32>,
      %mul3A_2339 = arith.constant 3.200000e+01 : f32
      %mul3A_2340 = vector.broadcast %mul3A_2339 : f32 to vector<16xf32>
      %mul3A_2341 = arith.mulf %gather3A_2338, %mul3A_2340 : vector<16xf32>
      %add3A_2342 = arith.addf %add3A_2258, %mul3A_2341 : vector<16xf32>
      %add3A_2343 = arith.constant 2560 : i32
      %add3A_2344 = vector.broadcast %add3A_2343 : i32 to vector<16xi32>
      %add3A_2345 = arith.addi %add3A_2334, %add3A_2344 : vector<16xi32>
      %gather3A_2346 = tpu.vector_load_idx %arg9[%add3A_2345] : memref<4096xf32, #tpu.memory_space<vmem>>[vector<16xi32>], vector<16xf32>,
      %mul3A_2347 = arith.constant 3.200000e+01 : f32
      %mul3A_2348 = vector.broadcast %mul3A_2347 : f32 to vector<16xf32>
      %mul3A_2349 = arith.mulf %gather3A_2346, %mul3A_2348 : vector<16xf32>
      %add3A_2350 = arith.addf %add3A_2266, %mul3A_2349 : vector<16xf32>
      %broadcast_in_dim3A_2351 = arith.constant 0 : i32
      %broadcast_in_dim3A_2352 = vector.broadcast %broadcast_in_dim3A_2351 : i32 to vector<16xi32>
      %broadcast_in_dim3A_2353 = arith.constant 0 : i32
      %broadcast_in_dim3A_2354 = vector.broadcast %broadcast_in_dim3A_2353 : i32 to vector<16xi32>
      %get3A_2355 = arith.constant 1408 : index
      %get3A_2356 = tpu.vector_load %arg8[%get3A_2355] {strides = array<i32>} : memref<2048xi32, #tpu.memory_space<vmem>>, vector<16xi32>,
      %gather3A_2357 = tpu.vector_load_idx %arg7[%add3A_1418, %get3A_2356] : memref<32x1024xi32, #tpu.memory_space<vmem>>[vector<16xi32>, vector<16xi32>], vector<16xi32>,
      %add3A_2358 = arith.addi %broadcast_in_dim3A_2352, %broadcast_in_dim3A_2352 : vector<16xi32>
      %add3A_2359 = arith.addi %add3A_2358, %gather3A_2357 : vector<16xi32>
      %gather3A_2360 = tpu.vector_load_idx %arg7[%add3A_1422, %get3A_2356] : memref<32x1024xi32, #tpu.memory_space<vmem>>[vector<16xi32>, vector<16xi32>], vector<16xi32>,
      %add3A_2361 = arith.addi %broadcast_in_dim3A_2354, %broadcast_in_dim3A_2354 : vector<16xi32>
      %add3A_2362 = arith.addi %add3A_2361, %gather3A_2360 : vector<16xi32>
      %get3A_2363 = arith.constant 1424 : index
      %get3A_2364 = tpu.vector_load %arg8[%get3A_2363] {strides = array<i32>} : memref<2048xi32, #tpu.memory_space<vmem>>, vector<16xi32>,
      %gather3A_2365 = tpu.vector_load_idx %arg7[%add3A_1418, %get3A_2364] : memref<32x1024xi32, #tpu.memory_space<vmem>>[vector<16xi32>, vector<16xi32>], vector<16xi32>,
      %add3A_2366 = arith.addi %add3A_2359, %add3A_2359 : vector<16xi32>
      %add3A_2367 = arith.addi %add3A_2366, %gather3A_2365 : vector<16xi32>
      %gather3A_2368 = tpu.vector_load_idx %arg7[%add3A_1422, %get3A_2364] : memref<32x1024xi32, #tpu.memory_space<vmem>>[vector<16xi32>, vector<16xi32>], vector<16xi32>,
      %add3A_2369 = arith.addi %add3A_2362, %add3A_2362 : vector<16xi32>
      %add3A_2370 = arith.addi %add3A_2369, %gather3A_2368 : vector<16xi32>
      %get3A_2371 = arith.constant 1440 : index
      %get3A_2372 = tpu.vector_load %arg8[%get3A_2371] {strides = array<i32>} : memref<2048xi32, #tpu.memory_space<vmem>>, vector<16xi32>,
      %gather3A_2373 = tpu.vector_load_idx %arg7[%add3A_1418, %get3A_2372] : memref<32x1024xi32, #tpu.memory_space<vmem>>[vector<16xi32>, vector<16xi32>], vector<16xi32>,
      %add3A_2374 = arith.addi %add3A_2367, %add3A_2367 : vector<16xi32>
      %add3A_2375 = arith.addi %add3A_2374, %gather3A_2373 : vector<16xi32>
      %gather3A_2376 = tpu.vector_load_idx %arg7[%add3A_1422, %get3A_2372] : memref<32x1024xi32, #tpu.memory_space<vmem>>[vector<16xi32>, vector<16xi32>], vector<16xi32>,
      %add3A_2377 = arith.addi %add3A_2370, %add3A_2370 : vector<16xi32>
      %add3A_2378 = arith.addi %add3A_2377, %gather3A_2376 : vector<16xi32>
      %get3A_2379 = arith.constant 1456 : index
      %get3A_2380 = tpu.vector_load %arg8[%get3A_2379] {strides = array<i32>} : memref<2048xi32, #tpu.memory_space<vmem>>, vector<16xi32>,
      %gather3A_2381 = tpu.vector_load_idx %arg7[%add3A_1418, %get3A_2380] : memref<32x1024xi32, #tpu.memory_space<vmem>>[vector<16xi32>, vector<16xi32>], vector<16xi32>,
      %add3A_2382 = arith.addi %add3A_2375, %add3A_2375 : vector<16xi32>
      %add3A_2383 = arith.addi %add3A_2382, %gather3A_2381 : vector<16xi32>
      %gather3A_2384 = tpu.vector_load_idx %arg7[%add3A_1422, %get3A_2380] : memref<32x1024xi32, #tpu.memory_space<vmem>>[vector<16xi32>, vector<16xi32>], vector<16xi32>,
      %add3A_2385 = arith.addi %add3A_2378, %add3A_2378 : vector<16xi32>
      %add3A_2386 = arith.addi %add3A_2385, %gather3A_2384 : vector<16xi32>
      %get3A_2387 = arith.constant 1472 : index
      %get3A_2388 = tpu.vector_load %arg8[%get3A_2387] {strides = array<i32>} : memref<2048xi32, #tpu.memory_space<vmem>>, vector<16xi32>,
      %gather3A_2389 = tpu.vector_load_idx %arg7[%add3A_1418, %get3A_2388] : memref<32x1024xi32, #tpu.memory_space<vmem>>[vector<16xi32>, vector<16xi32>], vector<16xi32>,
      %add3A_2390 = arith.addi %add3A_2383, %add3A_2383 : vector<16xi32>
      %add3A_2391 = arith.addi %add3A_2390, %gather3A_2389 : vector<16xi32>
      %gather3A_2392 = tpu.vector_load_idx %arg7[%add3A_1422, %get3A_2388] : memref<32x1024xi32, #tpu.memory_space<vmem>>[vector<16xi32>, vector<16xi32>], vector<16xi32>,
      %add3A_2393 = arith.addi %add3A_2386, %add3A_2386 : vector<16xi32>
      %add3A_2394 = arith.addi %add3A_2393, %gather3A_2392 : vector<16xi32>
      %get3A_2395 = arith.constant 1488 : index
      %get3A_2396 = tpu.vector_load %arg8[%get3A_2395] {strides = array<i32>} : memref<2048xi32, #tpu.memory_space<vmem>>, vector<16xi32>,
      %gather3A_2397 = tpu.vector_load_idx %arg7[%add3A_1418, %get3A_2396] : memref<32x1024xi32, #tpu.memory_space<vmem>>[vector<16xi32>, vector<16xi32>], vector<16xi32>,
      %add3A_2398 = arith.addi %add3A_2391, %add3A_2391 : vector<16xi32>
      %add3A_2399 = arith.addi %add3A_2398, %gather3A_2397 : vector<16xi32>
      %gather3A_2400 = tpu.vector_load_idx %arg7[%add3A_1422, %get3A_2396] : memref<32x1024xi32, #tpu.memory_space<vmem>>[vector<16xi32>, vector<16xi32>], vector<16xi32>,
      %add3A_2401 = arith.addi %add3A_2394, %add3A_2394 : vector<16xi32>
      %add3A_2402 = arith.addi %add3A_2401, %gather3A_2400 : vector<16xi32>
      %get3A_2403 = arith.constant 1504 : index
      %get3A_2404 = tpu.vector_load %arg8[%get3A_2403] {strides = array<i32>} : memref<2048xi32, #tpu.memory_space<vmem>>, vector<16xi32>,
      %gather3A_2405 = tpu.vector_load_idx %arg7[%add3A_1418, %get3A_2404] : memref<32x1024xi32, #tpu.memory_space<vmem>>[vector<16xi32>, vector<16xi32>], vector<16xi32>,
      %add3A_2406 = arith.addi %add3A_2399, %add3A_2399 : vector<16xi32>
      %add3A_2407 = arith.addi %add3A_2406, %gather3A_2405 : vector<16xi32>
      %gather3A_2408 = tpu.vector_load_idx %arg7[%add3A_1422, %get3A_2404] : memref<32x1024xi32, #tpu.memory_space<vmem>>[vector<16xi32>, vector<16xi32>], vector<16xi32>,
      %add3A_2409 = arith.addi %add3A_2402, %add3A_2402 : vector<16xi32>
      %add3A_2410 = arith.addi %add3A_2409, %gather3A_2408 : vector<16xi32>
      %get3A_2411 = arith.constant 1520 : index
      %get3A_2412 = tpu.vector_load %arg8[%get3A_2411] {strides = array<i32>} : memref<2048xi32, #tpu.memory_space<vmem>>, vector<16xi32>,
      %gather3A_2413 = tpu.vector_load_idx %arg7[%add3A_1418, %get3A_2412] : memref<32x1024xi32, #tpu.memory_space<vmem>>[vector<16xi32>, vector<16xi32>], vector<16xi32>,
      %add3A_2414 = arith.addi %add3A_2407, %add3A_2407 : vector<16xi32>
      %add3A_2415 = arith.addi %add3A_2414, %gather3A_2413 : vector<16xi32>
      %gather3A_2416 = tpu.vector_load_idx %arg7[%add3A_1422, %get3A_2412] : memref<32x1024xi32, #tpu.memory_space<vmem>>[vector<16xi32>, vector<16xi32>], vector<16xi32>,
      %add3A_2417 = arith.addi %add3A_2410, %add3A_2410 : vector<16xi32>
      %add3A_2418 = arith.addi %add3A_2417, %gather3A_2416 : vector<16xi32>
      %add3A_2419 = arith.constant 2816 : i32
      %add3A_2420 = vector.broadcast %add3A_2419 : i32 to vector<16xi32>
      %add3A_2421 = arith.addi %add3A_2415, %add3A_2420 : vector<16xi32>
      %gather3A_2422 = tpu.vector_load_idx %arg9[%add3A_2421] : memref<4096xf32, #tpu.memory_space<vmem>>[vector<16xi32>], vector<16xf32>,
      %mul3A_2423 = arith.constant 1.600000e+01 : f32
      %mul3A_2424 = vector.broadcast %mul3A_2423 : f32 to vector<16xf32>
      %mul3A_2425 = arith.mulf %gather3A_2422, %mul3A_2424 : vector<16xf32>
      %add3A_2426 = arith.addf %add3A_2342, %mul3A_2425 : vector<16xf32>
      %add3A_2427 = arith.constant 2816 : i32
      %add3A_2428 = vector.broadcast %add3A_2427 : i32 to vector<16xi32>
      %add3A_2429 = arith.addi %add3A_2418, %add3A_2428 : vector<16xi32>
      %gather3A_2430 = tpu.vector_load_idx %arg9[%add3A_2429] : memref<4096xf32, #tpu.memory_space<vmem>>[vector<16xi32>], vector<16xf32>,
      %mul3A_2431 = arith.constant 1.600000e+01 : f32
      %mul3A_2432 = vector.broadcast %mul3A_2431 : f32 to vector<16xf32>
      %mul3A_2433 = arith.mulf %gather3A_2430, %mul3A_2432 : vector<16xf32>
      %add3A_2434 = arith.addf %add3A_2350, %mul3A_2433 : vector<16xf32>
      %broadcast_in_dim3A_2435 = arith.constant 0 : i32
      %broadcast_in_dim3A_2436 = vector.broadcast %broadcast_in_dim3A_2435 : i32 to vector<16xi32>
      %broadcast_in_dim3A_2437 = arith.constant 0 : i32
      %broadcast_in_dim3A_2438 = vector.broadcast %broadcast_in_dim3A_2437 : i32 to vector<16xi32>
      %get3A_2439 = arith.constant 1536 : index
      %get3A_2440 = tpu.vector_load %arg8[%get3A_2439] {strides = array<i32>} : memref<2048xi32, #tpu.memory_space<vmem>>, vector<16xi32>,
      %gather3A_2441 = tpu.vector_load_idx %arg7[%add3A_1418, %get3A_2440] : memref<32x1024xi32, #tpu.memory_space<vmem>>[vector<16xi32>, vector<16xi32>], vector<16xi32>,
      %add3A_2442 = arith.addi %broadcast_in_dim3A_2436, %broadcast_in_dim3A_2436 : vector<16xi32>
      %add3A_2443 = arith.addi %add3A_2442, %gather3A_2441 : vector<16xi32>
      %gather3A_2444 = tpu.vector_load_idx %arg7[%add3A_1422, %get3A_2440] : memref<32x1024xi32, #tpu.memory_space<vmem>>[vector<16xi32>, vector<16xi32>], vector<16xi32>,
      %add3A_2445 = arith.addi %broadcast_in_dim3A_2438, %broadcast_in_dim3A_2438 : vector<16xi32>
      %add3A_2446 = arith.addi %add3A_2445, %gather3A_2444 : vector<16xi32>
      %get3A_2447 = arith.constant 1552 : index
      %get3A_2448 = tpu.vector_load %arg8[%get3A_2447] {strides = array<i32>} : memref<2048xi32, #tpu.memory_space<vmem>>, vector<16xi32>,
      %gather3A_2449 = tpu.vector_load_idx %arg7[%add3A_1418, %get3A_2448] : memref<32x1024xi32, #tpu.memory_space<vmem>>[vector<16xi32>, vector<16xi32>], vector<16xi32>,
      %add3A_2450 = arith.addi %add3A_2443, %add3A_2443 : vector<16xi32>
      %add3A_2451 = arith.addi %add3A_2450, %gather3A_2449 : vector<16xi32>
      %gather3A_2452 = tpu.vector_load_idx %arg7[%add3A_1422, %get3A_2448] : memref<32x1024xi32, #tpu.memory_space<vmem>>[vector<16xi32>, vector<16xi32>], vector<16xi32>,
      %add3A_2453 = arith.addi %add3A_2446, %add3A_2446 : vector<16xi32>
      %add3A_2454 = arith.addi %add3A_2453, %gather3A_2452 : vector<16xi32>
      %get3A_2455 = arith.constant 1568 : index
      %get3A_2456 = tpu.vector_load %arg8[%get3A_2455] {strides = array<i32>} : memref<2048xi32, #tpu.memory_space<vmem>>, vector<16xi32>,
      %gather3A_2457 = tpu.vector_load_idx %arg7[%add3A_1418, %get3A_2456] : memref<32x1024xi32, #tpu.memory_space<vmem>>[vector<16xi32>, vector<16xi32>], vector<16xi32>,
      %add3A_2458 = arith.addi %add3A_2451, %add3A_2451 : vector<16xi32>
      %add3A_2459 = arith.addi %add3A_2458, %gather3A_2457 : vector<16xi32>
      %gather3A_2460 = tpu.vector_load_idx %arg7[%add3A_1422, %get3A_2456] : memref<32x1024xi32, #tpu.memory_space<vmem>>[vector<16xi32>, vector<16xi32>], vector<16xi32>,
      %add3A_2461 = arith.addi %add3A_2454, %add3A_2454 : vector<16xi32>
      %add3A_2462 = arith.addi %add3A_2461, %gather3A_2460 : vector<16xi32>
      %get3A_2463 = arith.constant 1584 : index
      %get3A_2464 = tpu.vector_load %arg8[%get3A_2463] {strides = array<i32>} : memref<2048xi32, #tpu.memory_space<vmem>>, vector<16xi32>,
      %gather3A_2465 = tpu.vector_load_idx %arg7[%add3A_1418, %get3A_2464] : memref<32x1024xi32, #tpu.memory_space<vmem>>[vector<16xi32>, vector<16xi32>], vector<16xi32>,
      %add3A_2466 = arith.addi %add3A_2459, %add3A_2459 : vector<16xi32>
      %add3A_2467 = arith.addi %add3A_2466, %gather3A_2465 : vector<16xi32>
      %gather3A_2468 = tpu.vector_load_idx %arg7[%add3A_1422, %get3A_2464] : memref<32x1024xi32, #tpu.memory_space<vmem>>[vector<16xi32>, vector<16xi32>], vector<16xi32>,
      %add3A_2469 = arith.addi %add3A_2462, %add3A_2462 : vector<16xi32>
      %add3A_2470 = arith.addi %add3A_2469, %gather3A_2468 : vector<16xi32>
      %get3A_2471 = arith.constant 1600 : index
      %get3A_2472 = tpu.vector_load %arg8[%get3A_2471] {strides = array<i32>} : memref<2048xi32, #tpu.memory_space<vmem>>, vector<16xi32>,
      %gather3A_2473 = tpu.vector_load_idx %arg7[%add3A_1418, %get3A_2472] : memref<32x1024xi32, #tpu.memory_space<vmem>>[vector<16xi32>, vector<16xi32>], vector<16xi32>,
      %add3A_2474 = arith.addi %add3A_2467, %add3A_2467 : vector<16xi32>
      %add3A_2475 = arith.addi %add3A_2474, %gather3A_2473 : vector<16xi32>
      %gather3A_2476 = tpu.vector_load_idx %arg7[%add3A_1422, %get3A_2472] : memref<32x1024xi32, #tpu.memory_space<vmem>>[vector<16xi32>, vector<16xi32>], vector<16xi32>,
      %add3A_2477 = arith.addi %add3A_2470, %add3A_2470 : vector<16xi32>
      %add3A_2478 = arith.addi %add3A_2477, %gather3A_2476 : vector<16xi32>
      %get3A_2479 = arith.constant 1616 : index
      %get3A_2480 = tpu.vector_load %arg8[%get3A_2479] {strides = array<i32>} : memref<2048xi32, #tpu.memory_space<vmem>>, vector<16xi32>,
      %gather3A_2481 = tpu.vector_load_idx %arg7[%add3A_1418, %get3A_2480] : memref<32x1024xi32, #tpu.memory_space<vmem>>[vector<16xi32>, vector<16xi32>], vector<16xi32>,
      %add3A_2482 = arith.addi %add3A_2475, %add3A_2475 : vector<16xi32>
      %add3A_2483 = arith.addi %add3A_2482, %gather3A_2481 : vector<16xi32>
      %gather3A_2484 = tpu.vector_load_idx %arg7[%add3A_1422, %get3A_2480] : memref<32x1024xi32, #tpu.memory_space<vmem>>[vector<16xi32>, vector<16xi32>], vector<16xi32>,
      %add3A_2485 = arith.addi %add3A_2478, %add3A_2478 : vector<16xi32>
      %add3A_2486 = arith.addi %add3A_2485, %gather3A_2484 : vector<16xi32>
      %get3A_2487 = arith.constant 1632 : index
      %get3A_2488 = tpu.vector_load %arg8[%get3A_2487] {strides = array<i32>} : memref<2048xi32, #tpu.memory_space<vmem>>, vector<16xi32>,
      %gather3A_2489 = tpu.vector_load_idx %arg7[%add3A_1418, %get3A_2488] : memref<32x1024xi32, #tpu.memory_space<vmem>>[vector<16xi32>, vector<16xi32>], vector<16xi32>,
      %add3A_2490 = arith.addi %add3A_2483, %add3A_2483 : vector<16xi32>
      %add3A_2491 = arith.addi %add3A_2490, %gather3A_2489 : vector<16xi32>
      %gather3A_2492 = tpu.vector_load_idx %arg7[%add3A_1422, %get3A_2488] : memref<32x1024xi32, #tpu.memory_space<vmem>>[vector<16xi32>, vector<16xi32>], vector<16xi32>,
      %add3A_2493 = arith.addi %add3A_2486, %add3A_2486 : vector<16xi32>
      %add3A_2494 = arith.addi %add3A_2493, %gather3A_2492 : vector<16xi32>
      %get3A_2495 = arith.constant 1648 : index
      %get3A_2496 = tpu.vector_load %arg8[%get3A_2495] {strides = array<i32>} : memref<2048xi32, #tpu.memory_space<vmem>>, vector<16xi32>,
      %gather3A_2497 = tpu.vector_load_idx %arg7[%add3A_1418, %get3A_2496] : memref<32x1024xi32, #tpu.memory_space<vmem>>[vector<16xi32>, vector<16xi32>], vector<16xi32>,
      %add3A_2498 = arith.addi %add3A_2491, %add3A_2491 : vector<16xi32>
      %add3A_2499 = arith.addi %add3A_2498, %gather3A_2497 : vector<16xi32>
      %gather3A_2500 = tpu.vector_load_idx %arg7[%add3A_1422, %get3A_2496] : memref<32x1024xi32, #tpu.memory_space<vmem>>[vector<16xi32>, vector<16xi32>], vector<16xi32>,
      %add3A_2501 = arith.addi %add3A_2494, %add3A_2494 : vector<16xi32>
      %add3A_2502 = arith.addi %add3A_2501, %gather3A_2500 : vector<16xi32>
      %add3A_2503 = arith.constant 3072 : i32
      %add3A_2504 = vector.broadcast %add3A_2503 : i32 to vector<16xi32>
      %add3A_2505 = arith.addi %add3A_2499, %add3A_2504 : vector<16xi32>
      %gather3A_2506 = tpu.vector_load_idx %arg9[%add3A_2505] : memref<4096xf32, #tpu.memory_space<vmem>>[vector<16xi32>], vector<16xf32>,
      %mul3A_2507 = arith.constant 8.000000e+00 : f32
      %mul3A_2508 = vector.broadcast %mul3A_2507 : f32 to vector<16xf32>
      %mul3A_2509 = arith.mulf %gather3A_2506, %mul3A_2508 : vector<16xf32>
      %add3A_2510 = arith.addf %add3A_2426, %mul3A_2509 : vector<16xf32>
      %add3A_2511 = arith.constant 3072 : i32
      %add3A_2512 = vector.broadcast %add3A_2511 : i32 to vector<16xi32>
      %add3A_2513 = arith.addi %add3A_2502, %add3A_2512 : vector<16xi32>
      %gather3A_2514 = tpu.vector_load_idx %arg9[%add3A_2513] : memref<4096xf32, #tpu.memory_space<vmem>>[vector<16xi32>], vector<16xf32>,
      %mul3A_2515 = arith.constant 8.000000e+00 : f32
      %mul3A_2516 = vector.broadcast %mul3A_2515 : f32 to vector<16xf32>
      %mul3A_2517 = arith.mulf %gather3A_2514, %mul3A_2516 : vector<16xf32>
      %add3A_2518 = arith.addf %add3A_2434, %mul3A_2517 : vector<16xf32>
      %broadcast_in_dim3A_2519 = arith.constant 0 : i32
      %broadcast_in_dim3A_2520 = vector.broadcast %broadcast_in_dim3A_2519 : i32 to vector<16xi32>
      %broadcast_in_dim3A_2521 = arith.constant 0 : i32
      %broadcast_in_dim3A_2522 = vector.broadcast %broadcast_in_dim3A_2521 : i32 to vector<16xi32>
      %get3A_2523 = arith.constant 1664 : index
      %get3A_2524 = tpu.vector_load %arg8[%get3A_2523] {strides = array<i32>} : memref<2048xi32, #tpu.memory_space<vmem>>, vector<16xi32>,
      %gather3A_2525 = tpu.vector_load_idx %arg7[%add3A_1418, %get3A_2524] : memref<32x1024xi32, #tpu.memory_space<vmem>>[vector<16xi32>, vector<16xi32>], vector<16xi32>,
      %add3A_2526 = arith.addi %broadcast_in_dim3A_2520, %broadcast_in_dim3A_2520 : vector<16xi32>
      %add3A_2527 = arith.addi %add3A_2526, %gather3A_2525 : vector<16xi32>
      %gather3A_2528 = tpu.vector_load_idx %arg7[%add3A_1422, %get3A_2524] : memref<32x1024xi32, #tpu.memory_space<vmem>>[vector<16xi32>, vector<16xi32>], vector<16xi32>,
      %add3A_2529 = arith.addi %broadcast_in_dim3A_2522, %broadcast_in_dim3A_2522 : vector<16xi32>
      %add3A_2530 = arith.addi %add3A_2529, %gather3A_2528 : vector<16xi32>
      %get3A_2531 = arith.constant 1680 : index
      %get3A_2532 = tpu.vector_load %arg8[%get3A_2531] {strides = array<i32>} : memref<2048xi32, #tpu.memory_space<vmem>>, vector<16xi32>,
      %gather3A_2533 = tpu.vector_load_idx %arg7[%add3A_1418, %get3A_2532] : memref<32x1024xi32, #tpu.memory_space<vmem>>[vector<16xi32>, vector<16xi32>], vector<16xi32>,
      %add3A_2534 = arith.addi %add3A_2527, %add3A_2527 : vector<16xi32>
      %add3A_2535 = arith.addi %add3A_2534, %gather3A_2533 : vector<16xi32>
      %gather3A_2536 = tpu.vector_load_idx %arg7[%add3A_1422, %get3A_2532] : memref<32x1024xi32, #tpu.memory_space<vmem>>[vector<16xi32>, vector<16xi32>], vector<16xi32>,
      %add3A_2537 = arith.addi %add3A_2530, %add3A_2530 : vector<16xi32>
      %add3A_2538 = arith.addi %add3A_2537, %gather3A_2536 : vector<16xi32>
      %get3A_2539 = arith.constant 1696 : index
      %get3A_2540 = tpu.vector_load %arg8[%get3A_2539] {strides = array<i32>} : memref<2048xi32, #tpu.memory_space<vmem>>, vector<16xi32>,
      %gather3A_2541 = tpu.vector_load_idx %arg7[%add3A_1418, %get3A_2540] : memref<32x1024xi32, #tpu.memory_space<vmem>>[vector<16xi32>, vector<16xi32>], vector<16xi32>,
      %add3A_2542 = arith.addi %add3A_2535, %add3A_2535 : vector<16xi32>
      %add3A_2543 = arith.addi %add3A_2542, %gather3A_2541 : vector<16xi32>
      %gather3A_2544 = tpu.vector_load_idx %arg7[%add3A_1422, %get3A_2540] : memref<32x1024xi32, #tpu.memory_space<vmem>>[vector<16xi32>, vector<16xi32>], vector<16xi32>,
      %add3A_2545 = arith.addi %add3A_2538, %add3A_2538 : vector<16xi32>
      %add3A_2546 = arith.addi %add3A_2545, %gather3A_2544 : vector<16xi32>
      %get3A_2547 = arith.constant 1712 : index
      %get3A_2548 = tpu.vector_load %arg8[%get3A_2547] {strides = array<i32>} : memref<2048xi32, #tpu.memory_space<vmem>>, vector<16xi32>,
      %gather3A_2549 = tpu.vector_load_idx %arg7[%add3A_1418, %get3A_2548] : memref<32x1024xi32, #tpu.memory_space<vmem>>[vector<16xi32>, vector<16xi32>], vector<16xi32>,
      %add3A_2550 = arith.addi %add3A_2543, %add3A_2543 : vector<16xi32>
      %add3A_2551 = arith.addi %add3A_2550, %gather3A_2549 : vector<16xi32>
      %gather3A_2552 = tpu.vector_load_idx %arg7[%add3A_1422, %get3A_2548] : memref<32x1024xi32, #tpu.memory_space<vmem>>[vector<16xi32>, vector<16xi32>], vector<16xi32>,
      %add3A_2553 = arith.addi %add3A_2546, %add3A_2546 : vector<16xi32>
      %add3A_2554 = arith.addi %add3A_2553, %gather3A_2552 : vector<16xi32>
      %get3A_2555 = arith.constant 1728 : index
      %get3A_2556 = tpu.vector_load %arg8[%get3A_2555] {strides = array<i32>} : memref<2048xi32, #tpu.memory_space<vmem>>, vector<16xi32>,
      %gather3A_2557 = tpu.vector_load_idx %arg7[%add3A_1418, %get3A_2556] : memref<32x1024xi32, #tpu.memory_space<vmem>>[vector<16xi32>, vector<16xi32>], vector<16xi32>,
      %add3A_2558 = arith.addi %add3A_2551, %add3A_2551 : vector<16xi32>
      %add3A_2559 = arith.addi %add3A_2558, %gather3A_2557 : vector<16xi32>
      %gather3A_2560 = tpu.vector_load_idx %arg7[%add3A_1422, %get3A_2556] : memref<32x1024xi32, #tpu.memory_space<vmem>>[vector<16xi32>, vector<16xi32>], vector<16xi32>,
      %add3A_2561 = arith.addi %add3A_2554, %add3A_2554 : vector<16xi32>
      %add3A_2562 = arith.addi %add3A_2561, %gather3A_2560 : vector<16xi32>
      %get3A_2563 = arith.constant 1744 : index
      %get3A_2564 = tpu.vector_load %arg8[%get3A_2563] {strides = array<i32>} : memref<2048xi32, #tpu.memory_space<vmem>>, vector<16xi32>,
      %gather3A_2565 = tpu.vector_load_idx %arg7[%add3A_1418, %get3A_2564] : memref<32x1024xi32, #tpu.memory_space<vmem>>[vector<16xi32>, vector<16xi32>], vector<16xi32>,
      %add3A_2566 = arith.addi %add3A_2559, %add3A_2559 : vector<16xi32>
      %add3A_2567 = arith.addi %add3A_2566, %gather3A_2565 : vector<16xi32>
      %gather3A_2568 = tpu.vector_load_idx %arg7[%add3A_1422, %get3A_2564] : memref<32x1024xi32, #tpu.memory_space<vmem>>[vector<16xi32>, vector<16xi32>], vector<16xi32>,
      %add3A_2569 = arith.addi %add3A_2562, %add3A_2562 : vector<16xi32>
      %add3A_2570 = arith.addi %add3A_2569, %gather3A_2568 : vector<16xi32>
      %get3A_2571 = arith.constant 1760 : index
      %get3A_2572 = tpu.vector_load %arg8[%get3A_2571] {strides = array<i32>} : memref<2048xi32, #tpu.memory_space<vmem>>, vector<16xi32>,
      %gather3A_2573 = tpu.vector_load_idx %arg7[%add3A_1418, %get3A_2572] : memref<32x1024xi32, #tpu.memory_space<vmem>>[vector<16xi32>, vector<16xi32>], vector<16xi32>,
      %add3A_2574 = arith.addi %add3A_2567, %add3A_2567 : vector<16xi32>
      %add3A_2575 = arith.addi %add3A_2574, %gather3A_2573 : vector<16xi32>
      %gather3A_2576 = tpu.vector_load_idx %arg7[%add3A_1422, %get3A_2572] : memref<32x1024xi32, #tpu.memory_space<vmem>>[vector<16xi32>, vector<16xi32>], vector<16xi32>,
      %add3A_2577 = arith.addi %add3A_2570, %add3A_2570 : vector<16xi32>
      %add3A_2578 = arith.addi %add3A_2577, %gather3A_2576 : vector<16xi32>
      %get3A_2579 = arith.constant 1776 : index
      %get3A_2580 = tpu.vector_load %arg8[%get3A_2579] {strides = array<i32>} : memref<2048xi32, #tpu.memory_space<vmem>>, vector<16xi32>,
      %gather3A_2581 = tpu.vector_load_idx %arg7[%add3A_1418, %get3A_2580] : memref<32x1024xi32, #tpu.memory_space<vmem>>[vector<16xi32>, vector<16xi32>], vector<16xi32>,
      %add3A_2582 = arith.addi %add3A_2575, %add3A_2575 : vector<16xi32>
      %add3A_2583 = arith.addi %add3A_2582, %gather3A_2581 : vector<16xi32>
      %gather3A_2584 = tpu.vector_load_idx %arg7[%add3A_1422, %get3A_2580] : memref<32x1024xi32, #tpu.memory_space<vmem>>[vector<16xi32>, vector<16xi32>], vector<16xi32>,
      %add3A_2585 = arith.addi %add3A_2578, %add3A_2578 : vector<16xi32>
      %add3A_2586 = arith.addi %add3A_2585, %gather3A_2584 : vector<16xi32>
      %add3A_2587 = arith.constant 3328 : i32
      %add3A_2588 = vector.broadcast %add3A_2587 : i32 to vector<16xi32>
      %add3A_2589 = arith.addi %add3A_2583, %add3A_2588 : vector<16xi32>
      %gather3A_2590 = tpu.vector_load_idx %arg9[%add3A_2589] : memref<4096xf32, #tpu.memory_space<vmem>>[vector<16xi32>], vector<16xf32>,
      %mul3A_2591 = arith.constant 4.000000e+00 : f32
      %mul3A_2592 = vector.broadcast %mul3A_2591 : f32 to vector<16xf32>
      %mul3A_2593 = arith.mulf %gather3A_2590, %mul3A_2592 : vector<16xf32>
      %add3A_2594 = arith.addf %add3A_2510, %mul3A_2593 : vector<16xf32>
      %add3A_2595 = arith.constant 3328 : i32
      %add3A_2596 = vector.broadcast %add3A_2595 : i32 to vector<16xi32>
      %add3A_2597 = arith.addi %add3A_2586, %add3A_2596 : vector<16xi32>
      %gather3A_2598 = tpu.vector_load_idx %arg9[%add3A_2597] : memref<4096xf32, #tpu.memory_space<vmem>>[vector<16xi32>], vector<16xf32>,
      %mul3A_2599 = arith.constant 4.000000e+00 : f32
      %mul3A_2600 = vector.broadcast %mul3A_2599 : f32 to vector<16xf32>
      %mul3A_2601 = arith.mulf %gather3A_2598, %mul3A_2600 : vector<16xf32>
      %add3A_2602 = arith.addf %add3A_2518, %mul3A_2601 : vector<16xf32>
      %broadcast_in_dim3A_2603 = arith.constant 0 : i32
      %broadcast_in_dim3A_2604 = vector.broadcast %broadcast_in_dim3A_2603 : i32 to vector<16xi32>
      %broadcast_in_dim3A_2605 = arith.constant 0 : i32
      %broadcast_in_dim3A_2606 = vector.broadcast %broadcast_in_dim3A_2605 : i32 to vector<16xi32>
      %get3A_2607 = arith.constant 1792 : index
      %get3A_2608 = tpu.vector_load %arg8[%get3A_2607] {strides = array<i32>} : memref<2048xi32, #tpu.memory_space<vmem>>, vector<16xi32>,
      %gather3A_2609 = tpu.vector_load_idx %arg7[%add3A_1418, %get3A_2608] : memref<32x1024xi32, #tpu.memory_space<vmem>>[vector<16xi32>, vector<16xi32>], vector<16xi32>,
      %add3A_2610 = arith.addi %broadcast_in_dim3A_2604, %broadcast_in_dim3A_2604 : vector<16xi32>
      %add3A_2611 = arith.addi %add3A_2610, %gather3A_2609 : vector<16xi32>
      %gather3A_2612 = tpu.vector_load_idx %arg7[%add3A_1422, %get3A_2608] : memref<32x1024xi32, #tpu.memory_space<vmem>>[vector<16xi32>, vector<16xi32>], vector<16xi32>,
      %add3A_2613 = arith.addi %broadcast_in_dim3A_2606, %broadcast_in_dim3A_2606 : vector<16xi32>
      %add3A_2614 = arith.addi %add3A_2613, %gather3A_2612 : vector<16xi32>
      %get3A_2615 = arith.constant 1808 : index
      %get3A_2616 = tpu.vector_load %arg8[%get3A_2615] {strides = array<i32>} : memref<2048xi32, #tpu.memory_space<vmem>>, vector<16xi32>,
      %gather3A_2617 = tpu.vector_load_idx %arg7[%add3A_1418, %get3A_2616] : memref<32x1024xi32, #tpu.memory_space<vmem>>[vector<16xi32>, vector<16xi32>], vector<16xi32>,
      %add3A_2618 = arith.addi %add3A_2611, %add3A_2611 : vector<16xi32>
      %add3A_2619 = arith.addi %add3A_2618, %gather3A_2617 : vector<16xi32>
      %gather3A_2620 = tpu.vector_load_idx %arg7[%add3A_1422, %get3A_2616] : memref<32x1024xi32, #tpu.memory_space<vmem>>[vector<16xi32>, vector<16xi32>], vector<16xi32>,
      %add3A_2621 = arith.addi %add3A_2614, %add3A_2614 : vector<16xi32>
      %add3A_2622 = arith.addi %add3A_2621, %gather3A_2620 : vector<16xi32>
      %get3A_2623 = arith.constant 1824 : index
      %get3A_2624 = tpu.vector_load %arg8[%get3A_2623] {strides = array<i32>} : memref<2048xi32, #tpu.memory_space<vmem>>, vector<16xi32>,
      %gather3A_2625 = tpu.vector_load_idx %arg7[%add3A_1418, %get3A_2624] : memref<32x1024xi32, #tpu.memory_space<vmem>>[vector<16xi32>, vector<16xi32>], vector<16xi32>,
      %add3A_2626 = arith.addi %add3A_2619, %add3A_2619 : vector<16xi32>
      %add3A_2627 = arith.addi %add3A_2626, %gather3A_2625 : vector<16xi32>
      %gather3A_2628 = tpu.vector_load_idx %arg7[%add3A_1422, %get3A_2624] : memref<32x1024xi32, #tpu.memory_space<vmem>>[vector<16xi32>, vector<16xi32>], vector<16xi32>,
      %add3A_2629 = arith.addi %add3A_2622, %add3A_2622 : vector<16xi32>
      %add3A_2630 = arith.addi %add3A_2629, %gather3A_2628 : vector<16xi32>
      %get3A_2631 = arith.constant 1840 : index
      %get3A_2632 = tpu.vector_load %arg8[%get3A_2631] {strides = array<i32>} : memref<2048xi32, #tpu.memory_space<vmem>>, vector<16xi32>,
      %gather3A_2633 = tpu.vector_load_idx %arg7[%add3A_1418, %get3A_2632] : memref<32x1024xi32, #tpu.memory_space<vmem>>[vector<16xi32>, vector<16xi32>], vector<16xi32>,
      %add3A_2634 = arith.addi %add3A_2627, %add3A_2627 : vector<16xi32>
      %add3A_2635 = arith.addi %add3A_2634, %gather3A_2633 : vector<16xi32>
      %gather3A_2636 = tpu.vector_load_idx %arg7[%add3A_1422, %get3A_2632] : memref<32x1024xi32, #tpu.memory_space<vmem>>[vector<16xi32>, vector<16xi32>], vector<16xi32>,
      %add3A_2637 = arith.addi %add3A_2630, %add3A_2630 : vector<16xi32>
      %add3A_2638 = arith.addi %add3A_2637, %gather3A_2636 : vector<16xi32>
      %get3A_2639 = arith.constant 1856 : index
      %get3A_2640 = tpu.vector_load %arg8[%get3A_2639] {strides = array<i32>} : memref<2048xi32, #tpu.memory_space<vmem>>, vector<16xi32>,
      %gather3A_2641 = tpu.vector_load_idx %arg7[%add3A_1418, %get3A_2640] : memref<32x1024xi32, #tpu.memory_space<vmem>>[vector<16xi32>, vector<16xi32>], vector<16xi32>,
      %add3A_2642 = arith.addi %add3A_2635, %add3A_2635 : vector<16xi32>
      %add3A_2643 = arith.addi %add3A_2642, %gather3A_2641 : vector<16xi32>
      %gather3A_2644 = tpu.vector_load_idx %arg7[%add3A_1422, %get3A_2640] : memref<32x1024xi32, #tpu.memory_space<vmem>>[vector<16xi32>, vector<16xi32>], vector<16xi32>,
      %add3A_2645 = arith.addi %add3A_2638, %add3A_2638 : vector<16xi32>
      %add3A_2646 = arith.addi %add3A_2645, %gather3A_2644 : vector<16xi32>
      %get3A_2647 = arith.constant 1872 : index
      %get3A_2648 = tpu.vector_load %arg8[%get3A_2647] {strides = array<i32>} : memref<2048xi32, #tpu.memory_space<vmem>>, vector<16xi32>,
      %gather3A_2649 = tpu.vector_load_idx %arg7[%add3A_1418, %get3A_2648] : memref<32x1024xi32, #tpu.memory_space<vmem>>[vector<16xi32>, vector<16xi32>], vector<16xi32>,
      %add3A_2650 = arith.addi %add3A_2643, %add3A_2643 : vector<16xi32>
      %add3A_2651 = arith.addi %add3A_2650, %gather3A_2649 : vector<16xi32>
      %gather3A_2652 = tpu.vector_load_idx %arg7[%add3A_1422, %get3A_2648] : memref<32x1024xi32, #tpu.memory_space<vmem>>[vector<16xi32>, vector<16xi32>], vector<16xi32>,
      %add3A_2653 = arith.addi %add3A_2646, %add3A_2646 : vector<16xi32>
      %add3A_2654 = arith.addi %add3A_2653, %gather3A_2652 : vector<16xi32>
      %get3A_2655 = arith.constant 1888 : index
      %get3A_2656 = tpu.vector_load %arg8[%get3A_2655] {strides = array<i32>} : memref<2048xi32, #tpu.memory_space<vmem>>, vector<16xi32>,
      %gather3A_2657 = tpu.vector_load_idx %arg7[%add3A_1418, %get3A_2656] : memref<32x1024xi32, #tpu.memory_space<vmem>>[vector<16xi32>, vector<16xi32>], vector<16xi32>,
      %add3A_2658 = arith.addi %add3A_2651, %add3A_2651 : vector<16xi32>
      %add3A_2659 = arith.addi %add3A_2658, %gather3A_2657 : vector<16xi32>
      %gather3A_2660 = tpu.vector_load_idx %arg7[%add3A_1422, %get3A_2656] : memref<32x1024xi32, #tpu.memory_space<vmem>>[vector<16xi32>, vector<16xi32>], vector<16xi32>,
      %add3A_2661 = arith.addi %add3A_2654, %add3A_2654 : vector<16xi32>
      %add3A_2662 = arith.addi %add3A_2661, %gather3A_2660 : vector<16xi32>
      %get3A_2663 = arith.constant 1904 : index
      %get3A_2664 = tpu.vector_load %arg8[%get3A_2663] {strides = array<i32>} : memref<2048xi32, #tpu.memory_space<vmem>>, vector<16xi32>,
      %gather3A_2665 = tpu.vector_load_idx %arg7[%add3A_1418, %get3A_2664] : memref<32x1024xi32, #tpu.memory_space<vmem>>[vector<16xi32>, vector<16xi32>], vector<16xi32>,
      %add3A_2666 = arith.addi %add3A_2659, %add3A_2659 : vector<16xi32>
      %add3A_2667 = arith.addi %add3A_2666, %gather3A_2665 : vector<16xi32>
      %gather3A_2668 = tpu.vector_load_idx %arg7[%add3A_1422, %get3A_2664] : memref<32x1024xi32, #tpu.memory_space<vmem>>[vector<16xi32>, vector<16xi32>], vector<16xi32>,
      %add3A_2669 = arith.addi %add3A_2662, %add3A_2662 : vector<16xi32>
      %add3A_2670 = arith.addi %add3A_2669, %gather3A_2668 : vector<16xi32>
      %add3A_2671 = arith.constant 3584 : i32
      %add3A_2672 = vector.broadcast %add3A_2671 : i32 to vector<16xi32>
      %add3A_2673 = arith.addi %add3A_2667, %add3A_2672 : vector<16xi32>
      %gather3A_2674 = tpu.vector_load_idx %arg9[%add3A_2673] : memref<4096xf32, #tpu.memory_space<vmem>>[vector<16xi32>], vector<16xf32>,
      %mul3A_2675 = arith.constant 2.000000e+00 : f32
      %mul3A_2676 = vector.broadcast %mul3A_2675 : f32 to vector<16xf32>
      %mul3A_2677 = arith.mulf %gather3A_2674, %mul3A_2676 : vector<16xf32>
      %add3A_2678 = arith.addf %add3A_2594, %mul3A_2677 : vector<16xf32>
      %add3A_2679 = arith.constant 3584 : i32
      %add3A_2680 = vector.broadcast %add3A_2679 : i32 to vector<16xi32>
      %add3A_2681 = arith.addi %add3A_2670, %add3A_2680 : vector<16xi32>
      %gather3A_2682 = tpu.vector_load_idx %arg9[%add3A_2681] : memref<4096xf32, #tpu.memory_space<vmem>>[vector<16xi32>], vector<16xf32>,
      %mul3A_2683 = arith.constant 2.000000e+00 : f32
      %mul3A_2684 = vector.broadcast %mul3A_2683 : f32 to vector<16xf32>
      %mul3A_2685 = arith.mulf %gather3A_2682, %mul3A_2684 : vector<16xf32>
      %add3A_2686 = arith.addf %add3A_2602, %mul3A_2685 : vector<16xf32>
      %broadcast_in_dim3A_2687 = arith.constant 0 : i32
      %broadcast_in_dim3A_2688 = vector.broadcast %broadcast_in_dim3A_2687 : i32 to vector<16xi32>
      %broadcast_in_dim3A_2689 = arith.constant 0 : i32
      %broadcast_in_dim3A_2690 = vector.broadcast %broadcast_in_dim3A_2689 : i32 to vector<16xi32>
      %get3A_2691 = arith.constant 1920 : index
      %get3A_2692 = tpu.vector_load %arg8[%get3A_2691] {strides = array<i32>} : memref<2048xi32, #tpu.memory_space<vmem>>, vector<16xi32>,
      %gather3A_2693 = tpu.vector_load_idx %arg7[%add3A_1418, %get3A_2692] : memref<32x1024xi32, #tpu.memory_space<vmem>>[vector<16xi32>, vector<16xi32>], vector<16xi32>,
      %add3A_2694 = arith.addi %broadcast_in_dim3A_2688, %broadcast_in_dim3A_2688 : vector<16xi32>
      %add3A_2695 = arith.addi %add3A_2694, %gather3A_2693 : vector<16xi32>
      %gather3A_2696 = tpu.vector_load_idx %arg7[%add3A_1422, %get3A_2692] : memref<32x1024xi32, #tpu.memory_space<vmem>>[vector<16xi32>, vector<16xi32>], vector<16xi32>,
      %add3A_2697 = arith.addi %broadcast_in_dim3A_2690, %broadcast_in_dim3A_2690 : vector<16xi32>
      %add3A_2698 = arith.addi %add3A_2697, %gather3A_2696 : vector<16xi32>
      %get3A_2699 = arith.constant 1936 : index
      %get3A_2700 = tpu.vector_load %arg8[%get3A_2699] {strides = array<i32>} : memref<2048xi32, #tpu.memory_space<vmem>>, vector<16xi32>,
      %gather3A_2701 = tpu.vector_load_idx %arg7[%add3A_1418, %get3A_2700] : memref<32x1024xi32, #tpu.memory_space<vmem>>[vector<16xi32>, vector<16xi32>], vector<16xi32>,
      %add3A_2702 = arith.addi %add3A_2695, %add3A_2695 : vector<16xi32>
      %add3A_2703 = arith.addi %add3A_2702, %gather3A_2701 : vector<16xi32>
      %gather3A_2704 = tpu.vector_load_idx %arg7[%add3A_1422, %get3A_2700] : memref<32x1024xi32, #tpu.memory_space<vmem>>[vector<16xi32>, vector<16xi32>], vector<16xi32>,
      %add3A_2705 = arith.addi %add3A_2698, %add3A_2698 : vector<16xi32>
      %add3A_2706 = arith.addi %add3A_2705, %gather3A_2704 : vector<16xi32>
      %get3A_2707 = arith.constant 1952 : index
      %get3A_2708 = tpu.vector_load %arg8[%get3A_2707] {strides = array<i32>} : memref<2048xi32, #tpu.memory_space<vmem>>, vector<16xi32>,
      %gather3A_2709 = tpu.vector_load_idx %arg7[%add3A_1418, %get3A_2708] : memref<32x1024xi32, #tpu.memory_space<vmem>>[vector<16xi32>, vector<16xi32>], vector<16xi32>,
      %add3A_2710 = arith.addi %add3A_2703, %add3A_2703 : vector<16xi32>
      %add3A_2711 = arith.addi %add3A_2710, %gather3A_2709 : vector<16xi32>
      %gather3A_2712 = tpu.vector_load_idx %arg7[%add3A_1422, %get3A_2708] : memref<32x1024xi32, #tpu.memory_space<vmem>>[vector<16xi32>, vector<16xi32>], vector<16xi32>,
      %add3A_2713 = arith.addi %add3A_2706, %add3A_2706 : vector<16xi32>
      %add3A_2714 = arith.addi %add3A_2713, %gather3A_2712 : vector<16xi32>
      %get3A_2715 = arith.constant 1968 : index
      %get3A_2716 = tpu.vector_load %arg8[%get3A_2715] {strides = array<i32>} : memref<2048xi32, #tpu.memory_space<vmem>>, vector<16xi32>,
      %gather3A_2717 = tpu.vector_load_idx %arg7[%add3A_1418, %get3A_2716] : memref<32x1024xi32, #tpu.memory_space<vmem>>[vector<16xi32>, vector<16xi32>], vector<16xi32>,
      %add3A_2718 = arith.addi %add3A_2711, %add3A_2711 : vector<16xi32>
      %add3A_2719 = arith.addi %add3A_2718, %gather3A_2717 : vector<16xi32>
      %gather3A_2720 = tpu.vector_load_idx %arg7[%add3A_1422, %get3A_2716] : memref<32x1024xi32, #tpu.memory_space<vmem>>[vector<16xi32>, vector<16xi32>], vector<16xi32>,
      %add3A_2721 = arith.addi %add3A_2714, %add3A_2714 : vector<16xi32>
      %add3A_2722 = arith.addi %add3A_2721, %gather3A_2720 : vector<16xi32>
      %get3A_2723 = arith.constant 1984 : index
      %get3A_2724 = tpu.vector_load %arg8[%get3A_2723] {strides = array<i32>} : memref<2048xi32, #tpu.memory_space<vmem>>, vector<16xi32>,
      %gather3A_2725 = tpu.vector_load_idx %arg7[%add3A_1418, %get3A_2724] : memref<32x1024xi32, #tpu.memory_space<vmem>>[vector<16xi32>, vector<16xi32>], vector<16xi32>,
      %add3A_2726 = arith.addi %add3A_2719, %add3A_2719 : vector<16xi32>
      %add3A_2727 = arith.addi %add3A_2726, %gather3A_2725 : vector<16xi32>
      %gather3A_2728 = tpu.vector_load_idx %arg7[%add3A_1422, %get3A_2724] : memref<32x1024xi32, #tpu.memory_space<vmem>>[vector<16xi32>, vector<16xi32>], vector<16xi32>,
      %add3A_2729 = arith.addi %add3A_2722, %add3A_2722 : vector<16xi32>
      %add3A_2730 = arith.addi %add3A_2729, %gather3A_2728 : vector<16xi32>
      %get3A_2731 = arith.constant 2000 : index
      %get3A_2732 = tpu.vector_load %arg8[%get3A_2731] {strides = array<i32>} : memref<2048xi32, #tpu.memory_space<vmem>>, vector<16xi32>,
      %gather3A_2733 = tpu.vector_load_idx %arg7[%add3A_1418, %get3A_2732] : memref<32x1024xi32, #tpu.memory_space<vmem>>[vector<16xi32>, vector<16xi32>], vector<16xi32>,
      %add3A_2734 = arith.addi %add3A_2727, %add3A_2727 : vector<16xi32>
      %add3A_2735 = arith.addi %add3A_2734, %gather3A_2733 : vector<16xi32>
      %gather3A_2736 = tpu.vector_load_idx %arg7[%add3A_1422, %get3A_2732] : memref<32x1024xi32, #tpu.memory_space<vmem>>[vector<16xi32>, vector<16xi32>], vector<16xi32>,
      %add3A_2737 = arith.addi %add3A_2730, %add3A_2730 : vector<16xi32>
      %add3A_2738 = arith.addi %add3A_2737, %gather3A_2736 : vector<16xi32>
      %get3A_2739 = arith.constant 2016 : index
      %get3A_2740 = tpu.vector_load %arg8[%get3A_2739] {strides = array<i32>} : memref<2048xi32, #tpu.memory_space<vmem>>, vector<16xi32>,
      %gather3A_2741 = tpu.vector_load_idx %arg7[%add3A_1418, %get3A_2740] : memref<32x1024xi32, #tpu.memory_space<vmem>>[vector<16xi32>, vector<16xi32>], vector<16xi32>,
      %add3A_2742 = arith.addi %add3A_2735, %add3A_2735 : vector<16xi32>
      %add3A_2743 = arith.addi %add3A_2742, %gather3A_2741 : vector<16xi32>
      %gather3A_2744 = tpu.vector_load_idx %arg7[%add3A_1422, %get3A_2740] : memref<32x1024xi32, #tpu.memory_space<vmem>>[vector<16xi32>, vector<16xi32>], vector<16xi32>,
      %add3A_2745 = arith.addi %add3A_2738, %add3A_2738 : vector<16xi32>
      %add3A_2746 = arith.addi %add3A_2745, %gather3A_2744 : vector<16xi32>
      %get3A_2747 = arith.constant 2032 : index
      %get3A_2748 = tpu.vector_load %arg8[%get3A_2747] {strides = array<i32>} : memref<2048xi32, #tpu.memory_space<vmem>>, vector<16xi32>,
      %gather3A_2749 = tpu.vector_load_idx %arg7[%add3A_1418, %get3A_2748] : memref<32x1024xi32, #tpu.memory_space<vmem>>[vector<16xi32>, vector<16xi32>], vector<16xi32>,
      %add3A_2750 = arith.addi %add3A_2743, %add3A_2743 : vector<16xi32>
      %add3A_2751 = arith.addi %add3A_2750, %gather3A_2749 : vector<16xi32>
      %gather3A_2752 = tpu.vector_load_idx %arg7[%add3A_1422, %get3A_2748] : memref<32x1024xi32, #tpu.memory_space<vmem>>[vector<16xi32>, vector<16xi32>], vector<16xi32>,
      %add3A_2753 = arith.addi %add3A_2746, %add3A_2746 : vector<16xi32>
      %add3A_2754 = arith.addi %add3A_2753, %gather3A_2752 : vector<16xi32>
      %add3A_2755 = arith.constant 3840 : i32
      %add3A_2756 = vector.broadcast %add3A_2755 : i32 to vector<16xi32>
      %add3A_2757 = arith.addi %add3A_2751, %add3A_2756 : vector<16xi32>
      %gather3A_2758 = tpu.vector_load_idx %arg9[%add3A_2757] : memref<4096xf32, #tpu.memory_space<vmem>>[vector<16xi32>], vector<16xf32>,
      %mul3A_2759 = arith.constant 1.000000e+00 : f32
      %mul3A_2760 = vector.broadcast %mul3A_2759 : f32 to vector<16xf32>
      %mul3A_2761 = arith.mulf %gather3A_2758, %mul3A_2760 : vector<16xf32>
      %add3A_2762 = arith.addf %add3A_2678, %mul3A_2761 : vector<16xf32>
      %add3A_2763 = arith.constant 3840 : i32
      %add3A_2764 = vector.broadcast %add3A_2763 : i32 to vector<16xi32>
      %add3A_2765 = arith.addi %add3A_2754, %add3A_2764 : vector<16xi32>
      %gather3A_2766 = tpu.vector_load_idx %arg9[%add3A_2765] : memref<4096xf32, #tpu.memory_space<vmem>>[vector<16xi32>], vector<16xf32>,
      %mul3A_2767 = arith.constant 1.000000e+00 : f32
      %mul3A_2768 = vector.broadcast %mul3A_2767 : f32 to vector<16xf32>
      %mul3A_2769 = arith.mulf %gather3A_2766, %mul3A_2768 : vector<16xf32>
      %add3A_2770 = arith.addf %add3A_2686, %mul3A_2769 : vector<16xf32>
      %min3A_2771 = arith.constant 3.276700e+04 : f32
      %min3A_2772 = vector.broadcast %min3A_2771 : f32 to vector<16xf32>
      %min3A_2773 = arith.minimumf %add3A_2762, %min3A_2772 : vector<16xf32>
      %mul3A_2774 = arith.constant 32 : i32
      %mul3A_2775 = arith.muli %add3A_1414, %mul3A_2774 : i32
      %add3A_2776 = arith.constant 0 : i32
      %add3A_2777 = arith.addi %mul3A_2775, %add3A_2776 : i32
      %swap3A_2778 = arith.index_cast %add3A_2777 : i32 to index
      %swap3A_2779 = tpu.vector_load %arg10[%swap3A_2778] {strides = array<i32>} : memref<192xf32, #tpu.memory_space<vmem>>, vector<16xf32>,
      tpu.vector_store %arg10[%swap3A_2778], %min3A_2773 {strides = array<i32>} : memref<192xf32, #tpu.memory_space<vmem>>, vector<16xf32>,
      %min3A_2780 = arith.constant 3.276700e+04 : f32
      %min3A_2781 = vector.broadcast %min3A_2780 : f32 to vector<16xf32>
      %min3A_2782 = arith.minimumf %add3A_2770, %min3A_2781 : vector<16xf32>
      %mul3A_2783 = arith.constant 32 : i32
      %mul3A_2784 = arith.muli %add3A_1414, %mul3A_2783 : i32
      %add3A_2785 = arith.constant 16 : i32
      %add3A_2786 = arith.addi %mul3A_2784, %add3A_2785 : i32
      %swap3A_2787 = arith.index_cast %add3A_2786 : i32 to index
      %swap3A_2788 = tpu.vector_load %arg10[%swap3A_2787] {strides = array<i32>} : memref<192xf32, #tpu.memory_space<vmem>>, vector<16xf32>,
      tpu.vector_store %arg10[%swap3A_2787], %min3A_2782 {strides = array<i32>} : memref<192xf32, #tpu.memory_space<vmem>>, vector<16xf32>,
    }
    %scan3A_13 = arith.constant 3 : i32
    "tpu.region"() ({
      %run_scoped3A = tpu.sem_alloc : memref<!tpu.dma_semaphore, #tpu.memory_space<semaphore_mem>>
      %dma_start3A_14 = tpu.memref_slice %arg5[%mul3A_2] : memref<6144xf32, #tpu.memory_space<hbm>> -> memref<192xf32, #tpu.memory_space<hbm>>
      %dma_start3A_15 = tpu.memref_slice %arg5[%mul3A_2] : memref<6144xf32, #tpu.memory_space<hbm>> -> memref<192xf32, #tpu.memory_space<hbm>>
      tpu.enqueue_dma source(%arg10 : memref<192xf32, #tpu.memory_space<vmem>>) target(%dma_start3A_15 : memref<192xf32, #tpu.memory_space<hbm>>) target_semaphore(%run_scoped3A : memref<!tpu.dma_semaphore, #tpu.memory_space<semaphore_mem>>)
      %dma_wait3A = tpu.memref_slice %arg5[%mul3A_2] : memref<6144xf32, #tpu.memory_space<hbm>> -> memref<192xf32, #tpu.memory_space<hbm>>
      %dma_wait3A_16 = tpu.memref_slice %arg5[%mul3A_2] : memref<6144xf32, #tpu.memory_space<hbm>> -> memref<192xf32, #tpu.memory_space<hbm>>
      tpu.wait_dma2 semaphore(%run_scoped3A : memref<!tpu.dma_semaphore, #tpu.memory_space<semaphore_mem>>) src(%arg10 : memref<192xf32, #tpu.memory_space<vmem>>) dst(%dma_wait3A_16 : memref<192xf32, #tpu.memory_space<hbm>>)
      tpu.yield
    }) : () -> ()
    return
  }
}

module attributes {stable_mosaic.version = 14 : i64} {
  func.func @_tc_body(%arg0: i32, %arg1: memref<1024x1024xi32, #tpu.memory_space<vmem>>, %arg2: memref<8x16xi32, #tpu.memory_space<vmem>>, %arg3: memref<16x256xf32, #tpu.memory_space<vmem>>, %arg4: memref<1024xf32, #tpu.memory_space<vmem>>) attributes {dimension_semantics = [#tpu.dimension_semantics<arbitrary>], iteration_bounds = array<i64: 10>, scalar_prefetch = 0 : i64, scratch_operands = 0 : i64, tpu.core_type = #tpu.core_type<tc>, window_params = [{transform_indices = @transform_0, window_bounds = array<i64: 1024, 1024>}, {pipeline_mode = #tpu.pipeline_mode<synchronous>, transform_indices = @transform_1, window_bounds = array<i64: 8, 16>}, {pipeline_mode = #tpu.pipeline_mode<synchronous>, transform_indices = @transform_2, window_bounds = array<i64: 16, 256>}, {transform_indices = @transform_3, window_bounds = array<i64: 1024>}]} {
    %get3A = arith.constant 0 : index
    %get3A_0 = arith.constant 0 : index
    %get3A_1 = vector.load %arg1[%get3A, %get3A_0] : memref<1024x1024xi32, #tpu.memory_space<vmem>>, vector<1024x1024xi32>
    %get3A_2 = arith.constant 0 : index
    %get3A_3 = arith.constant 0 : index
    %get3A_4 = vector.load %arg2[%get3A_2, %get3A_3] : memref<8x16xi32, #tpu.memory_space<vmem>>, vector<8x16xi32>
    %get3A_5 = arith.constant 0 : index
    %get3A_6 = arith.constant 0 : index
    %get3A_7 = vector.load %arg3[%get3A_5, %get3A_6] : memref<16x256xf32, #tpu.memory_space<vmem>>, vector<16x256xf32>
    %iota3A = tpu.iota {dimensions = array<i32: 1>} : vector<16x1024xi32>
    %broadcast_in_dim3A = arith.constant 0.000000e+00 : f32
    %broadcast_in_dim3A_8 = vector.broadcast %broadcast_in_dim3A : f32 to vector<16x1024xf32>
    %slice3A = vector.extract_strided_slice %get3A_4 {offsets = [0, 0], sizes = [1, 16], strides = [1, 1]} : vector<8x16xi32> to vector<1x16xi32>
    %squeeze3A = vector.shape_cast %slice3A : vector<1x16xi32> to vector<16xi32>
    %broadcast_in_dim3A_9 = vector.shape_cast %squeeze3A : vector<16xi32> to vector<16x1xi32>
    %eq3A = vector.broadcast %broadcast_in_dim3A_9 : vector<16x1xi32> to vector<16x1024xi32>
    %eq3A_10 = arith.cmpi eq, %iota3A, %eq3A : vector<16x1024xi32>
    %jit3A = arith.constant 1.280000e+02 : f32
    %jit3A_11 = arith.constant 0.000000e+00 : f32
    %broadcast_in_dim3A_12 = vector.broadcast %jit3A : f32 to vector<16x1024xf32>
    %broadcast_in_dim3A_13 = vector.broadcast %jit3A_11 : f32 to vector<16x1024xf32>
    %select_n3A = arith.select %eq3A_10, %broadcast_in_dim3A_12, %broadcast_in_dim3A_13 : vector<16x1024xi1>, vector<16x1024xf32>
    %add3A = arith.addf %broadcast_in_dim3A_8, %select_n3A : vector<16x1024xf32>
    %slice3A_14 = vector.extract_strided_slice %get3A_4 {offsets = [1, 0], sizes = [1, 16], strides = [1, 1]} : vector<8x16xi32> to vector<1x16xi32>
    %squeeze3A_15 = vector.shape_cast %slice3A_14 : vector<1x16xi32> to vector<16xi32>
    %broadcast_in_dim3A_16 = vector.shape_cast %squeeze3A_15 : vector<16xi32> to vector<16x1xi32>
    %eq3A_17 = vector.broadcast %broadcast_in_dim3A_16 : vector<16x1xi32> to vector<16x1024xi32>
    %eq3A_18 = arith.cmpi eq, %iota3A, %eq3A_17 : vector<16x1024xi32>
    %jit3A_19 = arith.constant 6.400000e+01 : f32
    %jit3A_20 = arith.constant 0.000000e+00 : f32
    %broadcast_in_dim3A_21 = vector.broadcast %jit3A_19 : f32 to vector<16x1024xf32>
    %broadcast_in_dim3A_22 = vector.broadcast %jit3A_20 : f32 to vector<16x1024xf32>
    %select_n3A_23 = arith.select %eq3A_18, %broadcast_in_dim3A_21, %broadcast_in_dim3A_22 : vector<16x1024xi1>, vector<16x1024xf32>
    %add3A_24 = arith.addf %add3A, %select_n3A_23 : vector<16x1024xf32>
    %slice3A_25 = vector.extract_strided_slice %get3A_4 {offsets = [2, 0], sizes = [1, 16], strides = [1, 1]} : vector<8x16xi32> to vector<1x16xi32>
    %squeeze3A_26 = vector.shape_cast %slice3A_25 : vector<1x16xi32> to vector<16xi32>
    %broadcast_in_dim3A_27 = vector.shape_cast %squeeze3A_26 : vector<16xi32> to vector<16x1xi32>
    %eq3A_28 = vector.broadcast %broadcast_in_dim3A_27 : vector<16x1xi32> to vector<16x1024xi32>
    %eq3A_29 = arith.cmpi eq, %iota3A, %eq3A_28 : vector<16x1024xi32>
    %jit3A_30 = arith.constant 3.200000e+01 : f32
    %jit3A_31 = arith.constant 0.000000e+00 : f32
    %broadcast_in_dim3A_32 = vector.broadcast %jit3A_30 : f32 to vector<16x1024xf32>
    %broadcast_in_dim3A_33 = vector.broadcast %jit3A_31 : f32 to vector<16x1024xf32>
    %select_n3A_34 = arith.select %eq3A_29, %broadcast_in_dim3A_32, %broadcast_in_dim3A_33 : vector<16x1024xi1>, vector<16x1024xf32>
    %add3A_35 = arith.addf %add3A_24, %select_n3A_34 : vector<16x1024xf32>
    %slice3A_36 = vector.extract_strided_slice %get3A_4 {offsets = [3, 0], sizes = [1, 16], strides = [1, 1]} : vector<8x16xi32> to vector<1x16xi32>
    %squeeze3A_37 = vector.shape_cast %slice3A_36 : vector<1x16xi32> to vector<16xi32>
    %broadcast_in_dim3A_38 = vector.shape_cast %squeeze3A_37 : vector<16xi32> to vector<16x1xi32>
    %eq3A_39 = vector.broadcast %broadcast_in_dim3A_38 : vector<16x1xi32> to vector<16x1024xi32>
    %eq3A_40 = arith.cmpi eq, %iota3A, %eq3A_39 : vector<16x1024xi32>
    %jit3A_41 = arith.constant 1.600000e+01 : f32
    %jit3A_42 = arith.constant 0.000000e+00 : f32
    %broadcast_in_dim3A_43 = vector.broadcast %jit3A_41 : f32 to vector<16x1024xf32>
    %broadcast_in_dim3A_44 = vector.broadcast %jit3A_42 : f32 to vector<16x1024xf32>
    %select_n3A_45 = arith.select %eq3A_40, %broadcast_in_dim3A_43, %broadcast_in_dim3A_44 : vector<16x1024xi1>, vector<16x1024xf32>
    %add3A_46 = arith.addf %add3A_35, %select_n3A_45 : vector<16x1024xf32>
    %slice3A_47 = vector.extract_strided_slice %get3A_4 {offsets = [4, 0], sizes = [1, 16], strides = [1, 1]} : vector<8x16xi32> to vector<1x16xi32>
    %squeeze3A_48 = vector.shape_cast %slice3A_47 : vector<1x16xi32> to vector<16xi32>
    %broadcast_in_dim3A_49 = vector.shape_cast %squeeze3A_48 : vector<16xi32> to vector<16x1xi32>
    %eq3A_50 = vector.broadcast %broadcast_in_dim3A_49 : vector<16x1xi32> to vector<16x1024xi32>
    %eq3A_51 = arith.cmpi eq, %iota3A, %eq3A_50 : vector<16x1024xi32>
    %jit3A_52 = arith.constant 8.000000e+00 : f32
    %jit3A_53 = arith.constant 0.000000e+00 : f32
    %broadcast_in_dim3A_54 = vector.broadcast %jit3A_52 : f32 to vector<16x1024xf32>
    %broadcast_in_dim3A_55 = vector.broadcast %jit3A_53 : f32 to vector<16x1024xf32>
    %select_n3A_56 = arith.select %eq3A_51, %broadcast_in_dim3A_54, %broadcast_in_dim3A_55 : vector<16x1024xi1>, vector<16x1024xf32>
    %add3A_57 = arith.addf %add3A_46, %select_n3A_56 : vector<16x1024xf32>
    %slice3A_58 = vector.extract_strided_slice %get3A_4 {offsets = [5, 0], sizes = [1, 16], strides = [1, 1]} : vector<8x16xi32> to vector<1x16xi32>
    %squeeze3A_59 = vector.shape_cast %slice3A_58 : vector<1x16xi32> to vector<16xi32>
    %broadcast_in_dim3A_60 = vector.shape_cast %squeeze3A_59 : vector<16xi32> to vector<16x1xi32>
    %eq3A_61 = vector.broadcast %broadcast_in_dim3A_60 : vector<16x1xi32> to vector<16x1024xi32>
    %eq3A_62 = arith.cmpi eq, %iota3A, %eq3A_61 : vector<16x1024xi32>
    %jit3A_63 = arith.constant 4.000000e+00 : f32
    %jit3A_64 = arith.constant 0.000000e+00 : f32
    %broadcast_in_dim3A_65 = vector.broadcast %jit3A_63 : f32 to vector<16x1024xf32>
    %broadcast_in_dim3A_66 = vector.broadcast %jit3A_64 : f32 to vector<16x1024xf32>
    %select_n3A_67 = arith.select %eq3A_62, %broadcast_in_dim3A_65, %broadcast_in_dim3A_66 : vector<16x1024xi1>, vector<16x1024xf32>
    %add3A_68 = arith.addf %add3A_57, %select_n3A_67 : vector<16x1024xf32>
    %slice3A_69 = vector.extract_strided_slice %get3A_4 {offsets = [6, 0], sizes = [1, 16], strides = [1, 1]} : vector<8x16xi32> to vector<1x16xi32>
    %squeeze3A_70 = vector.shape_cast %slice3A_69 : vector<1x16xi32> to vector<16xi32>
    %broadcast_in_dim3A_71 = vector.shape_cast %squeeze3A_70 : vector<16xi32> to vector<16x1xi32>
    %eq3A_72 = vector.broadcast %broadcast_in_dim3A_71 : vector<16x1xi32> to vector<16x1024xi32>
    %eq3A_73 = arith.cmpi eq, %iota3A, %eq3A_72 : vector<16x1024xi32>
    %jit3A_74 = arith.constant 2.000000e+00 : f32
    %jit3A_75 = arith.constant 0.000000e+00 : f32
    %broadcast_in_dim3A_76 = vector.broadcast %jit3A_74 : f32 to vector<16x1024xf32>
    %broadcast_in_dim3A_77 = vector.broadcast %jit3A_75 : f32 to vector<16x1024xf32>
    %select_n3A_78 = arith.select %eq3A_73, %broadcast_in_dim3A_76, %broadcast_in_dim3A_77 : vector<16x1024xi1>, vector<16x1024xf32>
    %add3A_79 = arith.addf %add3A_68, %select_n3A_78 : vector<16x1024xf32>
    %slice3A_80 = vector.extract_strided_slice %get3A_4 {offsets = [7, 0], sizes = [1, 16], strides = [1, 1]} : vector<8x16xi32> to vector<1x16xi32>
    %squeeze3A_81 = vector.shape_cast %slice3A_80 : vector<1x16xi32> to vector<16xi32>
    %broadcast_in_dim3A_82 = vector.shape_cast %squeeze3A_81 : vector<16xi32> to vector<16x1xi32>
    %eq3A_83 = vector.broadcast %broadcast_in_dim3A_82 : vector<16x1xi32> to vector<16x1024xi32>
    %eq3A_84 = arith.cmpi eq, %iota3A, %eq3A_83 : vector<16x1024xi32>
    %jit3A_85 = arith.constant 1.000000e+00 : f32
    %jit3A_86 = arith.constant 0.000000e+00 : f32
    %broadcast_in_dim3A_87 = vector.broadcast %jit3A_85 : f32 to vector<16x1024xf32>
    %broadcast_in_dim3A_88 = vector.broadcast %jit3A_86 : f32 to vector<16x1024xf32>
    %select_n3A_89 = arith.select %eq3A_84, %broadcast_in_dim3A_87, %broadcast_in_dim3A_88 : vector<16x1024xi1>, vector<16x1024xf32>
    %add3A_90 = arith.addf %add3A_79, %select_n3A_89 : vector<16x1024xf32>
    %convert_element_type3A = arith.truncf %add3A_90 : vector<16x1024xf32> to vector<16x1024xbf16>
    %convert_element_type3A_91 = arith.sitofp %get3A_1 : vector<1024x1024xi32> to vector<1024x1024xbf16>
    %dot_general3A = arith.constant dense<0.000000e+00> : vector<16x1024xf32>
    %dot_general3A_92 = tpu.matmul %convert_element_type3A, %convert_element_type3A_91, %dot_general3A {dimension_numbers = #tpu.dot_dimension_numbers<[1], [1], [0], [0], [0, 0, 1, 0], [], []>, transpose_lhs_hint = false} : vector<16x1024xbf16>, vector<1024x1024xbf16>, vector<16x1024xf32> -> vector<16x1024xf32>
    %convert_element_type3A_93 = arith.fptosi %dot_general3A_92 : vector<16x1024xf32> to vector<16x1024xi32>
    %iota3A_94 = tpu.iota {dimensions = array<i32: 0>} : vector<256x16xi32>
    %iota3A_95 = tpu.iota {dimensions = array<i32: 1>} : vector<256x16xi32>
    %shift_right_arithmetic3A = arith.constant 4 : i32
    %shift_right_arithmetic3A_96 = vector.broadcast %shift_right_arithmetic3A : i32 to vector<256x16xi32>
    %shift_right_arithmetic3A_97 = arith.shrsi %iota3A_94, %shift_right_arithmetic3A_96 : vector<256x16xi32>
    %eq3A_98 = arith.cmpi eq, %shift_right_arithmetic3A_97, %iota3A_95 : vector<256x16xi32>
    %and3A = arith.constant 15 : i32
    %and3A_99 = vector.broadcast %and3A : i32 to vector<256x16xi32>
    %and3A_100 = arith.andi %iota3A_94, %and3A_99 : vector<256x16xi32>
    %shift_left3A = arith.constant 1 : i32
    %shift_left3A_101 = vector.broadcast %shift_left3A : i32 to vector<256x16xi32>
    %shift_left3A_102 = arith.shli %shift_left3A_101, %and3A_100 : vector<256x16xi32>
    %convert_element_type3A_103 = arith.sitofp %shift_left3A_102 : vector<256x16xi32> to vector<256x16xf32>
    %jit3A_104 = arith.constant 0.000000e+00 : f32
    %broadcast_in_dim3A_105 = vector.broadcast %jit3A_104 : f32 to vector<256x16xf32>
    %select_n3A_106 = arith.select %eq3A_98, %convert_element_type3A_103, %broadcast_in_dim3A_105 : vector<256x16xi1>, vector<256x16xf32>
    %convert_element_type3A_107 = arith.truncf %get3A_7 : vector<16x256xf32> to vector<16x256xbf16>
    %convert_element_type3A_108 = arith.truncf %select_n3A_106 : vector<256x16xf32> to vector<256x16xbf16>
    %dot_general3A_109 = arith.constant dense<0.000000e+00> : vector<16x16xf32>
    %dot_general3A_110 = tpu.matmul %convert_element_type3A_107, %convert_element_type3A_108, %dot_general3A_109 {dimension_numbers = #tpu.dot_dimension_numbers<[1], [0], [0], [1], [0, 0, 1, 1], [], []>, transpose_lhs_hint = false} : vector<16x256xbf16>, vector<256x16xbf16>, vector<16x16xf32> -> vector<16x16xf32>
    %convert_element_type3A_111 = arith.fptosi %dot_general3A_110 : vector<16x16xf32> to vector<16x16xi32>
    %shift_right_arithmetic3A_112 = arith.constant 4 : i32
    %shift_right_arithmetic3A_113 = vector.broadcast %shift_right_arithmetic3A_112 : i32 to vector<16x1024xi32>
    %shift_right_arithmetic3A_114 = arith.shrsi %convert_element_type3A_93, %shift_right_arithmetic3A_113 : vector<16x1024xi32>
    %and3A_115 = arith.constant 15 : i32
    %and3A_116 = vector.broadcast %and3A_115 : i32 to vector<16x1024xi32>
    %and3A_117 = arith.andi %convert_element_type3A_93, %and3A_116 : vector<16x1024xi32>
    %broadcast_in_dim3A_118 = arith.constant 0 : i32
    %broadcast_in_dim3A_119 = vector.broadcast %broadcast_in_dim3A_118 : i32 to vector<16x1024xi32>
    %eq3A_120 = arith.constant 0 : i32
    %eq3A_121 = vector.broadcast %eq3A_120 : i32 to vector<16x1024xi32>
    %eq3A_122 = arith.cmpi eq, %shift_right_arithmetic3A_114, %eq3A_121 : vector<16x1024xi32>
    %slice3A_123 = vector.extract_strided_slice %convert_element_type3A_111 {offsets = [0, 0], sizes = [16, 1], strides = [1, 1]} : vector<16x16xi32> to vector<16x1xi32>
    %squeeze3A_124 = vector.shape_cast %slice3A_123 : vector<16x1xi32> to vector<16xi32>
    %broadcast_in_dim3A_125 = vector.shape_cast %squeeze3A_124 : vector<16xi32> to vector<16x1xi32>
    %jit3A_126 = arith.constant 0 : i32
    %broadcast_in_dim3A_127 = vector.shape_cast %broadcast_in_dim3A_125 : vector<16x1xi32> to vector<16x1xi32>
    %broadcast_in_dim3A_128 = vector.broadcast %broadcast_in_dim3A_127 : vector<16x1xi32> to vector<16x1024xi32>
    %broadcast_in_dim3A_129 = vector.broadcast %jit3A_126 : i32 to vector<16x1024xi32>
    %select_n3A_130 = arith.select %eq3A_122, %broadcast_in_dim3A_128, %broadcast_in_dim3A_129 : vector<16x1024xi1>, vector<16x1024xi32>
    %add3A_131 = arith.addi %broadcast_in_dim3A_119, %select_n3A_130 : vector<16x1024xi32>
    %eq3A_132 = arith.constant 1 : i32
    %eq3A_133 = vector.broadcast %eq3A_132 : i32 to vector<16x1024xi32>
    %eq3A_134 = arith.cmpi eq, %shift_right_arithmetic3A_114, %eq3A_133 : vector<16x1024xi32>
    %slice3A_135 = vector.extract_strided_slice %convert_element_type3A_111 {offsets = [0, 1], sizes = [16, 1], strides = [1, 1]} : vector<16x16xi32> to vector<16x1xi32>
    %squeeze3A_136 = vector.shape_cast %slice3A_135 : vector<16x1xi32> to vector<16xi32>
    %broadcast_in_dim3A_137 = vector.shape_cast %squeeze3A_136 : vector<16xi32> to vector<16x1xi32>
    %jit3A_138 = arith.constant 0 : i32
    %broadcast_in_dim3A_139 = vector.shape_cast %broadcast_in_dim3A_137 : vector<16x1xi32> to vector<16x1xi32>
    %broadcast_in_dim3A_140 = vector.broadcast %broadcast_in_dim3A_139 : vector<16x1xi32> to vector<16x1024xi32>
    %broadcast_in_dim3A_141 = vector.broadcast %jit3A_138 : i32 to vector<16x1024xi32>
    %select_n3A_142 = arith.select %eq3A_134, %broadcast_in_dim3A_140, %broadcast_in_dim3A_141 : vector<16x1024xi1>, vector<16x1024xi32>
    %add3A_143 = arith.addi %add3A_131, %select_n3A_142 : vector<16x1024xi32>
    %eq3A_144 = arith.constant 2 : i32
    %eq3A_145 = vector.broadcast %eq3A_144 : i32 to vector<16x1024xi32>
    %eq3A_146 = arith.cmpi eq, %shift_right_arithmetic3A_114, %eq3A_145 : vector<16x1024xi32>
    %slice3A_147 = vector.extract_strided_slice %convert_element_type3A_111 {offsets = [0, 2], sizes = [16, 1], strides = [1, 1]} : vector<16x16xi32> to vector<16x1xi32>
    %squeeze3A_148 = vector.shape_cast %slice3A_147 : vector<16x1xi32> to vector<16xi32>
    %broadcast_in_dim3A_149 = vector.shape_cast %squeeze3A_148 : vector<16xi32> to vector<16x1xi32>
    %jit3A_150 = arith.constant 0 : i32
    %broadcast_in_dim3A_151 = vector.shape_cast %broadcast_in_dim3A_149 : vector<16x1xi32> to vector<16x1xi32>
    %broadcast_in_dim3A_152 = vector.broadcast %broadcast_in_dim3A_151 : vector<16x1xi32> to vector<16x1024xi32>
    %broadcast_in_dim3A_153 = vector.broadcast %jit3A_150 : i32 to vector<16x1024xi32>
    %select_n3A_154 = arith.select %eq3A_146, %broadcast_in_dim3A_152, %broadcast_in_dim3A_153 : vector<16x1024xi1>, vector<16x1024xi32>
    %add3A_155 = arith.addi %add3A_143, %select_n3A_154 : vector<16x1024xi32>
    %eq3A_156 = arith.constant 3 : i32
    %eq3A_157 = vector.broadcast %eq3A_156 : i32 to vector<16x1024xi32>
    %eq3A_158 = arith.cmpi eq, %shift_right_arithmetic3A_114, %eq3A_157 : vector<16x1024xi32>
    %slice3A_159 = vector.extract_strided_slice %convert_element_type3A_111 {offsets = [0, 3], sizes = [16, 1], strides = [1, 1]} : vector<16x16xi32> to vector<16x1xi32>
    %squeeze3A_160 = vector.shape_cast %slice3A_159 : vector<16x1xi32> to vector<16xi32>
    %broadcast_in_dim3A_161 = vector.shape_cast %squeeze3A_160 : vector<16xi32> to vector<16x1xi32>
    %jit3A_162 = arith.constant 0 : i32
    %broadcast_in_dim3A_163 = vector.shape_cast %broadcast_in_dim3A_161 : vector<16x1xi32> to vector<16x1xi32>
    %broadcast_in_dim3A_164 = vector.broadcast %broadcast_in_dim3A_163 : vector<16x1xi32> to vector<16x1024xi32>
    %broadcast_in_dim3A_165 = vector.broadcast %jit3A_162 : i32 to vector<16x1024xi32>
    %select_n3A_166 = arith.select %eq3A_158, %broadcast_in_dim3A_164, %broadcast_in_dim3A_165 : vector<16x1024xi1>, vector<16x1024xi32>
    %add3A_167 = arith.addi %add3A_155, %select_n3A_166 : vector<16x1024xi32>
    %eq3A_168 = arith.constant 4 : i32
    %eq3A_169 = vector.broadcast %eq3A_168 : i32 to vector<16x1024xi32>
    %eq3A_170 = arith.cmpi eq, %shift_right_arithmetic3A_114, %eq3A_169 : vector<16x1024xi32>
    %slice3A_171 = vector.extract_strided_slice %convert_element_type3A_111 {offsets = [0, 4], sizes = [16, 1], strides = [1, 1]} : vector<16x16xi32> to vector<16x1xi32>
    %squeeze3A_172 = vector.shape_cast %slice3A_171 : vector<16x1xi32> to vector<16xi32>
    %broadcast_in_dim3A_173 = vector.shape_cast %squeeze3A_172 : vector<16xi32> to vector<16x1xi32>
    %jit3A_174 = arith.constant 0 : i32
    %broadcast_in_dim3A_175 = vector.shape_cast %broadcast_in_dim3A_173 : vector<16x1xi32> to vector<16x1xi32>
    %broadcast_in_dim3A_176 = vector.broadcast %broadcast_in_dim3A_175 : vector<16x1xi32> to vector<16x1024xi32>
    %broadcast_in_dim3A_177 = vector.broadcast %jit3A_174 : i32 to vector<16x1024xi32>
    %select_n3A_178 = arith.select %eq3A_170, %broadcast_in_dim3A_176, %broadcast_in_dim3A_177 : vector<16x1024xi1>, vector<16x1024xi32>
    %add3A_179 = arith.addi %add3A_167, %select_n3A_178 : vector<16x1024xi32>
    %eq3A_180 = arith.constant 5 : i32
    %eq3A_181 = vector.broadcast %eq3A_180 : i32 to vector<16x1024xi32>
    %eq3A_182 = arith.cmpi eq, %shift_right_arithmetic3A_114, %eq3A_181 : vector<16x1024xi32>
    %slice3A_183 = vector.extract_strided_slice %convert_element_type3A_111 {offsets = [0, 5], sizes = [16, 1], strides = [1, 1]} : vector<16x16xi32> to vector<16x1xi32>
    %squeeze3A_184 = vector.shape_cast %slice3A_183 : vector<16x1xi32> to vector<16xi32>
    %broadcast_in_dim3A_185 = vector.shape_cast %squeeze3A_184 : vector<16xi32> to vector<16x1xi32>
    %jit3A_186 = arith.constant 0 : i32
    %broadcast_in_dim3A_187 = vector.shape_cast %broadcast_in_dim3A_185 : vector<16x1xi32> to vector<16x1xi32>
    %broadcast_in_dim3A_188 = vector.broadcast %broadcast_in_dim3A_187 : vector<16x1xi32> to vector<16x1024xi32>
    %broadcast_in_dim3A_189 = vector.broadcast %jit3A_186 : i32 to vector<16x1024xi32>
    %select_n3A_190 = arith.select %eq3A_182, %broadcast_in_dim3A_188, %broadcast_in_dim3A_189 : vector<16x1024xi1>, vector<16x1024xi32>
    %add3A_191 = arith.addi %add3A_179, %select_n3A_190 : vector<16x1024xi32>
    %eq3A_192 = arith.constant 6 : i32
    %eq3A_193 = vector.broadcast %eq3A_192 : i32 to vector<16x1024xi32>
    %eq3A_194 = arith.cmpi eq, %shift_right_arithmetic3A_114, %eq3A_193 : vector<16x1024xi32>
    %slice3A_195 = vector.extract_strided_slice %convert_element_type3A_111 {offsets = [0, 6], sizes = [16, 1], strides = [1, 1]} : vector<16x16xi32> to vector<16x1xi32>
    %squeeze3A_196 = vector.shape_cast %slice3A_195 : vector<16x1xi32> to vector<16xi32>
    %broadcast_in_dim3A_197 = vector.shape_cast %squeeze3A_196 : vector<16xi32> to vector<16x1xi32>
    %jit3A_198 = arith.constant 0 : i32
    %broadcast_in_dim3A_199 = vector.shape_cast %broadcast_in_dim3A_197 : vector<16x1xi32> to vector<16x1xi32>
    %broadcast_in_dim3A_200 = vector.broadcast %broadcast_in_dim3A_199 : vector<16x1xi32> to vector<16x1024xi32>
    %broadcast_in_dim3A_201 = vector.broadcast %jit3A_198 : i32 to vector<16x1024xi32>
    %select_n3A_202 = arith.select %eq3A_194, %broadcast_in_dim3A_200, %broadcast_in_dim3A_201 : vector<16x1024xi1>, vector<16x1024xi32>
    %add3A_203 = arith.addi %add3A_191, %select_n3A_202 : vector<16x1024xi32>
    %eq3A_204 = arith.constant 7 : i32
    %eq3A_205 = vector.broadcast %eq3A_204 : i32 to vector<16x1024xi32>
    %eq3A_206 = arith.cmpi eq, %shift_right_arithmetic3A_114, %eq3A_205 : vector<16x1024xi32>
    %slice3A_207 = vector.extract_strided_slice %convert_element_type3A_111 {offsets = [0, 7], sizes = [16, 1], strides = [1, 1]} : vector<16x16xi32> to vector<16x1xi32>
    %squeeze3A_208 = vector.shape_cast %slice3A_207 : vector<16x1xi32> to vector<16xi32>
    %broadcast_in_dim3A_209 = vector.shape_cast %squeeze3A_208 : vector<16xi32> to vector<16x1xi32>
    %jit3A_210 = arith.constant 0 : i32
    %broadcast_in_dim3A_211 = vector.shape_cast %broadcast_in_dim3A_209 : vector<16x1xi32> to vector<16x1xi32>
    %broadcast_in_dim3A_212 = vector.broadcast %broadcast_in_dim3A_211 : vector<16x1xi32> to vector<16x1024xi32>
    %broadcast_in_dim3A_213 = vector.broadcast %jit3A_210 : i32 to vector<16x1024xi32>
    %select_n3A_214 = arith.select %eq3A_206, %broadcast_in_dim3A_212, %broadcast_in_dim3A_213 : vector<16x1024xi1>, vector<16x1024xi32>
    %add3A_215 = arith.addi %add3A_203, %select_n3A_214 : vector<16x1024xi32>
    %eq3A_216 = arith.constant 8 : i32
    %eq3A_217 = vector.broadcast %eq3A_216 : i32 to vector<16x1024xi32>
    %eq3A_218 = arith.cmpi eq, %shift_right_arithmetic3A_114, %eq3A_217 : vector<16x1024xi32>
    %slice3A_219 = vector.extract_strided_slice %convert_element_type3A_111 {offsets = [0, 8], sizes = [16, 1], strides = [1, 1]} : vector<16x16xi32> to vector<16x1xi32>
    %squeeze3A_220 = vector.shape_cast %slice3A_219 : vector<16x1xi32> to vector<16xi32>
    %broadcast_in_dim3A_221 = vector.shape_cast %squeeze3A_220 : vector<16xi32> to vector<16x1xi32>
    %jit3A_222 = arith.constant 0 : i32
    %broadcast_in_dim3A_223 = vector.shape_cast %broadcast_in_dim3A_221 : vector<16x1xi32> to vector<16x1xi32>
    %broadcast_in_dim3A_224 = vector.broadcast %broadcast_in_dim3A_223 : vector<16x1xi32> to vector<16x1024xi32>
    %broadcast_in_dim3A_225 = vector.broadcast %jit3A_222 : i32 to vector<16x1024xi32>
    %select_n3A_226 = arith.select %eq3A_218, %broadcast_in_dim3A_224, %broadcast_in_dim3A_225 : vector<16x1024xi1>, vector<16x1024xi32>
    %add3A_227 = arith.addi %add3A_215, %select_n3A_226 : vector<16x1024xi32>
    %eq3A_228 = arith.constant 9 : i32
    %eq3A_229 = vector.broadcast %eq3A_228 : i32 to vector<16x1024xi32>
    %eq3A_230 = arith.cmpi eq, %shift_right_arithmetic3A_114, %eq3A_229 : vector<16x1024xi32>
    %slice3A_231 = vector.extract_strided_slice %convert_element_type3A_111 {offsets = [0, 9], sizes = [16, 1], strides = [1, 1]} : vector<16x16xi32> to vector<16x1xi32>
    %squeeze3A_232 = vector.shape_cast %slice3A_231 : vector<16x1xi32> to vector<16xi32>
    %broadcast_in_dim3A_233 = vector.shape_cast %squeeze3A_232 : vector<16xi32> to vector<16x1xi32>
    %jit3A_234 = arith.constant 0 : i32
    %broadcast_in_dim3A_235 = vector.shape_cast %broadcast_in_dim3A_233 : vector<16x1xi32> to vector<16x1xi32>
    %broadcast_in_dim3A_236 = vector.broadcast %broadcast_in_dim3A_235 : vector<16x1xi32> to vector<16x1024xi32>
    %broadcast_in_dim3A_237 = vector.broadcast %jit3A_234 : i32 to vector<16x1024xi32>
    %select_n3A_238 = arith.select %eq3A_230, %broadcast_in_dim3A_236, %broadcast_in_dim3A_237 : vector<16x1024xi1>, vector<16x1024xi32>
    %add3A_239 = arith.addi %add3A_227, %select_n3A_238 : vector<16x1024xi32>
    %eq3A_240 = arith.constant 10 : i32
    %eq3A_241 = vector.broadcast %eq3A_240 : i32 to vector<16x1024xi32>
    %eq3A_242 = arith.cmpi eq, %shift_right_arithmetic3A_114, %eq3A_241 : vector<16x1024xi32>
    %slice3A_243 = vector.extract_strided_slice %convert_element_type3A_111 {offsets = [0, 10], sizes = [16, 1], strides = [1, 1]} : vector<16x16xi32> to vector<16x1xi32>
    %squeeze3A_244 = vector.shape_cast %slice3A_243 : vector<16x1xi32> to vector<16xi32>
    %broadcast_in_dim3A_245 = vector.shape_cast %squeeze3A_244 : vector<16xi32> to vector<16x1xi32>
    %jit3A_246 = arith.constant 0 : i32
    %broadcast_in_dim3A_247 = vector.shape_cast %broadcast_in_dim3A_245 : vector<16x1xi32> to vector<16x1xi32>
    %broadcast_in_dim3A_248 = vector.broadcast %broadcast_in_dim3A_247 : vector<16x1xi32> to vector<16x1024xi32>
    %broadcast_in_dim3A_249 = vector.broadcast %jit3A_246 : i32 to vector<16x1024xi32>
    %select_n3A_250 = arith.select %eq3A_242, %broadcast_in_dim3A_248, %broadcast_in_dim3A_249 : vector<16x1024xi1>, vector<16x1024xi32>
    %add3A_251 = arith.addi %add3A_239, %select_n3A_250 : vector<16x1024xi32>
    %eq3A_252 = arith.constant 11 : i32
    %eq3A_253 = vector.broadcast %eq3A_252 : i32 to vector<16x1024xi32>
    %eq3A_254 = arith.cmpi eq, %shift_right_arithmetic3A_114, %eq3A_253 : vector<16x1024xi32>
    %slice3A_255 = vector.extract_strided_slice %convert_element_type3A_111 {offsets = [0, 11], sizes = [16, 1], strides = [1, 1]} : vector<16x16xi32> to vector<16x1xi32>
    %squeeze3A_256 = vector.shape_cast %slice3A_255 : vector<16x1xi32> to vector<16xi32>
    %broadcast_in_dim3A_257 = vector.shape_cast %squeeze3A_256 : vector<16xi32> to vector<16x1xi32>
    %jit3A_258 = arith.constant 0 : i32
    %broadcast_in_dim3A_259 = vector.shape_cast %broadcast_in_dim3A_257 : vector<16x1xi32> to vector<16x1xi32>
    %broadcast_in_dim3A_260 = vector.broadcast %broadcast_in_dim3A_259 : vector<16x1xi32> to vector<16x1024xi32>
    %broadcast_in_dim3A_261 = vector.broadcast %jit3A_258 : i32 to vector<16x1024xi32>
    %select_n3A_262 = arith.select %eq3A_254, %broadcast_in_dim3A_260, %broadcast_in_dim3A_261 : vector<16x1024xi1>, vector<16x1024xi32>
    %add3A_263 = arith.addi %add3A_251, %select_n3A_262 : vector<16x1024xi32>
    %eq3A_264 = arith.constant 12 : i32
    %eq3A_265 = vector.broadcast %eq3A_264 : i32 to vector<16x1024xi32>
    %eq3A_266 = arith.cmpi eq, %shift_right_arithmetic3A_114, %eq3A_265 : vector<16x1024xi32>
    %slice3A_267 = vector.extract_strided_slice %convert_element_type3A_111 {offsets = [0, 12], sizes = [16, 1], strides = [1, 1]} : vector<16x16xi32> to vector<16x1xi32>
    %squeeze3A_268 = vector.shape_cast %slice3A_267 : vector<16x1xi32> to vector<16xi32>
    %broadcast_in_dim3A_269 = vector.shape_cast %squeeze3A_268 : vector<16xi32> to vector<16x1xi32>
    %jit3A_270 = arith.constant 0 : i32
    %broadcast_in_dim3A_271 = vector.shape_cast %broadcast_in_dim3A_269 : vector<16x1xi32> to vector<16x1xi32>
    %broadcast_in_dim3A_272 = vector.broadcast %broadcast_in_dim3A_271 : vector<16x1xi32> to vector<16x1024xi32>
    %broadcast_in_dim3A_273 = vector.broadcast %jit3A_270 : i32 to vector<16x1024xi32>
    %select_n3A_274 = arith.select %eq3A_266, %broadcast_in_dim3A_272, %broadcast_in_dim3A_273 : vector<16x1024xi1>, vector<16x1024xi32>
    %add3A_275 = arith.addi %add3A_263, %select_n3A_274 : vector<16x1024xi32>
    %eq3A_276 = arith.constant 13 : i32
    %eq3A_277 = vector.broadcast %eq3A_276 : i32 to vector<16x1024xi32>
    %eq3A_278 = arith.cmpi eq, %shift_right_arithmetic3A_114, %eq3A_277 : vector<16x1024xi32>
    %slice3A_279 = vector.extract_strided_slice %convert_element_type3A_111 {offsets = [0, 13], sizes = [16, 1], strides = [1, 1]} : vector<16x16xi32> to vector<16x1xi32>
    %squeeze3A_280 = vector.shape_cast %slice3A_279 : vector<16x1xi32> to vector<16xi32>
    %broadcast_in_dim3A_281 = vector.shape_cast %squeeze3A_280 : vector<16xi32> to vector<16x1xi32>
    %jit3A_282 = arith.constant 0 : i32
    %broadcast_in_dim3A_283 = vector.shape_cast %broadcast_in_dim3A_281 : vector<16x1xi32> to vector<16x1xi32>
    %broadcast_in_dim3A_284 = vector.broadcast %broadcast_in_dim3A_283 : vector<16x1xi32> to vector<16x1024xi32>
    %broadcast_in_dim3A_285 = vector.broadcast %jit3A_282 : i32 to vector<16x1024xi32>
    %select_n3A_286 = arith.select %eq3A_278, %broadcast_in_dim3A_284, %broadcast_in_dim3A_285 : vector<16x1024xi1>, vector<16x1024xi32>
    %add3A_287 = arith.addi %add3A_275, %select_n3A_286 : vector<16x1024xi32>
    %eq3A_288 = arith.constant 14 : i32
    %eq3A_289 = vector.broadcast %eq3A_288 : i32 to vector<16x1024xi32>
    %eq3A_290 = arith.cmpi eq, %shift_right_arithmetic3A_114, %eq3A_289 : vector<16x1024xi32>
    %slice3A_291 = vector.extract_strided_slice %convert_element_type3A_111 {offsets = [0, 14], sizes = [16, 1], strides = [1, 1]} : vector<16x16xi32> to vector<16x1xi32>
    %squeeze3A_292 = vector.shape_cast %slice3A_291 : vector<16x1xi32> to vector<16xi32>
    %broadcast_in_dim3A_293 = vector.shape_cast %squeeze3A_292 : vector<16xi32> to vector<16x1xi32>
    %jit3A_294 = arith.constant 0 : i32
    %broadcast_in_dim3A_295 = vector.shape_cast %broadcast_in_dim3A_293 : vector<16x1xi32> to vector<16x1xi32>
    %broadcast_in_dim3A_296 = vector.broadcast %broadcast_in_dim3A_295 : vector<16x1xi32> to vector<16x1024xi32>
    %broadcast_in_dim3A_297 = vector.broadcast %jit3A_294 : i32 to vector<16x1024xi32>
    %select_n3A_298 = arith.select %eq3A_290, %broadcast_in_dim3A_296, %broadcast_in_dim3A_297 : vector<16x1024xi1>, vector<16x1024xi32>
    %add3A_299 = arith.addi %add3A_287, %select_n3A_298 : vector<16x1024xi32>
    %eq3A_300 = arith.constant 15 : i32
    %eq3A_301 = vector.broadcast %eq3A_300 : i32 to vector<16x1024xi32>
    %eq3A_302 = arith.cmpi eq, %shift_right_arithmetic3A_114, %eq3A_301 : vector<16x1024xi32>
    %slice3A_303 = vector.extract_strided_slice %convert_element_type3A_111 {offsets = [0, 15], sizes = [16, 1], strides = [1, 1]} : vector<16x16xi32> to vector<16x1xi32>
    %squeeze3A_304 = vector.shape_cast %slice3A_303 : vector<16x1xi32> to vector<16xi32>
    %broadcast_in_dim3A_305 = vector.shape_cast %squeeze3A_304 : vector<16xi32> to vector<16x1xi32>
    %jit3A_306 = arith.constant 0 : i32
    %broadcast_in_dim3A_307 = vector.shape_cast %broadcast_in_dim3A_305 : vector<16x1xi32> to vector<16x1xi32>
    %broadcast_in_dim3A_308 = vector.broadcast %broadcast_in_dim3A_307 : vector<16x1xi32> to vector<16x1024xi32>
    %broadcast_in_dim3A_309 = vector.broadcast %jit3A_306 : i32 to vector<16x1024xi32>
    %select_n3A_310 = arith.select %eq3A_302, %broadcast_in_dim3A_308, %broadcast_in_dim3A_309 : vector<16x1024xi1>, vector<16x1024xi32>
    %add3A_311 = arith.addi %add3A_299, %select_n3A_310 : vector<16x1024xi32>
    %shift_right_arithmetic3A_312 = arith.shrsi %add3A_311, %and3A_117 : vector<16x1024xi32>
    %and3A_313 = arith.constant 1 : i32
    %and3A_314 = vector.broadcast %and3A_313 : i32 to vector<16x1024xi32>
    %and3A_315 = arith.andi %shift_right_arithmetic3A_312, %and3A_314 : vector<16x1024xi32>
    %iota3A_316 = tpu.iota {dimensions = array<i32: 0>} : vector<16x1024xi32>
    %sub3A = arith.constant 15 : i32
    %sub3A_317 = vector.broadcast %sub3A : i32 to vector<16x1024xi32>
    %sub3A_318 = arith.subi %sub3A_317, %iota3A_316 : vector<16x1024xi32>
    %shift_left3A_319 = arith.shli %and3A_315, %sub3A_318 : vector<16x1024xi32>
    %reduce_sum3A = arith.constant dense<0> : vector<1024xi32>
    %reduce_sum3A_320 = vector.multi_reduction <add>, %shift_left3A_319, %reduce_sum3A [0] : vector<16x1024xi32> to vector<1024xi32>
    %convert_element_type3A_321 = arith.sitofp %reduce_sum3A_320 : vector<1024xi32> to vector<1024xf32>
    %min3A = arith.constant 3.276700e+04 : f32
    %min3A_322 = vector.broadcast %min3A : f32 to vector<1024xf32>
    %min3A_323 = arith.minimumf %convert_element_type3A_321, %min3A_322 : vector<1024xf32>
    %swap3A = arith.constant 0 : index
    %swap3A_324 = vector.load %arg4[%swap3A] : memref<1024xf32, #tpu.memory_space<vmem>>, vector<1024xf32>
    tpu.vector_store %arg4[%swap3A], %min3A_323 {strides = array<i32>} : memref<1024xf32, #tpu.memory_space<vmem>>, vector<1024xf32>,
    return
  }
  func.func @transform_0(%arg0: i32) -> (i32, i32) {
    %c0_i32 = arith.constant 0 : i32
    %c0_i32_0 = arith.constant 0 : i32
    return %arg0, %c0_i32 : i32, i32
  }
  func.func @transform_1(%arg0: i32) -> (i32, i32) {
    %c0_i32 = arith.constant 0 : i32
    %c0_i32_0 = arith.constant 0 : i32
    %c0_i32_1 = arith.constant 0 : i32
    return %c0_i32, %c0_i32_0 : i32, i32
  }
  func.func @transform_2(%arg0: i32) -> (i32, i32) {
    %c0_i32 = arith.constant 0 : i32
    %c0_i32_0 = arith.constant 0 : i32
    %c0_i32_1 = arith.constant 0 : i32
    return %c0_i32, %c0_i32_0 : i32, i32
  }
  func.func @transform_3(%arg0: i32) -> i32 {
    %c0_i32 = arith.constant 0 : i32
    return %arg0 : i32
  }
}

</mosaic_0001>

<sc_bundles>
// kernel: kernel.4.cloned.1.call-start
scs
__scs_entry_jumppad:
0x0: {  	(pc) =	sbr.rel $0x88, $3  }
0x1: {  	(tag) =	ssettag $0x0;
	lr =	simm.s32 $0x1  }
0x2: {  	[smem:$0x3F9E] =	sst lr;
	_ =	strace $0xD0000000  }
0x3: {  	_ = 	snop  }
0x4: {  	_ = 	snop  }
0x5: {  	_ = 	snop  }
0x6: {  	_ = 	snop  }
0x7: {  	_ = 	snop  }
__scs_overlays_trampoline_lowered:
0x8: {  	[smem:$0x3FAD] =	sst s0  }
0x9: {  	[smem:$0x3FAE] =	sst s1  }
0xa: {  	[smem:$0x3FAF] =	sst s2  }
0xb: {  	[smem:$0x3FB0] =	sst s3  }
0xc: {  	[smem:$0x3FB1] =	sst s4  }
0xd: {  	[smem:$0x3FB2] =	sst s5  }
0xe: {  	[smem:$0x3FB3] =	sst s6  }
0xf: {  	[smem:$0x3FB4] =	sst s7  }
0x10: {  	[smem:$0x3FB5] =	sst s8  }
0x11: {  	[smem:$0x3FB6] =	sst s9;
	s0 =	simm.s32 @!p0 $0x0  }
0x12: {  	s1 =	sld [smem:$0x3F9C];
	s0 =	simm.s32 @p0 $0x1  }
0x13: {  	[smem:$0x3FB7] =	sst s0;
	s0 =	simm.s32 @!p1 $0x0  }
0x14: {  	s2 =	sld [smem:$0x3F9B];
	s0 =	simm.s32 @p1 $0x1  }
0x15: {  	[smem:$0x3FB8] =	sst s0;
	s0 =	simm.s32 @!p2 $0x0  }
0x16: {  	s3 =	sld [smem:$0x3FDB];
	s0 =	simm.s32 @p2 $0x1  }
0x17: {  	s4 =	simm.s32 $0x1BF5;
	[smem:$0x3FBA] =	sst s0  }
0x18: {  	s0 =	sld [smem:$0x3F9D];
	_ =	swait.ge [sflag:s4], $0x0  }
0x19: {  	s7 =	sld [smem:$0x3F9E]  }
0x1a: {  	s8 =	sadd.s32 $0xFFFFE003, lr  }
0x1b: {  	s9 =	sadd.s32 $0xFFFFFEF7, lr;
	s5 =	simm.s32 $0xFFFFFFFF;
	p2 =	slt.u32 s8, $0xFFFFF086  }
0x1c: {  	p1 =	slt.u32 s9, $0xF7A;
	s5 =	simm.s32 @!p2 $0x0  }
0x1d: {  	s5 =	simm.s32 @p1 $0x1;
	p0 =	seq.s32 s7, s2  }
0x1e: {  	s7 =	smul.u32 @!p0 $0xF7A, s2;
	p2 =	seq.s32 @!p0 s5, $0x0  }
0x1f: {  	s9 =	smul.u32 $0xF7A, s1;
	s8 =	simm.s32 @!p0 $0x1BF5;
	p2 =	por !p2, p0  }
0x20: {  	[sflag:s8] =	ssyncset.s32 @!p0 $0xFFFFF086;
	s6 =	sadd.s32 @!p0 s3, s7;
	s7 =	simm.s32 @!p0 $0x108  }
0x21: {  	s3 =	sadd.s32 s3, s9;
	s6 =	sadd.s32 @!p0 $0x88, s6;
	s7 =	simm.s32 @p2 $0x1082  }
0x22: {  	[simem:s7], [sflag:s8] =	dma.local @!p0 [hbm:s6], $0xF7A  }
0x23: {  	s9 =	sor.u32 $0xD0000000, s2;
	s6 =	simm.s32 $0x108;
	_ =	swait.ge @!p0 [sflag:s8], $0x0  }
0x24: {  	s3 =	sadd.s32 $0x88, s3;
	s6 =	simm.s32 @!p1 $0x1082;
	[sflag:s4] =	ssyncset.s32 $0xFFFFF086  }
0x25: {  	[simem:s6], [sflag:s4] =	dma.local [hbm:s3], $0xF7A  }
0x26: {  	[smem:$0x3F9E] =	sst s1;
	(tag) =	ssettag s2;
	_ =	strace s9  }
0x27: {  	s1 =	sld [smem:$0x3FAE]  }
0x28: {  	s2 =	sld [smem:$0x3FAF]  }
0x29: {  	s4 =	sld [smem:$0x3FB1]  }
0x2a: {  	p0 =	seq.s32 s5, $0x0;
	s5 =	sld [smem:$0x3FB2]  }
0x2b: {  	s6 =	sld [smem:$0x3FB3]  }
0x2c: {  	s7 =	sld [smem:$0x3FB4]  }
0x2d: {  	s3 =	simm.s32 $0x108;
	s8 =	sld [smem:$0x3FB5]  }
0x2e: {  	s3 =	simm.s32 @!p0 $0x1082;
	s9 =	sld [smem:$0x3FB6]  }
0x2f: {  	lr =	sadd.s32 s0, s3;
	s0 =	sld [smem:$0x3FAD]  }
0x30: {  	s3 =	sld [smem:$0x3FB0]  }
0x31: {  	[smem:$0x3FB9] =	sst s10  }
0x32: {  	s10 =	sld [smem:$0x3FB7];
	_ =	sdelay $0x3  }
0x33: {  	p0 =	seq.s32 s10, $0x1;
	s10 =	sld [smem:$0x3FB9];
	_ =	sdelay $0x3  }
0x34: {  	[smem:$0x3FB9] =	sst s10  }
0x35: {  	s10 =	sld [smem:$0x3FB8];
	_ =	sdelay $0x3  }
0x36: {  	p1 =	seq.s32 s10, $0x1;
	s10 =	sld [smem:$0x3FB9];
	_ =	sdelay $0x3  }
0x37: {  	[smem:$0x3FB9] =	sst s10  }
0x38: {  	s10 =	sld [smem:$0x3FBA]  }
0x39: {  	_ = 	snop;
	(pc) =	sbr.ind lr, $3  }
0x3a: {  	_ = 	snop  }
0x3b: {  	_ = 	snop  }
0x3c: {  	p2 =	seq.s32 s10, $0x1;
	s10 =	sld [smem:$0x3FB9]  }
0x3d: {  	_ =	shalt  }
0x3e: {  	_ =	shalt  }
0x3f: {  	_ =	shalt  }
0x40: {  	_ =	shalt  }
0x41: {  	_ =	shalt  }
0x42: {  	_ =	shalt  }
0x43: {  	_ =	shalt  }
0x44: {  	_ =	shalt  }
0x45: {  	_ =	shalt  }
0x46: {  	_ =	shalt  }
0x47: {  	_ =	shalt  }
0x48: {  	_ =	shalt  }
0x49: {  	_ =	shalt  }
0x4a: {  	_ =	shalt  }
0x4b: {  	_ =	shalt  }
0x4c: {  	_ =	shalt  }
0x4d: {  	_ =	shalt  }
0x4e: {  	_ =	shalt  }
0x4f: {  	_ =	shalt  }
0x50: {  	_ =	shalt  }
0x51: {  	_ =	shalt  }
0x52: {  	_ =	shalt  }
0x53: {  	_ =	shalt  }
0x54: {  	_ =	shalt  }
0x55: {  	_ =	shalt  }
0x56: {  	_ =	shalt  }
0x57: {  	_ =	shalt  }
0x58: {  	_ =	shalt  }
0x59: {  	_ =	shalt  }
0x5a: {  	_ =	shalt  }
0x5b: {  	_ =	shalt  }
0x5c: {  	_ =	shalt  }
0x5d: {  	_ =	shalt  }
0x5e: {  	_ =	shalt  }
0x5f: {  	_ =	shalt  }
0x60: {  	_ =	shalt  }
0x61: {  	_ =	shalt  }
0x62: {  	_ =	shalt  }
0x63: {  	_ =	shalt  }
0x64: {  	_ =	shalt  }
0x65: {  	_ =	shalt  }
0x66: {  	_ =	shalt  }
0x67: {  	_ =	shalt  }
0x68: {  	_ =	shalt  }
0x69: {  	_ =	shalt  }
0x6a: {  	_ =	shalt  }
0x6b: {  	_ =	shalt  }
0x6c: {  	_ =	shalt  }
0x6d: {  	_ =	shalt  }
0x6e: {  	_ =	shalt  }
0x6f: {  	_ =	shalt  }
0x70: {  	_ =	shalt  }
0x71: {  	_ =	shalt  }
0x72: {  	_ =	shalt  }
0x73: {  	_ =	shalt  }
0x74: {  	_ =	shalt  }
0x75: {  	_ =	shalt  }
0x76: {  	_ =	shalt  }
0x77: {  	_ =	shalt  }
0x78: {  	_ =	shalt  }
0x79: {  	_ =	shalt  }
0x7a: {  	_ =	shalt  }
0x7b: {  	_ =	shalt  }
0x7c: {  	_ =	shalt  }
0x7d: {  	_ =	shalt  }
0x7e: {  	_ =	shalt  }
0x7f: {  	_ =	shalt  }
0x80: {  	_ =	shalt  }
0x81: {  	_ =	shalt  }
0x82: {  	_ =	shalt  }
0x83: {  	_ =	shalt  }
0x84: {  	_ =	shalt  }
0x85: {  	_ =	shalt  }
0x86: {  	_ =	shalt  }
0x87: {  	_ =	shalt  }
.Lfunc_end0:
.L_simem_size_0:
called_computation_lowered:
.L_overlay_start_0:
0x88: {  	s2 =	sld [smem:$0x3FD9]  }
0x89: {  	s3 =	sld [smem:$0x3FFE];
	_ =	sdelay $0x1  }
0x8a: {  	s1 =	srdreg.scid  }
0x8b: {  	s0 =	sand.u32 $0x1, s1  }
0x8c: {  	s17 =	sshll.u32 s0, $0xA;
	s2 =	sadd.s32 s3, s2  }
0x8d: {  	s2 =	sadd.s32 s2, s17  }
0x8e: {  	[smem:$0x3FC5] =	sst s2  }
0x8f: {  	_ = 	snop  }
0x90: {  	s2 =	sld [smem:$0x3FC9]  }
0x91: {  	s18 =	sld [smem:$0x3FD0];
	(tm) =	ssettm $0x1  }
0x92: {  	s4 =	sld [smem:$0x3FFB];
	_ =	sdelay $0x3  }
0x93: {  	_ =	strace s4  }
0x94: {  	s4 =	sld [smem:$0x3FFC];
	_ =	sdelay $0x3  }
0x95: {  	_ =	strace s4  }
0x96: {  	s4 =	sld [smem:$0x3FFD];
	_ =	sdelay $0x3  }
0x97: {  	_ =	strace s4  }
0x98: {  	_ =	strace $0x8FFFFFFF  }
0x99: {  	s19 =	sld [smem:$0x3FDB];
	_ =	sdelay $0x1  }
0x9a: {  	s5 =	simm.s32 $_scs_section_size  }
0x9b: {  	s6 =	simm.s32 $_size__tile_overlayer_lowered;
	s7 =	simm.s32 $_tile_overlayer_lowered  }
0x9c: {  	s22 =	simm.s32 $0x1BFF;
	s21 =	sshll.u32 s7, $0x1;
	s4 =	sadd.s32 s5, s19  }
0x9d: {  	s8 =	simm.s32 $0x0;
	s20 =	sshll.u32 s6, $0x1;
	s6 =	sadd.s32 s21, s4  }
0x9e: {  	[timem:s8], [sflag:s22] =	dma.local [hbm:s6], s20  }
0x9f: {  	_ =	swait.ge [sflag:s22], s20  }
0xa0: {  	s5 =	ssub.s32 $0x0, s20;
	[sflag:s22] =	ssyncset.done $0x0  }
0xa1: {  	[sflag:s22] =	ssyncadd.s32 s5;
	_ =	sdelay $0x1  }
0xa2: {  	s23 =	simm.s32 $0x1B8B  }
0xa3: {  	_ =	swait.ge [sflag:s23], $0x1  }
0xa4: {  	[sflag:s23] =	ssyncset.done $0x0  }
0xa5: {  	s25 =	simm.s32 $0x1B8E;
	s24 =	sld [smem:$0x3FFE];
	[sflag:s23] =	ssyncadd.s32 $0xFFFFFFFF  }
0xa6: {  	s26 =	simm.s32 $execute0_lowered;
	[smem:$0x3FD2] =	sst s25  }
0xa7: {  	s6 =	sshll.u32 s26, $0x1;
	_ =	strace $0x80000046;
	[dreg:$0x1] =	wrdreg $0xFFFFFFFF  }
0xa8: {  	s28 =	simm.s32 $_size_execute0_lowered;
	s4 =	sadd.s32 s4, s6;
	[dreg:$0x0] =	wrdreg $0x0  }
0xa9: {  	s6 =	sshll.u32 s28, $0x1;
	[dreg:$0x2] =	wrdreg s4  }
0xaa: {  	[dreg:$0x3] =	wrdreg s6  }
0xab: {  	[dreg:$0x4] =	wrdreg $0xC0  }
0xac: {  	_ =	task [dreg:s8], $0x5FFFF  }
0xad: {  	[dreg:$0x1] =	wrdreg $0xFFFFFFFF  }
0xae: {  	[dreg:$0x0] =	wrdreg $0x60  }
0xaf: {  	[dreg:$0x2] =	wrdreg s2  }
0xb0: {  	[dreg:$0x3] =	wrdreg s24  }
0xb1: {  	[dreg:$0x4] =	wrdreg s18  }
0xb2: {  	[dreg:$0x5] =	wrdreg $0x9  }
0xb3: {  	_ =	task.clear_ibuf [dreg:s8], $0x6FFFF;
	_ =	strace $0x90000046  }
0xb4: {  	s29 =	simm.s32 $0x9;
	_ =	strace $0x80000048  }
0xb5: {  	_ =	swait.ge [sflag:s29], $0x1  }
0xb6: {  	[sflag:s29] =	ssyncadd.s32 $0xFFFFFFFF  }
0xb7: {  	_ =	strace $0x90000048  }
0xb8: {  	_ =	sfence  }
0xb9: {  	s30 =	sld [smem:$0x0];
	_ =	sdelay $0x2  }
0xba: {  	s31 =	sshll.u32 s1, $0xD;
	s1 =	sshrl.u32 s1, $0x2  }
0xbb: {  	s3 =	sand.u32 $0x4000, s31;
	s1 =	sadd.s32 s1, s30  }
0xbc: {  	s0 =	sor.u32 s3, s0;
	s1 =	sshll.u32 s1, $0x11  }
0xbd: {  	s0 =	sor.u32 s1, s0  }
0xbe: {  	s0 =	sadd.s32 $0x8F2B, s0  }
0xbf: {  	[sflag:s0] =	ssyncadd.remote.s32 $0x1  }
0xc0: {  	_ =	sfence.sel $0xFFFF  }
0xc1: {  	[dreg:$0x0] =	wrdreg $0xFFFFFFFF;
	(pc) =	sbr.abs _section_cstart, $3  }
0xc2: {  	[dreg:$0x1] =	wrdreg $0xFFFFFFFF  }
0xc3: {  	_ =	task.clear_ibuf [dreg:s8], $0x2FFFF;
	_ =	strace $0x9FFFFFFF  }
0xc4: {  	(tm) =	ssettm $0x7FFFFFFF  }
0xc5: {  	_ =	shalt  }
tec
execute0_lowered:
.L_overlay_start_1:
0x0: {  	(tag) =	ssettag $0x1  }
0x1: {  	v0 =	vimm.s32 $0x2380;
	vm0 =	vcmask $0x300;
	v1 =	vimm.s32 $0x6380  }
0x2: {  	vm1 =	vcmask $0x704;
	v0 =	vsel vm0, $0x0, v0;
	v1 =	vsel vm0, $0x4000, v1  }
0x3: {  	vm15 =	vcmask $0xB08;
	v0 =	vsel vm1, $0x80, v0;
	v1 =	vsel vm1, $0x4080, v1  }
0x4: {  	s1 =	srdreg.scid;
	s6 =	rddreg [dreg:$0x0];
	vm4 =	vcmask $0xF0C;
	v0 =	vsel vm15, $0x100, v0;
	v1 =	vsel vm15, $0x4100, v1  }
0x5: {  	s0 =	stileid.u32;
	s7 =	rddreg [dreg:$0x1];
	vm5 =	vcmask $0x1310;
	v0 =	vsel vm4, $0x180, v0;
	v1 =	vsel vm4, $0x4180, v1  }
0x6: {  	s2 =	rddreg [dreg:$0x2];
	vm6 =	vcmask $0x1714;
	s3 =	simm.s32 $0x0;
	s13 =	simm.s32 $0x1;
	v0 =	vsel vm5, $0x200, v0;
	v1 =	vsel vm5, $0x4200, v1  }
0x7: {  	vm7 =	vcmask $0x1B18;
	s14 =	simm.s32 $0x2;
	s15 =	simm.s32 $0x11800;
	s16 =	simm.s32 $0x4;
	v0 =	vsel vm6, $0x280, v0;
	v1 =	vsel vm6, $0x4280, v1  }
0x8: {  	vm8 =	vcmask $0x1F1C;
	s17 =	simm.s32 $0x0;
	s5 =	sand.u32 $0x1, s1;
	s29 =	sshll.u32 s0, $0x1;
	v0 =	vsel vm7, $0x300, v0;
	v1 =	vsel vm7, $0x4300, v1  }
0x9: {  	vm9 =	vcmask $0x2320;
	[smem:$0x7FF] =	sst s3;
	s10 =	smul.u32 $0xC000, s0;
	s1 =	sor.u32 s5, s29;
	v0 =	vsel vm8, $0x380, v0;
	v1 =	vsel vm8, $0x4380, v1  }
0xa: {  	vm10 =	vcmask $0x2724;
	s4 =	sadd.s32 $0x800, s7;
	s30 =	ssub.s32 $0x2, s5;
	s8 =	smul.u32 $0xC0, s1;
	v0 =	vsel vm9, $0x2000, v0;
	v1 =	vsel vm9, $0x6000, v1  }
0xb: {  	vm11 =	vcmask $0x2B28;
	s12 =	smul.u32 $0x6000, s5;
	s1 =	rddreg [dreg:$0x3];
	_ =	strace $0x80000047;
	v0 =	vsel vm10, $0x2080, v0;
	v1 =	vsel vm10, $0x6080, v1  }
0xc: {  	vm12 =	vcmask $0x2F2C;
	s11 =	sshrl.u32 s30, $0x1;
	s31 =	sadd.s32 s10, s6;
	s9 =	sshrl.u32 s8, $0x3;
	v0 =	vsel vm11, $0x2100, v0;
	v1 =	vsel vm11, $0x6100, v1  }
0xd: {  	vm13 =	vcmask $0x3330;
	s10 =	simm.s32 $0x10800;
	s8 =	sshll.u32 s8, $0x7;
	s7 =	sadd.s32 s9, s7;
	v0 =	vsel vm12, $0x2180, v0;
	v1 =	vsel vm12, $0x6180, v1  }
0xe: {  	vm14 =	vcmask $0x3734;
	s8 =	sadd.s32 s6, s8;
	s9 =	ssub.s32 s30, s11;
	s11 =	simm.s32 $0x3;
	v0 =	vsel vm13, $0x2200, v0;
	v1 =	vsel vm13, $0x6200, v1  }
0xf: {  	vm15 =	vcmask $0x3B38;
	s5 =	sadd.s32 $0x140000, s8;
	s6 =	sadd.s32 $0xA00, s7;
	s7 =	smax.u32 s9, $0x1;
	v0 =	vsel vm14, $0x2280, v0;
	v1 =	vsel vm14, $0x6280, v1  }
0x10: {  	s8 =	sadd.s32 s12, s31;
	s9 =	simm.s32 $0x10000;
	s12 =	simm.s32 $0x8000;
	v0 =	vsel vm15, $0x2300, v0;
	v1 =	vsel vm15, $0x6300, v1  }
.LBB2_1:
0x11: {  	[tilespmem:s3], [sflag:$0x1] =	stream.linear.gather [hbm4b:s5+s3], $0x8000, $0x38;
	[tilespmem:$0x11900] =	vst v63  }
0x12: {  	_ = 	snop  }
0x13: {  	[tilespmem:s9], [sflag:$0x3] =	stream.linear.gather [hbm4b:s4+s3], $0x800, $0x38;
	[tilespmem:$0x11900] =	vst v63  }
0x14: {  	_ = 	snop  }
0x15: {  	[tilespmem:s10], [sflag:$0x3] =	stream.linear.gather [hbm4b:s2+s3], $0x1000, $0x38;
	[tilespmem:$0x11900] =	vst v63  }
0x16: {  	_ =	swait.ge [sflag:s11], $0x800  }
0x17: {  	[sflag:s11] =	ssyncset.done $0x0  }
0x18: {  	[sflag:s11] =	ssyncadd.s32 $0xFFFFF800  }
0x19: {  	_ =	swait.ge [sflag:s11], $0x1000  }
0x1a: {  	[sflag:s11] =	ssyncset.done $0x0  }
0x1b: {  	s18 =	simm.s32 $0x11820;
	s19 =	simm.s32 $0x0;
	[sflag:s11] =	ssyncadd.s32 $0xFFFFF000  }
.LBB2_2:
0x1c: {  	s20 =	sadd.s32 s19, s8  }
0x1d: {  	s20 =	sadd.s32 $0x141000, s20  }
0x1e: {  	[tilespmem:s12], [sflag:$0x2] =	stream.linear.gather [hbm4b:s20+s3], $0x8000, $0x38;
	[tilespmem:$0x11900] =	vst v63  }
0x1f: {  	_ =	swait.ge [sflag:s13], $0x8000  }
0x20: {  	[sflag:s13] =	ssyncset.done $0x0  }
0x21: {  	[sflag:s13] =	ssyncadd.s32 $0xFFFF8000  }
0x22: {  	v2 =	vld [tilespmem:$0x10000]  }
0x23: {  	v3 =	vld [tilespmem:$0x10010]  }
0x24: {  	v5 =	vld [tilespmem:$0x10020]  }
0x25: {  	v6 =	vld [tilespmem:$0x10030]  }
0x26: {  	v8 =	vld [tilespmem:$0x10040]  }
0x27: {  	v11 =	vld [tilespmem:$0x10050]  }
0x28: {  	v12 =	vld [tilespmem:$0x10060]  }
0x29: {  	v4 =	vshll.u32 v2, $0x3  }
0x2a: {  	v2 =	vand.u32 $0x7F, v2;
	v7 =	vshll.u32 v3, $0x3;
	v3 =	vand.u32 $0x7F, v3  }
0x2b: {  	v31 =	vld [tilespmem:$0x10080];
	v26 =	vshll.u32 v5, $0x3;
	v5 =	vand.u32 $0x7F, v5;
	v27 =	vshll.u32 v6, $0x3  }
0x2c: {  	v38 =	vld [tilespmem:$0x10090];
	v6 =	vand.u32 $0x7F, v6;
	v28 =	vshll.u32 v8, $0x3;
	v14 =	vshll.u32 v11, $0x3  }
0x2d: {  	v42 =	vld [tilespmem:$0x100A0];
	v11 =	vand.u32 $0x7F, v11;
	v15 =	vshll.u32 v12, $0x3;
	v4 =	vand.u32 $0xFFFFFC00, v4  }
0x2e: {  	v44 =	vld [tilespmem:$0x100B0];
	v12 =	vand.u32 $0x7F, v12;
	v7 =	vand.u32 $0xFFFFFC00, v7;
	v2 =	vor.u32 v2, v4  }
0x2f: {  	v49 =	vld [tilespmem:$0x100C0];
	v14 =	vand.u32 $0xFFFFFC00, v14;
	v29 =	vand.u32 $0xFFFFFC00, v15;
	v4 =	vadd.s32 v0, v2  }
0x30: {  	v51 =	vld [tilespmem:$0x100D0];
	v3 =	vor.u32 v3, v7;
	v7 =	vand.u32 $0xFFFFFC00, v26;
	v2 =	vadd.s32 v1, v2  }
0x31: {  	v18 =	vld [tilespmem:$0x100E0];
	v11 =	vor.u32 v11, v14;
	v12 =	vor.u32 v12, v29;
	v9 =	vadd.s32 v0, v3  }
0x32: {  	v20 =	vld [tilespmem:$0x100F0];
	v3 =	vadd.s32 v1, v3;
	v5 =	vor.u32 v5, v7;
	v7 =	vand.u32 $0xFFFFFC00, v27  }
0x33: {  	v30 =	vadd.s32 v0, v11;
	v6 =	vor.u32 v6, v7;
	v7 =	vand.u32 $0xFFFFFC00, v28;
	v28 =	vld [tilespmem:$0x10100]  }
0x34: {  	v16 =	vadd.s32 v0, v12;
	v4 =	vld.idx.msk [tilespmem:v4+s3+$0x0], $0xffff  }
0x35: {  	v8 =	vand.u32 $0x7F, v8;
	v12 =	vadd.s32 v1, v12;
	v2 =	vld.idx.msk [tilespmem:v2+s3+$0x0], $0xffff  }
0x36: {  	v35 =	vshll.u32 v31, $0x3;
	v37 =	vand.u32 $0x7F, v31;
	v10 =	vadd.s32 v0, v5;
	v9 =	vld.idx.msk [tilespmem:v9+s3+$0x0], $0xffff  }
0x37: {  	v46 =	vshll.u32 v38, $0x3;
	v48 =	vshll.u32 v42, $0x3;
	v5 =	vadd.s32 v1, v5;
	v3 =	vld.idx.msk [tilespmem:v3+s3+$0x0], $0xffff  }
0x38: {  	v52 =	vshll.u32 v44, $0x3;
	v19 =	vshll.u32 v49, $0x3;
	v13 =	vadd.s32 v0, v6;
	v33 =	vld.idx.msk [tilespmem:v30+s3+$0x0], $0xffff  }
0x39: {  	v21 =	vshll.u32 v51, $0x3;
	v55 =	vshll.u32 v18, $0x3;
	v6 =	vadd.s32 v1, v6;
	v36 =	vld.idx.msk [tilespmem:v16+s3+$0x0], $0xffff  }
0x3a: {  	v18 =	vand.u32 $0x7F, v18;
	v19 =	vand.u32 $0xFFFFFC00, v19;
	v14 =	vand.u32 $0x7F, v49;
	v45 =	vld.idx.msk [tilespmem:v12+s3+$0x0], $0xffff  }
0x3b: {  	v56 =	vshll.u32 v20, $0x3;
	v20 =	vand.u32 $0x7F, v20;
	v14 =	vor.u32 v14, v19;
	v10 =	vld.idx.msk [tilespmem:v10+s3+$0x0], $0xffff  }
0x3c: {  	v53 =	vand.u32 $0xFFFFFC00, v21;
	v54 =	vadd.s32 v0, v14;
	v7 =	vor.u32 v8, v7;
	v5 =	vld.idx.msk [tilespmem:v5+s3+$0x0], $0xffff  }
0x3d: {  	v34 =	vadd.s32 v1, v11;
	v19 =	vand.u32 $0xFFFFFC00, v55;
	v8 =	vadd.s32 v0, v7;
	v13 =	vld.idx.msk [tilespmem:v13+s3+$0x0], $0xffff  }
0x3e: {  	v11 =	vand.u32 $0x7F, v38;
	v14 =	vadd.s32 v1, v14;
	v18 =	vor.u32 v18, v19;
	v6 =	vld.idx.msk [tilespmem:v6+s3+$0x0], $0xffff  }
0x3f: {  	v7 =	vadd.s32 v1, v7;
	v16 =	vand.u32 $0x7F, v51;
	v30 =	vld [tilespmem:$0x10110];
	v4 =	vshll.u32 v4, $0x2  }
0x40: {  	v51 =	vld [tilespmem:$0x10180];
	v9 =	vshll.u32 v9, $0x1;
	v2 =	vshll.u32 v2, $0x2;
	v3 =	vshll.u32 v3, $0x1  }
0x41: {  	v16 =	vor.u32 v16, v53;
	v57 =	vld.idx.msk [tilespmem:v54+s3+$0x0], $0xffff;
	v4 =	vadd.s32 v4, v9;
	v2 =	vadd.s32 v2, v3  }
0x42: {  	v22 =	vadd.s32 v0, v16;
	v8 =	vld.idx.msk [tilespmem:v8+s3+$0x0], $0xffff;
	v4 =	vadd.s32 v10, v4;
	v2 =	vadd.s32 v5, v2  }
0x43: {  	v3 =	vld [tilespmem:$0x10070];
	v32 =	vshll.u32 v13, $0x1;
	v10 =	vand.u32 $0xFFFFFC00, v35;
	v6 =	vshll.u32 v6, $0x1  }
0x44: {  	v60 =	vld.idx.msk [tilespmem:v14+s3+$0x0], $0xffff;
	v5 =	vshll.u32 v33, $0x1;
	v13 =	vand.u32 $0x7F, v42;
	v4 =	vshll.u32 v4, $0x2  }
0x45: {  	v53 =	vld [tilespmem:$0x10190];
	v2 =	vshll.u32 v2, $0x2;
	v10 =	vor.u32 v37, v10;
	v4 =	vadd.s32 v4, v32  }
0x46: {  	v7 =	vld.idx.msk [tilespmem:v7+s3+$0x0], $0xffff;
	v40 =	vadd.s32 v0, v10;
	v2 =	vadd.s32 v2, v6;
	v10 =	vadd.s32 v1, v10  }
0x47: {  	v9 =	vld.idx.msk [tilespmem:v34+s3+$0x0], $0xffff;
	v6 =	vand.u32 $0x7F, v44;
	v4 =	vadd.s32 v8, v4;
	v8 =	vand.u32 $0xFFFFFC00, v46  }
0x48: {  	v58 =	vld.idx.msk [tilespmem:v22+s3+$0x0], $0xffff;
	v39 =	vshll.u32 v3, $0x3;
	v4 =	vshll.u32 v4, $0x2;
	v8 =	vor.u32 v11, v8  }
0x49: {  	v37 =	vld [tilespmem:$0x10130];
	v11 =	vand.u32 $0xFFFFFC00, v48;
	v41 =	vand.u32 $0xFFFFFC00, v39;
	v50 =	vadd.s32 v0, v8  }
0x4a: {  	v4 =	vadd.s32 v4, v5;
	v8 =	vadd.s32 v1, v8;
	v11 =	vor.u32 v13, v11;
	v39 =	vld [tilespmem:$0x10140]  }
0x4b: {  	v3 =	vand.u32 $0x7F, v3;
	v4 =	vadd.s32 v36, v4;
	v17 =	vadd.s32 v0, v11;
	v36 =	vld [tilespmem:$0x10120]  }
0x4c: {  	v13 =	vand.u32 $0xFFFFFC00, v52;
	v3 =	vor.u32 v3, v41;
	v11 =	vadd.s32 v1, v11;
	v47 =	vld.idx.msk [tilespmem:v40+s3+$0x0], $0xffff  }
0x4d: {  	v19 =	vand.u32 $0xFFFFFC00, v56;
	v6 =	vor.u32 v6, v13;
	v43 =	vadd.s32 v0, v3;
	v10 =	vld.idx.msk [tilespmem:v10+s3+$0x0], $0xffff  }
0x4e: {  	v23 =	vadd.s32 v0, v18;
	v19 =	vor.u32 v20, v19;
	v13 =	vadd.s32 v0, v6;
	v15 =	vld.idx.msk [tilespmem:v50+s3+$0x0], $0xffff  }
0x4f: {  	v18 =	vadd.s32 v1, v18;
	v20 =	vadd.s32 v0, v19;
	v6 =	vadd.s32 v1, v6;
	v8 =	vld.idx.msk [tilespmem:v8+s3+$0x0], $0xffff  }
0x50: {  	v63 =	vadd.s32 v1, v19;
	v2 =	vadd.s32 v7, v2;
	v3 =	vadd.s32 v1, v3;
	v17 =	vld.idx.msk [tilespmem:v17+s3+$0x0], $0xffff  }
0x51: {  	v16 =	vadd.s32 v1, v16;
	v2 =	vshll.u32 v2, $0x2;
	v9 =	vshll.u32 v9, $0x1;
	v11 =	vld.idx.msk [tilespmem:v11+s3+$0x0], $0xffff  }
0x52: {  	v33 =	vshll.u32 v30, $0x3;
	v35 =	vand.u32 $0x7F, v30;
	v2 =	vadd.s32 v2, v9;
	v5 =	vld.idx.msk [tilespmem:v43+s3+$0x0], $0xffff  }
0x53: {  	v32 =	vshll.u32 v28, $0x3;
	v24 =	vshll.u32 v58, $0x1;
	v2 =	vadd.s32 v45, v2;
	v13 =	vld.idx.msk [tilespmem:v13+s3+$0x0], $0xffff  }
0x54: {  	v58 =	vshll.u32 v53, $0x3;
	v4 =	vshll.u32 v4, $0x1;
	v2 =	vshll.u32 v2, $0x1;
	v6 =	vld.idx.msk [tilespmem:v6+s3+$0x0], $0xffff  }
0x55: {  	v45 =	vshll.u32 v39, $0x3;
	v38 =	vshll.u32 v36, $0x3;
	v3 =	vld.idx.msk [tilespmem:v3+s3+$0x0], $0xffff;
	v12 =	vshll.u32 v47, $0x2  }
0x56: {  	v62 =	vld.idx.msk [tilespmem:v23+s3+$0x0], $0xffff;
	v10 =	vshll.u32 v10, $0x2;
	v43 =	vshll.u32 v37, $0x3;
	v15 =	vshll.u32 v15, $0x1  }
0x57: {  	v25 =	vld.idx.msk [tilespmem:v18+s3+$0x0], $0xffff;
	v14 =	vand.u32 $0xFFFFFC00, v43;
	v8 =	vshll.u32 v8, $0x1;
	v12 =	vadd.s32 v12, v15  }
0x58: {  	v22 =	vld.idx.msk [tilespmem:v16+s3+$0x0], $0xffff;
	v8 =	vadd.s32 v10, v8;
	v10 =	vand.u32 $0x7F, v36;
	v59 =	vadd.s32 v17, v12  }
0x59: {  	v23 =	vld.idx.msk [tilespmem:v20+s3+$0x0], $0xffff;
	v61 =	vshll.u32 v13, $0x1;
	v17 =	vadd.s32 v11, v8;
	v6 =	vshll.u32 v6, $0x1  }
0x5a: {  	v29 =	vld.idx.msk [tilespmem:v63+s3+$0x0], $0xffff;
	v4 =	vadd.s32 v4, v5;
	v2 =	vadd.s32 v2, v3;
	v11 =	vand.u32 $0x7F, v37  }
0x5b: {  	v42 =	vld [tilespmem:$0x10150];
	v13 =	vand.u32 $0x7F, v39;
	v9 =	vshll.u32 v59, $0x2;
	v7 =	vshll.u32 v17, $0x2  }
0x5c: {  	v30 =	vld [tilespmem:$0x101B0];
	v11 =	vor.u32 v11, v14;
	v14 =	vand.u32 $0xFFFFFC00, v45;
	v59 =	vand.u32 $0x7F, v53  }
0x5d: {  	v44 =	vld [tilespmem:$0x10160];
	v19 =	vadd.s32 v9, v61;
	v26 =	vadd.s32 v7, v6;
	v9 =	vshll.u32 v22, $0x1  }
0x5e: {  	v47 =	vld [tilespmem:$0x10170];
	v46 =	vadd.s32 v0, v11;
	v11 =	vadd.s32 v1, v11;
	v13 =	vor.u32 v13, v14  }
0x5f: {  	v36 =	vld [tilespmem:$0x101D0];
	v8 =	vadd.s32 v57, v19;
	v5 =	vadd.s32 v60, v26;
	v49 =	vadd.s32 v0, v13  }
0x60: {  	v39 =	vld [tilespmem:$0x101E0];
	v57 =	vshll.u32 v51, $0x3;
	v19 =	vand.u32 $0x7F, v51;
	v60 =	vand.u32 $0xFFFFFC00, v58  }
0x61: {  	v8 =	vshll.u32 v8, $0x2;
	v5 =	vshll.u32 v5, $0x2;
	v18 =	vand.u32 $0xFFFFFC00, v57;
	v4 =	vld.idx.msk [tilespmem:v4+s10+$0x0], $0xffff  }
0x62: {  	v27 =	vadd.s32 v8, v24;
	v3 =	vadd.s32 v5, v9;
	v2 =	vld.idx.msk [tilespmem:v2+s10+$0x0], $0xffff;
	v18 =	vor.u32 v19, v18  }
0x63: {  	v19 =	vor.u32 v59, v60;
	v6 =	vadd.s32 v62, v27;
	v3 =	vadd.s32 v25, v3;
	v25 =	vld [tilespmem:$0x101A0]  }
0x64: {  	v7 =	vand.u32 $0x7F, v28;
	v21 =	vadd.s32 v0, v19;
	v6 =	vshll.u32 v6, $0x1;
	v16 =	vld.idx.msk [tilespmem:v46+s3+$0x0], $0xffff  }
0x65: {  	v24 =	vadd.s32 v1, v18;
	v3 =	vshll.u32 v3, $0x1;
	v11 =	vld.idx.msk [tilespmem:v11+s3+$0x0], $0xffff;
	v31 =	vadd.s32 v6, v23  }
0x66: {  	v46 =	vld [tilespmem:$0x10200];
	v3 =	vadd.s32 v3, v29;
	v6 =	vand.u32 $0xFFFFFC00, v32;
	v5 =	vadd.s32 $0x100, v31  }
0x67: {  	v56 =	vld.idx.msk [tilespmem:v49+s3+$0x0], $0xffff;
	v3 =	vadd.s32 $0x100, v3;
	v6 =	vor.u32 v7, v6  }
0x68: {  	v48 =	vshll.u32 v42, $0x3;
	v50 =	vshll.u32 v44, $0x3;
	v49 =	vld [tilespmem:$0x10210];
	v34 =	vadd.s32 v0, v6  }
0x69: {  	v15 =	vand.u32 $0x7F, v44;
	v7 =	vand.u32 $0xFFFFFC00, v33;
	v6 =	vadd.s32 v1, v6;
	v29 =	vld.idx.msk [tilespmem:v21+s3+$0x0], $0xffff  }
0x6a: {  	v12 =	vand.u32 $0xFFFFFC00, v38;
	v54 =	vshll.u32 v47, $0x3;
	v7 =	vor.u32 v35, v7;
	v31 =	vld.idx.msk [tilespmem:v24+s3+$0x0], $0xffff  }
0x6b: {  	v37 =	vshll.u32 v30, $0x3;
	v10 =	vor.u32 v10, v12;
	v9 =	vadd.s32 v0, v7;
	v5 =	vld.idx.msk [tilespmem:v5+s10+$0x0], $0xffff  }
0x6c: {  	v17 =	vand.u32 $0x7F, v47;
	v38 =	vand.u32 $0xFFFFFC00, v37;
	v7 =	vadd.s32 v1, v7;
	v3 =	vld.idx.msk [tilespmem:v3+s10+$0x0], $0xffff  }
0x6d: {  	v41 =	vadd.s32 v0, v10;
	v10 =	vadd.s32 v1, v10;
	v14 =	vand.u32 $0xFFFFFC00, v48;
	v8 =	vld.idx.msk [tilespmem:v34+s3+$0x0], $0xffff  }
0x6e: {  	v13 =	vadd.s32 v1, v13;
	v43 =	vshll.u32 v36, $0x3;
	v62 =	vadd.s32 v0, v18;
	v6 =	vld.idx.msk [tilespmem:v6+s3+$0x0], $0xffff  }
0x6f: {  	v44 =	vand.u32 $0xFFFFFC00, v43;
	v4 =	vmul.f32 $3.276800000e+04, v4;
	v2 =	vmul.f32 $3.276800000e+04, v2;
	v34 =	vld [tilespmem:$0x101C0]  }
0x70: {  	v48 =	vshll.u32 v39, $0x3;
	v26 =	vadd.s32 v1, v19;
	v32 =	vshll.u32 v25, $0x3;
	v9 =	vld.idx.msk [tilespmem:v9+s3+$0x0], $0xffff  }
0x71: {  	v4 =	vadd.f32 $0.0e+00, v4;
	v40 =	vadd.f32 $0.0e+00, v2;
	v24 =	vshll.u32 v46, $0x3;
	v7 =	vld.idx.msk [tilespmem:v7+s3+$0x0], $0xffff  }
0x72: {  	v63 =	vshll.u32 v16, $0x1;
	v11 =	vshll.u32 v11, $0x1;
	v24 =	vand.u32 $0xFFFFFC00, v24  }
0x73: {  	v27 =	vld.idx.msk [tilespmem:v62+s3+$0x0], $0xffff;
	v21 =	vand.u32 $0x7F, v49;
	v12 =	vshll.u32 v29, $0x1;
	v5 =	vmul.f32 $1.638400000e+04, v5  }
0x74: {  	v3 =	vmul.f32 $1.638400000e+04, v3;
	v8 =	vshll.u32 v8, $0x2;
	v6 =	vshll.u32 v6, $0x2  }
0x75: {  	v10 =	vld.idx.msk [tilespmem:v10+s3+$0x0], $0xffff;
	v2 =	vadd.f32 v5, v4;
	v9 =	vshll.u32 v9, $0x1;
	v5 =	vand.u32 $0x7F, v42  }
0x76: {  	v4 =	vld.idx.msk [tilespmem:v41+s3+$0x0], $0xffff;
	v7 =	vshll.u32 v7, $0x1;
	v3 =	vadd.f32 v3, v40;
	v41 =	vshll.u32 v34, $0x3  }
0x77: {  	v5 =	vor.u32 v5, v14;
	v14 =	vand.u32 $0xFFFFFC00, v50;
	v8 =	vadd.s32 v8, v9  }
0x78: {  	v6 =	vadd.s32 v6, v7;
	v7 =	vand.u32 $0xFFFFFC00, v32;
	v9 =	vshll.u32 v27, $0x2  }
0x79: {  	v16 =	vand.u32 $0xFFFFFC00, v41;
	v52 =	vadd.s32 v0, v5;
	v5 =	vadd.s32 v1, v5  }
0x7a: {  	v33 =	vld.idx.msk [tilespmem:v26+s3+$0x0], $0xffff;
	v14 =	vor.u32 v15, v14;
	v15 =	vand.u32 $0xFFFFFC00, v54;
	v6 =	vadd.s32 v10, v6  }
0x7b: {  	v42 =	vld [tilespmem:$0x101F0];
	v10 =	vand.u32 $0x7F, v25;
	v9 =	vadd.s32 v9, v12;
	v12 =	vand.u32 $0x7F, v39  }
0x7c: {  	v25 =	vshll.u32 v49, $0x3;
	v55 =	vadd.s32 v0, v14;
	v14 =	vadd.s32 v1, v14  }
0x7d: {  	v43 =	vld [tilespmem:$0x10270];
	v15 =	vor.u32 v17, v15;
	v6 =	vshll.u32 v6, $0x2;
	v7 =	vor.u32 v10, v7  }
0x7e: {  	v13 =	vld.idx.msk [tilespmem:v13+s3+$0x0], $0xffff;
	v10 =	vand.u32 $0x7F, v34;
	v54 =	vand.u32 $0xFFFFFC00, v25;
	v17 =	vadd.s32 v0, v15  }
0x7f: {  	v27 =	vld [tilespmem:$0x10230];
	v15 =	vadd.s32 v1, v15;
	v6 =	vadd.s32 v6, v11;
	v35 =	vadd.s32 v0, v7  }
0x80: {  	v4 =	vadd.s32 v4, v8;
	v8 =	vshll.u32 v33, $0x1;
	v50 =	vshll.u32 v42, $0x3;
	v33 =	vld [tilespmem:$0x10240]  }
0x81: {  	v11 =	vand.u32 $0x7F, v30;
	v7 =	vadd.s32 v1, v7;
	v51 =	vand.u32 $0xFFFFFC00, v50;
	v50 =	vld [tilespmem:$0x10290]  }
0x82: {  	v10 =	vor.u32 v10, v16;
	v16 =	vand.u32 $0x7F, v46;
	v21 =	vor.u32 v21, v54;
	v20 =	vld.idx.msk [tilespmem:v52+s3+$0x0], $0xffff  }
0x83: {  	v6 =	vadd.s32 v13, v6;
	v11 =	vor.u32 v11, v38;
	v45 =	vadd.s32 v0, v10;
	v5 =	vld.idx.msk [tilespmem:v5+s3+$0x0], $0xffff  }
0x84: {  	v10 =	vadd.s32 v1, v10;
	v16 =	vor.u32 v16, v24;
	v37 =	vshll.u32 v27, $0x3;
	v52 =	vld [tilespmem:$0x10220]  }
0x85: {  	v26 =	vadd.s32 v0, v21;
	v4 =	vshll.u32 v4, $0x2;
	v38 =	vand.u32 $0xFFFFFC00, v37;
	v37 =	vld [tilespmem:$0x102D0]  }
0x86: {  	v6 =	vshll.u32 v6, $0x2;
	v40 =	vadd.s32 v0, v11;
	v4 =	vadd.s32 v4, v63;
	v61 =	vld.idx.msk [tilespmem:v55+s3+$0x0], $0xffff  }
0x87: {  	v11 =	vadd.s32 v1, v11;
	v14 =	vld.idx.msk [tilespmem:v14+s3+$0x0], $0xffff;
	v4 =	vadd.s32 v56, v4;
	v55 =	vadd.s32 v0, v16  }
0x88: {  	v16 =	vadd.s32 v1, v16;
	v23 =	vld.idx.msk [tilespmem:v17+s3+$0x0], $0xffff;
	v4 =	vshll.u32 v4, $0x2;
	v17 =	vand.u32 $0x7F, v42  }
0x89: {  	v15 =	vld.idx.msk [tilespmem:v15+s3+$0x0], $0xffff;
	v17 =	vor.u32 v17, v51;
	v42 =	vshll.u32 v33, $0x3;
	v51 =	vshll.u32 v43, $0x3  }
0x8a: {  	v13 =	vld.idx.msk [tilespmem:v35+s3+$0x0], $0xffff;
	v32 =	vadd.s32 v1, v17;
	v28 =	vshll.u32 v20, $0x1;
	v5 =	vshll.u32 v5, $0x1  }
0x8b: {  	v7 =	vld.idx.msk [tilespmem:v7+s3+$0x0], $0xffff;
	v20 =	vand.u32 $0xFFFFFC00, v48;
	v56 =	vshll.u32 v52, $0x3;
	v22 =	vand.u32 $0x7F, v52  }
0x8c: {  	v35 =	vld [tilespmem:$0x10250];
	v52 =	vand.u32 $0xFFFFFC00, v51;
	v4 =	vadd.s32 v4, v28;
	v5 =	vadd.s32 v6, v5  }
0x8d: {  	v18 =	vld.idx.msk [tilespmem:v45+s3+$0x0], $0xffff;
	v6 =	vshll.u32 v31, $0x2;
	v12 =	vor.u32 v12, v20;
	v20 =	vadd.s32 v0, v17  }
0x8e: {  	v24 =	vand.u32 $0xFFFFFC00, v56;
	v63 =	vld.idx.msk [tilespmem:v55+s3+$0x0], $0xffff;
	v55 =	vshll.u32 v50, $0x3;
	v4 =	vadd.s32 v61, v4  }
0x8f: {  	v11 =	vld.idx.msk [tilespmem:v11+s3+$0x0], $0xffff;
	v5 =	vadd.s32 v14, v5;
	v14 =	vand.u32 $0x7F, v36;
	v53 =	vadd.s32 v0, v12  }
0x90: {  	v10 =	vld.idx.msk [tilespmem:v10+s3+$0x0], $0xffff;
	v12 =	vadd.s32 v1, v12;
	v9 =	vadd.s32 v13, v9;
	v6 =	vadd.s32 v6, v8  }
0x91: {  	v31 =	vld.idx.msk [tilespmem:v16+s3+$0x0], $0xffff;
	v22 =	vor.u32 v22, v24;
	v36 =	vadd.s32 v1, v21;
	v56 =	vand.u32 $0xFFFFFC00, v55  }
0x92: {  	v24 =	vld.idx.msk [tilespmem:v26+s3+$0x0], $0xffff;
	v4 =	vshll.u32 v4, $0x1;
	v5 =	vshll.u32 v5, $0x1;
	v14 =	vor.u32 v14, v44  }
0x93: {  	v60 =	vadd.s32 v0, v22;
	v6 =	vadd.s32 v7, v6;
	v5 =	vadd.s32 v5, v15;
	v15 =	vld.idx.msk [tilespmem:v40+s3+$0x0], $0xffff  }
0x94: {  	v47 =	vadd.s32 v0, v14;
	v6 =	vshll.u32 v6, $0x2;
	v62 =	vshll.u32 v11, $0x1;
	v40 =	vld [tilespmem:$0x10260]  }
0x95: {  	v58 =	vshll.u32 v9, $0x2;
	v14 =	vadd.s32 v1, v14;
	v6 =	vadd.s32 v6, v62;
	v20 =	vld.idx.msk [tilespmem:v20+s3+$0x0], $0xffff  }
0x96: {  	v44 =	vshll.u32 v35, $0x3;
	v4 =	vadd.s32 v4, v23;
	v25 =	vadd.s32 v10, v6;
	v10 =	vld.idx.msk [tilespmem:v32+s3+$0x0], $0xffff  }
0x97: {  	v39 =	vadd.s32 v1, v22;
	v45 =	vand.u32 $0xFFFFFC00, v44;
	v8 =	vadd.s32 $0x200, v4;
	v16 =	vld.idx.msk [tilespmem:v36+s3+$0x0], $0xffff  }
0x98: {  	v9 =	vadd.s32 $0x200, v5;
	v11 =	vshll.u32 v63, $0x2;
	v34 =	vshll.u32 v24, $0x1;
	v29 =	vld.idx.msk [tilespmem:v60+s3+$0x0], $0xffff  }
0x99: {  	v4 =	vshll.u32 v25, $0x2;
	v11 =	vadd.s32 v11, v34;
	v19 =	vld.idx.msk [tilespmem:v47+s3+$0x0], $0xffff;
	v59 =	vshll.u32 v15, $0x1  }
0x9a: {  	v14 =	vld.idx.msk [tilespmem:v14+s3+$0x0], $0xffff;
	v15 =	vand.u32 $0x7F, v35;
	v49 =	vshll.u32 v40, $0x3;
	v13 =	vand.u32 $0x7F, v40  }
0x9b: {  	v47 =	vld [tilespmem:$0x10280];
	v61 =	vadd.s32 v58, v59;
	v15 =	vor.u32 v15, v45;
	v22 =	vand.u32 $0xFFFFFC00, v49  }
0x9c: {  	v57 =	vld.idx.msk [tilespmem:v53+s3+$0x0], $0xffff;
	v45 =	vshll.u32 v37, $0x3;
	v7 =	vadd.s32 v18, v61;
	v18 =	vand.u32 $0xFFFFFC00, v42  }
0x9d: {  	v12 =	vld.idx.msk [tilespmem:v12+s3+$0x0], $0xffff;
	v48 =	vadd.s32 v0, v15;
	v15 =	vadd.s32 v1, v15;
	v13 =	vor.u32 v13, v22  }
0x9e: {  	v35 =	vld [tilespmem:$0x102C0];
	v7 =	vshll.u32 v7, $0x2;
	v16 =	vshll.u32 v16, $0x1;
	v53 =	vadd.s32 v0, v13  }
0x9f: {  	v61 =	vld [tilespmem:$0x102A0];
	v13 =	vadd.s32 v1, v13;
	v11 =	vadd.s32 v29, v11;
	v23 =	vshll.u32 v19, $0x1  }
0xa0: {  	v42 =	vld [tilespmem:$0x102E0];
	v28 =	vshll.u32 v14, $0x1;
	v19 =	vand.u32 $0x7F, v43;
	v54 =	vshll.u32 v47, $0x3  }
0xa1: {  	v14 =	vld.idx.msk [tilespmem:v39+s3+$0x0], $0xffff;
	v11 =	vshll.u32 v11, $0x2;
	v26 =	vadd.s32 v7, v23;
	v4 =	vadd.s32 v4, v28  }
0xa2: {  	v7 =	vand.u32 $0x7F, v27;
	v19 =	vor.u32 v19, v52;
	v23 =	vand.u32 $0x7F, v50;
	v50 =	vld [tilespmem:$0x10310]  }
0xa3: {  	v25 =	vand.u32 $0xFFFFFC00, v54;
	v6 =	vadd.s32 v57, v26;
	v4 =	vadd.s32 v12, v4;
	v21 =	vld.idx.msk [tilespmem:v48+s3+$0x0], $0xffff  }
0xa4: {  	v7 =	vor.u32 v7, v38;
	v12 =	vand.u32 $0x7F, v33;
	v22 =	vadd.s32 v0, v19;
	v15 =	vld.idx.msk [tilespmem:v15+s3+$0x0], $0xffff  }
0xa5: {  	v23 =	vor.u32 v23, v56;
	v34 =	vshll.u32 v61, $0x3;
	v41 =	vadd.s32 v0, v7;
	v24 =	vld.idx.msk [tilespmem:v53+s3+$0x0], $0xffff  }
0xa6: {  	v30 =	vshll.u32 v6, $0x1;
	v6 =	vshll.u32 v31, $0x2;
	v7 =	vadd.s32 v1, v7;
	v59 =	vld.idx.msk [tilespmem:v13+s3+$0x0], $0xffff  }
0xa7: {  	v12 =	vor.u32 v12, v18;
	v18 =	vand.u32 $0x7F, v47;
	v31 =	vld [tilespmem:$0x102B0];
	v33 =	vadd.s32 v1, v23  }
0xa8: {  	v47 =	vld [tilespmem:$0x10300];
	v46 =	vadd.s32 v0, v12;
	v12 =	vadd.s32 v1, v12;
	v18 =	vor.u32 v18, v25  }
0xa9: {  	v57 =	vadd.s32 v0, v18;
	v60 =	vadd.s32 v1, v18;
	v18 =	vand.u32 $0xFFFFFC00, v34;
	v34 =	vld [tilespmem:$0x10340]  }
0xaa: {  	v49 =	vshll.u32 v42, $0x3;
	v4 =	vshll.u32 v4, $0x1;
	v25 =	vadd.s32 v0, v23;
	v17 =	vld.idx.msk [tilespmem:v41+s3+$0x0], $0xffff  }
0xab: {  	v5 =	vadd.s32 v30, v20;
	v6 =	vadd.s32 v6, v16;
	v30 =	vadd.s32 v1, v19;
	v7 =	vld.idx.msk [tilespmem:v7+s3+$0x0], $0xffff  }
0xac: {  	v4 =	vadd.s32 v4, v10;
	v19 =	vand.u32 $0x7F, v35;
	v6 =	vadd.s32 v14, v6;
	v13 =	vld.idx.msk [tilespmem:v33+s3+$0x0], $0xffff  }
0xad: {  	v14 =	vadd.s32 $0x300, v5;
	v5 =	vadd.s32 $0x300, v4;
	v6 =	vshll.u32 v6, $0x2;
	v20 =	vld.idx.msk [tilespmem:v46+s3+$0x0], $0xffff  }
0xae: {  	v62 =	vshll.u32 v21, $0x1;
	v29 =	vshll.u32 v15, $0x1;
	v38 =	vshll.u32 v31, $0x3;
	v12 =	vld.idx.msk [tilespmem:v12+s3+$0x0], $0xffff  }
0xaf: {  	v39 =	vand.u32 $0x7F, v31;
	v41 =	vshll.u32 v35, $0x3;
	v28 =	vld.idx.msk [tilespmem:v25+s3+$0x0], $0xffff;
	v40 =	vand.u32 $0xFFFFFC00, v38  }
0xb0: {  	v15 =	vld.idx.msk [tilespmem:v30+s3+$0x0], $0xffff;
	v16 =	vand.u32 $0xFFFFFC00, v41;
	v25 =	vand.u32 $0xFFFFFC00, v49;
	v30 =	vshll.u32 v50, $0x3  }
0xb1: {  	v32 =	vld.idx.msk [tilespmem:v60+s3+$0x0], $0xffff;
	v16 =	vor.u32 v19, v16;
	v19 =	vand.u32 $0xFFFFFC00, v45;
	v53 =	vand.u32 $0xFFFFFC00, v30  }
0xb2: {  	v41 =	vshll.u32 v34, $0x3;
	v46 =	vadd.s32 v0, v16;
	v16 =	vadd.s32 v1, v16  }
0xb3: {  	v17 =	vshll.u32 v17, $0x1;
	v7 =	vshll.u32 v7, $0x1;
	v13 =	vshll.u32 v13, $0x1  }
0xb4: {  	v58 =	vadd.s32 v11, v17;
	v6 =	vadd.s32 v6, v7;
	v17 =	vand.u32 $0x7F, v61  }
0xb5: {  	v63 =	vld.idx.msk [tilespmem:v22+s3+$0x0], $0xffff;
	v7 =	vshll.u32 v28, $0x1;
	v28 =	vshll.u32 v47, $0x3;
	v10 =	vadd.s32 v20, v58  }
0xb6: {  	v22 =	vld.idx.msk [tilespmem:v57+s3+$0x0], $0xffff;
	v26 =	vadd.s32 v12, v6;
	v36 =	vor.u32 v17, v18;
	v12 =	vshll.u32 v32, $0x2  }
0xb7: {  	v44 =	vld [tilespmem:$0x102F0];
	v18 =	vand.u32 $0x7F, v37;
	v20 =	vand.u32 $0x7F, v42;
	v28 =	vand.u32 $0xFFFFFC00, v28  }
0xb8: {  	v10 =	vshll.u32 v10, $0x2;
	v4 =	vshll.u32 v26, $0x2;
	v17 =	vadd.s32 v0, v36  }
0xb9: {  	v35 =	vld [tilespmem:$0x10350];
	v11 =	vadd.s32 v1, v36;
	v18 =	vor.u32 v18, v19;
	v20 =	vor.u32 v20, v25  }
0xba: {  	v42 =	vld [tilespmem:$0x10370];
	v19 =	vand.u32 $0x7F, v47;
	v26 =	vand.u32 $0x7F, v50;
	v12 =	vadd.s32 v12, v13  }
0xbb: {  	v23 =	vld.idx.msk [tilespmem:v46+s3+$0x0], $0xffff;
	v21 =	vadd.s32 v10, v62;
	v4 =	vadd.s32 v4, v29;
	v10 =	vshll.u32 v22, $0x2  }
0xbc: {  	v46 =	vld [tilespmem:$0x10380];
	v48 =	vadd.s32 v0, v18;
	v18 =	vadd.s32 v1, v18;
	v22 =	vand.u32 $0x7F, v44  }
0xbd: {  	v52 =	vadd.s32 v0, v20;
	v20 =	vadd.s32 v1, v20;
	v29 =	vld [tilespmem:$0x10320];
	v19 =	vor.u32 v19, v28  }
0xbe: {  	v26 =	vor.u32 v26, v53;
	v28 =	vld [tilespmem:$0x10330];
	v27 =	vadd.s32 v24, v21;
	v4 =	vadd.s32 v59, v4  }
0xbf: {  	v53 =	vld [tilespmem:$0x103A0];
	v7 =	vadd.s32 v10, v7;
	v10 =	vor.u32 v39, v40;
	v55 =	vadd.s32 v0, v19  }
0xc0: {  	v57 =	vadd.s32 v0, v26;
	v19 =	vadd.s32 v1, v19;
	v61 =	vadd.s32 v1, v26;
	v40 =	vld [tilespmem:$0x10360]  }
0xc1: {  	v6 =	vshll.u32 v27, $0x1;
	v43 =	vadd.s32 v0, v10;
	v27 =	vshll.u32 v44, $0x3;
	v17 =	vld.idx.msk [tilespmem:v17+s3+$0x0], $0xffff  }
0xc2: {  	v4 =	vshll.u32 v4, $0x1;
	v10 =	vadd.s32 v1, v10;
	v51 =	vand.u32 $0xFFFFFC00, v27;
	v11 =	vld.idx.msk [tilespmem:v11+s3+$0x0], $0xffff  }
0xc3: {  	v6 =	vadd.s32 v6, v63;
	v50 =	vshll.u32 v42, $0x3;
	v22 =	vor.u32 v22, v51;
	v24 =	vld.idx.msk [tilespmem:v48+s3+$0x0], $0xffff  }
0xc4: {  	v4 =	vadd.s32 v4, v15;
	v51 =	vand.u32 $0xFFFFFC00, v50;
	v25 =	vadd.s32 v0, v22;
	v54 =	vld.idx.msk [tilespmem:v18+s3+$0x0], $0xffff  }
0xc5: {  	v22 =	vadd.s32 v1, v22;
	v58 =	vshll.u32 v29, $0x3;
	v59 =	vand.u32 $0x7F, v29;
	v18 =	vld.idx.msk [tilespmem:v55+s3+$0x0], $0xffff  }
0xc6: {  	v37 =	vshll.u32 v28, $0x3;
	v27 =	vand.u32 $0xFFFFFC00, v58;
	v48 =	vshll.u32 v40, $0x3;
	v21 =	vld.idx.msk [tilespmem:v43+s3+$0x0], $0xffff  }
0xc7: {  	v55 =	vshll.u32 v46, $0x3;
	v10 =	vld.idx.msk [tilespmem:v10+s3+$0x0], $0xffff;
	v62 =	vor.u32 v59, v27;
	v43 =	vshll.u32 v35, $0x3  }
0xc8: {  	v63 =	vld.idx.msk [tilespmem:v57+s3+$0x0], $0xffff;
	v59 =	vshll.u32 v53, $0x3;
	v27 =	vadd.s32 v0, v62;
	v36 =	vadd.s32 v1, v62  }
0xc9: {  	v29 =	vld.idx.msk [tilespmem:v61+s3+$0x0], $0xffff;
	v44 =	vand.u32 $0xFFFFFC00, v43;
	v61 =	vand.u32 $0xFFFFFC00, v59;
	v7 =	vadd.s32 v17, v7  }
0xca: {  	v16 =	vld.idx.msk [tilespmem:v16+s3+$0x0], $0xffff;
	v11 =	vadd.s32 v11, v12;
	v17 =	vand.u32 $0x7F, v28;
	v7 =	vshll.u32 v7, $0x2  }
0xcb: {  	v11 =	vshll.u32 v11, $0x2;
	v13 =	vshll.u32 v54, $0x1;
	v33 =	vshll.u32 v18, $0x2  }
0xcc: {  	v56 =	vld.idx.msk [tilespmem:v52+s3+$0x0], $0xffff;
	v18 =	vand.u32 $0x7F, v34;
	v21 =	vshll.u32 v21, $0x1;
	v10 =	vshll.u32 v10, $0x1  }
0xcd: {  	v20 =	vld.idx.msk [tilespmem:v20+s3+$0x0], $0xffff;
	v7 =	vadd.s32 v7, v21;
	v10 =	vadd.s32 v11, v10;
	v11 =	vshll.u32 v63, $0x1  }
0xce: {  	v32 =	vld.idx.msk [tilespmem:v27+s3+$0x0], $0xffff;
	v21 =	vand.u32 $0x7F, v42;
	v27 =	vand.u32 $0xFFFFFC00, v55;
	v7 =	vadd.s32 v23, v7  }
0xcf: {  	v49 =	vld [tilespmem:$0x10390];
	v10 =	vadd.s32 v16, v10;
	v23 =	vshll.u32 v24, $0x1;
	v11 =	vadd.s32 v33, v11  }
0xd0: {  	v25 =	vld.idx.msk [tilespmem:v25+s3+$0x0], $0xffff;
	v21 =	vor.u32 v21, v51;
	v7 =	vshll.u32 v7, $0x2;
	v10 =	vshll.u32 v10, $0x2  }
0xd1: {  	v60 =	vld.idx.msk [tilespmem:v22+s3+$0x0], $0xffff;
	v54 =	vadd.s32 v0, v21;
	v21 =	vadd.s32 v1, v21;
	v15 =	vadd.s32 v7, v23  }
0xd2: {  	v42 =	vld [tilespmem:$0x103E0];
	v7 =	vadd.s32 $0x400, v6;
	v10 =	vadd.s32 v10, v13;
	v6 =	vadd.s32 $0x400, v4  }
0xd3: {  	v24 =	vld.idx.msk [tilespmem:v19+s3+$0x0], $0xffff;
	v13 =	vshll.u32 v29, $0x1;
	v12 =	vadd.s32 v56, v15;
	v30 =	vadd.s32 v20, v10  }
0xd4: {  	v20 =	vand.u32 $0xFFFFFC00, v37;
	v15 =	vand.u32 $0x7F, v35;
	v56 =	vshll.u32 v49, $0x3  }
0xd5: {  	v31 =	vshll.u32 v12, $0x1;
	v4 =	vshll.u32 v30, $0x1;
	v11 =	vadd.s32 v32, v11  }
0xd6: {  	v63 =	vld [tilespmem:$0x103B0];
	v39 =	vor.u32 v17, v20;
	v20 =	vand.u32 $0xFFFFFC00, v41;
	v15 =	vor.u32 v15, v44  }
0xd7: {  	v19 =	vld.idx.msk [tilespmem:v36+s3+$0x0], $0xffff;
	v57 =	vand.u32 $0xFFFFFC00, v56;
	v50 =	vshll.u32 v42, $0x3;
	v10 =	vadd.s32 v31, v25  }
0xd8: {  	v35 =	vld [tilespmem:$0x103C0];
	v4 =	vadd.s32 v4, v60;
	v16 =	vshll.u32 v24, $0x2;
	v17 =	vadd.s32 v0, v39  }
0xd9: {  	v18 =	vor.u32 v18, v20;
	v47 =	vadd.s32 v0, v15;
	v25 =	vand.u32 $0x7F, v49;
	v49 =	vld [tilespmem:$0x10400]  }
0xda: {  	v15 =	vadd.s32 v1, v15;
	v20 =	vand.u32 $0x7F, v46;
	v60 =	vand.u32 $0x7F, v53;
	v53 =	vld [tilespmem:$0x10410]  }
0xdb: {  	v24 =	vand.u32 $0xFFFFFC00, v48;
	v38 =	vadd.s32 v16, v13;
	v20 =	vor.u32 v20, v27;
	v62 =	vld.idx.msk [tilespmem:v54+s3+$0x0], $0xffff  }
0xdc: {  	v13 =	vadd.s32 v1, v39;
	v16 =	vand.u32 $0x7F, v40;
	v40 =	vld [tilespmem:$0x103D0];
	v58 =	vadd.s32 v0, v20  }
0xdd: {  	v34 =	vadd.s32 v1, v20;
	v44 =	vshll.u32 v35, $0x3;
	v20 =	vand.u32 $0x7F, v35;
	v35 =	vld [tilespmem:$0x10430]  }
0xde: {  	v11 =	vshll.u32 v11, $0x2;
	v45 =	vadd.s32 v0, v18;
	v25 =	vor.u32 v25, v57;
	v17 =	vld.idx.msk [tilespmem:v17+s3+$0x0], $0xffff  }
0xdf: {  	v51 =	vand.u32 $0xFFFFFC00, v50;
	v18 =	vadd.s32 v1, v18;
	v27 =	vadd.s32 v0, v25;
	v23 =	vld.idx.msk [tilespmem:v47+s3+$0x0], $0xffff  }
0xe0: {  	v39 =	vand.u32 $0x7F, v63;
	v4 =	vadd.s32 $0x500, v4;
	v16 =	vor.u32 v16, v24;
	v15 =	vld.idx.msk [tilespmem:v15+s3+$0x0], $0xffff  }
0xe1: {  	v12 =	vadd.s32 v19, v38;
	v36 =	vadd.s32 v1, v25;
	v38 =	vshll.u32 v63, $0x3;
	v47 =	vld [tilespmem:$0x103F0]  }
0xe2: {  	v52 =	vadd.s32 v0, v16;
	v16 =	vadd.s32 v1, v16;
	v12 =	vshll.u32 v12, $0x2;
	v13 =	vld.idx.msk [tilespmem:v13+s3+$0x0], $0xffff  }
0xe3: {  	v31 =	vshll.u32 v49, $0x3;
	v59 =	vand.u32 $0x7F, v53;
	v22 =	vld.idx.msk [tilespmem:v45+s3+$0x0], $0xffff;
	v45 =	vand.u32 $0xFFFFFC00, v44  }
0xe4: {  	v48 =	vshll.u32 v40, $0x3;
	v56 =	vand.u32 $0xFFFFFC00, v31;
	v33 =	vld.idx.msk [tilespmem:v27+s3+$0x0], $0xffff;
	v27 =	vand.u32 $0x7F, v49  }
0xe5: {  	v28 =	vld.idx.msk [tilespmem:v58+s3+$0x0], $0xffff;
	v20 =	vor.u32 v20, v45;
	v26 =	vand.u32 $0xFFFFFC00, v48;
	v27 =	vor.u32 v27, v56  }
0xe6: {  	v45 =	vld [tilespmem:$0x10440];
	v44 =	vshll.u32 v35, $0x3;
	v17 =	vshll.u32 v17, $0x1;
	v23 =	vshll.u32 v23, $0x1  }
0xe7: {  	v18 =	vld.idx.msk [tilespmem:v18+s3+$0x0], $0xffff;
	v15 =	vshll.u32 v15, $0x1;
	v55 =	vshll.u32 v47, $0x3;
	v11 =	vadd.s32 v11, v17  }
0xe8: {  	v48 =	vld [tilespmem:$0x10450];
	v17 =	vor.u32 v60, v61;
	v13 =	vshll.u32 v13, $0x1;
	v30 =	vand.u32 $0xFFFFFC00, v55  }
0xe9: {  	v19 =	vld.idx.msk [tilespmem:v52+s3+$0x0], $0xffff;
	v11 =	vadd.s32 v22, v11;
	v24 =	vadd.s32 v0, v17;
	v12 =	vadd.s32 v12, v13  }
0xea: {  	v16 =	vld.idx.msk [tilespmem:v16+s3+$0x0], $0xffff;
	v13 =	vadd.s32 $0x500, v10;
	v41 =	vshll.u32 v28, $0x2;
	v17 =	vadd.s32 v1, v17  }
0xeb: {  	v55 =	vld [tilespmem:$0x10460];
	v22 =	vand.u32 $0x7F, v42;
	v56 =	vand.u32 $0x7F, v45;
	v11 =	vshll.u32 v11, $0x2  }
0xec: {  	v32 =	vadd.s32 v18, v12;
	v18 =	vld.idx.msk [tilespmem:v34+s3+$0x0], $0xffff;
	v22 =	vor.u32 v22, v51;
	v11 =	vadd.s32 v11, v23  }
0xed: {  	v10 =	vshll.u32 v32, $0x2;
	v23 =	vand.u32 $0x7F, v40;
	v54 =	vadd.s32 v0, v22;
	v32 =	vld [tilespmem:$0x10420]  }
0xee: {  	v12 =	vshll.u32 v33, $0x1;
	v10 =	vadd.s32 v10, v15;
	v15 =	vld.idx.msk [tilespmem:v21+s3+$0x0], $0xffff;
	v23 =	vor.u32 v23, v26  }
0xef: {  	v11 =	vadd.s32 v19, v11;
	v21 =	vand.u32 $0xFFFFFC00, v38;
	v19 =	vld.idx.msk [tilespmem:v36+s3+$0x0], $0xffff;
	v52 =	vadd.s32 v0, v23  }
0xf0: {  	v33 =	vshll.u32 v53, $0x3;
	v21 =	vor.u32 v39, v21;
	v23 =	vadd.s32 v1, v23;
	v37 =	vld.idx.msk [tilespmem:v24+s3+$0x0], $0xffff  }
0xf1: {  	v12 =	vadd.s32 v41, v12;
	v10 =	vadd.s32 v16, v10;
	v43 =	vadd.s32 v0, v21;
	v17 =	vld.idx.msk [tilespmem:v17+s3+$0x0], $0xffff  }
0xf2: {  	v22 =	vadd.s32 v1, v22;
	v46 =	vadd.s32 v1, v21;
	v10 =	vshll.u32 v10, $0x1;
	v29 =	vld.idx.msk [tilespmem:v54+s3+$0x0], $0xffff  }
0xf3: {  	v60 =	vand.u32 $0xFFFFFC00, v33;
	v24 =	vadd.s32 v0, v20;
	v15 =	vadd.s32 v10, v15;
	v10 =	vld.idx.msk [tilespmem:v8+s10+$0x0], $0xffff  }
0xf4: {  	v11 =	vshll.u32 v11, $0x1;
	v20 =	vadd.s32 v1, v20;
	v21 =	vand.u32 $0x7F, v47;
	v28 =	vld.idx.msk [tilespmem:v52+s3+$0x0], $0xffff  }
0xf5: {  	v11 =	vadd.s32 v11, v62;
	v21 =	vor.u32 v21, v30;
	v30 =	vadd.s32 v0, v27;
	v58 =	vld.idx.msk [tilespmem:v23+s3+$0x0], $0xffff  }
0xf6: {  	v18 =	vshll.u32 v18, $0x2;
	v27 =	vadd.s32 v1, v27;
	v57 =	vadd.s32 v0, v21;
	v25 =	vld.idx.msk [tilespmem:v43+s3+$0x0], $0xffff  }
0xf7: {  	v61 =	vshll.u32 v32, $0x3;
	v32 =	vand.u32 $0x7F, v32;
	v21 =	vadd.s32 v1, v21;
	v16 =	vld.idx.msk [tilespmem:v46+s3+$0x0], $0xffff  }
0xf8: {  	v54 =	vshll.u32 v45, $0x3;
	v19 =	vshll.u32 v19, $0x1;
	v26 =	vand.u32 $0xFFFFFC00, v61;
	v24 =	vld.idx.msk [tilespmem:v24+s3+$0x0], $0xffff  }
0xf9: {  	v18 =	vadd.s32 v18, v19;
	v23 =	vor.u32 v59, v60;
	v26 =	vor.u32 v32, v26;
	v20 =	vld.idx.msk [tilespmem:v20+s3+$0x0], $0xffff  }
0xfa: {  	v15 =	vadd.s32 $0x600, v15;
	v12 =	vadd.s32 v37, v12;
	v62 =	vadd.s32 v0, v23;
	v30 =	vld.idx.msk [tilespmem:v30+s3+$0x0], $0xffff  }
0xfb: {  	v17 =	vadd.s32 v17, v18;
	v23 =	vadd.s32 v1, v23;
	v34 =	vadd.s32 v0, v26;
	v36 =	vld.idx.msk [tilespmem:v27+s3+$0x0], $0xffff  }
0xfc: {  	v46 =	vand.u32 $0x7F, v35;
	v52 =	vadd.s32 v1, v26;
	v12 =	vshll.u32 v12, $0x2;
	v63 =	vld.idx.msk [tilespmem:v57+s3+$0x0], $0xffff  }
0xfd: {  	v17 =	vshll.u32 v17, $0x2;
	v27 =	vand.u32 $0x7F, v48;
	v57 =	vld [tilespmem:$0x10470];
	v10 =	vmul.f32 $8.192000000e+03, v10  }
0xfe: {  	v37 =	vshll.u32 v28, $0x1;
	v19 =	vshll.u32 v58, $0x1;
	v58 =	vshll.u32 v48, $0x3  }
0xff: {  	v25 =	vshll.u32 v25, $0x1;
	v16 =	vshll.u32 v16, $0x1;
	v38 =	vld.idx.msk [tilespmem:v62+s3+$0x0], $0xffff;
	v62 =	vshll.u32 v55, $0x3  }
0x100: {  	v22 =	vld.idx.msk [tilespmem:v22+s3+$0x0], $0xffff;
	v12 =	vadd.s32 v12, v25;
	v16 =	vadd.s32 v17, v16;
	v47 =	vshll.u32 v30, $0x2  }
0x101: {  	v39 =	vld.idx.msk [tilespmem:v23+s3+$0x0], $0xffff;
	v17 =	vshll.u32 v36, $0x2;
	v25 =	vand.u32 $0x7F, v55;
	v12 =	vadd.s32 v24, v12  }
0x102: {  	v8 =	vld.idx.msk [tilespmem:v14+s10+$0x0], $0xffff;
	v16 =	vadd.s32 v20, v16;
	v20 =	vand.u32 $0xFFFFFC00, v54;
	v36 =	vshll.u32 v57, $0x3  }
0x103: {  	v60 =	vld [tilespmem:$0x10480];
	v23 =	vand.u32 $0x7F, v57;
	v12 =	vshll.u32 v12, $0x2;
	v16 =	vshll.u32 v16, $0x2  }
0x104: {  	v21 =	vld.idx.msk [tilespmem:v21+s3+$0x0], $0xffff;
	v12 =	vadd.s32 v12, v37;
	v41 =	vadd.s32 v16, v19;
	v37 =	vand.u32 $0xFFFFFC00, v36  }
0x105: {  	v48 =	vld [tilespmem:$0x104B0];
	v40 =	vadd.s32 v29, v12;
	v19 =	vadd.s32 v22, v41;
	v22 =	vand.u32 $0xFFFFFC00, v44  }
0x106: {  	v42 =	vld.idx.msk [tilespmem:v34+s3+$0x0], $0xffff;
	v24 =	vshll.u32 v38, $0x1;
	v53 =	vshll.u32 v39, $0x1;
	v29 =	vand.u32 $0xFFFFFC00, v62  }
0x107: {  	v18 =	vld.idx.msk [tilespmem:v52+s3+$0x0], $0xffff;
	v23 =	vor.u32 v23, v37;
	v43 =	vshll.u32 v40, $0x1;
	v22 =	vor.u32 v46, v22  }
0x108: {  	v57 =	vld [tilespmem:$0x104D0];
	v49 =	vadd.s32 v47, v24;
	v25 =	vor.u32 v25, v29;
	v29 =	vadd.s32 v0, v23  }
0x109: {  	v38 =	vld [tilespmem:$0x104A0];
	v51 =	vshll.u32 v19, $0x1;
	v17 =	vadd.s32 v17, v53;
	v50 =	vadd.s32 v0, v22  }
0x10a: {  	v62 =	vld [tilespmem:$0x10500];
	v19 =	vor.u32 v56, v20;
	v20 =	vand.u32 $0xFFFFFC00, v58;
	v22 =	vadd.s32 v1, v22  }
0x10b: {  	v40 =	vshll.u32 v60, $0x3;
	v53 =	vld [tilespmem:$0x104C0];
	v54 =	vadd.s32 v1, v23;
	v59 =	vadd.s32 v0, v19  }
0x10c: {  	v56 =	vshll.u32 v48, $0x3;
	v12 =	vadd.s32 v43, v63;
	v19 =	vadd.s32 v1, v19;
	v63 =	vld [tilespmem:$0x10490]  }
0x10d: {  	v16 =	vadd.s32 v42, v49;
	v20 =	vor.u32 v27, v20;
	v39 =	vadd.s32 v0, v25;
	v46 =	vld.idx.msk [tilespmem:v29+s3+$0x0], $0xffff  }
0x10e: {  	v25 =	vadd.s32 v1, v25;
	v27 =	vand.u32 $0x7F, v60;
	v33 =	vand.u32 $0xFFFFFC00, v40;
	v24 =	vld.idx.msk [tilespmem:v50+s3+$0x0], $0xffff  }
0x10f: {  	v17 =	vadd.s32 v18, v17;
	v14 =	vadd.s32 v51, v21;
	v21 =	vand.u32 $0x7F, v48;
	v22 =	vld.idx.msk [tilespmem:v22+s3+$0x0], $0xffff  }
0x110: {  	v18 =	vand.u32 $0xFFFFFC00, v56;
	v16 =	vshll.u32 v16, $0x2;
	v61 =	vadd.s32 v0, v20;
	v26 =	vld.idx.msk [tilespmem:v59+s3+$0x0], $0xffff  }
0x111: {  	v20 =	vadd.s32 v1, v20;
	v27 =	vor.u32 v27, v33;
	v17 =	vshll.u32 v17, $0x2;
	v19 =	vld.idx.msk [tilespmem:v19+s3+$0x0], $0xffff  }
0x112: {  	v18 =	vor.u32 v21, v18;
	v12 =	vadd.s32 $0x700, v12;
	v42 =	vadd.s32 v0, v27;
	v32 =	vld.idx.msk [tilespmem:v39+s3+$0x0], $0xffff  }
0x113: {  	v14 =	vadd.s32 $0x700, v14;
	v27 =	vadd.s32 v1, v27;
	v21 =	vadd.s32 v0, v18;
	v44 =	vld.idx.msk [tilespmem:v25+s3+$0x0], $0xffff  }
0x114: {  	v18 =	vadd.s32 v1, v18;
	v43 =	vshll.u32 v38, $0x3;
	v31 =	vand.u32 $0x7F, v38;
	v59 =	vld [tilespmem:$0x104E0]  }
0x115: {  	v33 =	vand.u32 $0xFFFFFC00, v43;
	v58 =	vshll.u32 v53, $0x3;
	v60 =	vand.u32 $0x7F, v53;
	v28 =	vld.idx.msk [tilespmem:v61+s3+$0x0], $0xffff  }
0x116: {  	v34 =	vshll.u32 v63, $0x3;
	v30 =	vand.u32 $0x7F, v63;
	v45 =	vor.u32 v31, v33;
	v20 =	vld.idx.msk [tilespmem:v20+s3+$0x0], $0xffff  }
0x117: {  	v25 =	vand.u32 $0x7F, v57;
	v41 =	vand.u32 $0xFFFFFC00, v34;
	v47 =	vadd.s32 v0, v45;
	v50 =	vld.idx.msk [tilespmem:v42+s3+$0x0], $0xffff  }
0x118: {  	v61 =	vshll.u32 v57, $0x3;
	v30 =	vor.u32 v30, v41;
	v27 =	vld.idx.msk [tilespmem:v27+s3+$0x0], $0xffff;
	v42 =	vshll.u32 v62, $0x3  }
0x119: {  	v21 =	vld.idx.msk [tilespmem:v21+s3+$0x0], $0xffff;
	v35 =	vadd.s32 v0, v30;
	v52 =	vadd.s32 v1, v30;
	v29 =	vand.u32 $0xFFFFFC00, v42  }
0x11a: {  	v41 =	vld [tilespmem:$0x10520];
	v24 =	vshll.u32 v24, $0x1;
	v22 =	vshll.u32 v22, $0x1;
	v38 =	vshll.u32 v59, $0x3  }
0x11b: {  	v18 =	vld.idx.msk [tilespmem:v18+s3+$0x0], $0xffff;
	v39 =	vand.u32 $0x7F, v59;
	v16 =	vadd.s32 v16, v24;
	v17 =	vadd.s32 v17, v22  }
0x11c: {  	v36 =	vld [tilespmem:$0x10510];
	v49 =	vshll.u32 v28, $0x1;
	v20 =	vshll.u32 v20, $0x1;
	v24 =	vadd.s32 v1, v45  }
0x11d: {  	v59 =	vld [tilespmem:$0x10550];
	v40 =	vand.u32 $0xFFFFFC00, v38;
	v28 =	vand.u32 $0x7F, v62;
	v16 =	vadd.s32 v26, v16  }
0x11e: {  	v55 =	vld.idx.msk [tilespmem:v47+s3+$0x0], $0xffff;
	v17 =	vadd.s32 v19, v17;
	v26 =	vshll.u32 v50, $0x2;
	v27 =	vshll.u32 v27, $0x2  }
0x11f: {  	v28 =	vor.u32 v28, v29;
	v47 =	vshll.u32 v41, $0x3;
	v21 =	vshll.u32 v21, $0x1;
	v51 =	vld.idx.msk [tilespmem:v35+s3+$0x0], $0xffff  }
0x120: {  	v18 =	vshll.u32 v18, $0x1;
	v16 =	vshll.u32 v16, $0x2;
	v17 =	vshll.u32 v17, $0x2;
	v22 =	vld.idx.msk [tilespmem:v52+s3+$0x0], $0xffff  }
0x121: {  	v45 =	vadd.s32 v0, v28;
	v16 =	vadd.s32 v16, v49;
	v17 =	vadd.s32 v17, v20;
	v20 =	vld.idx.msk [tilespmem:v54+s3+$0x0], $0xffff  }
0x122: {  	v28 =	vadd.s32 v1, v28;
	v54 =	vld [tilespmem:$0x10530];
	v16 =	vadd.s32 v32, v16;
	v17 =	vadd.s32 v44, v17  }
0x123: {  	v56 =	vld [tilespmem:$0x10540];
	v44 =	vshll.u32 v36, $0x3;
	v32 =	vand.u32 $0x7F, v41;
	v42 =	vshll.u32 v59, $0x3  }
0x124: {  	v16 =	vshll.u32 v16, $0x1;
	v29 =	vand.u32 $0xFFFFFC00, v44;
	v17 =	vshll.u32 v17, $0x1  }
0x125: {  	v9 =	vld.idx.msk [tilespmem:v9+s10+$0x0], $0xffff;
	v16 =	vadd.s32 v16, v46;
	v19 =	vshll.u32 v51, $0x1;
	v22 =	vshll.u32 v22, $0x1  }
0x126: {  	v24 =	vld.idx.msk [tilespmem:v24+s3+$0x0], $0xffff;
	v16 =	vadd.s32 $0x800, v16;
	v19 =	vadd.s32 v26, v19;
	v26 =	vand.u32 $0xFFFFFC00, v58  }
0x127: {  	v46 =	vld [tilespmem:$0x104F0];
	v22 =	vadd.s32 v27, v22;
	v27 =	vor.u32 v39, v40;
	v62 =	vshll.u32 v54, $0x3  }
0x128: {  	v13 =	vld.idx.msk [tilespmem:v13+s10+$0x0], $0xffff;
	v40 =	vshll.u32 v56, $0x3;
	v19 =	vadd.s32 v55, v19;
	v23 =	vor.u32 v60, v26  }
0x129: {  	v38 =	vld [tilespmem:$0x10560];
	v26 =	vand.u32 $0xFFFFFC00, v61;
	v43 =	vadd.s32 v0, v27;
	v63 =	vadd.s32 v0, v23  }
0x12a: {  	v41 =	vld [tilespmem:$0x10570];
	v23 =	vadd.s32 v1, v23;
	v25 =	vor.u32 v25, v26;
	v26 =	vand.u32 $0x7F, v36  }
0x12b: {  	v50 =	vld.idx.msk [tilespmem:v45+s3+$0x0], $0xffff;
	v22 =	vadd.s32 v24, v22;
	v37 =	vadd.s32 v0, v25;
	v25 =	vadd.s32 v1, v25  }
0x12c: {  	v28 =	vld.idx.msk [tilespmem:v28+s3+$0x0], $0xffff;
	v26 =	vor.u32 v26, v29;
	v22 =	vshll.u32 v22, $0x2;
	v51 =	vshll.u32 v46, $0x3  }
0x12d: {  	v29 =	vand.u32 $0xFFFFFC00, v47;
	v18 =	vadd.s32 v22, v18;
	v22 =	vand.u32 $0xFFFFFC00, v51;
	v51 =	vld [tilespmem:$0x105A0]  }
0x12e: {  	v19 =	vshll.u32 v19, $0x2;
	v36 =	vadd.s32 v0, v26;
	v29 =	vor.u32 v32, v29;
	v33 =	vld.idx.msk [tilespmem:v43+s3+$0x0], $0xffff  }
0x12f: {  	v27 =	vadd.s32 v1, v27;
	v19 =	vadd.s32 v19, v21;
	v49 =	vadd.s32 v0, v29;
	v30 =	vld.idx.msk [tilespmem:v63+s3+$0x0], $0xffff  }
0x130: {  	v52 =	vand.u32 $0x7F, v46;
	v21 =	vand.u32 $0x7F, v56;
	v47 =	vshll.u32 v38, $0x3;
	v23 =	vld.idx.msk [tilespmem:v23+s3+$0x0], $0xffff  }
0x131: {  	v26 =	vadd.s32 v1, v26;
	v57 =	vshll.u32 v50, $0x2;
	v34 =	vand.u32 $0xFFFFFC00, v47;
	v31 =	vld.idx.msk [tilespmem:v37+s3+$0x0], $0xffff  }
0x132: {  	v32 =	vand.u32 $0x7F, v41;
	v22 =	vor.u32 v52, v22;
	v61 =	vadd.s32 v1, v29;
	v25 =	vld.idx.msk [tilespmem:v25+s3+$0x0], $0xffff  }
0x133: {  	v55 =	vadd.s32 v0, v22;
	v22 =	vadd.s32 v1, v22;
	v43 =	vand.u32 $0xFFFFFC00, v42;
	v53 =	vld.idx.msk [tilespmem:v36+s3+$0x0], $0xffff  }
0x134: {  	v37 =	vshll.u32 v28, $0x2;
	v36 =	vand.u32 $0xFFFFFC00, v62;
	v24 =	vld.idx.msk [tilespmem:v49+s3+$0x0], $0xffff;
	v49 =	vshll.u32 v41, $0x3  }
0x135: {  	v15 =	vld.idx.msk [tilespmem:v15+s10+$0x0], $0xffff;
	v50 =	vand.u32 $0xFFFFFC00, v49;
	v19 =	vadd.s32 v30, v19;
	v18 =	vadd.s32 v23, v18  }
0x136: {  	v26 =	vld.idx.msk [tilespmem:v26+s3+$0x0], $0xffff;
	v23 =	vand.u32 $0x7F, v54;
	v30 =	vand.u32 $0x7F, v59;
	v32 =	vor.u32 v32, v50  }
0x137: {  	v45 =	vld [tilespmem:$0x10580];
	v54 =	vshll.u32 v51, $0x3;
	v19 =	vshll.u32 v19, $0x2;
	v31 =	vshll.u32 v31, $0x1  }
0x138: {  	v48 =	vld.idx.msk [tilespmem:v27+s3+$0x0], $0xffff;
	v18 =	vshll.u32 v18, $0x2;
	v25 =	vshll.u32 v25, $0x1;
	v23 =	vor.u32 v23, v36  }
0x139: {  	v41 =	vld [tilespmem:$0x105C0];
	v30 =	vor.u32 v30, v43;
	v36 =	vand.u32 $0x7F, v51;
	v47 =	vadd.s32 v1, v32  }
0x13a: {  	v63 =	vld.idx.msk [tilespmem:v55+s3+$0x0], $0xffff;
	v19 =	vadd.s32 v19, v31;
	v25 =	vadd.s32 v18, v25;
	v18 =	vadd.s32 v17, v20  }
0x13b: {  	v22 =	vld.idx.msk [tilespmem:v22+s3+$0x0], $0xffff;
	v58 =	vshll.u32 v53, $0x1;
	v26 =	vshll.u32 v26, $0x1;
	v39 =	vadd.s32 v0, v23  }
0x13c: {  	v49 =	vld [tilespmem:$0x105D0];
	v23 =	vadd.s32 v1, v23;
	v31 =	vand.u32 $0xFFFFFC00, v40;
	v46 =	vadd.s32 v0, v30  }
0x13d: {  	v17 =	vld.idx.msk [tilespmem:v5+s10+$0x0], $0xffff;
	v30 =	vadd.s32 v1, v30;
	v19 =	vadd.s32 v33, v19;
	v20 =	vadd.s32 v48, v25  }
0x13e: {  	v53 =	vld [tilespmem:$0x105B0];
	v60 =	vadd.s32 v57, v58;
	v21 =	vor.u32 v21, v31;
	v26 =	vadd.s32 v37, v26  }
0x13f: {  	v25 =	vld.idx.msk [tilespmem:v61+s3+$0x0], $0xffff;
	v31 =	vand.u32 $0x7F, v45;
	v51 =	vshll.u32 v41, $0x3;
	v18 =	vadd.s32 $0x800, v18  }
0x140: {  	v48 =	vld [tilespmem:$0x10590];
	v5 =	vadd.s32 v24, v60;
	v44 =	vadd.s32 v0, v21;
	v21 =	vadd.s32 v1, v21  }
0x141: {  	v24 =	vand.u32 $0x7F, v38;
	v38 =	vshll.u32 v45, $0x3;
	v19 =	vshll.u32 v19, $0x1;
	v28 =	vld.idx.msk [tilespmem:v39+s3+$0x0], $0xffff  }
0x142: {  	v20 =	vshll.u32 v20, $0x1;
	v24 =	vor.u32 v24, v34;
	v34 =	vadd.s32 v0, v32;
	v23 =	vld.idx.msk [tilespmem:v23+s3+$0x0], $0xffff  }
0x143: {  	v38 =	vand.u32 $0xFFFFFC00, v38;
	v5 =	vshll.u32 v5, $0x2;
	v37 =	vadd.s32 v0, v24;
	v33 =	vld.idx.msk [tilespmem:v46+s3+$0x0], $0xffff  }
0x144: {  	v24 =	vadd.s32 v1, v24;
	v31 =	vor.u32 v31, v38;
	v38 =	vand.u32 $0xFFFFFC00, v54;
	v30 =	vld.idx.msk [tilespmem:v30+s3+$0x0], $0xffff  }
0x145: {  	v54 =	vand.u32 $0x7F, v41;
	v40 =	vadd.s32 v0, v31;
	v31 =	vadd.s32 v1, v31;
	v27 =	vld.idx.msk [tilespmem:v44+s3+$0x0], $0xffff  }
0x146: {  	v36 =	vor.u32 v36, v38;
	v58 =	vshll.u32 v53, $0x3;
	v39 =	vshll.u32 v48, $0x3;
	v21 =	vld.idx.msk [tilespmem:v21+s3+$0x0], $0xffff  }
0x147: {  	v35 =	vand.u32 $0x7F, v48;
	v25 =	vadd.s32 v25, v26;
	v52 =	vand.u32 $0xFFFFFC00, v39;
	v57 =	vld.idx.msk [tilespmem:v34+s3+$0x0], $0xffff  }
0x148: {  	v38 =	vadd.s32 v0, v36;
	v39 =	vand.u32 $0x7F, v53;
	v35 =	vor.u32 v35, v52;
	v52 =	vld [tilespmem:$0x105E0]  }
0x149: {  	v25 =	vshll.u32 v25, $0x2;
	v34 =	vand.u32 $0xFFFFFC00, v58;
	v58 =	vld [tilespmem:$0x105F0];
	v56 =	vadd.s32 v0, v35  }
0x14a: {  	v55 =	vld.idx.msk [tilespmem:v37+s3+$0x0], $0xffff;
	v35 =	vadd.s32 v1, v35;
	v34 =	vor.u32 v39, v34;
	v28 =	vshll.u32 v28, $0x1  }
0x14b: {  	v24 =	vld.idx.msk [tilespmem:v24+s3+$0x0], $0xffff;
	v23 =	vshll.u32 v23, $0x1;
	v60 =	vadd.s32 v0, v34;
	v39 =	vshll.u32 v30, $0x1  }
0x14c: {  	v40 =	vld.idx.msk [tilespmem:v40+s3+$0x0], $0xffff;
	v5 =	vadd.s32 v5, v28;
	v23 =	vadd.s32 v25, v23;
	v28 =	vand.u32 $0xFFFFFC00, v51  }
0x14d: {  	v31 =	vld.idx.msk [tilespmem:v31+s3+$0x0], $0xffff;
	v27 =	vadd.s32 v27, v5;
	v5 =	vadd.s32 v19, v63;
	v61 =	vadd.s32 v21, v23  }
0x14e: {  	v63 =	vld.idx.msk [tilespmem:v38+s3+$0x0], $0xffff;
	v38 =	vshll.u32 v33, $0x1;
	v62 =	vshll.u32 v27, $0x2;
	v19 =	vshll.u32 v61, $0x2  }
0x14f: {  	v27 =	vld.idx.msk [tilespmem:v47+s3+$0x0], $0xffff;
	v61 =	vshll.u32 v52, $0x3;
	v32 =	vand.u32 $0x7F, v58;
	v5 =	vadd.s32 $0x900, v5  }
0x150: {  	v21 =	vadd.s32 v62, v38;
	v42 =	vadd.s32 v19, v39;
	v19 =	vld.idx.msk [tilespmem:v7+s10+$0x0], $0xffff;
	v7 =	vadd.s32 v20, v22  }
0x151: {  	v59 =	vld.idx.msk [tilespmem:v56+s3+$0x0], $0xffff;
	v56 =	vor.u32 v54, v28;
	v62 =	vand.u32 $0xFFFFFC00, v61;
	v44 =	vadd.s32 v55, v21  }
0x152: {  	v43 =	vld.idx.msk [tilespmem:v35+s3+$0x0], $0xffff;
	v22 =	vadd.s32 v24, v42;
	v45 =	vshll.u32 v40, $0x2;
	v55 =	vadd.s32 v1, v36  }
0x153: {  	v46 =	vld.idx.msk [tilespmem:v60+s3+$0x0], $0xffff;
	v50 =	vshll.u32 v31, $0x2;
	v29 =	vadd.s32 v0, v56;
	v24 =	vand.u32 $0x7F, v49  }
0x154: {  	v60 =	vld [tilespmem:$0x10600];
	v31 =	vand.u32 $0x7F, v52;
	v7 =	vadd.s32 $0x900, v7;
	v20 =	vshll.u32 v44, $0x1  }
0x155: {  	v12 =	vld.idx.msk [tilespmem:v12+s10+$0x0], $0xffff;
	v31 =	vor.u32 v31, v62;
	v22 =	vshll.u32 v22, $0x1;
	v21 =	vadd.s32 v20, v57  }
0x156: {  	v20 =	vld.idx.msk [tilespmem:v6+s10+$0x0], $0xffff;
	v57 =	vadd.s32 v1, v34;
	v40 =	vadd.s32 v22, v27;
	v25 =	vshll.u32 v59, $0x1  }
0x157: {  	v53 =	vshll.u32 v43, $0x1;
	v59 =	vshll.u32 v49, $0x3;
	v43 =	vshll.u32 v58, $0x3;
	v30 =	vld.idx.msk [tilespmem:v55+s3+$0x0], $0xffff  }
0x158: {  	v48 =	vadd.s32 v45, v25;
	v6 =	vadd.s32 v50, v53;
	v26 =	vshll.u32 v46, $0x1;
	v29 =	vld.idx.msk [tilespmem:v29+s3+$0x0], $0xffff  }
0x159: {  	v25 =	vadd.s32 v1, v56;
	v33 =	vand.u32 $0xFFFFFC00, v59;
	v44 =	vshll.u32 v60, $0x3;
	v45 =	vld [tilespmem:$0x10620]  }
0x15a: {  	v34 =	vand.u32 $0x7F, v60;
	v60 =	vld [tilespmem:$0x10630];
	v24 =	vor.u32 v24, v33;
	v33 =	vadd.s32 v0, v31  }
0x15b: {  	v37 =	vand.u32 $0xFFFFFC00, v43;
	v23 =	vadd.s32 v63, v48;
	v63 =	vld [tilespmem:$0x10610];
	v31 =	vadd.s32 v1, v31  }
0x15c: {  	v55 =	vadd.s32 $0x600, v11;
	v32 =	vor.u32 v32, v37;
	v46 =	vand.u32 $0xFFFFFC00, v44;
	v28 =	vld.idx.msk [tilespmem:v57+s3+$0x0], $0xffff  }
0x15d: {  	v23 =	vshll.u32 v23, $0x2;
	v42 =	vadd.s32 v0, v24;
	v34 =	vor.u32 v34, v46;
	v46 =	vld [tilespmem:$0x10650]  }
0x15e: {  	v24 =	vadd.s32 v1, v24;
	v47 =	vadd.s32 v0, v32;
	v49 =	vadd.s32 v0, v34;
	v25 =	vld.idx.msk [tilespmem:v25+s3+$0x0], $0xffff  }
0x15f: {  	v23 =	vadd.s32 v23, v26;
	v44 =	vadd.s32 v1, v34;
	v6 =	vadd.s32 v30, v6;
	v51 =	vld.idx.msk [tilespmem:v33+s3+$0x0], $0xffff  }
0x160: {  	v23 =	vadd.s32 v29, v23;
	v53 =	vshll.u32 v45, $0x3;
	v54 =	vand.u32 $0x7F, v45;
	v31 =	vld.idx.msk [tilespmem:v31+s3+$0x0], $0xffff  }
0x161: {  	v45 =	vshll.u32 v60, $0x3;
	v48 =	vshll.u32 v63, $0x3;
	v35 =	vand.u32 $0x7F, v63;
	v63 =	vld [tilespmem:$0x10640]  }
0x162: {  	v33 =	vand.u32 $0xFFFFFC00, v53;
	v6 =	vshll.u32 v6, $0x2;
	v58 =	vshll.u32 v23, $0x2;
	v36 =	vld.idx.msk [tilespmem:v42+s3+$0x0], $0xffff  }
0x163: {  	v30 =	vand.u32 $0xFFFFFC00, v45;
	v37 =	vand.u32 $0xFFFFFC00, v48;
	v24 =	vld.idx.msk [tilespmem:v24+s3+$0x0], $0xffff;
	v33 =	vor.u32 v54, v33  }
0x164: {  	v38 =	vld.idx.msk [tilespmem:v47+s3+$0x0], $0xffff;
	v56 =	vshll.u32 v28, $0x1;
	v50 =	vor.u32 v35, v37;
	v35 =	vadd.s32 v0, v33  }
0x165: {  	v42 =	vadd.s32 v1, v32;
	v47 =	vand.u32 $0x7F, v60;
	v54 =	vshll.u32 v46, $0x3;
	v57 =	vld.idx.msk [tilespmem:v49+s3+$0x0], $0xffff  }
0x166: {  	v6 =	vadd.s32 v6, v56;
	v30 =	vor.u32 v47, v30;
	v49 =	vld [tilespmem:$0x10660];
	v52 =	vadd.s32 v0, v50  }
0x167: {  	v32 =	vld.idx.msk [tilespmem:v55+s10+$0x0], $0xffff;
	v26 =	vadd.s32 v1, v50;
	v50 =	vadd.s32 v0, v30;
	v6 =	vadd.s32 v25, v6  }
0x168: {  	v27 =	vld.idx.msk [tilespmem:v44+s3+$0x0], $0xffff;
	v30 =	vadd.s32 v1, v30;
	v6 =	vshll.u32 v6, $0x2;
	v48 =	vshll.u32 v63, $0x3  }
0x169: {  	v29 =	vand.u32 $0x7F, v63;
	v59 =	vshll.u32 v36, $0x1;
	v24 =	vshll.u32 v24, $0x1;
	v43 =	vld.idx.msk [tilespmem:v35+s3+$0x0], $0xffff  }
0x16a: {  	v34 =	vand.u32 $0xFFFFFC00, v48;
	v11 =	vadd.s32 v58, v59;
	v6 =	vadd.s32 v6, v24;
	v24 =	vld.idx.msk [tilespmem:v42+s3+$0x0], $0xffff  }
0x16b: {  	v29 =	vor.u32 v29, v34;
	v34 =	vand.u32 $0xFFFFFC00, v54;
	v55 =	vshll.u32 v49, $0x3;
	v61 =	vld.idx.msk [tilespmem:v52+s3+$0x0], $0xffff  }
0x16c: {  	v6 =	vadd.s32 v31, v6;
	v52 =	vld [tilespmem:$0x10670];
	v53 =	vadd.s32 v0, v29;
	v31 =	vand.u32 $0x7F, v46  }
0x16d: {  	v62 =	vadd.s32 v51, v11;
	v11 =	vld.idx.msk [tilespmem:v4+s10+$0x0], $0xffff;
	v51 =	vadd.s32 v1, v33;
	v31 =	vor.u32 v31, v34  }
0x16e: {  	v35 =	vand.u32 $0x7F, v49;
	v26 =	vld.idx.msk [tilespmem:v26+s3+$0x0], $0xffff;
	v34 =	vand.u32 $0xFFFFFC00, v55;
	v56 =	vadd.s32 v0, v31  }
0x16f: {  	v21 =	vadd.s32 $0xA00, v21;
	v29 =	vadd.s32 v1, v29;
	v36 =	vld.idx.msk [tilespmem:v50+s3+$0x0], $0xffff;
	v34 =	vor.u32 v35, v34  }
0x170: {  	v28 =	vshll.u32 v57, $0x2;
	v30 =	vld.idx.msk [tilespmem:v30+s3+$0x0], $0xffff;
	v31 =	vadd.s32 v1, v31;
	v58 =	vadd.s32 v0, v34  }
0x171: {  	v34 =	vadd.s32 v1, v34;
	v23 =	vshll.u32 v61, $0x1;
	v57 =	vshll.u32 v52, $0x3;
	v25 =	vld.idx.msk [tilespmem:v53+s3+$0x0], $0xffff  }
0x172: {  	v33 =	vand.u32 $0x7F, v52;
	v23 =	vadd.s32 v28, v23;
	v28 =	vld.idx.msk [tilespmem:v51+s3+$0x0], $0xffff;
	v35 =	vand.u32 $0xFFFFFC00, v57  }
0x173: {  	v27 =	vshll.u32 v27, $0x2;
	v4 =	vadd.s32 $0xA00, v40;
	v33 =	vor.u32 v33, v35;
	v37 =	vld.idx.msk [tilespmem:v56+s3+$0x0], $0xffff  }
0x174: {  	v41 =	vshll.u32 v62, $0x1;
	v6 =	vshll.u32 v6, $0x1;
	v29 =	vld.idx.msk [tilespmem:v29+s3+$0x0], $0xffff;
	v35 =	vadd.s32 v0, v33  }
0x175: {  	v6 =	vadd.s32 v6, v24;
	v26 =	vshll.u32 v26, $0x1;
	v60 =	vld.idx.msk [tilespmem:v31+s3+$0x0], $0xffff;
	v33 =	vadd.s32 v1, v33  }
0x176: {  	v36 =	vshll.u32 v36, $0x1;
	v59 =	vadd.s32 v27, v26;
	v23 =	vadd.s32 v43, v23;
	v61 =	vld.idx.msk [tilespmem:v58+s3+$0x0], $0xffff  }
0x177: {  	v62 =	vshll.u32 v30, $0x1;
	v23 =	vshll.u32 v23, $0x2;
	v63 =	vld.idx.msk [tilespmem:v34+s3+$0x0], $0xffff;
	v24 =	vadd.s32 v28, v59  }
0x178: {  	v23 =	vadd.s32 v23, v36;
	v24 =	vshll.u32 v24, $0x2;
	v36 =	vshll.u32 v37, $0x1;
	v37 =	vld [tilespmem:$0x10680]  }
0x179: {  	v22 =	vadd.s32 v41, v38;
	v23 =	vadd.s32 v25, v23;
	v24 =	vadd.s32 v24, v62;
	v34 =	vld.idx.msk [tilespmem:v35+s3+$0x0], $0xffff  }
0x17a: {  	v22 =	vadd.s32 $0xB00, v22;
	v23 =	vshll.u32 v23, $0x2;
	v35 =	vld.idx.msk [tilespmem:v33+s3+$0x0], $0xffff;
	v24 =	vadd.s32 v29, v24  }
0x17b: {  	v14 =	vld.idx.msk [tilespmem:v14+s10+$0x0], $0xffff;
	v26 =	vshll.u32 v60, $0x1;
	v23 =	vadd.s32 v23, v36;
	v24 =	vshll.u32 v24, $0x2  }
0x17c: {  	v16 =	vld.idx.msk [tilespmem:v16+s10+$0x0], $0xffff;
	v38 =	vadd.s32 $0xB00, v6;
	v23 =	vadd.s32 v61, v23;
	v24 =	vadd.s32 v24, v26  }
0x17d: {  	v18 =	vld.idx.msk [tilespmem:v18+s10+$0x0], $0xffff;
	v39 =	vshll.u32 v23, $0x1;
	v24 =	vadd.s32 v63, v24;
	v44 =	vshll.u32 v37, $0x3  }
0x17e: {  	v45 =	vld.idx.msk [tilespmem:v7+s10+$0x0], $0xffff;
	v46 =	vand.u32 $0x7F, v37;
	v40 =	vshll.u32 v24, $0x1;
	v42 =	vadd.s32 v39, v34  }
0x17f: {  	v7 =	vld.idx.msk [tilespmem:v21+s10+$0x0], $0xffff;
	v23 =	vand.u32 $0xFFFFFC00, v44;
	v43 =	vadd.s32 v40, v35;
	v27 =	vadd.s32 $0xC00, v42  }
0x180: {  	v9 =	vmul.f32 $8.192000000e+03, v9;
	v41 =	vld.idx.msk [tilespmem:v5+s10+$0x0], $0xffff;
	v23 =	vor.u32 v46, v23;
	v47 =	vadd.s32 $0xC00, v43  }
0x181: {  	v8 =	vmul.f32 $4.096000000e+03, v8;
	v2 =	vadd.f32 v10, v2;
	v5 =	vld.idx.msk [tilespmem:v4+s10+$0x0], $0xffff;
	v48 =	vadd.s32 v0, v23  }
0x182: {  	v3 =	vadd.f32 v9, v3;
	v49 =	vmul.f32 $4.096000000e+03, v17;
	v6 =	vld.idx.msk [tilespmem:v22+s10+$0x0], $0xffff  }
0x183: {  	v8 =	vadd.f32 v8, v2;
	v50 =	vmul.f32 $2.048000000e+03, v19;
	v4 =	vld.idx.msk [tilespmem:v38+s10+$0x0], $0xffff  }
0x184: {  	v9 =	vadd.f32 v49, v3;
	v51 =	vmul.f32 $2.048000000e+03, v20;
	v2 =	vld.idx.msk [tilespmem:v27+s10+$0x0], $0xffff  }
0x185: {  	v13 =	vmul.f32 $1.024000000e+03, v13;
	v8 =	vadd.f32 v50, v8;
	v3 =	vld.idx.msk [tilespmem:v47+s10+$0x0], $0xffff  }
0x186: {  	v11 =	vmul.f32 $1.024000000e+03, v11;
	v9 =	vadd.f32 v51, v9;
	v10 =	vld.idx.msk [tilespmem:v48+s3+$0x0], $0xffff  }
0x187: {  	v8 =	vadd.f32 v13, v8;
	v52 =	vmul.f32 $5.120000000e+02, v32;
	v63 =	vadd.s32 v1, v23;
	v53 =	vld [tilespmem:$0x10690]  }
0x188: {  	v54 =	vmul.f32 $5.120000000e+02, v15;
	v9 =	vadd.f32 v11, v9;
	v57 =	vld [tilespmem:$0x106A0]  }
0x189: {  	v55 =	vmul.f32 $2.560000000e+02, v12;
	v8 =	vadd.f32 v52, v8;
	v58 =	vld [tilespmem:$0x106B0]  }
0x18a: {  	v56 =	vmul.f32 $2.560000000e+02, v14;
	v9 =	vadd.f32 v54, v9;
	v25 =	vld [tilespmem:$0x106C0]  }
0x18b: {  	v8 =	vadd.f32 v55, v8;
	v60 =	vmul.f32 $1.280000000e+02, v16;
	v30 =	vld [tilespmem:$0x106D0]  }
0x18c: {  	v62 =	vmul.f32 $1.280000000e+02, v18;
	v9 =	vadd.f32 v56, v9;
	v32 =	vld.idx.msk [tilespmem:v63+s3+$0x0], $0xffff  }
0x18d: {  	v8 =	vadd.f32 v60, v8;
	v34 =	vmul.f32 $6.400000000e+01, v41;
	v37 =	vld [tilespmem:$0x106E0]  }
0x18e: {  	v31 =	vadd.f32 v62, v9;
	v35 =	vmul.f32 $6.400000000e+01, v45;
	v41 =	vld [tilespmem:$0x106F0]  }
0x18f: {  	v7 =	vmul.f32 $3.200000000e+01, v7;
	v9 =	vadd.f32 v34, v8;
	v45 =	vld [tilespmem:$0x10700]  }
0x190: {  	v8 =	vadd.f32 v35, v31;
	v48 =	vld [tilespmem:$0x10710];
	v59 =	vshll.u32 v53, $0x3;
	v61 =	vand.u32 $0x7F, v53  }
0x191: {  	v23 =	vshll.u32 v57, $0x3;
	v13 =	vand.u32 $0x7F, v57;
	v27 =	vshll.u32 v58, $0x3  }
0x192: {  	v14 =	vand.u32 $0x7F, v58;
	v36 =	vshll.u32 v25, $0x3;
	v19 =	vand.u32 $0x7F, v25  }
0x193: {  	v40 =	vshll.u32 v30, $0x3;
	v10 =	vshll.u32 v10, $0x2;
	v43 =	vshll.u32 v37, $0x3  }
0x194: {  	v16 =	vshll.u32 v32, $0x2;
	v46 =	vshll.u32 v41, $0x3;
	v11 =	vand.u32 $0xFFFFFC00, v59  }
0x195: {  	v50 =	vld [tilespmem:$0x10720];
	v49 =	vshll.u32 v45, $0x3;
	v52 =	vshll.u32 v48, $0x3;
	v11 =	vor.u32 v61, v11  }
0x196: {  	v60 =	vld [tilespmem:$0x10750];
	v18 =	vand.u32 $0xFFFFFC00, v23;
	v28 =	vand.u32 $0xFFFFFC00, v27;
	v15 =	vadd.s32 v0, v11  }
0x197: {  	v63 =	vld [tilespmem:$0x10760];
	v22 =	vand.u32 $0xFFFFFC00, v36;
	v13 =	vor.u32 v13, v18;
	v11 =	vadd.s32 v1, v11  }
0x198: {  	v53 =	vld [tilespmem:$0x10730];
	v21 =	vand.u32 $0xFFFFFC00, v40;
	v14 =	vor.u32 v14, v28;
	v29 =	vadd.s32 v0, v13  }
0x199: {  	v58 =	vld [tilespmem:$0x10740];
	v23 =	vand.u32 $0x7F, v37;
	v18 =	vand.u32 $0x7F, v30;
	v33 =	vadd.s32 v0, v14  }
0x19a: {  	v36 =	vld [tilespmem:$0x10770];
	v19 =	vor.u32 v19, v22;
	v14 =	vadd.s32 v1, v14;
	v18 =	vor.u32 v18, v21  }
0x19b: {  	v22 =	vand.u32 $0xFFFFFC00, v43;
	v42 =	vadd.s32 v0, v18;
	v18 =	vadd.s32 v1, v18;
	v15 =	vld.idx.msk [tilespmem:v15+s3+$0x0], $0xffff  }
0x19c: {  	v35 =	vshll.u32 v60, $0x3;
	v13 =	vadd.s32 v1, v13;
	v22 =	vor.u32 v23, v22;
	v11 =	vld.idx.msk [tilespmem:v11+s3+$0x0], $0xffff  }
0x19d: {  	v24 =	vand.u32 $0x7F, v60;
	v44 =	vadd.s32 v0, v22;
	v22 =	vadd.s32 v1, v22;
	v38 =	vld.idx.msk [tilespmem:v29+s3+$0x0], $0xffff  }
0x19e: {  	v39 =	vadd.s32 v0, v19;
	v21 =	vand.u32 $0x7F, v41;
	v23 =	vand.u32 $0xFFFFFC00, v46;
	v17 =	vld.idx.msk [tilespmem:v33+s3+$0x0], $0xffff  }
0x19f: {  	v26 =	vand.u32 $0x7F, v63;
	v19 =	vadd.s32 v1, v19;
	v47 =	vor.u32 v21, v23;
	v14 =	vld.idx.msk [tilespmem:v14+s3+$0x0], $0xffff  }
0x1a0: {  	v55 =	vand.u32 $0xFFFFFC00, v52;
	v59 =	vshll.u32 v50, $0x3;
	v21 =	vadd.s32 v0, v47;
	v18 =	vld.idx.msk [tilespmem:v18+s3+$0x0], $0xffff  }
0x1a1: {  	v61 =	vshll.u32 v53, $0x3;
	v23 =	vand.u32 $0x7F, v53;
	v43 =	vshll.u32 v36, $0x3;
	v13 =	vld.idx.msk [tilespmem:v13+s3+$0x0], $0xffff  }
0x1a2: {  	v28 =	vand.u32 $0x7F, v36;
	v33 =	vshll.u32 v58, $0x3;
	v51 =	vld.idx.msk [tilespmem:v22+s3+$0x0], $0xffff;
	v22 =	vand.u32 $0xFFFFFC00, v59  }
0x1a3: {  	v20 =	vld.idx.msk [tilespmem:v39+s3+$0x0], $0xffff;
	v15 =	vshll.u32 v15, $0x1;
	v11 =	vshll.u32 v11, $0x1;
	v17 =	vshll.u32 v17, $0x1  }
0x1a4: {  	v19 =	vld.idx.msk [tilespmem:v19+s3+$0x0], $0xffff;
	v14 =	vshll.u32 v14, $0x1;
	v10 =	vadd.s32 v10, v15;
	v11 =	vadd.s32 v16, v11  }
0x1a5: {  	v16 =	vand.u32 $0x7F, v45;
	v18 =	vshll.u32 v18, $0x1;
	v10 =	vadd.s32 v38, v10  }
0x1a6: {  	v15 =	vld.idx.msk [tilespmem:v42+s3+$0x0], $0xffff;
	v11 =	vadd.s32 v13, v11;
	v13 =	vadd.s32 v1, v47;
	v10 =	vshll.u32 v10, $0x2  }
0x1a7: {  	v38 =	vshll.u32 v63, $0x3;
	v11 =	vshll.u32 v11, $0x2;
	v10 =	vadd.s32 v10, v17  }
0x1a8: {  	v11 =	vadd.s32 v11, v14;
	v14 =	vand.u32 $0xFFFFFC00, v49;
	v17 =	vand.u32 $0x7F, v48  }
0x1a9: {  	v32 =	vld [tilespmem:$0x107D0];
	v10 =	vadd.s32 v20, v10;
	v11 =	vadd.s32 v19, v11;
	v14 =	vor.u32 v16, v14  }
0x1aa: {  	v12 =	vld.idx.msk [tilespmem:v44+s3+$0x0], $0xffff;
	v57 =	vor.u32 v17, v55;
	v20 =	vand.u32 $0x7F, v50;
	v17 =	vand.u32 $0x7F, v58  }
0x1ab: {  	v63 =	vld [tilespmem:$0x107C0];
	v10 =	vshll.u32 v10, $0x2;
	v15 =	vshll.u32 v15, $0x1;
	v16 =	vadd.s32 v0, v14  }
0x1ac: {  	v54 =	vld.idx.msk [tilespmem:v21+s3+$0x0], $0xffff;
	v56 =	vadd.s32 v1, v14;
	v11 =	vshll.u32 v11, $0x2;
	v21 =	vadd.s32 v0, v57  }
0x1ad: {  	v58 =	vld [tilespmem:$0x107A0];
	v14 =	vadd.s32 v1, v57;
	v20 =	vor.u32 v20, v22;
	v22 =	vand.u32 $0xFFFFFC00, v61  }
0x1ae: {  	v61 =	vld [tilespmem:$0x107B0];
	v10 =	vadd.s32 v10, v15;
	v62 =	vadd.s32 v0, v20;
	v20 =	vadd.s32 v1, v20  }
0x1af: {  	v13 =	vld.idx.msk [tilespmem:v13+s3+$0x0], $0xffff;
	v22 =	vor.u32 v23, v22;
	v23 =	vand.u32 $0xFFFFFC00, v33;
	v11 =	vadd.s32 v11, v18  }
0x1b0: {  	v36 =	vshll.u32 v63, $0x3;
	v19 =	vand.u32 $0x7F, v63;
	v11 =	vadd.s32 v51, v11;
	v51 =	vld [tilespmem:$0x10780]  }
0x1b1: {  	v10 =	vadd.s32 v12, v10;
	v17 =	vor.u32 v17, v23;
	v23 =	vand.u32 $0xFFFFFC00, v35;
	v35 =	vld [tilespmem:$0x107E0]  }
0x1b2: {  	v34 =	vadd.s32 v0, v22;
	v22 =	vadd.s32 v1, v22;
	v37 =	vadd.s32 v0, v17;
	v16 =	vld.idx.msk [tilespmem:v16+s3+$0x0], $0xffff  }
0x1b3: {  	v17 =	vadd.s32 v1, v17;
	v23 =	vor.u32 v24, v23;
	v24 =	vand.u32 $0xFFFFFC00, v38;
	v12 =	vld.idx.msk [tilespmem:v56+s3+$0x0], $0xffff  }
0x1b4: {  	v10 =	vshll.u32 v10, $0x1;
	v11 =	vshll.u32 v11, $0x1;
	v39 =	vadd.s32 v0, v23;
	v21 =	vld.idx.msk [tilespmem:v21+s3+$0x0], $0xffff  }
0x1b5: {  	v23 =	vadd.s32 v1, v23;
	v24 =	vor.u32 v26, v24;
	v26 =	vand.u32 $0xFFFFFC00, v43;
	v14 =	vld.idx.msk [tilespmem:v14+s3+$0x0], $0xffff  }
0x1b6: {  	v10 =	vadd.s32 v10, v54;
	v29 =	vshll.u32 v58, $0x3;
	v42 =	vadd.s32 v0, v24;
	v56 =	vld [tilespmem:$0x10790]  }
0x1b7: {  	v24 =	vadd.s32 v1, v24;
	v26 =	vor.u32 v28, v26;
	v30 =	vand.u32 $0xFFFFFC00, v29;
	v25 =	vld.idx.msk [tilespmem:v62+s3+$0x0], $0xffff  }
0x1b8: {  	v10 =	vadd.s32 $0xD00, v10;
	v20 =	vld.idx.msk [tilespmem:v20+s3+$0x0], $0xffff;
	v28 =	vadd.s32 v0, v26;
	v26 =	vadd.s32 v1, v26  }
0x1b9: {  	v11 =	vadd.s32 v11, v13;
	v40 =	vld.idx.msk [tilespmem:v34+s3+$0x0], $0xffff;
	v59 =	vshll.u32 v51, $0x3;
	v60 =	vand.u32 $0x7F, v51  }
0x1ba: {  	v34 =	vshll.u32 v61, $0x3;
	v11 =	vadd.s32 $0xD00, v11;
	v44 =	vld.idx.msk [tilespmem:v37+s3+$0x0], $0xffff;
	v37 =	vand.u32 $0xFFFFFC00, v36  }
0x1bb: {  	v41 =	vld.idx.msk [tilespmem:v22+s3+$0x0], $0xffff;
	v19 =	vor.u32 v19, v37;
	v16 =	vshll.u32 v16, $0x2;
	v21 =	vshll.u32 v21, $0x1  }
0x1bc: {  	v45 =	vld.idx.msk [tilespmem:v39+s3+$0x0], $0xffff;
	v12 =	vshll.u32 v12, $0x2;
	v14 =	vshll.u32 v14, $0x1;
	v62 =	vshll.u32 v56, $0x3  }
0x1bd: {  	v49 =	vld.idx.msk [tilespmem:v24+s3+$0x0], $0xffff;
	v24 =	vand.u32 $0x7F, v35;
	v16 =	vadd.s32 v16, v21;
	v12 =	vadd.s32 v12, v14  }
0x1be: {  	v52 =	vld.idx.msk [tilespmem:v28+s3+$0x0], $0xffff;
	v28 =	vand.u32 $0x7F, v56;
	v18 =	vand.u32 $0xFFFFFC00, v62;
	v14 =	vand.u32 $0x7F, v58  }
0x1bf: {  	v46 =	vadd.s32 v25, v16;
	v12 =	vadd.s32 v20, v12;
	v48 =	vshll.u32 v40, $0x1  }
0x1c0: {  	v47 =	vld.idx.msk [tilespmem:v42+s3+$0x0], $0xffff;
	v50 =	vshll.u32 v41, $0x1;
	v18 =	vor.u32 v28, v18;
	v15 =	vshll.u32 v46, $0x2  }
0x1c1: {  	v14 =	vor.u32 v14, v30;
	v16 =	vand.u32 $0x7F, v61;
	v15 =	vadd.s32 v15, v48  }
0x1c2: {  	v17 =	vld.idx.msk [tilespmem:v17+s3+$0x0], $0xffff;
	v40 =	vshll.u32 v32, $0x3;
	v20 =	vand.u32 $0x7F, v32;
	v15 =	vadd.s32 v44, v15  }
0x1c3: {  	v23 =	vld.idx.msk [tilespmem:v23+s3+$0x0], $0xffff;
	v31 =	vadd.s32 v0, v18;
	v53 =	vshll.u32 v45, $0x1;
	v15 =	vshll.u32 v15, $0x2  }
0x1c4: {  	v38 =	vld [tilespmem:$0x107F0];
	v12 =	vshll.u32 v12, $0x2;
	v18 =	vadd.s32 v1, v18;
	v15 =	vadd.s32 v15, v53  }
0x1c5: {  	v33 =	vadd.s32 v0, v14;
	v57 =	vadd.s32 v47, v15;
	v15 =	vand.u32 $0xFFFFFC00, v59  }
0x1c6: {  	v14 =	vadd.s32 v1, v14;
	v12 =	vadd.s32 v12, v50;
	v15 =	vor.u32 v60, v15  }
0x1c7: {  	v54 =	vld.idx.msk [tilespmem:v26+s3+$0x0], $0xffff;
	v41 =	vshll.u32 v35, $0x3;
	v12 =	vadd.s32 v17, v12;
	v17 =	vadd.s32 v0, v15  }
0x1c8: {  	v55 =	vshll.u32 v23, $0x1;
	v23 =	vand.u32 $0xFFFFFC00, v34;
	v21 =	vld.idx.msk [tilespmem:v31+s3+$0x0], $0xffff;
	v15 =	vadd.s32 v1, v15  }
0x1c9: {  	v25 =	vand.u32 $0x7F, v38;
	v16 =	vor.u32 v16, v23;
	v23 =	vadd.s32 v0, v19;
	v18 =	vld.idx.msk [tilespmem:v18+s3+$0x0], $0xffff  }
0x1ca: {  	v27 =	vand.u32 $0xFFFFFC00, v40;
	v42 =	vand.u32 $0xFFFFFC00, v41;
	v39 =	vadd.s32 v0, v16;
	v22 =	vld.idx.msk [tilespmem:v33+s3+$0x0], $0xffff  }
0x1cb: {  	v20 =	vor.u32 v20, v27;
	v24 =	vor.u32 v24, v42;
	v16 =	vadd.s32 v1, v16;
	v14 =	vld.idx.msk [tilespmem:v14+s3+$0x0], $0xffff  }
0x1cc: {  	v19 =	vadd.s32 v1, v19;
	v43 =	vadd.s32 v0, v20;
	v44 =	vshll.u32 v38, $0x3;
	v17 =	vld.idx.msk [tilespmem:v17+s3+$0x0], $0xffff  }
0x1cd: {  	v20 =	vadd.s32 v1, v20;
	v12 =	vshll.u32 v12, $0x2;
	v27 =	vand.u32 $0xFFFFFC00, v44;
	v15 =	vld.idx.msk [tilespmem:v15+s3+$0x0], $0xffff  }
0x1ce: {  	v45 =	vadd.s32 v0, v24;
	v12 =	vadd.s32 v12, v55;
	v25 =	vor.u32 v25, v27;
	v23 =	vld.idx.msk [tilespmem:v23+s3+$0x0], $0xffff  }
0x1cf: {  	v24 =	vadd.s32 v1, v24;
	v12 =	vadd.s32 v49, v12;
	v46 =	vadd.s32 v0, v25;
	v26 =	vld.idx.msk [tilespmem:v39+s3+$0x0], $0xffff  }
0x1d0: {  	v25 =	vadd.s32 v1, v25;
	v13 =	vshll.u32 v57, $0x1;
	v12 =	vshll.u32 v12, $0x1;
	v16 =	vld.idx.msk [tilespmem:v16+s3+$0x0], $0xffff  }
0x1d1: {  	v13 =	vadd.s32 v13, v52;
	v19 =	vld.idx.msk [tilespmem:v19+s3+$0x0], $0xffff;
	v21 =	vshll.u32 v21, $0x1;
	v17 =	vshll.u32 v17, $0x2  }
0x1d2: {  	v28 =	vld.idx.msk [tilespmem:v43+s3+$0x0], $0xffff;
	v18 =	vshll.u32 v18, $0x1;
	v15 =	vshll.u32 v15, $0x2;
	v17 =	vadd.s32 v17, v21  }
0x1d3: {  	v12 =	vadd.s32 v12, v54;
	v47 =	vld.idx.msk [tilespmem:v20+s3+$0x0], $0xffff;
	v15 =	vadd.s32 v15, v18;
	v17 =	vadd.s32 v22, v17  }
0x1d4: {  	v50 =	vld.idx.msk [tilespmem:v45+s3+$0x0], $0xffff;
	v49 =	vshll.u32 v26, $0x1;
	v14 =	vadd.s32 v14, v15;
	v48 =	vshll.u32 v17, $0x2  }
0x1d5: {  	v51 =	vld.idx.msk [tilespmem:v24+s3+$0x0], $0xffff;
	v16 =	vshll.u32 v16, $0x1;
	v14 =	vshll.u32 v14, $0x2;
	v15 =	vadd.s32 v48, v49  }
0x1d6: {  	v13 =	vadd.s32 $0xE00, v13;
	v52 =	vld.idx.msk [tilespmem:v46+s3+$0x0], $0xffff;
	v14 =	vadd.s32 v14, v16;
	v15 =	vadd.s32 v23, v15  }
0x1d7: {  	v54 =	vld.idx.msk [tilespmem:v25+s3+$0x0], $0xffff;
	v53 =	vshll.u32 v28, $0x1;
	v14 =	vadd.s32 v19, v14;
	v15 =	vshll.u32 v15, $0x2  }
0x1d8: {  	v18 =	vshll.u32 v47, $0x1;
	v14 =	vshll.u32 v14, $0x2;
	v15 =	vadd.s32 v15, v53  }
0x1d9: {  	v12 =	vadd.s32 $0xE00, v12;
	v14 =	vadd.s32 v14, v18;
	v15 =	vadd.s32 v50, v15  }
0x1da: {  	v5 =	vmul.f32 $3.200000000e+01, v5;
	v55 =	vadd.s32 v51, v14;
	v56 =	vshll.u32 v15, $0x1  }
0x1db: {  	v7 =	vadd.f32 v7, v9;
	v10 =	vld.idx.msk [tilespmem:v10+s10+$0x0], $0xffff;
	v9 =	vshll.u32 v55, $0x1;
	v14 =	vadd.s32 v56, v52  }
0x1dc: {  	v6 =	vmul.f32 $1.600000000e+01, v6;
	v11 =	vld.idx.msk [tilespmem:v11+s10+$0x0], $0xffff;
	v9 =	vadd.s32 v9, v54;
	v14 =	vadd.s32 $0xF00, v14  }
0x1dd: {  	v4 =	vmul.f32 $1.600000000e+01, v4;
	v5 =	vadd.f32 v5, v8;
	v57 =	vld.idx.msk [tilespmem:v13+s10+$0x0], $0xffff;
	v9 =	vadd.s32 $0xF00, v9  }
0x1de: {  	v6 =	vadd.f32 v6, v7;
	v2 =	vmul.f32 $8.000000000e+00, v2;
	v58 =	vld.idx.msk [tilespmem:v12+s10+$0x0], $0xffff  }
0x1df: {  	v4 =	vadd.f32 v4, v5;
	v3 =	vmul.f32 $8.000000000e+00, v3  }
0x1e0: {  	v2 =	vadd.f32 v2, v6;
	v59 =	vmul.f32 $4.000000000e+00, v10  }
0x1e1: {  	v3 =	vadd.f32 v3, v4;
	v60 =	vmul.f32 $4.000000000e+00, v11;
	v61 =	vld.idx.msk [tilespmem:v14+s10+$0x0], $0xffff  }
0x1e2: {  	v2 =	vadd.f32 v59, v2;
	v62 =	vadd.f32 v57, v57;
	v63 =	vld.idx.msk [tilespmem:v9+s10+$0x0], $0xffff  }
0x1e3: {  	v3 =	vadd.f32 v60, v3;
	v11 =	vadd.f32 v58, v58  }
0x1e4: {  	v2 =	vadd.f32 v62, v2  }
0x1e5: {  	v3 =	vadd.f32 v11, v3  }
0x1e6: {  	v2 =	vadd.f32 v61, v2  }
0x1e7: {  	v3 =	vadd.f32 v63, v3  }
0x1e8: {  	p0 =	seq.s32 s19, $0x4000;
	v2 =	vmin.f32 v2, $3.276700000e+04  }
0x1e9: {  	s20 =	sadd.s32 @!p0 s19, s8;
	[tilespmem:s18+$0xFFFFFFE0] =	vst v2;
	v2 =	vmin.f32 v3, $3.276700000e+04  }
0x1ea: {  	s21 =	simm.s32 @!p0 $0x0;
	s20 =	sadd.s32 @!p0 $0x142000, s20;
	[tilespmem:s18+$0xFFFFFFF0] =	vst v2  }
0x1eb: {  	[tilespmem:s21], [sflag:$0x1] =	stream.linear.gather @!p0 [hbm4b:s20+s21], $0x8000, $0x38;
	[tilespmem:$0x11900] =	vst v63  }
0x1ec: {  	_ =	swait.ge [sflag:s14], $0x8000  }
0x1ed: {  	[sflag:s14] =	ssyncset.done $0x0  }
0x1ee: {  	[sflag:s14] =	ssyncadd.s32 $0xFFFF8000  }
0x1ef: {  	v2 =	vld [tilespmem:$0x10000]  }
0x1f0: {  	v3 =	vld [tilespmem:$0x10010]  }
0x1f1: {  	v13 =	vld [tilespmem:$0x10020]  }
0x1f2: {  	v14 =	vld [tilespmem:$0x10030]  }
0x1f3: {  	v16 =	vld [tilespmem:$0x10040]  }
0x1f4: {  	v19 =	vld [tilespmem:$0x10050]  }
0x1f5: {  	v22 =	vld [tilespmem:$0x10060]  }
0x1f6: {  	v25 =	vld [tilespmem:$0x10070]  }
0x1f7: {  	v37 =	vld [tilespmem:$0x10080]  }
0x1f8: {  	v39 =	vld [tilespmem:$0x10090];
	v12 =	vshll.u32 v2, $0x3;
	v2 =	vand.u32 $0x7F, v2  }
0x1f9: {  	v15 =	vshll.u32 v3, $0x3;
	v3 =	vand.u32 $0x7F, v3;
	v17 =	vshll.u32 v13, $0x3  }
0x1fa: {  	v5 =	vand.u32 $0x7F, v13;
	v20 =	vshll.u32 v14, $0x3;
	v6 =	vand.u32 $0x7F, v14  }
0x1fb: {  	v23 =	vshll.u32 v16, $0x3;
	v8 =	vand.u32 $0x7F, v16;
	v26 =	vshll.u32 v19, $0x3  }
0x1fc: {  	v10 =	vand.u32 $0x7F, v19;
	v28 =	vshll.u32 v22, $0x3;
	v30 =	vshll.u32 v25, $0x3  }
0x1fd: {  	v14 =	vand.u32 $0x7F, v25;
	v42 =	vand.u32 $0x7F, v37;
	v43 =	vshll.u32 v39, $0x3  }
0x1fe: {  	v40 =	vld [tilespmem:$0x100A0];
	v4 =	vand.u32 $0xFFFFFC00, v12;
	v7 =	vand.u32 $0xFFFFFC00, v15;
	v12 =	vand.u32 $0x7F, v22  }
0x1ff: {  	v41 =	vld [tilespmem:$0x100B0];
	v2 =	vor.u32 v2, v4;
	v3 =	vor.u32 v3, v7;
	v7 =	vand.u32 $0xFFFFFC00, v17  }
0x200: {  	v46 =	vld [tilespmem:$0x100C0];
	v4 =	vadd.s32 v0, v2;
	v5 =	vor.u32 v5, v7;
	v7 =	vand.u32 $0xFFFFFC00, v20  }
0x201: {  	v48 =	vld [tilespmem:$0x100D0];
	v2 =	vadd.s32 v1, v2;
	v6 =	vor.u32 v6, v7;
	v7 =	vand.u32 $0xFFFFFC00, v23  }
0x202: {  	v51 =	vld [tilespmem:$0x100E0];
	v18 =	vadd.s32 v0, v3;
	v7 =	vor.u32 v8, v7;
	v8 =	vand.u32 $0xFFFFFC00, v26  }
0x203: {  	v53 =	vld [tilespmem:$0x100F0];
	v3 =	vadd.s32 v1, v3;
	v8 =	vor.u32 v10, v8;
	v10 =	vand.u32 $0xFFFFFC00, v28  }
0x204: {  	v21 =	vadd.s32 v0, v5;
	v10 =	vor.u32 v12, v10;
	v12 =	vand.u32 $0xFFFFFC00, v30;
	v30 =	vld [tilespmem:$0x10120]  }
0x205: {  	v44 =	vand.u32 $0x7F, v39;
	v49 =	vand.u32 $0x7F, v40;
	v5 =	vadd.s32 v1, v5;
	v4 =	vld.idx.msk [tilespmem:v4+s12+$0x0], $0xffff  }
0x206: {  	v50 =	vshll.u32 v41, $0x3;
	v52 =	vshll.u32 v46, $0x3;
	v24 =	vadd.s32 v0, v6;
	v2 =	vld.idx.msk [tilespmem:v2+s12+$0x0], $0xffff  }
0x207: {  	v56 =	vshll.u32 v48, $0x3;
	v57 =	vand.u32 $0x7F, v48;
	v6 =	vadd.s32 v1, v6;
	v9 =	vld.idx.msk [tilespmem:v18+s12+$0x0], $0xffff  }
0x208: {  	v60 =	vshll.u32 v51, $0x3;
	v27 =	vadd.s32 v0, v7;
	v7 =	vadd.s32 v1, v7;
	v3 =	vld.idx.msk [tilespmem:v3+s12+$0x0], $0xffff  }
0x209: {  	v29 =	vadd.s32 v0, v8;
	v8 =	vadd.s32 v1, v8;
	v12 =	vor.u32 v14, v12;
	v11 =	vld.idx.msk [tilespmem:v21+s12+$0x0], $0xffff  }
0x20a: {  	v62 =	vshll.u32 v53, $0x3;
	v55 =	vand.u32 $0xFFFFFC00, v52;
	v5 =	vld.idx.msk [tilespmem:v5+s12+$0x0], $0xffff;
	v14 =	vadd.s32 v0, v12  }
0x20b: {  	v58 =	vand.u32 $0xFFFFFC00, v56;
	v31 =	vadd.s32 v0, v10;
	v10 =	vadd.s32 v1, v10;
	v13 =	vld.idx.msk [tilespmem:v24+s12+$0x0], $0xffff  }
0x20c: {  	v35 =	vadd.s32 v1, v12;
	v6 =	vld.idx.msk [tilespmem:v6+s12+$0x0], $0xffff;
	v39 =	vshll.u32 v30, $0x3;
	v4 =	vshll.u32 v4, $0x2  }
0x20d: {  	v7 =	vld.idx.msk [tilespmem:v7+s12+$0x0], $0xffff;
	v9 =	vshll.u32 v9, $0x1;
	v2 =	vshll.u32 v2, $0x2;
	v3 =	vshll.u32 v3, $0x1  }
0x20e: {  	v17 =	vand.u32 $0xFFFFFC00, v39;
	v4 =	vadd.s32 v4, v9;
	v2 =	vadd.s32 v2, v3;
	v3 =	vld.idx.msk [tilespmem:v8+s12+$0x0], $0xffff  }
0x20f: {  	v36 =	vld.idx.msk [tilespmem:v14+s12+$0x0], $0xffff;
	v9 =	vand.u32 $0xFFFFFC00, v43;
	v8 =	vor.u32 v57, v58;
	v14 =	vand.u32 $0x7F, v51  }
0x210: {  	v16 =	vld.idx.msk [tilespmem:v29+s12+$0x0], $0xffff;
	v4 =	vadd.s32 v11, v4;
	v2 =	vadd.s32 v5, v2;
	v33 =	vshll.u32 v13, $0x1  }
0x211: {  	v15 =	vld.idx.msk [tilespmem:v27+s12+$0x0], $0xffff;
	v6 =	vshll.u32 v6, $0x1;
	v45 =	vor.u32 v44, v9;
	v5 =	vshll.u32 v40, $0x3  }
0x212: {  	v13 =	vand.u32 $0xFFFFFC00, v50;
	v61 =	vadd.s32 v0, v8;
	v11 =	vand.u32 $0xFFFFFC00, v60  }
0x213: {  	v32 =	vld.idx.msk [tilespmem:v31+s12+$0x0], $0xffff;
	v8 =	vadd.s32 v1, v8;
	v4 =	vshll.u32 v4, $0x2;
	v2 =	vshll.u32 v2, $0x2  }
0x214: {  	v34 =	vld.idx.msk [tilespmem:v10+s12+$0x0], $0xffff;
	v10 =	vadd.s32 v0, v45;
	v5 =	vand.u32 $0xFFFFFC00, v5;
	v2 =	vadd.s32 v2, v6  }
0x215: {  	v25 =	vld [tilespmem:$0x10100];
	v4 =	vadd.s32 v4, v33;
	v38 =	vshll.u32 v16, $0x1;
	v2 =	vadd.s32 v7, v2  }
0x216: {  	v26 =	vld [tilespmem:$0x10110];
	v4 =	vadd.s32 v15, v4;
	v2 =	vshll.u32 v2, $0x2;
	v3 =	vshll.u32 v3, $0x1  }
0x217: {  	v7 =	vand.u32 $0x7F, v41;
	v4 =	vshll.u32 v4, $0x2;
	v2 =	vadd.s32 v2, v3;
	v3 =	vld.idx.msk [tilespmem:v35+s12+$0x0], $0xffff  }
0x218: {  	v40 =	vld [tilespmem:$0x10150];
	v11 =	vor.u32 v14, v11;
	v7 =	vor.u32 v7, v13;
	v4 =	vadd.s32 v4, v38  }
0x219: {  	v44 =	vld [tilespmem:$0x10160];
	v14 =	vand.u32 $0xFFFFFC00, v62;
	v13 =	vadd.s32 v0, v7;
	v4 =	vadd.s32 v32, v4  }
0x21a: {  	v33 =	vld [tilespmem:$0x10130];
	v7 =	vadd.s32 v1, v7;
	v2 =	vadd.s32 v34, v2;
	v4 =	vshll.u32 v4, $0x1  }
0x21b: {  	v6 =	vshll.u32 v37, $0x3;
	v37 =	vld [tilespmem:$0x10140];
	v2 =	vshll.u32 v2, $0x1;
	v4 =	vadd.s32 v4, v36  }
0x21c: {  	v5 =	vor.u32 v49, v5;
	v6 =	vand.u32 $0xFFFFFC00, v6;
	v8 =	vld.idx.msk [tilespmem:v8+s12+$0x0], $0xffff;
	v2 =	vadd.s32 v2, v3  }
0x21d: {  	v63 =	vadd.s32 v0, v11;
	v10 =	vld.idx.msk [tilespmem:v10+s12+$0x0], $0xffff;
	v3 =	vor.u32 v42, v6;
	v6 =	vadd.s32 v1, v45  }
0x21e: {  	v16 =	vand.u32 $0x7F, v53;
	v27 =	vadd.s32 v1, v11;
	v13 =	vld.idx.msk [tilespmem:v13+s12+$0x0], $0xffff;
	v47 =	vadd.s32 v0, v3  }
0x21f: {  	v12 =	vadd.s32 v0, v5;
	v14 =	vor.u32 v16, v14;
	v7 =	vld.idx.msk [tilespmem:v7+s12+$0x0], $0xffff;
	v3 =	vadd.s32 v1, v3  }
0x220: {  	v5 =	vadd.s32 v1, v5;
	v16 =	vadd.s32 v0, v14;
	v31 =	vadd.s32 v1, v14;
	v4 =	vld.idx.msk [tilespmem:v4+s10+$0x0], $0xffff  }
0x221: {  	v48 =	vshll.u32 v40, $0x3;
	v51 =	vshll.u32 v44, $0x3;
	v32 =	vshll.u32 v25, $0x3;
	v54 =	vld.idx.msk [tilespmem:v2+s10+$0x0], $0xffff  }
0x222: {  	v34 =	vshll.u32 v26, $0x3;
	v49 =	vand.u32 $0xFFFFFC00, v48;
	v41 =	vshll.u32 v33, $0x3;
	v6 =	vld.idx.msk [tilespmem:v6+s12+$0x0], $0xffff  }
0x223: {  	v35 =	vand.u32 $0xFFFFFC00, v34;
	v14 =	vand.u32 $0x7F, v33;
	v42 =	vand.u32 $0xFFFFFC00, v41;
	v9 =	vld.idx.msk [tilespmem:v47+s12+$0x0], $0xffff  }
0x224: {  	v8 =	vshll.u32 v8, $0x1;
	v14 =	vor.u32 v14, v42;
	v2 =	vand.u32 $0x7F, v46;
	v3 =	vld.idx.msk [tilespmem:v3+s12+$0x0], $0xffff  }
0x225: {  	v10 =	vshll.u32 v10, $0x1;
	v45 =	vadd.s32 v0, v14;
	v2 =	vor.u32 v2, v55;
	v47 =	vld [tilespmem:$0x10170]  }
0x226: {  	v18 =	vld.idx.msk [tilespmem:v61+s12+$0x0], $0xffff;
	v14 =	vadd.s32 v1, v14;
	v59 =	vadd.s32 v0, v2;
	v4 =	vmul.f32 $3.276800000e+04, v4  }
0x227: {  	v12 =	vld.idx.msk [tilespmem:v12+s12+$0x0], $0xffff;
	v20 =	vshll.u32 v13, $0x1;
	v7 =	vshll.u32 v7, $0x1;
	v22 =	vadd.s32 v1, v2  }
0x228: {  	v5 =	vld.idx.msk [tilespmem:v5+s12+$0x0], $0xffff;
	v13 =	vand.u32 $0xFFFFFC00, v32;
	v46 =	vshll.u32 v37, $0x3;
	v2 =	vadd.f32 $0.0e+00, v4  }
0x229: {  	v39 =	vld [tilespmem:$0x101E0];
	v6 =	vshll.u32 v6, $0x1;
	v28 =	vmul.f32 $3.276800000e+04, v54;
	v9 =	vshll.u32 v9, $0x2  }
0x22a: {  	v54 =	vld.idx.msk [tilespmem:v45+s12+$0x0], $0xffff;
	v3 =	vshll.u32 v3, $0x2;
	v52 =	vshll.u32 v47, $0x3;
	v9 =	vadd.s32 v9, v10  }
0x22b: {  	v15 =	vld.idx.msk [tilespmem:v59+s12+$0x0], $0xffff;
	v10 =	vshll.u32 v18, $0x1;
	v3 =	vadd.s32 v3, v6;
	v18 =	vand.u32 $0x7F, v40  }
0x22c: {  	v29 =	vld.idx.msk [tilespmem:v22+s12+$0x0], $0xffff;
	v22 =	vand.u32 $0x7F, v47;
	v53 =	vand.u32 $0xFFFFFC00, v52;
	v11 =	vadd.f32 $0.0e+00, v28  }
0x22d: {  	v9 =	vadd.s32 v12, v9;
	v3 =	vadd.s32 v5, v3;
	v12 =	vld.idx.msk [tilespmem:v31+s12+$0x0], $0xffff;
	v18 =	vor.u32 v18, v49  }
0x22e: {  	v22 =	vor.u32 v22, v53;
	v31 =	vld [tilespmem:$0x101C0];
	v9 =	vshll.u32 v9, $0x2;
	v3 =	vshll.u32 v3, $0x2  }
0x22f: {  	v21 =	vld.idx.msk [tilespmem:v63+s12+$0x0], $0xffff;
	v61 =	vadd.s32 v1, v18;
	v9 =	vadd.s32 v9, v20;
	v3 =	vadd.s32 v3, v7  }
0x230: {  	v24 =	vld.idx.msk [tilespmem:v16+s12+$0x0], $0xffff;
	v5 =	vshll.u32 v54, $0x1;
	v23 =	vadd.s32 v15, v9;
	v15 =	vand.u32 $0x7F, v25  }
0x231: {  	v49 =	vld [tilespmem:$0x101F0];
	v9 =	vand.u32 $0x7F, v30;
	v3 =	vadd.s32 v29, v3;
	v4 =	vshll.u32 v23, $0x2  }
0x232: {  	v14 =	vld.idx.msk [tilespmem:v14+s12+$0x0], $0xffff;
	v13 =	vor.u32 v15, v13;
	v9 =	vor.u32 v9, v17;
	v15 =	vand.u32 $0x7F, v37  }
0x233: {  	v6 =	vld.idx.msk [tilespmem:v27+s12+$0x0], $0xffff;
	v17 =	vand.u32 $0x7F, v44;
	v3 =	vshll.u32 v3, $0x2;
	v37 =	vshll.u32 v31, $0x3  }
0x234: {  	v28 =	vld [tilespmem:$0x101B0];
	v4 =	vadd.s32 v4, v10;
	v10 =	vand.u32 $0x7F, v26;
	v36 =	vadd.s32 v0, v13  }
0x235: {  	v25 =	vld [tilespmem:$0x101A0];
	v13 =	vadd.s32 v1, v13;
	v43 =	vadd.s32 v0, v9;
	v9 =	vadd.s32 v1, v9  }
0x236: {  	v3 =	vadd.s32 v3, v8;
	v20 =	vld.idx.msk [tilespmem:v61+s12+$0x0], $0xffff;
	v26 =	vadd.s32 v1, v22;
	v61 =	vand.u32 $0x7F, v49  }
0x237: {  	v23 =	vld [tilespmem:$0x10190];
	v4 =	vadd.s32 v21, v4;
	v10 =	vor.u32 v10, v35;
	v21 =	vand.u32 $0xFFFFFC00, v46  }
0x238: {  	v38 =	vadd.s32 v0, v10;
	v15 =	vor.u32 v15, v21;
	v21 =	vadd.s32 v0, v18;
	v18 =	vld [tilespmem:$0x10180]  }
0x239: {  	v3 =	vadd.s32 v6, v3;
	v4 =	vshll.u32 v4, $0x1;
	v10 =	vadd.s32 v1, v10;
	v7 =	vld.idx.msk [tilespmem:v36+s12+$0x0], $0xffff  }
0x23a: {  	v35 =	vshll.u32 v28, $0x3;
	v4 =	vadd.s32 v4, v24;
	v24 =	vand.u32 $0xFFFFFC00, v51;
	v13 =	vld.idx.msk [tilespmem:v13+s12+$0x0], $0xffff  }
0x23b: {  	v46 =	vshll.u32 v39, $0x3;
	v17 =	vor.u32 v17, v24;
	v24 =	vadd.s32 v0, v22;
	v19 =	vld.idx.msk [tilespmem:v43+s12+$0x0], $0xffff  }
0x23c: {  	v3 =	vshll.u32 v3, $0x1;
	v50 =	vadd.s32 v0, v15;
	v15 =	vadd.s32 v1, v15;
	v36 =	vld [tilespmem:$0x101D0]  }
0x23d: {  	v3 =	vadd.s32 v3, v12;
	v32 =	vshll.u32 v25, $0x3;
	v4 =	vadd.s32 $0x100, v4;
	v16 =	vld.idx.msk [tilespmem:v38+s12+$0x0], $0xffff  }
0x23e: {  	v3 =	vadd.s32 $0x100, v3;
	v30 =	vshll.u32 v23, $0x3;
	v33 =	vand.u32 $0xFFFFFC00, v32;
	v10 =	vld.idx.msk [tilespmem:v10+s12+$0x0], $0xffff  }
0x23f: {  	v55 =	vadd.s32 v0, v17;
	v59 =	vld.idx.msk [tilespmem:v21+s12+$0x0], $0xffff;
	v27 =	vshll.u32 v18, $0x3;
	v38 =	vand.u32 $0xFFFFFC00, v37  }
0x240: {  	v12 =	vand.u32 $0xFFFFFC00, v27;
	v63 =	vld.idx.msk [tilespmem:v24+s12+$0x0], $0xffff;
	v24 =	vadd.s32 v1, v17;
	v17 =	vand.u32 $0x7F, v31  }
0x241: {  	v9 =	vld.idx.msk [tilespmem:v9+s12+$0x0], $0xffff;
	v7 =	vshll.u32 v7, $0x2;
	v13 =	vshll.u32 v13, $0x2;
	v17 =	vor.u32 v17, v38  }
0x242: {  	v4 =	vld.idx.msk [tilespmem:v4+s10+$0x0], $0xffff;
	v44 =	vshll.u32 v36, $0x3;
	v45 =	vand.u32 $0x7F, v36;
	v43 =	vadd.s32 v0, v17  }
0x243: {  	v22 =	vld [tilespmem:$0x10220];
	v17 =	vadd.s32 v1, v17;
	v56 =	vshll.u32 v16, $0x1;
	v10 =	vshll.u32 v10, $0x1  }
0x244: {  	v3 =	vld.idx.msk [tilespmem:v3+s10+$0x0], $0xffff;
	v16 =	vand.u32 $0xFFFFFC00, v30;
	v58 =	vadd.s32 v7, v56;
	v10 =	vadd.s32 v13, v10  }
0x245: {  	v7 =	vshll.u32 v59, $0x1;
	v13 =	vand.u32 $0x7F, v18;
	v18 =	vand.u32 $0xFFFFFC00, v44  }
0x246: {  	v57 =	vld.idx.msk [tilespmem:v50+s12+$0x0], $0xffff;
	v59 =	vshll.u32 v49, $0x3;
	v6 =	vadd.s32 v19, v58;
	v9 =	vadd.s32 v9, v10  }
0x247: {  	v38 =	vld [tilespmem:$0x10260];
	v19 =	vshll.u32 v14, $0x1;
	v4 =	vmul.f32 $1.638400000e+04, v4;
	v14 =	vshll.u32 v20, $0x1  }
0x248: {  	v60 =	vld.idx.msk [tilespmem:v15+s12+$0x0], $0xffff;
	v12 =	vor.u32 v13, v12;
	v10 =	vand.u32 $0x7F, v25;
	v13 =	vand.u32 $0x7F, v28  }
0x249: {  	v31 =	vld [tilespmem:$0x10250];
	v3 =	vmul.f32 $1.638400000e+04, v3;
	v18 =	vor.u32 v45, v18;
	v28 =	vshll.u32 v22, $0x3  }
0x24a: {  	v62 =	vld.idx.msk [tilespmem:v55+s12+$0x0], $0xffff;
	v6 =	vshll.u32 v6, $0x2;
	v9 =	vshll.u32 v9, $0x2;
	v29 =	vadd.s32 v0, v12  }
0x24b: {  	v8 =	vld.idx.msk [tilespmem:v24+s12+$0x0], $0xffff;
	v12 =	vadd.s32 v1, v12;
	v10 =	vor.u32 v10, v33;
	v47 =	vadd.s32 v0, v18  }
0x24c: {  	v25 =	vld [tilespmem:$0x10230];
	v52 =	vadd.s32 v1, v18;
	v44 =	vshll.u32 v38, $0x3;
	v45 =	vand.u32 $0x7F, v38  }
0x24d: {  	v5 =	vadd.s32 v6, v5;
	v21 =	vadd.s32 v9, v19;
	v9 =	vand.u32 $0x7F, v23;
	v6 =	vld.idx.msk [tilespmem:v26+s12+$0x0], $0xffff  }
0x24e: {  	v19 =	vand.u32 $0xFFFFFC00, v35;
	v2 =	vadd.f32 v4, v2;
	v3 =	vadd.f32 v3, v11;
	v53 =	vld.idx.msk [tilespmem:v17+s12+$0x0], $0xffff  }
0x24f: {  	v5 =	vadd.s32 v57, v5;
	v9 =	vor.u32 v9, v16;
	v16 =	vadd.s32 v0, v10;
	v57 =	vld [tilespmem:$0x10200]  }
0x250: {  	v10 =	vadd.s32 v1, v10;
	v5 =	vshll.u32 v5, $0x2;
	v34 =	vadd.s32 v0, v9;
	v15 =	vld.idx.msk [tilespmem:v29+s12+$0x0], $0xffff  }
0x251: {  	v13 =	vor.u32 v13, v19;
	v9 =	vadd.s32 v1, v9;
	v5 =	vadd.s32 v5, v7;
	v12 =	vld.idx.msk [tilespmem:v12+s12+$0x0], $0xffff  }
0x252: {  	v19 =	vand.u32 $0xFFFFFC00, v46;
	v40 =	vadd.s32 v0, v13;
	v5 =	vadd.s32 v62, v5;
	v55 =	vld.idx.msk [tilespmem:v47+s12+$0x0], $0xffff  }
0x253: {  	v13 =	vadd.s32 v1, v13;
	v7 =	vadd.s32 v60, v21;
	v29 =	vld [tilespmem:$0x10240];
	v5 =	vshll.u32 v5, $0x1  }
0x254: {  	v21 =	vand.u32 $0x7F, v39;
	v32 =	vshll.u32 v25, $0x3;
	v5 =	vadd.s32 v5, v63;
	v63 =	vld [tilespmem:$0x10210]  }
0x255: {  	v39 =	vshll.u32 v31, $0x3;
	v7 =	vshll.u32 v7, $0x2;
	v48 =	vor.u32 v21, v19;
	v42 =	vld.idx.msk [tilespmem:v34+s12+$0x0], $0xffff  }
0x256: {  	v7 =	vadd.s32 v7, v14;
	v19 =	vadd.s32 v0, v48;
	v62 =	vadd.s32 v1, v48;
	v9 =	vld.idx.msk [tilespmem:v9+s12+$0x0], $0xffff  }
0x257: {  	v41 =	vadd.s32 v8, v7;
	v21 =	vshll.u32 v57, $0x3;
	v23 =	vand.u32 $0x7F, v57;
	v14 =	vld.idx.msk [tilespmem:v40+s12+$0x0], $0xffff  }
0x258: {  	v60 =	vld.idx.msk [tilespmem:v52+s12+$0x0], $0xffff;
	v5 =	vadd.s32 $0x200, v5;
	v4 =	vshll.u32 v41, $0x1;
	v24 =	vand.u32 $0xFFFFFC00, v21  }
0x259: {  	v51 =	vld.idx.msk [tilespmem:v13+s12+$0x0], $0xffff;
	v40 =	vand.u32 $0x7F, v31;
	v41 =	vand.u32 $0xFFFFFC00, v39;
	v6 =	vadd.s32 v4, v6  }
0x25a: {  	v10 =	vld.idx.msk [tilespmem:v10+s12+$0x0], $0xffff;
	v15 =	vshll.u32 v15, $0x2;
	v12 =	vshll.u32 v12, $0x2;
	v37 =	vshll.u32 v29, $0x3  }
0x25b: {  	v58 =	vld.idx.msk [tilespmem:v19+s12+$0x0], $0xffff;
	v19 =	vshll.u32 v55, $0x1;
	v27 =	vshll.u32 v63, $0x3;
	v11 =	vand.u32 $0x7F, v63  }
0x25c: {  	v16 =	vld.idx.msk [tilespmem:v16+s12+$0x0], $0xffff;
	v7 =	vshll.u32 v42, $0x1;
	v9 =	vshll.u32 v9, $0x1;
	v54 =	vshll.u32 v14, $0x1  }
0x25d: {  	v5 =	vld.idx.msk [tilespmem:v5+s10+$0x0], $0xffff;
	v17 =	vand.u32 $0xFFFFFC00, v27;
	v50 =	vadd.s32 v15, v7;
	v9 =	vadd.s32 v12, v9  }
0x25e: {  	v46 =	vld [tilespmem:$0x10270];
	v7 =	vshll.u32 v51, $0x1;
	v12 =	vshll.u32 v60, $0x1;
	v11 =	vor.u32 v11, v17  }
0x25f: {  	v15 =	vand.u32 $0x7F, v22;
	v51 =	vld [tilespmem:$0x10280];
	v56 =	vadd.s32 v10, v9;
	v10 =	vand.u32 $0xFFFFFC00, v59  }
0x260: {  	v17 =	vand.u32 $0x7F, v29;
	v30 =	vadd.s32 v0, v11;
	v10 =	vor.u32 v61, v10  }
0x261: {  	v8 =	vld.idx.msk [tilespmem:v43+s12+$0x0], $0xffff;
	v11 =	vadd.s32 v1, v11;
	v9 =	vand.u32 $0x7F, v25;
	v20 =	vadd.s32 v0, v10  }
0x262: {  	v31 =	vld [tilespmem:$0x102B0];
	v10 =	vadd.s32 v1, v10;
	v4 =	vmul.f32 $8.192000000e+03, v5;
	v5 =	vadd.s32 v16, v50  }
0x263: {  	v60 =	vld [tilespmem:$0x10290];
	v16 =	vadd.s32 $0x200, v6;
	v6 =	vshll.u32 v56, $0x2;
	v56 =	vand.u32 $0x7F, v46  }
0x264: {  	v5 =	vshll.u32 v5, $0x2;
	v6 =	vadd.s32 v6, v7;
	v7 =	vld.idx.msk [tilespmem:v62+s12+$0x0], $0xffff;
	v61 =	vshll.u32 v51, $0x3  }
0x265: {  	v62 =	vld [tilespmem:$0x102A0];
	v5 =	vadd.s32 v5, v54;
	v6 =	vadd.s32 v53, v6;
	v53 =	vshll.u32 v46, $0x3  }
0x266: {  	v18 =	vld.idx.msk [tilespmem:v30+s12+$0x0], $0xffff;
	v2 =	vadd.f32 v4, v2;
	v5 =	vadd.s32 v8, v5;
	v8 =	vor.u32 v23, v24  }
0x267: {  	v11 =	vld.idx.msk [tilespmem:v11+s12+$0x0], $0xffff;
	v6 =	vshll.u32 v6, $0x2;
	v5 =	vshll.u32 v5, $0x2;
	v26 =	vadd.s32 v0, v8  }
0x268: {  	v46 =	vld [tilespmem:$0x102F0];
	v8 =	vadd.s32 v1, v8;
	v6 =	vadd.s32 v6, v12;
	v12 =	vand.u32 $0xFFFFFC00, v28  }
0x269: {  	v14 =	vld.idx.msk [tilespmem:v20+s12+$0x0], $0xffff;
	v5 =	vadd.s32 v5, v19;
	v12 =	vor.u32 v15, v12;
	v15 =	vand.u32 $0xFFFFFC00, v32  }
0x26a: {  	v10 =	vld.idx.msk [tilespmem:v10+s12+$0x0], $0xffff;
	v5 =	vadd.s32 v58, v5;
	v33 =	vadd.s32 v0, v12;
	v6 =	vadd.s32 v7, v6  }
0x26b: {  	v16 =	vld.idx.msk [tilespmem:v16+s10+$0x0], $0xffff;
	v35 =	vadd.s32 v1, v12;
	v9 =	vor.u32 v9, v15;
	v15 =	vand.u32 $0xFFFFFC00, v37  }
0x26c: {  	v38 =	vshll.u32 v62, $0x3;
	v39 =	vand.u32 $0x7F, v62;
	v62 =	vld [tilespmem:$0x10300];
	v36 =	vadd.s32 v0, v9  }
0x26d: {  	v9 =	vadd.s32 v1, v9;
	v15 =	vor.u32 v17, v15;
	v17 =	vor.u32 v40, v41;
	v40 =	vld [tilespmem:$0x102D0]  }
0x26e: {  	v5 =	vshll.u32 v5, $0x1;
	v6 =	vshll.u32 v6, $0x1;
	v18 =	vshll.u32 v18, $0x1;
	v13 =	vld.idx.msk [tilespmem:v26+s12+$0x0], $0xffff  }
0x26f: {  	v11 =	vshll.u32 v11, $0x1;
	v41 =	vshll.u32 v31, $0x3;
	v25 =	vand.u32 $0x7F, v46;
	v34 =	vld.idx.msk [tilespmem:v8+s12+$0x0], $0xffff  }
0x270: {  	v42 =	vadd.s32 v0, v15;
	v43 =	vadd.s32 v0, v17;
	v15 =	vadd.s32 v1, v15;
	v20 =	vld.idx.msk [tilespmem:v33+s12+$0x0], $0xffff  }
0x271: {  	v17 =	vadd.s32 v1, v17;
	v5 =	vadd.s32 v5, v14;
	v10 =	vadd.s32 v6, v10;
	v8 =	vld.idx.msk [tilespmem:v35+s12+$0x0], $0xffff  }
0x272: {  	v6 =	vand.u32 $0xFFFFFC00, v44;
	v14 =	vand.u32 $0x7F, v51;
	v51 =	vshll.u32 v46, $0x3;
	v12 =	vld.idx.msk [tilespmem:v36+s12+$0x0], $0xffff  }
0x273: {  	v19 =	vor.u32 v45, v6;
	v6 =	vadd.s32 $0x300, v5;
	v5 =	vadd.s32 $0x300, v10;
	v9 =	vld.idx.msk [tilespmem:v9+s12+$0x0], $0xffff  }
0x274: {  	v48 =	vadd.s32 v0, v19;
	v55 =	vadd.s32 v1, v19;
	v35 =	vand.u32 $0x7F, v60;
	v36 =	vld [tilespmem:$0x102C0]  }
0x275: {  	v21 =	vand.u32 $0x7F, v40;
	v47 =	vld.idx.msk [tilespmem:v42+s12+$0x0], $0xffff;
	v13 =	vshll.u32 v13, $0x2;
	v7 =	vshll.u32 v34, $0x2  }
0x276: {  	v50 =	vld.idx.msk [tilespmem:v43+s12+$0x0], $0xffff;
	v34 =	vshll.u32 v60, $0x3;
	v13 =	vadd.s32 v13, v18;
	v7 =	vadd.s32 v7, v11  }
0x277: {  	v54 =	vld.idx.msk [tilespmem:v17+s12+$0x0], $0xffff;
	v17 =	vand.u32 $0xFFFFFC00, v34;
	v11 =	vand.u32 $0x7F, v31;
	v49 =	vadd.s32 v20, v13  }
0x278: {  	v52 =	vld.idx.msk [tilespmem:v15+s12+$0x0], $0xffff;
	v7 =	vadd.s32 v8, v7;
	v20 =	vand.u32 $0xFFFFFC00, v61;
	v37 =	vor.u32 v35, v17  }
0x279: {  	v43 =	vld [tilespmem:$0x102E0];
	v17 =	vand.u32 $0xFFFFFC00, v38;
	v10 =	vshll.u32 v49, $0x2;
	v12 =	vshll.u32 v12, $0x1  }
0x27a: {  	v6 =	vld.idx.msk [tilespmem:v6+s10+$0x0], $0xffff;
	v7 =	vshll.u32 v7, $0x2;
	v9 =	vshll.u32 v9, $0x1;
	v29 =	vor.u32 v14, v20  }
0x27b: {  	v5 =	vld.idx.msk [tilespmem:v5+s10+$0x0], $0xffff;
	v18 =	vadd.s32 v0, v37;
	v14 =	vadd.s32 v1, v37;
	v17 =	vor.u32 v39, v17  }
0x27c: {  	v31 =	vld [tilespmem:$0x10350];
	v20 =	vand.u32 $0xFFFFFC00, v41;
	v44 =	vshll.u32 v36, $0x3;
	v19 =	vand.u32 $0x7F, v36  }
0x27d: {  	v58 =	vld.idx.msk [tilespmem:v48+s12+$0x0], $0xffff;
	v10 =	vadd.s32 v10, v12;
	v12 =	vand.u32 $0xFFFFFC00, v53;
	v30 =	vadd.s32 v0, v29  }
0x27e: {  	v63 =	vld.idx.msk [tilespmem:v55+s12+$0x0], $0xffff;
	v13 =	vshll.u32 v50, $0x1;
	v7 =	vadd.s32 v7, v9;
	v42 =	vadd.s32 v0, v17  }
0x27f: {  	v37 =	vld [tilespmem:$0x10360];
	v32 =	vshll.u32 v54, $0x1;
	v17 =	vadd.s32 v1, v17;
	v11 =	vor.u32 v11, v20  }
0x280: {  	v20 =	vand.u32 $0xFFFFFC00, v44;
	v49 =	vshll.u32 v43, $0x3;
	v45 =	vadd.s32 v0, v11;
	v18 =	vld.idx.msk [tilespmem:v18+s12+$0x0], $0xffff  }
0x281: {  	v23 =	vand.u32 $0x7F, v43;
	v57 =	vadd.s32 v47, v10;
	v11 =	vadd.s32 v1, v11;
	v14 =	vld.idx.msk [tilespmem:v14+s12+$0x0], $0xffff  }
0x282: {  	v12 =	vor.u32 v56, v12;
	v7 =	vadd.s32 v52, v7;
	v19 =	vor.u32 v19, v20;
	v10 =	vld.idx.msk [tilespmem:v30+s12+$0x0], $0xffff  }
0x283: {  	v47 =	vshll.u32 v40, $0x3;
	v59 =	vadd.s32 v0, v12;
	v8 =	vshll.u32 v57, $0x2;
	v22 =	vld.idx.msk [tilespmem:v42+s12+$0x0], $0xffff  }
0x284: {  	v12 =	vadd.s32 v1, v12;
	v7 =	vshll.u32 v7, $0x2;
	v48 =	vadd.s32 v0, v19;
	v17 =	vld.idx.msk [tilespmem:v17+s12+$0x0], $0xffff  }
0x285: {  	v20 =	vand.u32 $0xFFFFFC00, v47;
	v19 =	vadd.s32 v1, v19;
	v6 =	vmul.f32 $4.096000000e+03, v6;
	v24 =	vld.idx.msk [tilespmem:v45+s12+$0x0], $0xffff  }
0x286: {  	v5 =	vmul.f32 $4.096000000e+03, v5;
	v38 =	vshll.u32 v31, $0x3;
	v8 =	vadd.s32 v8, v13;
	v11 =	vld.idx.msk [tilespmem:v11+s12+$0x0], $0xffff  }
0x287: {  	v13 =	vadd.s32 v1, v29;
	v7 =	vadd.s32 v7, v32;
	v20 =	vor.u32 v21, v20;
	v45 =	vld [tilespmem:$0x10370]  }
0x288: {  	v21 =	vand.u32 $0xFFFFFC00, v49;
	v8 =	vadd.s32 v58, v8;
	v50 =	vadd.s32 v0, v20;
	v33 =	vld.idx.msk [tilespmem:v59+s12+$0x0], $0xffff  }
0x289: {  	v20 =	vadd.s32 v1, v20;
	v21 =	vor.u32 v23, v21;
	v23 =	vand.u32 $0xFFFFFC00, v51;
	v12 =	vld.idx.msk [tilespmem:v12+s12+$0x0], $0xffff  }
0x28a: {  	v52 =	vadd.s32 v0, v21;
	v21 =	vadd.s32 v1, v21;
	v23 =	vor.u32 v25, v23;
	v26 =	vld.idx.msk [tilespmem:v48+s12+$0x0], $0xffff  }
0x28b: {  	v7 =	vadd.s32 v63, v7;
	v2 =	vadd.f32 v6, v2;
	v54 =	vadd.s32 v0, v23;
	v53 =	vld.idx.msk [tilespmem:v19+s12+$0x0], $0xffff  }
0x28c: {  	v43 =	vshll.u32 v37, $0x3;
	v8 =	vshll.u32 v8, $0x1;
	v19 =	vmul.f32 $8.192000000e+03, v16;
	v13 =	vld.idx.msk [tilespmem:v13+s12+$0x0], $0xffff  }
0x28d: {  	v7 =	vshll.u32 v7, $0x1;
	v23 =	vadd.s32 v1, v23;
	v18 =	vshll.u32 v18, $0x1;
	v55 =	vld.idx.msk [tilespmem:v50+s12+$0x0], $0xffff  }
0x28e: {  	v14 =	vshll.u32 v14, $0x1;
	v56 =	vld.idx.msk [tilespmem:v20+s12+$0x0], $0xffff;
	v3 =	vadd.f32 v19, v3;
	v10 =	vshll.u32 v10, $0x2  }
0x28f: {  	v20 =	vshll.u32 v62, $0x3;
	v59 =	vld.idx.msk [tilespmem:v21+s12+$0x0], $0xffff;
	v10 =	vadd.s32 v10, v18;
	v58 =	vshll.u32 v24, $0x1  }
0x290: {  	v11 =	vshll.u32 v11, $0x1;
	v15 =	vld.idx.msk [tilespmem:v54+s12+$0x0], $0xffff;
	v3 =	vadd.f32 v5, v3;
	v54 =	vshll.u32 v45, $0x3  }
0x291: {  	v21 =	vld [tilespmem:$0x10320];
	v8 =	vadd.s32 v8, v33;
	v10 =	vadd.s32 v22, v10;
	v7 =	vadd.s32 v7, v12  }
0x292: {  	v18 =	vld [tilespmem:$0x10310];
	v22 =	vand.u32 $0x7F, v62;
	v13 =	vshll.u32 v13, $0x2;
	v10 =	vshll.u32 v10, $0x2  }
0x293: {  	v24 =	vld [tilespmem:$0x10330];
	v8 =	vadd.s32 $0x400, v8;
	v7 =	vadd.s32 $0x400, v7;
	v13 =	vadd.s32 v13, v14  }
0x294: {  	v10 =	vadd.s32 v10, v58;
	v61 =	vshll.u32 v55, $0x1;
	v63 =	vshll.u32 v56, $0x1  }
0x295: {  	v55 =	vand.u32 $0x7F, v45;
	v13 =	vadd.s32 v17, v13;
	v10 =	vadd.s32 v26, v10  }
0x296: {  	v57 =	vld.idx.msk [tilespmem:v52+s12+$0x0], $0xffff;
	v29 =	vshll.u32 v21, $0x3;
	v14 =	vand.u32 $0x7F, v21;
	v17 =	vand.u32 $0x7F, v31  }
0x297: {  	v50 =	vld [tilespmem:$0x10380];
	v21 =	vand.u32 $0xFFFFFC00, v38;
	v13 =	vshll.u32 v13, $0x2;
	v10 =	vshll.u32 v10, $0x2  }
0x298: {  	v60 =	vld.idx.msk [tilespmem:v23+s12+$0x0], $0xffff;
	v25 =	vshll.u32 v18, $0x3;
	v30 =	vshll.u32 v24, $0x3;
	v12 =	vand.u32 $0x7F, v24  }
0x299: {  	v56 =	vld [tilespmem:$0x10390];
	v17 =	vor.u32 v17, v21;
	v11 =	vadd.s32 v13, v11;
	v10 =	vadd.s32 v10, v61  }
0x29a: {  	v26 =	vld [tilespmem:$0x10340];
	v13 =	vand.u32 $0xFFFFFC00, v20;
	v42 =	vadd.s32 v0, v17;
	v9 =	vadd.s32 v53, v11  }
0x29b: {  	v10 =	vadd.s32 v57, v10;
	v23 =	vor.u32 v22, v13;
	v7 =	vld.idx.msk [tilespmem:v7+s10+$0x0], $0xffff;
	v11 =	vand.u32 $0x7F, v18  }
0x29c: {  	v24 =	vld [tilespmem:$0x103C0];
	v9 =	vshll.u32 v9, $0x2;
	v10 =	vshll.u32 v10, $0x1;
	v13 =	vadd.s32 v0, v23  }
0x29d: {  	v61 =	vld [tilespmem:$0x103B0];
	v4 =	vadd.s32 v1, v23;
	v9 =	vadd.s32 v9, v63;
	v10 =	vadd.s32 v10, v15  }
0x29e: {  	v8 =	vld.idx.msk [tilespmem:v8+s10+$0x0], $0xffff;
	v15 =	vand.u32 $0xFFFFFC00, v25;
	v9 =	vadd.s32 v59, v9;
	v10 =	vadd.s32 $0x500, v10  }
0x29f: {  	v28 =	vor.u32 v11, v15;
	v11 =	vand.u32 $0xFFFFFC00, v29;
	v59 =	vld [tilespmem:$0x103A0];
	v9 =	vshll.u32 v9, $0x1  }
0x2a0: {  	v15 =	vadd.s32 v0, v28;
	v11 =	vor.u32 v14, v11;
	v40 =	vmul.f32 $2.048000000e+03, v7;
	v7 =	vld.idx.msk [tilespmem:v42+s12+$0x0], $0xffff  }
0x2a1: {  	v14 =	vand.u32 $0xFFFFFC00, v30;
	v9 =	vadd.s32 v9, v60;
	v32 =	vadd.s32 v0, v11;
	v13 =	vld.idx.msk [tilespmem:v13+s12+$0x0], $0xffff  }
0x2a2: {  	v36 =	vshll.u32 v26, $0x3;
	v35 =	vor.u32 v12, v14;
	v9 =	vadd.s32 $0x500, v9;
	v33 =	vld.idx.msk [tilespmem:v4+s12+$0x0], $0xffff  }
0x2a3: {  	v16 =	vand.u32 $0x7F, v26;
	v34 =	vadd.s32 v1, v11;
	v14 =	vadd.s32 v0, v35;
	v27 =	vld.idx.msk [tilespmem:v10+s10+$0x0], $0xffff  }
0x2a4: {  	v12 =	vand.u32 $0xFFFFFC00, v36;
	v11 =	vadd.s32 v1, v35;
	v10 =	vadd.s32 v1, v28;
	v28 =	vld [tilespmem:$0x103D0]  }
0x2a5: {  	v58 =	vshll.u32 v50, $0x3;
	v20 =	vand.u32 $0x7F, v37;
	v12 =	vor.u32 v16, v12;
	v15 =	vld.idx.msk [tilespmem:v15+s12+$0x0], $0xffff  }
0x2a6: {  	v8 =	vmul.f32 $2.048000000e+03, v8;
	v16 =	vadd.s32 v0, v12;
	v12 =	vadd.s32 v1, v12;
	v18 =	vld.idx.msk [tilespmem:v32+s12+$0x0], $0xffff  }
0x2a7: {  	v52 =	vadd.s32 v1, v17;
	v22 =	vshll.u32 v56, $0x3;
	v23 =	vand.u32 $0x7F, v56;
	v9 =	vld.idx.msk [tilespmem:v9+s10+$0x0], $0xffff  }
0x2a8: {  	v17 =	vand.u32 $0x7F, v24;
	v2 =	vadd.f32 v8, v2;
	v3 =	vadd.f32 v40, v3;
	v41 =	vld.idx.msk [tilespmem:v14+s12+$0x0], $0xffff  }
0x2a9: {  	v25 =	vshll.u32 v59, $0x3;
	v7 =	vshll.u32 v7, $0x1;
	v11 =	vld.idx.msk [tilespmem:v11+s12+$0x0], $0xffff;
	v14 =	vand.u32 $0xFFFFFC00, v43  }
0x2aa: {  	v32 =	vshll.u32 v24, $0x3;
	v47 =	vshll.u32 v33, $0x2;
	v33 =	vld [tilespmem:$0x103E0];
	v14 =	vor.u32 v20, v14  }
0x2ab: {  	v13 =	vshll.u32 v13, $0x2;
	v51 =	vld.idx.msk [tilespmem:v12+s12+$0x0], $0xffff;
	v44 =	vadd.s32 v0, v14;
	v4 =	vmul.f32 $1.024000000e+03, v27  }
0x2ac: {  	v12 =	vld.idx.msk [tilespmem:v52+s12+$0x0], $0xffff;
	v14 =	vadd.s32 v1, v14;
	v27 =	vshll.u32 v61, $0x3;
	v15 =	vshll.u32 v15, $0x1  }
0x2ad: {  	v10 =	vld.idx.msk [tilespmem:v10+s12+$0x0], $0xffff;
	v36 =	vshll.u32 v28, $0x3;
	v20 =	vand.u32 $0x7F, v28;
	v13 =	vadd.s32 v13, v15  }
0x2ae: {  	v15 =	vand.u32 $0xFFFFFC00, v54;
	v2 =	vadd.f32 v4, v2;
	v46 =	vadd.s32 v18, v13  }
0x2af: {  	v16 =	vld.idx.msk [tilespmem:v16+s12+$0x0], $0xffff;
	v48 =	vshll.u32 v41, $0x1;
	v5 =	vmul.f32 $1.024000000e+03, v9;
	v11 =	vshll.u32 v11, $0x1  }
0x2b0: {  	v39 =	vld.idx.msk [tilespmem:v34+s12+$0x0], $0xffff;
	v57 =	vor.u32 v55, v15;
	v18 =	vand.u32 $0x7F, v59;
	v9 =	vand.u32 $0x7F, v61  }
0x2b1: {  	v41 =	vshll.u32 v33, $0x3;
	v42 =	vand.u32 $0x7F, v33;
	v6 =	vshll.u32 v46, $0x2  }
0x2b2: {  	v15 =	vadd.s32 v0, v57;
	v12 =	vshll.u32 v12, $0x1;
	v10 =	vshll.u32 v10, $0x1  }
0x2b3: {  	v6 =	vadd.s32 v6, v48;
	v62 =	vld.idx.msk [tilespmem:v14+s12+$0x0], $0xffff;
	v14 =	vand.u32 $0xFFFFFC00, v22;
	v3 =	vadd.f32 v5, v3  }
0x2b4: {  	v55 =	vld [tilespmem:$0x10410];
	v49 =	vadd.s32 v47, v10;
	v6 =	vadd.s32 v16, v6;
	v10 =	vand.u32 $0x7F, v50  }
0x2b5: {  	v28 =	vld [tilespmem:$0x10440];
	v16 =	vand.u32 $0xFFFFFC00, v58;
	v14 =	vor.u32 v23, v14;
	v8 =	vadd.s32 v39, v49  }
0x2b6: {  	v53 =	vld.idx.msk [tilespmem:v44+s12+$0x0], $0xffff;
	v6 =	vshll.u32 v6, $0x2;
	v60 =	vor.u32 v10, v16;
	v26 =	vadd.s32 v0, v14  }
0x2b7: {  	v44 =	vld [tilespmem:$0x103F0];
	v16 =	vand.u32 $0xFFFFFC00, v25;
	v14 =	vadd.s32 v1, v14;
	v8 =	vshll.u32 v8, $0x2  }
0x2b8: {  	v48 =	vld [tilespmem:$0x10400];
	v6 =	vadd.s32 v6, v7;
	v63 =	vadd.s32 v0, v60;
	v7 =	vadd.s32 v1, v60  }
0x2b9: {  	v16 =	vor.u32 v18, v16;
	v18 =	vand.u32 $0xFFFFFC00, v27;
	v60 =	vld [tilespmem:$0x10420];
	v27 =	vand.u32 $0x7F, v55  }
0x2ba: {  	v8 =	vadd.s32 v8, v11;
	v11 =	vadd.s32 v1, v57;
	v15 =	vld.idx.msk [tilespmem:v15+s12+$0x0], $0xffff;
	v29 =	vadd.s32 v0, v16  }
0x2bb: {  	v31 =	vadd.s32 v1, v16;
	v9 =	vor.u32 v9, v18;
	v16 =	vand.u32 $0xFFFFFC00, v32;
	v32 =	vld [tilespmem:$0x10450]  }
0x2bc: {  	v8 =	vadd.s32 v51, v8;
	v16 =	vor.u32 v17, v16;
	v17 =	vand.u32 $0xFFFFFC00, v36;
	v36 =	vld [tilespmem:$0x10460]  }
0x2bd: {  	v6 =	vadd.s32 v53, v6;
	v18 =	vadd.s32 v0, v9;
	v9 =	vadd.s32 v1, v9;
	v19 =	vld.idx.msk [tilespmem:v26+s12+$0x0], $0xffff  }
0x2be: {  	v52 =	vshll.u32 v44, $0x3;
	v54 =	vand.u32 $0x7F, v44;
	v59 =	vshll.u32 v48, $0x3;
	v34 =	vld.idx.msk [tilespmem:v14+s12+$0x0], $0xffff  }
0x2bf: {  	v8 =	vshll.u32 v8, $0x2;
	v35 =	vadd.s32 v0, v16;
	v26 =	vshll.u32 v55, $0x3;
	v55 =	vld [tilespmem:$0x10490]  }
0x2c0: {  	v6 =	vshll.u32 v6, $0x1;
	v38 =	vor.u32 v20, v17;
	v16 =	vadd.s32 v1, v16;
	v13 =	vld.idx.msk [tilespmem:v63+s12+$0x0], $0xffff  }
0x2c1: {  	v8 =	vadd.s32 v8, v12;
	v17 =	vadd.s32 v0, v38;
	v50 =	vadd.s32 v1, v38;
	v30 =	vld.idx.msk [tilespmem:v7+s12+$0x0], $0xffff  }
0x2c2: {  	v8 =	vadd.s32 v62, v8;
	v62 =	vld [tilespmem:$0x10430];
	v20 =	vand.u32 $0x7F, v60;
	v6 =	vadd.s32 v6, v15  }
0x2c3: {  	v21 =	vld.idx.msk [tilespmem:v29+s12+$0x0], $0xffff;
	v39 =	vshll.u32 v8, $0x1;
	v15 =	vand.u32 $0xFFFFFC00, v52;
	v29 =	vshll.u32 v60, $0x3  }
0x2c4: {  	v22 =	vand.u32 $0x7F, v32;
	v40 =	vld.idx.msk [tilespmem:v18+s12+$0x0], $0xffff;
	v18 =	vand.u32 $0xFFFFFC00, v41;
	v56 =	vor.u32 v54, v15  }
0x2c5: {  	v11 =	vld.idx.msk [tilespmem:v11+s12+$0x0], $0xffff;
	v7 =	vadd.s32 $0x600, v6;
	v18 =	vor.u32 v42, v18;
	v58 =	vadd.s32 v0, v56  }
0x2c6: {  	v49 =	vld.idx.msk [tilespmem:v16+s12+$0x0], $0xffff;
	v16 =	vand.u32 $0xFFFFFC00, v26;
	v42 =	vshll.u32 v36, $0x3;
	v19 =	vshll.u32 v19, $0x1  }
0x2c7: {  	v37 =	vld.idx.msk [tilespmem:v31+s12+$0x0], $0xffff;
	v43 =	vadd.s32 v0, v18;
	v12 =	vshll.u32 v34, $0x1;
	v53 =	vadd.s32 v1, v18  }
0x2c8: {  	v9 =	vld.idx.msk [tilespmem:v9+s12+$0x0], $0xffff;
	v18 =	vand.u32 $0xFFFFFC00, v59;
	v16 =	vor.u32 v27, v16;
	v34 =	vshll.u32 v28, $0x3  }
0x2c9: {  	v14 =	vld.idx.msk [tilespmem:v35+s12+$0x0], $0xffff;
	v23 =	vand.u32 $0xFFFFFC00, v42;
	v13 =	vshll.u32 v13, $0x2;
	v46 =	vshll.u32 v30, $0x2  }
0x2ca: {  	v17 =	vld.idx.msk [tilespmem:v17+s12+$0x0], $0xffff;
	v30 =	vadd.s32 v0, v16;
	v16 =	vadd.s32 v1, v16;
	v31 =	vshll.u32 v62, $0x3  }
0x2cb: {  	v11 =	vadd.s32 v39, v11;
	v13 =	vadd.s32 v13, v19;
	v39 =	vshll.u32 v32, $0x3;
	v32 =	vld [tilespmem:$0x104D0]  }
0x2cc: {  	v47 =	vadd.s32 v46, v12;
	v12 =	vand.u32 $0x7F, v48;
	v45 =	vadd.s32 v21, v13;
	v13 =	vld.idx.msk [tilespmem:v50+s12+$0x0], $0xffff  }
0x2cd: {  	v19 =	vand.u32 $0x7F, v28;
	v8 =	vshll.u32 v40, $0x1;
	v6 =	vadd.s32 $0x600, v11;
	v50 =	vld [tilespmem:$0x10480]  }
0x2ce: {  	v10 =	vadd.s32 v37, v47;
	v9 =	vshll.u32 v9, $0x1;
	v61 =	vor.u32 v12, v18;
	v7 =	vld.idx.msk [tilespmem:v7+s10+$0x0], $0xffff  }
0x2cf: {  	v18 =	vand.u32 $0xFFFFFC00, v29;
	v12 =	vand.u32 $0x7F, v62;
	v21 =	vshll.u32 v45, $0x2;
	v45 =	vld [tilespmem:$0x10470]  }
0x2d0: {  	v62 =	vshll.u32 v55, $0x3;
	v25 =	vadd.s32 v0, v61;
	v11 =	vadd.s32 v1, v61;
	v61 =	vld [tilespmem:$0x104B0]  }
0x2d1: {  	v10 =	vshll.u32 v10, $0x2;
	v18 =	vor.u32 v20, v18;
	v20 =	vand.u32 $0xFFFFFC00, v31;
	v51 =	vld.idx.msk [tilespmem:v43+s12+$0x0], $0xffff  }
0x2d2: {  	v8 =	vadd.s32 v21, v8;
	v9 =	vadd.s32 v10, v9;
	v57 =	vshll.u32 v17, $0x1;
	v63 =	vld.idx.msk [tilespmem:v53+s12+$0x0], $0xffff  }
0x2d3: {  	v10 =	vadd.s32 v1, v56;
	v17 =	vld.idx.msk [tilespmem:v58+s12+$0x0], $0xffff;
	v33 =	vadd.s32 v0, v18;
	v18 =	vadd.s32 v1, v18  }
0x2d4: {  	v12 =	vor.u32 v12, v20;
	v20 =	vand.u32 $0xFFFFFC00, v34;
	v8 =	vadd.s32 v14, v8;
	v21 =	vld.idx.msk [tilespmem:v30+s12+$0x0], $0xffff  }
0x2d5: {  	v43 =	vand.u32 $0x7F, v36;
	v9 =	vadd.s32 v49, v9;
	v37 =	vld.idx.msk [tilespmem:v16+s12+$0x0], $0xffff;
	v8 =	vshll.u32 v8, $0x2  }
0x2d6: {  	v35 =	vadd.s32 v0, v12;
	v12 =	vadd.s32 v1, v12;
	v8 =	vadd.s32 v8, v57;
	v57 =	vld [tilespmem:$0x104A0]  }
0x2d7: {  	v19 =	vor.u32 v19, v20;
	v20 =	vand.u32 $0xFFFFFC00, v39;
	v23 =	vor.u32 v43, v23;
	v6 =	vld.idx.msk [tilespmem:v6+s10+$0x0], $0xffff  }
0x2d8: {  	v9 =	vshll.u32 v9, $0x2;
	v38 =	vadd.s32 v0, v19;
	v19 =	vadd.s32 v1, v19;
	v15 =	vld.idx.msk [tilespmem:v25+s12+$0x0], $0xffff  }
0x2d9: {  	v20 =	vor.u32 v22, v20;
	v44 =	vadd.s32 v0, v23;
	v58 =	vshll.u32 v50, $0x3;
	v11 =	vld.idx.msk [tilespmem:v11+s12+$0x0], $0xffff  }
0x2da: {  	v23 =	vadd.s32 v1, v23;
	v13 =	vshll.u32 v13, $0x1;
	v59 =	vand.u32 $0xFFFFFC00, v58;
	v58 =	vld [tilespmem:$0x10510]  }
0x2db: {  	v22 =	vadd.s32 v0, v20;
	v20 =	vadd.s32 v1, v20;
	v14 =	vand.u32 $0x7F, v50;
	v10 =	vld.idx.msk [tilespmem:v10+s12+$0x0], $0xffff  }
0x2dc: {  	v7 =	vmul.f32 $5.120000000e+02, v7;
	v9 =	vadd.s32 v9, v13;
	v52 =	vshll.u32 v45, $0x3;
	v40 =	vld.idx.msk [tilespmem:v33+s12+$0x0], $0xffff  }
0x2dd: {  	v54 =	vand.u32 $0x7F, v45;
	v34 =	vshll.u32 v61, $0x3;
	v8 =	vadd.s32 v51, v8;
	v18 =	vld.idx.msk [tilespmem:v18+s12+$0x0], $0xffff  }
0x2de: {  	v9 =	vadd.s32 v63, v9;
	v60 =	vor.u32 v14, v59;
	v63 =	vld [tilespmem:$0x104C0];
	v14 =	vand.u32 $0x7F, v61  }
0x2df: {  	v2 =	vadd.f32 v7, v2;
	v8 =	vshll.u32 v8, $0x1;
	v41 =	vld.idx.msk [tilespmem:v35+s12+$0x0], $0xffff;
	v21 =	vshll.u32 v21, $0x1  }
0x2e0: {  	v12 =	vld.idx.msk [tilespmem:v12+s12+$0x0], $0xffff;
	v9 =	vshll.u32 v9, $0x1;
	v13 =	vshll.u32 v37, $0x1;
	v8 =	vadd.s32 v8, v17  }
0x2e1: {  	v53 =	vld.idx.msk [tilespmem:v23+s12+$0x0], $0xffff;
	v17 =	vand.u32 $0xFFFFFC00, v62;
	v23 =	vand.u32 $0xFFFFFC00, v34;
	v28 =	vshll.u32 v57, $0x3  }
0x2e2: {  	v35 =	vld [tilespmem:$0x104E0];
	v29 =	vand.u32 $0x7F, v57;
	v14 =	vor.u32 v14, v23;
	v8 =	vadd.s32 $0x700, v8  }
0x2e3: {  	v16 =	vld.idx.msk [tilespmem:v38+s12+$0x0], $0xffff;
	v6 =	vmul.f32 $5.120000000e+02, v6;
	v15 =	vshll.u32 v15, $0x2;
	v11 =	vshll.u32 v11, $0x2  }
0x2e4: {  	v19 =	vld.idx.msk [tilespmem:v19+s12+$0x0], $0xffff;
	v30 =	vand.u32 $0xFFFFFC00, v28;
	v39 =	vadd.s32 v0, v14;
	v14 =	vadd.s32 v1, v14  }
0x2e5: {  	v51 =	vld.idx.msk [tilespmem:v44+s12+$0x0], $0xffff;
	v15 =	vadd.s32 v15, v21;
	v9 =	vadd.s32 v9, v10;
	v11 =	vadd.s32 v11, v13  }
0x2e6: {  	v49 =	vld.idx.msk [tilespmem:v20+s12+$0x0], $0xffff;
	v36 =	vshll.u32 v63, $0x3;
	v20 =	vand.u32 $0x7F, v63;
	v3 =	vadd.f32 v6, v3  }
0x2e7: {  	v38 =	vld [tilespmem:$0x104F0];
	v46 =	vadd.s32 v40, v15;
	v11 =	vadd.s32 v18, v11;
	v48 =	vshll.u32 v41, $0x1  }
0x2e8: {  	v47 =	vld.idx.msk [tilespmem:v22+s12+$0x0], $0xffff;
	v12 =	vshll.u32 v12, $0x1;
	v18 =	vand.u32 $0x7F, v55;
	v37 =	vand.u32 $0xFFFFFC00, v36  }
0x2e9: {  	v40 =	vshll.u32 v32, $0x3;
	v41 =	vshll.u32 v35, $0x3;
	v24 =	vand.u32 $0x7F, v35;
	v55 =	vld [tilespmem:$0x10500]  }
0x2ea: {  	v9 =	vadd.s32 $0x700, v9;
	v17 =	vor.u32 v18, v17;
	v18 =	vor.u32 v29, v30;
	v30 =	vld [tilespmem:$0x10540]  }
0x2eb: {  	v10 =	vshll.u32 v46, $0x2;
	v11 =	vshll.u32 v11, $0x2;
	v20 =	vor.u32 v20, v37;
	v37 =	vld [tilespmem:$0x10550]  }
0x2ec: {  	v27 =	vand.u32 $0xFFFFFC00, v40;
	v44 =	vshll.u32 v38, $0x3;
	v25 =	vand.u32 $0x7F, v38;
	v38 =	vld [tilespmem:$0x10560]  }
0x2ed: {  	v42 =	vand.u32 $0xFFFFFC00, v41;
	v40 =	vld [tilespmem:$0x10570];
	v11 =	vadd.s32 v11, v12;
	v12 =	vadd.s32 v1, v60  }
0x2ee: {  	v10 =	vadd.s32 v10, v48;
	v13 =	vshll.u32 v47, $0x1;
	v31 =	vadd.s32 v0, v17;
	v8 =	vld.idx.msk [tilespmem:v8+s10+$0x0], $0xffff  }
0x2ef: {  	v15 =	vshll.u32 v49, $0x1;
	v17 =	vadd.s32 v1, v17;
	v33 =	vadd.s32 v0, v18;
	v26 =	vld.idx.msk [tilespmem:v39+s12+$0x0], $0xffff  }
0x2f0: {  	v18 =	vadd.s32 v1, v18;
	v23 =	vadd.s32 v0, v20;
	v24 =	vor.u32 v24, v42;
	v14 =	vld.idx.msk [tilespmem:v14+s12+$0x0], $0xffff  }
0x2f1: {  	v20 =	vadd.s32 v1, v20;
	v10 =	vadd.s32 v16, v10;
	v45 =	vadd.s32 v0, v24;
	v9 =	vld.idx.msk [tilespmem:v9+s10+$0x0], $0xffff  }
0x2f2: {  	v11 =	vadd.s32 v19, v11;
	v16 =	vand.u32 $0xFFFFFC00, v52;
	v24 =	vadd.s32 v1, v24;
	v12 =	vld.idx.msk [tilespmem:v12+s12+$0x0], $0xffff  }
0x2f3: {  	v19 =	vand.u32 $0x7F, v32;
	v10 =	vshll.u32 v10, $0x2;
	v16 =	vor.u32 v54, v16;
	v21 =	vld.idx.msk [tilespmem:v31+s12+$0x0], $0xffff  }
0x2f4: {  	v11 =	vshll.u32 v11, $0x2;
	v19 =	vor.u32 v19, v27;
	v56 =	vadd.s32 v0, v16;
	v17 =	vld.idx.msk [tilespmem:v17+s12+$0x0], $0xffff  }
0x2f5: {  	v27 =	vand.u32 $0xFFFFFC00, v44;
	v10 =	vadd.s32 v10, v13;
	v16 =	vadd.s32 v1, v16;
	v18 =	vld.idx.msk [tilespmem:v18+s12+$0x0], $0xffff  }
0x2f6: {  	v11 =	vadd.s32 v11, v15;
	v15 =	vadd.s32 v0, v60;
	v10 =	vadd.s32 v51, v10;
	v51 =	vld.idx.msk [tilespmem:v45+s12+$0x0], $0xffff  }
0x2f7: {  	v43 =	vadd.s32 v0, v19;
	v19 =	vadd.s32 v1, v19;
	v25 =	vor.u32 v25, v27;
	v52 =	vld.idx.msk [tilespmem:v24+s12+$0x0], $0xffff  }
0x2f8: {  	v59 =	vshll.u32 v55, $0x3;
	v60 =	vand.u32 $0x7F, v55;
	v11 =	vadd.s32 v53, v11;
	v24 =	vld [tilespmem:$0x10530]  }
0x2f9: {  	v46 =	vadd.s32 v0, v25;
	v49 =	vadd.s32 v1, v25;
	v61 =	vand.u32 $0xFFFFFC00, v59;
	v13 =	vld.idx.msk [tilespmem:v56+s12+$0x0], $0xffff  }
0x2fa: {  	v39 =	vshll.u32 v30, $0x3;
	v42 =	vshll.u32 v37, $0x3;
	v44 =	vshll.u32 v38, $0x3;
	v16 =	vld.idx.msk [tilespmem:v16+s12+$0x0], $0xffff  }
0x2fb: {  	v10 =	vshll.u32 v10, $0x1;
	v50 =	vshll.u32 v26, $0x1;
	v26 =	vmul.f32 $2.560000000e+02, v8;
	v15 =	vld.idx.msk [tilespmem:v15+s12+$0x0], $0xffff  }
0x2fc: {  	v11 =	vshll.u32 v11, $0x1;
	v63 =	vor.u32 v60, v61;
	v14 =	vshll.u32 v14, $0x1;
	v48 =	vld.idx.msk [tilespmem:v43+s12+$0x0], $0xffff  }
0x2fd: {  	v45 =	vand.u32 $0xFFFFFC00, v44;
	v19 =	vld.idx.msk [tilespmem:v19+s12+$0x0], $0xffff;
	v9 =	vmul.f32 $2.560000000e+02, v9;
	v2 =	vadd.f32 v26, v2  }
0x2fe: {  	v56 =	vld.idx.msk [tilespmem:v49+s12+$0x0], $0xffff;
	v49 =	vshll.u32 v40, $0x3;
	v12 =	vshll.u32 v12, $0x2;
	v17 =	vshll.u32 v17, $0x1  }
0x2ff: {  	v22 =	vld.idx.msk [tilespmem:v33+s12+$0x0], $0xffff;
	v21 =	vshll.u32 v21, $0x1;
	v3 =	vadd.f32 v9, v3;
	v12 =	vadd.s32 v12, v17  }
0x300: {  	v20 =	vld.idx.msk [tilespmem:v20+s12+$0x0], $0xffff;
	v35 =	vshll.u32 v24, $0x3;
	v36 =	vand.u32 $0x7F, v24;
	v17 =	vand.u32 $0xFFFFFC00, v39  }
0x301: {  	v12 =	vadd.s32 v18, v12;
	v15 =	vshll.u32 v15, $0x2;
	v10 =	vadd.s32 v10, v13  }
0x302: {  	v23 =	vld.idx.msk [tilespmem:v23+s12+$0x0], $0xffff;
	v12 =	vshll.u32 v12, $0x2;
	v54 =	vshll.u32 v48, $0x1;
	v11 =	vadd.s32 v11, v16  }
0x303: {  	v57 =	vshll.u32 v19, $0x1;
	v16 =	vand.u32 $0x7F, v58;
	v15 =	vadd.s32 v15, v21  }
0x304: {  	v12 =	vadd.s32 v12, v14;
	v10 =	vadd.s32 $0x800, v10;
	v47 =	vadd.s32 v22, v15  }
0x305: {  	v43 =	vld [tilespmem:$0x10580];
	v19 =	vand.u32 $0xFFFFFC00, v42;
	v12 =	vadd.s32 v20, v12;
	v13 =	vshll.u32 v47, $0x2  }
0x306: {  	v11 =	vadd.s32 $0x800, v11;
	v20 =	vld [tilespmem:$0x10520];
	v12 =	vshll.u32 v12, $0x2;
	v13 =	vadd.s32 v13, v50  }
0x307: {  	v53 =	vld.idx.msk [tilespmem:v46+s12+$0x0], $0xffff;
	v22 =	vadd.s32 v0, v63;
	v12 =	vadd.s32 v12, v57;
	v13 =	vadd.s32 v23, v13  }
0x308: {  	v42 =	vld [tilespmem:$0x105F0];
	v12 =	vadd.s32 v52, v12;
	v23 =	vshll.u32 v58, $0x3;
	v13 =	vshll.u32 v13, $0x2  }
0x309: {  	v12 =	vshll.u32 v12, $0x1;
	v21 =	vld.idx.msk [tilespmem:v10+s10+$0x0], $0xffff;
	v15 =	vand.u32 $0xFFFFFC00, v23;
	v10 =	vand.u32 $0x7F, v30  }
0x30a: {  	v47 =	vld [tilespmem:$0x10590];
	v23 =	vand.u32 $0xFFFFFC00, v49;
	v13 =	vadd.s32 v13, v54;
	v12 =	vadd.s32 v12, v56  }
0x30b: {  	v50 =	vld [tilespmem:$0x105A0];
	v15 =	vor.u32 v16, v15;
	v25 =	vshll.u32 v20, $0x3;
	v62 =	vadd.s32 $0x900, v12  }
0x30c: {  	v11 =	vld.idx.msk [tilespmem:v11+s10+$0x0], $0xffff;
	v28 =	vand.u32 $0x7F, v20;
	v10 =	vor.u32 v10, v17;
	v12 =	vadd.s32 v1, v63  }
0x30d: {  	v27 =	vld.idx.msk [tilespmem:v22+s12+$0x0], $0xffff;
	v13 =	vadd.s32 v51, v13;
	v16 =	vadd.s32 v0, v15;
	v6 =	vand.u32 $0xFFFFFC00, v25  }
0x30e: {  	v29 =	vadd.s32 v1, v15;
	v51 =	vshll.u32 v43, $0x3;
	v6 =	vor.u32 v28, v6;
	v28 =	vld [tilespmem:$0x105B0]  }
0x30f: {  	v17 =	vand.u32 $0x7F, v40;
	v41 =	vadd.s32 v0, v10;
	v52 =	vand.u32 $0xFFFFFC00, v51;
	v51 =	vld [tilespmem:$0x10620]  }
0x310: {  	v20 =	vand.u32 $0x7F, v43;
	v15 =	vand.u32 $0xFFFFFC00, v35;
	v10 =	vadd.s32 v1, v10;
	v4 =	vld.idx.msk [tilespmem:v62+s10+$0x0], $0xffff  }
0x311: {  	v17 =	vor.u32 v17, v23;
	v54 =	vshll.u32 v47, $0x3;
	v13 =	vshll.u32 v13, $0x1;
	v31 =	vld.idx.msk [tilespmem:v12+s12+$0x0], $0xffff  }
0x312: {  	v26 =	vand.u32 $0xFFFFFC00, v54;
	v55 =	vshll.u32 v50, $0x3;
	v24 =	vand.u32 $0x7F, v50;
	v34 =	vld.idx.msk [tilespmem:v16+s12+$0x0], $0xffff  }
0x313: {  	v13 =	vadd.s32 v13, v53;
	v32 =	vadd.s32 v0, v6;
	v53 =	vadd.s32 v0, v17;
	v14 =	vld.idx.msk [tilespmem:v29+s12+$0x0], $0xffff  }
0x314: {  	v17 =	vadd.s32 v1, v17;
	v20 =	vor.u32 v20, v52;
	v56 =	vand.u32 $0xFFFFFC00, v55;
	v18 =	vld.idx.msk [tilespmem:v41+s12+$0x0], $0xffff  }
0x315: {  	v52 =	vand.u32 $0x7F, v42;
	v13 =	vadd.s32 $0x900, v13;
	v5 =	vmul.f32 $1.280000000e+02, v21;
	v10 =	vld.idx.msk [tilespmem:v10+s12+$0x0], $0xffff  }
0x316: {  	v33 =	vmul.f32 $1.280000000e+02, v11;
	v23 =	vadd.s32 v0, v20;
	v20 =	vadd.s32 v1, v20;
	v29 =	vld [tilespmem:$0x105C0]  }
0x317: {  	v24 =	vor.u32 v24, v56;
	v2 =	vadd.f32 v5, v2;
	v5 =	vor.u32 v36, v15;
	v36 =	vld [tilespmem:$0x105D0]  }
0x318: {  	v9 =	vadd.f32 v33, v3;
	v3 =	vadd.s32 v1, v6;
	v6 =	vand.u32 $0x7F, v38;
	v38 =	vld [tilespmem:$0x105E0]  }
0x319: {  	v8 =	vshll.u32 v27, $0x2;
	v16 =	vand.u32 $0x7F, v37;
	v6 =	vor.u32 v6, v45;
	v45 =	vld [tilespmem:$0x10600]  }
0x31a: {  	v37 =	vadd.s32 v1, v24;
	v15 =	vadd.s32 v0, v5;
	v5 =	vadd.s32 v1, v5;
	v12 =	vld.idx.msk [tilespmem:v32+s12+$0x0], $0xffff  }
0x31b: {  	v16 =	vor.u32 v16, v19;
	v19 =	vand.u32 $0x7F, v47;
	v39 =	vand.u32 $0x7F, v28;
	v25 =	vld.idx.msk [tilespmem:v53+s12+$0x0], $0xffff  }
0x31c: {  	v40 =	vshll.u32 v28, $0x3;
	v55 =	vshll.u32 v51, $0x3;
	v46 =	vadd.s32 v0, v16;
	v58 =	vld.idx.msk [tilespmem:v17+s12+$0x0], $0xffff  }
0x31d: {  	v16 =	vadd.s32 v1, v16;
	v48 =	vadd.s32 v0, v6;
	v6 =	vadd.s32 v1, v6;
	v13 =	vld.idx.msk [tilespmem:v13+s10+$0x0], $0xffff  }
0x31e: {  	v19 =	vor.u32 v19, v26;
	v26 =	vadd.s32 v0, v24;
	v56 =	vand.u32 $0xFFFFFC00, v55;
	v61 =	vld.idx.msk [tilespmem:v23+s12+$0x0], $0xffff  }
0x31f: {  	v57 =	vadd.s32 v0, v19;
	v62 =	vld.idx.msk [tilespmem:v20+s12+$0x0], $0xffff;
	v20 =	vadd.s32 v1, v19;
	v11 =	vshll.u32 v34, $0x1  }
0x320: {  	v3 =	vld.idx.msk [tilespmem:v3+s12+$0x0], $0xffff;
	v7 =	vshll.u32 v31, $0x2;
	v14 =	vshll.u32 v14, $0x1;
	v4 =	vmul.f32 $6.400000000e+01, v4  }
0x321: {  	v41 =	vshll.u32 v29, $0x3;
	v47 =	vshll.u32 v38, $0x3;
	v15 =	vld.idx.msk [tilespmem:v15+s12+$0x0], $0xffff;
	v8 =	vadd.s32 v8, v11  }
0x322: {  	v5 =	vld.idx.msk [tilespmem:v5+s12+$0x0], $0xffff;
	v7 =	vadd.s32 v7, v14;
	v14 =	vand.u32 $0xFFFFFC00, v40;
	v11 =	vand.u32 $0x7F, v38  }
0x323: {  	v19 =	vand.u32 $0xFFFFFC00, v47;
	v53 =	vshll.u32 v45, $0x3;
	v17 =	vand.u32 $0x7F, v45;
	v21 =	vld.idx.msk [tilespmem:v46+s12+$0x0], $0xffff  }
0x324: {  	v16 =	vld.idx.msk [tilespmem:v16+s12+$0x0], $0xffff;
	v8 =	vadd.s32 v12, v8;
	v12 =	vor.u32 v39, v14;
	v46 =	vand.u32 $0x7F, v36  }
0x325: {  	v22 =	vld.idx.msk [tilespmem:v48+s12+$0x0], $0xffff;
	v11 =	vor.u32 v11, v19;
	v14 =	vshll.u32 v42, $0x3;
	v13 =	vmul.f32 $6.400000000e+01, v13  }
0x326: {  	v48 =	vld [tilespmem:$0x10610];
	v59 =	vshll.u32 v8, $0x2;
	v33 =	vshll.u32 v61, $0x2;
	v8 =	vshll.u32 v62, $0x2  }
0x327: {  	v42 =	vld [tilespmem:$0x10660];
	v43 =	vadd.s32 v0, v12;
	v12 =	vadd.s32 v1, v12;
	v50 =	vadd.s32 v0, v11  }
0x328: {  	v63 =	vld.idx.msk [tilespmem:v57+s12+$0x0], $0xffff;
	v14 =	vand.u32 $0xFFFFFC00, v14;
	v11 =	vadd.s32 v1, v11;
	v3 =	vadd.s32 v3, v7  }
0x329: {  	v14 =	vor.u32 v52, v14;
	v60 =	vshll.u32 v15, $0x1;
	v3 =	vshll.u32 v3, $0x2  }
0x32a: {  	v5 =	vshll.u32 v5, $0x1;
	v15 =	vand.u32 $0xFFFFFC00, v41;
	v7 =	vadd.s32 v59, v60  }
0x32b: {  	v3 =	vadd.s32 v3, v5;
	v23 =	vshll.u32 v21, $0x1;
	v16 =	vshll.u32 v16, $0x1  }
0x32c: {  	v54 =	vshll.u32 v48, $0x3;
	v21 =	vand.u32 $0x7F, v51;
	v47 =	vshll.u32 v42, $0x3  }
0x32d: {  	v6 =	vld.idx.msk [tilespmem:v6+s12+$0x0], $0xffff;
	v7 =	vadd.s32 v18, v7;
	v3 =	vadd.s32 v10, v3;
	v5 =	vshll.u32 v63, $0x1  }
0x32e: {  	v26 =	vld.idx.msk [tilespmem:v26+s12+$0x0], $0xffff;
	v18 =	vand.u32 $0x7F, v48;
	v24 =	vand.u32 $0xFFFFFC00, v54;
	v21 =	vor.u32 v21, v56  }
0x32f: {  	v39 =	vld [tilespmem:$0x10650];
	v48 =	vand.u32 $0xFFFFFC00, v47;
	v7 =	vshll.u32 v7, $0x2;
	v27 =	vshll.u32 v3, $0x2  }
0x330: {  	v32 =	vld.idx.msk [tilespmem:v20+s12+$0x0], $0xffff;
	v3 =	vadd.f32 v13, v2;
	v2 =	vadd.f32 v4, v9;
	v35 =	vadd.s32 v33, v5  }
0x331: {  	v51 =	vld [tilespmem:$0x10690];
	v13 =	vand.u32 $0x7F, v29;
	v5 =	vshll.u32 v36, $0x3;
	v18 =	vor.u32 v18, v24  }
0x332: {  	v12 =	vld.idx.msk [tilespmem:v12+s12+$0x0], $0xffff;
	v60 =	vadd.s32 v0, v21;
	v7 =	vadd.s32 v7, v23;
	v10 =	vadd.s32 v27, v16  }
0x333: {  	v57 =	vld.idx.msk [tilespmem:v50+s12+$0x0], $0xffff;
	v13 =	vor.u32 v13, v15;
	v5 =	vand.u32 $0xFFFFFC00, v5;
	v23 =	vand.u32 $0xFFFFFC00, v53  }
0x334: {  	v11 =	vld.idx.msk [tilespmem:v11+s12+$0x0], $0xffff;
	v27 =	vadd.s32 v1, v18;
	v7 =	vadd.s32 v22, v7;
	v30 =	vadd.s32 v6, v10  }
0x335: {  	v9 =	vld.idx.msk [tilespmem:v37+s12+$0x0], $0xffff;
	v44 =	vadd.s32 v0, v13;
	v13 =	vadd.s32 v1, v13;
	v5 =	vor.u32 v46, v5  }
0x336: {  	v24 =	vld [tilespmem:$0x10630];
	v17 =	vor.u32 v17, v23;
	v22 =	vadd.s32 v0, v14;
	v14 =	vadd.s32 v1, v14  }
0x337: {  	v15 =	vld.idx.msk [tilespmem:v43+s12+$0x0], $0xffff;
	v46 =	vshll.u32 v39, $0x3;
	v31 =	vshll.u32 v7, $0x1;
	v4 =	vshll.u32 v30, $0x1  }
0x338: {  	v7 =	vshll.u32 v32, $0x1;
	v49 =	vadd.s32 v0, v5;
	v5 =	vadd.s32 v1, v5;
	v32 =	vld [tilespmem:$0x10640]  }
0x339: {  	v23 =	vadd.s32 v0, v17;
	v20 =	vand.u32 $0xFFFFFC00, v46;
	v6 =	vadd.s32 v31, v25;
	v31 =	vld.idx.msk [tilespmem:v60+s12+$0x0], $0xffff  }
0x33a: {  	v55 =	vshll.u32 v51, $0x3;
	v34 =	vadd.s32 v4, v58;
	v4 =	vadd.s32 v26, v35;
	v36 =	vld.idx.msk [tilespmem:v27+s12+$0x0], $0xffff  }
0x33b: {  	v7 =	vadd.s32 v8, v7;
	v58 =	vadd.s32 v0, v18;
	v12 =	vshll.u32 v12, $0x1;
	v16 =	vld.idx.msk [tilespmem:v44+s12+$0x0], $0xffff  }
0x33c: {  	v56 =	vand.u32 $0xFFFFFC00, v55;
	v59 =	vshll.u32 v4, $0x2;
	v4 =	vadd.s32 $0xA00, v6;
	v13 =	vld.idx.msk [tilespmem:v13+s12+$0x0], $0xffff  }
0x33d: {  	v61 =	vadd.s32 v9, v7;
	v35 =	vshll.u32 v24, $0x3;
	v15 =	vshll.u32 v15, $0x1;
	v63 =	vld.idx.msk [tilespmem:v22+s12+$0x0], $0xffff  }
0x33e: {  	v37 =	vand.u32 $0x7F, v24;
	v6 =	vshll.u32 v61, $0x2;
	v62 =	vadd.s32 v59, v15;
	v44 =	vld [tilespmem:$0x10670]  }
0x33f: {  	v22 =	vadd.s32 v1, v17;
	v17 =	vand.u32 $0x7F, v42;
	v14 =	vld.idx.msk [tilespmem:v14+s12+$0x0], $0xffff;
	v43 =	vshll.u32 v32, $0x3  }
0x340: {  	v19 =	vld.idx.msk [tilespmem:v49+s12+$0x0], $0xffff;
	v8 =	vand.u32 $0x7F, v32;
	v17 =	vor.u32 v17, v48;
	v18 =	vand.u32 $0xFFFFFC00, v43  }
0x341: {  	v6 =	vadd.s32 v6, v12;
	v5 =	vld.idx.msk [tilespmem:v5+s12+$0x0], $0xffff;
	v52 =	vadd.s32 v0, v17;
	v8 =	vor.u32 v8, v18  }
0x342: {  	v26 =	vld.idx.msk [tilespmem:v23+s12+$0x0], $0xffff;
	v17 =	vadd.s32 v1, v17;
	v15 =	vshll.u32 v36, $0x1;
	v45 =	vadd.s32 v0, v8  }
0x343: {  	v49 =	vld [tilespmem:$0x10680];
	v8 =	vadd.s32 v1, v8;
	v7 =	vadd.s32 v16, v62;
	v6 =	vadd.s32 v13, v6  }
0x344: {  	v48 =	vld [tilespmem:$0x10710];
	v13 =	vand.u32 $0xFFFFFC00, v35;
	v16 =	vand.u32 $0x7F, v39;
	v53 =	vshll.u32 v44, $0x3  }
0x345: {  	v29 =	vld.idx.msk [tilespmem:v58+s12+$0x0], $0xffff;
	v18 =	vand.u32 $0x7F, v44;
	v7 =	vshll.u32 v7, $0x2;
	v28 =	vshll.u32 v19, $0x1  }
0x346: {  	v58 =	vld [tilespmem:$0x106A0];
	v6 =	vshll.u32 v6, $0x2;
	v30 =	vshll.u32 v5, $0x1;
	v5 =	vadd.s32 $0xA00, v34  }
0x347: {  	v4 =	vld.idx.msk [tilespmem:v4+s10+$0x0], $0xffff;
	v34 =	vadd.s32 v1, v21;
	v12 =	vshll.u32 v26, $0x2;
	v13 =	vor.u32 v37, v13  }
0x348: {  	v33 =	vld.idx.msk [tilespmem:v22+s12+$0x0], $0xffff;
	v16 =	vor.u32 v16, v20;
	v22 =	vand.u32 $0xFFFFFC00, v53;
	v54 =	vshll.u32 v49, $0x3  }
0x349: {  	v62 =	vld [tilespmem:$0x106B0];
	v21 =	vand.u32 $0x7F, v49;
	v20 =	vand.u32 $0x7F, v51;
	v55 =	vand.u32 $0x7F, v48  }
0x34a: {  	v35 =	vld [tilespmem:$0x106D0];
	v7 =	vadd.s32 v7, v28;
	v6 =	vadd.s32 v6, v30;
	v38 =	vshll.u32 v29, $0x1  }
0x34b: {  	v44 =	vld [tilespmem:$0x10700];
	v41 =	vadd.s32 v0, v13;
	v13 =	vadd.s32 v1, v13;
	v50 =	vadd.s32 v0, v16  }
0x34c: {  	v37 =	vld [tilespmem:$0x106E0];
	v16 =	vadd.s32 v1, v16;
	v18 =	vor.u32 v18, v22;
	v23 =	vand.u32 $0xFFFFFC00, v54  }
0x34d: {  	v51 =	vld [tilespmem:$0x10720];
	v20 =	vor.u32 v20, v56;
	v26 =	vshll.u32 v58, $0x3;
	v28 =	vand.u32 $0x7F, v58  }
0x34e: {  	v60 =	vld.idx.msk [tilespmem:v17+s12+$0x0], $0xffff;
	v54 =	vshll.u32 v48, $0x3;
	v7 =	vadd.s32 v57, v7;
	v6 =	vadd.s32 v11, v6  }
0x34f: {  	v29 =	vld [tilespmem:$0x106C0];
	v40 =	vadd.s32 v12, v38;
	v22 =	vadd.s32 v0, v18;
	v21 =	vor.u32 v21, v23  }
0x350: {  	v58 =	vld [tilespmem:$0x106F0];
	v59 =	vadd.s32 v0, v20;
	v25 =	vadd.s32 v1, v18;
	v20 =	vadd.s32 v1, v20  }
0x351: {  	v48 =	vld [tilespmem:$0x10780];
	v4 =	vmul.f32 $3.200000000e+01, v4;
	v7 =	vshll.u32 v7, $0x1;
	v9 =	vadd.s32 v31, v40  }
0x352: {  	v19 =	vld.idx.msk [tilespmem:v45+s12+$0x0], $0xffff;
	v57 =	vadd.s32 v0, v21;
	v6 =	vshll.u32 v6, $0x1;
	v61 =	vadd.s32 v1, v21  }
0x353: {  	v8 =	vld.idx.msk [tilespmem:v8+s12+$0x0], $0xffff;
	v7 =	vadd.s32 v7, v63;
	v10 =	vshll.u32 v33, $0x2;
	v9 =	vshll.u32 v9, $0x2  }
0x354: {  	v6 =	vadd.s32 v6, v14;
	v14 =	vand.u32 $0xFFFFFC00, v26;
	v32 =	vshll.u32 v62, $0x3;
	v11 =	vld.idx.msk [tilespmem:v34+s12+$0x0], $0xffff  }
0x355: {  	v33 =	vand.u32 $0x7F, v62;
	v56 =	vshll.u32 v51, $0x3;
	v26 =	vand.u32 $0x7F, v51;
	v51 =	vld [tilespmem:$0x10790]  }
0x356: {  	v43 =	vshll.u32 v35, $0x3;
	v21 =	vand.u32 $0x7F, v35;
	v10 =	vadd.s32 v10, v15;
	v12 =	vld.idx.msk [tilespmem:v41+s12+$0x0], $0xffff  }
0x357: {  	v14 =	vor.u32 v28, v14;
	v34 =	vand.u32 $0xFFFFFC00, v32;
	v46 =	vshll.u32 v37, $0x3;
	v13 =	vld.idx.msk [tilespmem:v13+s12+$0x0], $0xffff  }
0x358: {  	v23 =	vand.u32 $0x7F, v37;
	v7 =	vadd.s32 $0xB00, v7;
	v6 =	vadd.s32 $0xB00, v6;
	v15 =	vld.idx.msk [tilespmem:v50+s12+$0x0], $0xffff  }
0x359: {  	v16 =	vld.idx.msk [tilespmem:v16+s12+$0x0], $0xffff;
	v31 =	vadd.s32 v0, v14;
	v14 =	vadd.s32 v1, v14;
	v24 =	vand.u32 $0xFFFFFC00, v56  }
0x35a: {  	v40 =	vshll.u32 v29, $0x3;
	v18 =	vand.u32 $0x7F, v29;
	v27 =	vld.idx.msk [tilespmem:v59+s12+$0x0], $0xffff;
	v24 =	vor.u32 v26, v24  }
0x35b: {  	v50 =	vshll.u32 v44, $0x3;
	v32 =	vand.u32 $0x7F, v58;
	v59 =	vld [tilespmem:$0x10730];
	v26 =	vadd.s32 v0, v24  }
0x35c: {  	v30 =	vld.idx.msk [tilespmem:v61+s12+$0x0], $0xffff;
	v61 =	vadd.s32 v1, v24;
	v24 =	vand.u32 $0x7F, v48;
	v10 =	vadd.s32 v11, v10  }
0x35d: {  	v37 =	vld [tilespmem:$0x10750];
	v56 =	vshll.u32 v51, $0x3;
	v12 =	vshll.u32 v12, $0x1;
	v10 =	vshll.u32 v10, $0x2  }
0x35e: {  	v11 =	vld.idx.msk [tilespmem:v52+s12+$0x0], $0xffff;
	v13 =	vshll.u32 v13, $0x1;
	v15 =	vshll.u32 v15, $0x1;
	v9 =	vadd.s32 v9, v12  }
0x35f: {  	v16 =	vshll.u32 v16, $0x1;
	v41 =	vld.idx.msk [tilespmem:v31+s12+$0x0], $0xffff;
	v10 =	vadd.s32 v10, v13;
	v9 =	vadd.s32 v19, v9  }
0x360: {  	v12 =	vld.idx.msk [tilespmem:v57+s12+$0x0], $0xffff;
	v8 =	vadd.s32 v8, v10;
	v19 =	vor.u32 v33, v34;
	v33 =	vshll.u32 v59, $0x3  }
0x361: {  	v31 =	vld.idx.msk [tilespmem:v26+s12+$0x0], $0xffff;
	v26 =	vand.u32 $0x7F, v51;
	v9 =	vshll.u32 v9, $0x2;
	v8 =	vshll.u32 v8, $0x2  }
0x362: {  	v63 =	vld.idx.msk [tilespmem:v22+s12+$0x0], $0xffff;
	v36 =	vadd.s32 v0, v19;
	v42 =	vadd.s32 v1, v19;
	v19 =	vand.u32 $0x7F, v44  }
0x363: {  	v38 =	vld.idx.msk [tilespmem:v20+s12+$0x0], $0xffff;
	v35 =	vand.u32 $0xFFFFFC00, v33;
	v44 =	vshll.u32 v37, $0x3;
	v9 =	vadd.s32 v9, v15  }
0x364: {  	v8 =	vadd.s32 v8, v16;
	v15 =	vshll.u32 v27, $0x1;
	v16 =	vshll.u32 v30, $0x2  }
0x365: {  	v34 =	vld [tilespmem:$0x10740];
	v30 =	vshll.u32 v58, $0x3;
	v9 =	vadd.s32 v11, v9;
	v13 =	vadd.s32 v60, v8  }
0x366: {  	v11 =	vld.idx.msk [tilespmem:v25+s12+$0x0], $0xffff;
	v25 =	vand.u32 $0xFFFFFC00, v56;
	v9 =	vshll.u32 v9, $0x1;
	v12 =	vshll.u32 v12, $0x2  }
0x367: {  	v13 =	vshll.u32 v13, $0x1;
	v25 =	vor.u32 v26, v25;
	v8 =	vadd.s32 v9, v63  }
0x368: {  	v14 =	vld.idx.msk [tilespmem:v14+s12+$0x0], $0xffff;
	v39 =	vadd.s32 v12, v15;
	v12 =	vand.u32 $0xFFFFFC00, v40;
	v9 =	vshll.u32 v38, $0x1  }
0x369: {  	v26 =	vadd.s32 v0, v25;
	v12 =	vor.u32 v18, v12;
	v18 =	vand.u32 $0xFFFFFC00, v43  }
0x36a: {  	v9 =	vadd.s32 v16, v9;
	v10 =	vadd.s32 v41, v39;
	v45 =	vadd.s32 v0, v12  }
0x36b: {  	v22 =	vld.idx.msk [tilespmem:v36+s12+$0x0], $0xffff;
	v41 =	vshll.u32 v34, $0x3;
	v12 =	vadd.s32 v1, v12;
	v18 =	vor.u32 v21, v18  }
0x36c: {  	v17 =	vld.idx.msk [tilespmem:v42+s12+$0x0], $0xffff;
	v42 =	vand.u32 $0x7F, v34;
	v8 =	vadd.s32 $0xC00, v8;
	v47 =	vadd.s32 v0, v18  }
0x36d: {  	v40 =	vld [tilespmem:$0x10760];
	v21 =	vand.u32 $0xFFFFFC00, v46;
	v9 =	vadd.s32 v14, v9;
	v18 =	vadd.s32 v1, v18  }
0x36e: {  	v43 =	vld [tilespmem:$0x10770];
	v10 =	vshll.u32 v10, $0x2;
	v21 =	vor.u32 v23, v21;
	v23 =	vand.u32 $0xFFFFFC00, v50  }
0x36f: {  	v9 =	vshll.u32 v9, $0x2;
	v49 =	vadd.s32 v0, v21;
	v52 =	vor.u32 v19, v23;
	v20 =	vld.idx.msk [tilespmem:v45+s12+$0x0], $0xffff  }
0x370: {  	v21 =	vadd.s32 v1, v21;
	v23 =	vand.u32 $0xFFFFFC00, v54;
	v19 =	vadd.s32 v0, v52;
	v12 =	vld.idx.msk [tilespmem:v12+s12+$0x0], $0xffff  }
0x371: {  	v14 =	vadd.s32 v1, v52;
	v23 =	vor.u32 v55, v23;
	v22 =	vshll.u32 v22, $0x1;
	v53 =	vld.idx.msk [tilespmem:v47+s12+$0x0], $0xffff  }
0x372: {  	v57 =	vadd.s32 v0, v23;
	v23 =	vadd.s32 v1, v23;
	v17 =	vshll.u32 v17, $0x1;
	v18 =	vld.idx.msk [tilespmem:v18+s12+$0x0], $0xffff  }
0x373: {  	v58 =	vld [tilespmem:$0x107A0];
	v50 =	vshll.u32 v43, $0x3;
	v9 =	vadd.s32 v9, v17;
	v17 =	vand.u32 $0x7F, v59  }
0x374: {  	v10 =	vadd.s32 v10, v22;
	v22 =	vand.u32 $0x7F, v40;
	v17 =	vor.u32 v17, v35;
	v16 =	vld.idx.msk [tilespmem:v49+s12+$0x0], $0xffff  }
0x375: {  	v47 =	vshll.u32 v40, $0x3;
	v21 =	vld.idx.msk [tilespmem:v21+s12+$0x0], $0xffff;
	v39 =	vadd.s32 v0, v17;
	v10 =	vadd.s32 v20, v10  }
0x376: {  	v17 =	vadd.s32 v1, v17;
	v19 =	vld.idx.msk [tilespmem:v19+s12+$0x0], $0xffff;
	v9 =	vadd.s32 v12, v9;
	v10 =	vshll.u32 v10, $0x2  }
0x377: {  	v60 =	vld.idx.msk [tilespmem:v14+s12+$0x0], $0xffff;
	v15 =	vshll.u32 v53, $0x1;
	v62 =	vshll.u32 v9, $0x2;
	v18 =	vshll.u32 v18, $0x1  }
0x378: {  	v29 =	vld.idx.msk [tilespmem:v23+s12+$0x0], $0xffff;
	v9 =	vadd.s32 v13, v11;
	v53 =	vshll.u32 v48, $0x3;
	v10 =	vadd.s32 v10, v15  }
0x379: {  	v28 =	vadd.s32 v62, v18;
	v15 =	vand.u32 $0xFFFFFC00, v30;
	v18 =	vand.u32 $0x7F, v37  }
0x37a: {  	v63 =	vld.idx.msk [tilespmem:v57+s12+$0x0], $0xffff;
	v55 =	vand.u32 $0xFFFFFC00, v53;
	v30 =	vadd.s32 v1, v25;
	v9 =	vadd.s32 $0xC00, v9  }
0x37b: {  	v14 =	vld.idx.msk [tilespmem:v61+s12+$0x0], $0xffff;
	v10 =	vadd.s32 v16, v10;
	v11 =	vadd.s32 v21, v28;
	v15 =	vor.u32 v32, v15  }
0x37c: {  	v19 =	vshll.u32 v19, $0x2;
	v12 =	vshll.u32 v60, $0x2;
	v24 =	vor.u32 v24, v55  }
0x37d: {  	v35 =	vld [tilespmem:$0x107E0];
	v28 =	vshll.u32 v58, $0x3;
	v36 =	vadd.s32 v0, v15;
	v13 =	vshll.u32 v29, $0x1  }
0x37e: {  	v45 =	vld.idx.msk [tilespmem:v39+s12+$0x0], $0xffff;
	v15 =	vadd.s32 v1, v15;
	v12 =	vadd.s32 v12, v13;
	v13 =	vand.u32 $0xFFFFFC00, v41  }
0x37f: {  	v17 =	vld.idx.msk [tilespmem:v17+s12+$0x0], $0xffff;
	v38 =	vshll.u32 v63, $0x1;
	v57 =	vadd.s32 v0, v24;
	v13 =	vor.u32 v42, v13  }
0x380: {  	v32 =	vld [tilespmem:$0x107D0];
	v12 =	vadd.s32 v14, v12;
	v14 =	vand.u32 $0xFFFFFC00, v44;
	v46 =	vadd.s32 v0, v13  }
0x381: {  	v10 =	vshll.u32 v10, $0x1;
	v63 =	vld [tilespmem:$0x107B0];
	v13 =	vadd.s32 v1, v13;
	v14 =	vor.u32 v18, v14  }
0x382: {  	v29 =	vld [tilespmem:$0x107C0];
	v19 =	vadd.s32 v19, v38;
	v18 =	vand.u32 $0xFFFFFC00, v47;
	v49 =	vadd.s32 v0, v14  }
0x383: {  	v38 =	vld [tilespmem:$0x107F0];
	v16 =	vadd.s32 v31, v19;
	v14 =	vadd.s32 v1, v14;
	v18 =	vor.u32 v22, v18  }
0x384: {  	v19 =	vand.u32 $0x7F, v43;
	v22 =	vand.u32 $0xFFFFFC00, v50;
	v20 =	vld.idx.msk [tilespmem:v36+s12+$0x0], $0xffff;
	v52 =	vadd.s32 v0, v18  }
0x385: {  	v11 =	vshll.u32 v11, $0x1;
	v24 =	vadd.s32 v1, v24;
	v19 =	vor.u32 v19, v22;
	v23 =	vld.idx.msk [tilespmem:v46+s12+$0x0], $0xffff  }
0x386: {  	v16 =	vshll.u32 v16, $0x2;
	v21 =	vshll.u32 v45, $0x1;
	v22 =	vadd.s32 v0, v19;
	v13 =	vld.idx.msk [tilespmem:v13+s12+$0x0], $0xffff  }
0x387: {  	v12 =	vshll.u32 v12, $0x2;
	v17 =	vshll.u32 v17, $0x1;
	v19 =	vadd.s32 v1, v19;
	v54 =	vld.idx.msk [tilespmem:v49+s12+$0x0], $0xffff  }
0x388: {  	v42 =	vshll.u32 v35, $0x3;
	v16 =	vadd.s32 v16, v21;
	v12 =	vadd.s32 v12, v17;
	v14 =	vld.idx.msk [tilespmem:v14+s12+$0x0], $0xffff  }
0x389: {  	v17 =	vand.u32 $0x7F, v58;
	v37 =	vshll.u32 v32, $0x3;
	v18 =	vadd.s32 v1, v18;
	v27 =	vld.idx.msk [tilespmem:v52+s12+$0x0], $0xffff  }
0x38a: {  	v15 =	vld.idx.msk [tilespmem:v15+s12+$0x0], $0xffff;
	v33 =	vshll.u32 v63, $0x3;
	v34 =	vshll.u32 v29, $0x3;
	v21 =	vand.u32 $0x7F, v29  }
0x38b: {  	v43 =	vshll.u32 v38, $0x3;
	v10 =	vadd.s32 v10, v20;
	v22 =	vld.idx.msk [tilespmem:v22+s12+$0x0], $0xffff;
	v16 =	vadd.s32 v23, v16  }
0x38c: {  	v60 =	vld.idx.msk [tilespmem:v19+s12+$0x0], $0xffff;
	v19 =	vand.u32 $0xFFFFFC00, v28;
	v59 =	vshll.u32 v16, $0x2;
	v61 =	vshll.u32 v54, $0x1  }
0x38d: {  	v62 =	vld.idx.msk [tilespmem:v57+s12+$0x0], $0xffff;
	v31 =	vor.u32 v17, v19;
	v12 =	vadd.s32 v13, v12;
	v13 =	vadd.s32 v59, v61  }
0x38e: {  	v12 =	vshll.u32 v12, $0x2;
	v14 =	vshll.u32 v14, $0x1;
	v13 =	vadd.s32 v27, v13  }
0x38f: {  	v5 =	vld.idx.msk [tilespmem:v5+s10+$0x0], $0xffff;
	v19 =	vadd.s32 v0, v31;
	v12 =	vadd.s32 v12, v14;
	v13 =	vshll.u32 v13, $0x1  }
0x390: {  	v7 =	vld.idx.msk [tilespmem:v7+s10+$0x0], $0xffff;
	v14 =	vand.u32 $0x7F, v63;
	v13 =	vadd.s32 v13, v22;
	v22 =	vand.u32 $0xFFFFFC00, v33  }
0x391: {  	v18 =	vld.idx.msk [tilespmem:v18+s12+$0x0], $0xffff;
	v11 =	vadd.s32 v11, v15;
	v16 =	vadd.s32 v1, v31;
	v14 =	vor.u32 v14, v22  }
0x392: {  	v20 =	vshll.u32 v62, $0x2;
	v15 =	vld.idx.msk [tilespmem:v24+s12+$0x0], $0xffff;
	v22 =	vand.u32 $0xFFFFFC00, v34;
	v36 =	vadd.s32 v0, v14  }
0x393: {  	v24 =	vand.u32 $0x7F, v35;
	v23 =	vld.idx.msk [tilespmem:v30+s12+$0x0], $0xffff;
	v14 =	vadd.s32 v1, v14;
	v21 =	vor.u32 v21, v22  }
0x394: {  	v17 =	vand.u32 $0x7F, v32;
	v27 =	vld.idx.msk [tilespmem:v26+s12+$0x0], $0xffff;
	v22 =	vand.u32 $0xFFFFFC00, v37;
	v39 =	vadd.s32 v0, v21  }
0x395: {  	v10 =	vadd.s32 $0xD00, v10;
	v19 =	vld.idx.msk [tilespmem:v19+s12+$0x0], $0xffff;
	v40 =	vadd.s32 v1, v21;
	v17 =	vor.u32 v17, v22  }
0x396: {  	v11 =	vadd.s32 $0xD00, v11;
	v16 =	vld.idx.msk [tilespmem:v16+s12+$0x0], $0xffff;
	v22 =	vand.u32 $0xFFFFFC00, v42;
	v41 =	vadd.s32 v0, v17  }
0x397: {  	v12 =	vadd.s32 v18, v12;
	v17 =	vadd.s32 v1, v17;
	v22 =	vor.u32 v24, v22;
	v25 =	vld.idx.msk [tilespmem:v36+s12+$0x0], $0xffff  }
0x398: {  	v26 =	vand.u32 $0x7F, v38;
	v24 =	vand.u32 $0xFFFFFC00, v43;
	v44 =	vadd.s32 v0, v22;
	v14 =	vld.idx.msk [tilespmem:v14+s12+$0x0], $0xffff  }
0x399: {  	v18 =	vshll.u32 v27, $0x1;
	v45 =	vor.u32 v26, v24;
	v22 =	vadd.s32 v1, v22;
	v27 =	vld.idx.msk [tilespmem:v39+s12+$0x0], $0xffff  }
0x39a: {  	v15 =	vshll.u32 v15, $0x2;
	v18 =	vadd.s32 v20, v18;
	v47 =	vadd.s32 v0, v45;
	v20 =	vld.idx.msk [tilespmem:v40+s12+$0x0], $0xffff  }
0x39b: {  	v12 =	vshll.u32 v12, $0x1;
	v23 =	vshll.u32 v23, $0x1;
	v48 =	vadd.s32 v1, v45;
	v46 =	vld.idx.msk [tilespmem:v41+s12+$0x0], $0xffff  }
0x39c: {  	v12 =	vadd.s32 v12, v60;
	v15 =	vadd.s32 v15, v23;
	v18 =	vadd.s32 v19, v18;
	v17 =	vld.idx.msk [tilespmem:v17+s12+$0x0], $0xffff  }
0x39d: {  	v15 =	vadd.s32 v16, v15;
	v18 =	vshll.u32 v18, $0x2;
	v50 =	vld.idx.msk [tilespmem:v44+s12+$0x0], $0xffff;
	v49 =	vshll.u32 v25, $0x1  }
0x39e: {  	v15 =	vshll.u32 v15, $0x2;
	v51 =	vld.idx.msk [tilespmem:v22+s12+$0x0], $0xffff;
	v14 =	vshll.u32 v14, $0x1;
	v18 =	vadd.s32 v18, v49  }
0x39f: {  	v13 =	vadd.s32 $0xE00, v13;
	v19 =	vld.idx.msk [tilespmem:v47+s12+$0x0], $0xffff;
	v14 =	vadd.s32 v15, v14;
	v18 =	vadd.s32 v27, v18  }
0x3a0: {  	v52 =	vld.idx.msk [tilespmem:v48+s12+$0x0], $0xffff;
	v14 =	vadd.s32 v20, v14;
	v16 =	vshll.u32 v46, $0x1;
	v18 =	vshll.u32 v18, $0x2  }
0x3a1: {  	v6 =	vld.idx.msk [tilespmem:v6+s10+$0x0], $0xffff;
	v17 =	vshll.u32 v17, $0x1;
	v14 =	vshll.u32 v14, $0x2;
	v16 =	vadd.s32 v18, v16  }
0x3a2: {  	v8 =	vld.idx.msk [tilespmem:v8+s10+$0x0], $0xffff;
	v12 =	vadd.s32 $0xE00, v12;
	v14 =	vadd.s32 v14, v17;
	v15 =	vadd.s32 v50, v16  }
0x3a3: {  	v3 =	vadd.f32 v4, v3;
	v9 =	vld.idx.msk [tilespmem:v9+s10+$0x0], $0xffff;
	v53 =	vadd.s32 v51, v14;
	v54 =	vshll.u32 v15, $0x1  }
0x3a4: {  	v5 =	vmul.f32 $3.200000000e+01, v5;
	v10 =	vld.idx.msk [tilespmem:v10+s10+$0x0], $0xffff;
	v4 =	vshll.u32 v53, $0x1;
	v14 =	vadd.s32 v54, v19  }
0x3a5: {  	v7 =	vmul.f32 $1.600000000e+01, v7;
	v11 =	vld.idx.msk [tilespmem:v11+s10+$0x0], $0xffff;
	v4 =	vadd.s32 v4, v52;
	v14 =	vadd.s32 $0xF00, v14  }
0x3a6: {  	v2 =	vadd.f32 v5, v2;
	v55 =	vmul.f32 $1.600000000e+01, v6;
	v56 =	vld.idx.msk [tilespmem:v13+s10+$0x0], $0xffff;
	v4 =	vadd.s32 $0xF00, v4  }
0x3a7: {  	v3 =	vadd.f32 v7, v3;
	v57 =	vmul.f32 $8.000000000e+00, v8;
	v58 =	vld.idx.msk [tilespmem:v12+s10+$0x0], $0xffff  }
0x3a8: {  	v2 =	vadd.f32 v55, v2;
	v59 =	vmul.f32 $8.000000000e+00, v9  }
0x3a9: {  	v3 =	vadd.f32 v57, v3;
	v60 =	vmul.f32 $4.000000000e+00, v10  }
0x3aa: {  	v2 =	vadd.f32 v59, v2;
	v61 =	vmul.f32 $4.000000000e+00, v11;
	v62 =	vld.idx.msk [tilespmem:v14+s10+$0x0], $0xffff  }
0x3ab: {  	v3 =	vadd.f32 v60, v3;
	v6 =	vadd.f32 v56, v56;
	v4 =	vld.idx.msk [tilespmem:v4+s10+$0x0], $0xffff  }
0x3ac: {  	v2 =	vadd.f32 v61, v2;
	v63 =	vadd.f32 v58, v58  }
0x3ad: {  	s19 =	sadd.s32 $0x2000, s19;
	v3 =	vadd.f32 v6, v3  }
0x3ae: {  	p0 =	sne.s32 s19, $0x6000;
	v2 =	vadd.f32 v63, v2  }
.Ltmp0:
0x3af: {  	v3 =	vadd.f32 v62, v3;
	(pc) =	sbr.rel @p0 .LBB2_2-.Ltmp0, $4  }
0x3b0: {  	v2 =	vadd.f32 v4, v2  }
0x3b1: {  	v3 =	vmin.f32 v3, $3.276700000e+04  }
0x3b2: {  	v2 =	vmin.f32 v2, $3.276700000e+04;
	[tilespmem:s18+$0x0] =	vst v3  }
0x3b3: {  	[tilespmem:s18+$0x10] =	vst v2;
	s18 =	sadd.s32 $0x40, s18  }
0x3b4: {  	s17 =	sadd.s32 $0x1, s17  }
0x3b5: {  	p0 =	sne.s32 s17, s7  }
.Ltmp1:
0x3b6: {  	_ = 	snop;
	(pc) =	sbr.rel @p0 .LBB2_1-.Ltmp1, $4  }
0x3b7: {  	[hbm4b:s6+s3] =	stream.linear.scatter [tilespmem:s15], [sflag:$0x4], $0xC0, $0x38;
	[tilespmem:$0x11900] =	vst v63  }
0x3b8: {  	_ =	swait.ge [sflag:s16], $0xC0  }
0x3b9: {  	[sflag:s16] =	ssyncset.done $0x0  }
0x3ba: {  	[sflag:s16] =	ssyncadd.s32 $0xFFFFFF40  }
0x3bb: {  	_ =	sfence.sel $0x180000  }
0x3bc: {  	[bflag:$0x0] =	sbarrier.arrive $0xFFFF  }
0x3bd: {  	p0 =	sne.s32 s0, $0x0;
	_ =	strace $0x90000047  }
0x3be: {  	s0 =	sadd.s32 @!p0 $0x100000, s1;
	[bflag:$0x2] =	sbarrier.arrive $0xFFFF  }
0x3bf: {  	[sflag:s0] =	ssyncadd.tile.s32 @!p0 $0x1;
	_ =	shalt  }
.Lfunc_end2:
_tile_overlayer_lowered:
.L_overlay_start_2:
0x3c0: {  	(tag) =	ssettag $0x2  }
0x3c1: {  	s0 =	rddreg [dreg:$0x0];
	s2 =	stileid.u32  }
0x3c2: {  	s1 =	rddreg [dreg:$0x1];
	p0 =	sne.s32 s2, $0x0  }
0x3c3: {  	s3 =	rddreg [dreg:$0x2];
	[bflag:$0x3] =	sbarrier.arrive $0xFFFF;
	s2 =	simm.s32 @!p0 $0x1C04  }
0x3c4: {  	[timem:s3], [sflag:s2] =	dma.local @!p0 [hbm:s0], s1  }
0x3c5: {  	s0 =	simm.s32 @!p0 $0x4  }
0x3c6: {  	_ =	swait.ge @!p0 [sflag:s0], s1  }
0x3c7: {  	s1 =	ssub.s32 @!p0 $0x0, s1;
	[sflag:s0] =	ssyncset.done @!p0 $0x0  }
0x3c8: {  	[sflag:s0] =	ssyncadd.s32 @!p0 s1  }
0x3c9: {  	[bflag:$0x3] =	sbarrier.arrive $0xFFFF  }
0x3ca: {  	_ =	shalt  }

</sc_bundles>
